<compile_context>
chip_gen: v7x
topology: tpu7x:2x2x1
jax: 0.10.2.dev20260603
libtpu: 0.0.44.dev20260713+nightly
codegen_flags: <defaults>
</compile_context>

<pallas_src>
import jax
import jax.numpy as jnp
from jax.experimental import pallas as pl
from jax.experimental.pallas import tpu as pltpu

_NUM_CLASSES = 21
_OVERLAP_THRESH = 0.5
_NEG_POS_RATIO = 3
_POS_PRIOR_THRESHOLD = 0.01
_NUM_OBJ = 8
_BISECT_ITERS = 18
_S = 128
_P_PAD = _S * _S
_R = 4


def _pair_kernel(arm_loc_ref, arm_conf_ref, odm_loc_ref, odm_conf_ref,
                 priors_ref, targets_ref, valid_p, out_ref):
    T = (_S, _S)
    R = range(_R)

    al = arm_loc_ref[:]
    pcx = priors_ref[0]
    pcy = priors_ref[1]
    pw = priors_ref[2]
    ph = priors_ref[3]
    cx = pcx + al[:, 0] * (0.1 * pw)
    cy = pcy + al[:, 1] * (0.1 * ph)
    w = pw * jnp.exp(al[:, 2] * 0.2)
    h = ph * jnp.exp(al[:, 3] * 0.2)
    rx1 = cx - w * 0.5
    ry1 = cy - h * 0.5
    rx2 = cx + w * 0.5
    ry2 = cy + h * 0.5
    area_p = w * h

    idx2d = (jax.lax.broadcasted_iota(jnp.int32, T, 0) * _S
             + jax.lax.broadcasted_iota(jnp.int32, T, 1))

    tgt = targets_ref[:]

    bto = jnp.zeros((_R,) + T, jnp.float32)
    bti = jnp.zeros((_R,) + T, jnp.int32)
    best_prior = []
    for i in range(_NUM_OBJ):
        tx1 = tgt[:, i:i + 1, 0:1]
        ty1 = tgt[:, i:i + 1, 1:2]
        tx2 = tgt[:, i:i + 1, 2:3]
        ty2 = tgt[:, i:i + 1, 3:4]
        ix = jnp.maximum(jnp.minimum(tx2, rx2) - jnp.maximum(tx1, rx1), 0.0)
        iy = jnp.maximum(jnp.minimum(ty2, ry2) - jnp.maximum(ty1, ry1), 0.0)
        inter = ix * iy
        area_t = (tx2 - tx1) * (ty2 - ty1)
        ov = inter / (area_t + area_p - inter)
        if i == 0:
            bto = ov
        else:
            upd = ov > bto
            bto = jnp.maximum(bto, ov)
            bti = jnp.where(upd, i, bti)
        m_i = [jnp.max(ov[r]) for r in R]
        best_prior.append([jnp.min(jnp.where(ov[r] == m_i[r], idx2d, _P_PAD))
                           for r in R])

    for i in range(_NUM_OBJ):
        hit = jnp.stack([idx2d == best_prior[i][r] for r in R])
        bto = jnp.where(hit, 2.0, bto)
        bti = jnp.where(hit, i, bti)

    mx1 = jnp.zeros((_R,) + T, jnp.float32)
    my1 = jnp.zeros((_R,) + T, jnp.float32)
    mx2 = jnp.zeros((_R,) + T, jnp.float32)
    my2 = jnp.zeros((_R,) + T, jnp.float32)
    lab = jnp.zeros((_R,) + T, jnp.float32)
    for i in range(_NUM_OBJ):
        sel = bti == i
        mx1 = jnp.where(sel, tgt[:, i:i + 1, 0:1], mx1)
        my1 = jnp.where(sel, tgt[:, i:i + 1, 1:2], my1)
        mx2 = jnp.where(sel, tgt[:, i:i + 1, 2:3], mx2)
        my2 = jnp.where(sel, tgt[:, i:i + 1, 3:4], my2)
        lab = jnp.where(sel, tgt[:, i:i + 1, 4:5], lab)

    conf = jnp.where(bto < _OVERLAP_THRESH, 0.0, lab)
    conf_i = conf.astype(jnp.int32)
    pos = conf_i > 0

    g_cx = ((mx1 + mx2) * 0.5 - cx) / (0.1 * w)
    g_cy = ((my1 + my2) * 0.5 - cy) / (0.1 * h)
    g_w = jnp.log((mx2 - mx1) / w) / 0.2
    g_h = jnp.log((my2 - my1) / h) / 0.2
    ol = odm_loc_ref[:]

    def _sl1(d):
        ad = jnp.abs(d)
        return jnp.where(ad < 1.0, 0.5 * d * d, ad - 0.5)

    sl1 = (_sl1(ol[:, 0] - g_cx) + _sl1(ol[:, 1] - g_cy)
           + _sl1(ol[:, 2] - g_w) + _sl1(ol[:, 3] - g_h))
    sl1 = jnp.where(pos, sl1, 0.0)
    loss_l = [jnp.sum(sl1[r]) for r in R]

    oc = odm_conf_ref[:]
    mx = jnp.max(oc, axis=1)
    lse = mx + jnp.log(jnp.sum(jnp.exp(oc - mx[:, None]), axis=1))
    iota_c = jax.lax.broadcasted_iota(jnp.int32, oc.shape, 1)
    gathered = jnp.sum(jnp.where(iota_c == conf_i[:, None], oc, 0.0), axis=1)
    ce = lse - gathered

    ac = arm_conf_ref[:]
    s1 = jax.nn.sigmoid(ac[:, 1] - ac[:, 0])
    keep = jnp.logical_or(pos, jnp.logical_and(conf_i <= 0,
                                               s1 < _POS_PRIOR_THRESHOLD))
    proxy = jnp.where(jnp.logical_or(keep, jnp.logical_not(valid_p)),
                      0.0, ce)

    posf = pos.astype(jnp.float32)
    num_pos = [jnp.sum(posf[r]) for r in R]
    negf = (proxy > 0.0).astype(jnp.float32)
    max_neg = [jnp.sum(negf[r]) for r in R]
    k = [jnp.minimum(_NEG_POS_RATIO * num_pos[r], max_neg[r]) for r in R]

    lo = [jnp.float32(0.0) for _ in R]
    hi = [jnp.max(proxy[r]) for r in R]
    for _ in range(_BISECT_ITERS):
        mid = [0.5 * (lo[r] + hi[r]) for r in R]
        cnt = [jnp.sum((proxy[r] >= mid[r]).astype(jnp.float32)) for r in R]
        ok = [cnt[r] >= k[r] for r in R]
        lo = [jnp.where(ok[r], mid[r], lo[r]) for r in R]
        hi = [jnp.where(ok[r], hi[r], mid[r]) for r in R]

    ce_pos = jnp.where(pos, ce, 0.0)
    for r in R:
        ge = proxy[r] >= lo[r]
        cnt_lo = jnp.sum(ge.astype(jnp.float32))
        sum_lo = jnp.sum(jnp.where(ge, proxy[r], 0.0))
        topk = sum_lo - (cnt_lo - k[r]) * lo[r]
        topk = jnp.where(k[r] > 0.0, topk, 0.0)
        loss_c = jnp.sum(ce_pos[r]) + topk

        rr = jax.lax.broadcasted_iota(jnp.int32, (8, 128), 0)
        cc = jax.lax.broadcasted_iota(jnp.int32, (8, 128), 1)
        first = rr == 0
        tile = jnp.where(jnp.logical_and(first, cc == 0), loss_l[r], 0.0)
        tile = jnp.where(jnp.logical_and(first, cc == 1), loss_c, tile)
        tile = jnp.where(jnp.logical_and(first, cc == 2), num_pos[r], tile)
        out_ref[r] = tile


def _to_tiles(x):
    B, P, C = x.shape
    xt = jnp.transpose(x, (0, 2, 1))
    xt = jnp.pad(xt, ((0, 0), (0, 0), (0, _P_PAD - P)))
    return xt.reshape(B, C, _S, _S)


@jax.jit
def kernel(arm_loc_pred, arm_conf_pred, odm_loc_pred, odm_conf_pred, priors,
           targets):
    B, P, _ = arm_loc_pred.shape
    priors_t = jnp.pad(jnp.transpose(priors, (1, 0)),
                       ((0, 0), (0, _P_PAD - P))).reshape(4, _S, _S)

    def body(*refs):
        P_idx = (jax.lax.broadcasted_iota(jnp.int32, (_S, _S), 0) * _S
                 + jax.lax.broadcasted_iota(jnp.int32, (_S, _S), 1))
        _pair_kernel(*refs[:6], P_idx < P, refs[6])

    out = pl.pallas_call(
        body,
        grid=(B // _R,),
        in_specs=[
            pl.BlockSpec((_R, 4, _S, _S), lambda b: (b, 0, 0, 0)),
            pl.BlockSpec((_R, 2, _S, _S), lambda b: (b, 0, 0, 0)),
            pl.BlockSpec((_R, 4, _S, _S), lambda b: (b, 0, 0, 0)),
            pl.BlockSpec((_R, _NUM_CLASSES, _S, _S), lambda b: (b, 0, 0, 0)),
            pl.BlockSpec((4, _S, _S), lambda b: (0, 0, 0)),
            pl.BlockSpec((_R, _NUM_OBJ, 5), lambda b: (b, 0, 0)),
        ],
        out_specs=pl.BlockSpec((_R, 8, 128), lambda b: (b, 0, 0)),
        out_shape=jax.ShapeDtypeStruct((B, 8, 128), jnp.float32),
        compiler_params=pltpu.CompilerParams(
            dimension_semantics=("parallel",)),
    )(_to_tiles(arm_loc_pred), _to_tiles(arm_conf_pred),
      _to_tiles(odm_loc_pred), _to_tiles(odm_conf_pred), priors_t, targets)

    loss_l = jnp.sum(out[:, 0, 0])
    loss_c = jnp.sum(out[:, 0, 1])
    total = jnp.sum(out[:, 0, 2])
    return (loss_l / total, loss_c / total)

# --- scband reference (transcript-rebuilt; emitter-appended) ---
"""Pipeline reference for scband-odmloss-72335839199671 (READ-ONLY COPY).

The authoritative reference and input builder live on the scoring server;
editing this copy changes nothing except your own understanding.
"""

import jax, jax.numpy as jnp
import numpy as np

NUM_CLASSES = 21
OVERLAP_THRESH = 0.5
NEG_POS_RATIO = 3
ARM_VARIANCE = (0.1, 0.2)
VARIANCE = (0.1, 0.2)
POS_PRIOR_THRESHOLD = 0.01


def point_form(boxes):
    return jnp.concatenate([boxes[:, :2] - boxes[:, 2:] / 2,
                            boxes[:, :2] + boxes[:, 2:] / 2], axis=1)


def intersect(a, b):
    max_xy = jnp.minimum(a[:, None, 2:], b[None, :, 2:])
    min_xy = jnp.maximum(a[:, None, :2], b[None, :, :2])
    inter = jnp.clip(max_xy - min_xy, 0.0, None)
    return inter[..., 0] * inter[..., 1]


def jaccard(a, b):
    inter = intersect(a, b)
    area_a = ((a[:, 2] - a[:, 0]) * (a[:, 3] - a[:, 1]))[:, None]
    area_b = ((b[:, 2] - b[:, 0]) * (b[:, 3] - b[:, 1]))[None, :]
    return inter / (area_a + area_b - inter)


def encode(matched, priors, variances):
    g_cxcy = (matched[:, :2] + matched[:, 2:]) / 2 - priors[:, :2]
    g_cxcy = g_cxcy / (variances[0] * priors[:, 2:])
    g_wh = (matched[:, 2:] - matched[:, :2]) / priors[:, 2:]
    g_wh = jnp.log(g_wh) / variances[1]
    return jnp.concatenate([g_cxcy, g_wh], axis=1)


def refine_priors(arm_loc, priors, variances):
    cxcy = priors[None, :, :2] + arm_loc[..., :2] * variances[0] * priors[None, :, 2:]
    wh = priors[None, :, 2:] * jnp.exp(arm_loc[..., 2:] * variances[1])
    return jnp.concatenate([cxcy, wh], axis=-1)


def match_one(truths, labels, priors_center):
    overlaps = jaccard(truths, point_form(priors_center))
    best_prior_idx = jnp.argmax(overlaps, axis=1)
    best_truth_overlap = jnp.max(overlaps, axis=0)
    best_truth_idx = jnp.argmax(overlaps, axis=0)
    best_truth_overlap = best_truth_overlap.at[best_prior_idx].set(2.0)
    best_truth_idx = best_truth_idx.at[best_prior_idx].set(jnp.arange(truths.shape[0]))
    matches = truths[best_truth_idx]
    conf = labels[best_truth_idx].astype(jnp.int32)
    conf = jnp.where(best_truth_overlap < OVERLAP_THRESH, 0, conf)
    loc = encode(matches, priors_center, VARIANCE)
    return loc, conf


def reference(arm_loc_pred, arm_conf_pred, odm_loc_pred, odm_conf_pred, priors, targets):
    arm_loc = jax.lax.stop_gradient(arm_loc_pred)
    arm_score = jax.nn.softmax(jax.lax.stop_gradient(arm_conf_pred), axis=-1)
    priors_c = jax.lax.stop_gradient(priors)
    targets_c = jax.lax.stop_gradient(targets)
    num = odm_loc_pred.shape[0]
    P = priors_c.shape[0]
    refined = refine_priors(arm_loc, priors_c, ARM_VARIANCE)
    truths = targets_c[..., :4]
    labels = targets_c[..., 4]
    loc_t, conf_t = jax.vmap(match_one, in_axes=(0, 0, 0))(truths, labels, refined)
    loc_t = jax.lax.stop_gradient(loc_t)
    conf_t = jax.lax.stop_gradient(conf_t)
    pos = conf_t > 0
    diff = odm_loc_pred - loc_t
    ad = jnp.abs(diff)
    sl1 = jnp.where(ad < 1.0, 0.5 * diff * diff, ad - 0.5)
    loss_l = jnp.sum(sl1 * pos[..., None].astype(sl1.dtype))
    batch_conf = odm_conf_pred.reshape(-1, NUM_CLASSES)
    lse = jax.scipy.special.logsumexp(batch_conf, axis=1)
    gathered = jnp.take_along_axis(batch_conf, conf_t.reshape(-1, 1), axis=1)[:, 0]
    ce_all = (lse - gathered).reshape(num, P)
    proxy = jnp.where(pos, 0.0, ce_all)
    ignore = (conf_t <= 0) & (arm_score[:, :, 1] < POS_PRIOR_THRESHOLD)
    proxy = jnp.where(ignore, 0.0, proxy)
    proxy_ng = jax.lax.stop_gradient(proxy)
    loss_idx = jnp.argsort(-proxy_ng, axis=1)
    idx_rank = jnp.argsort(loss_idx, axis=1)
    num_pos = jnp.sum(pos.astype(jnp.int32), axis=1, keepdims=True)
    max_neg = jnp.sum((proxy_ng > 0).astype(jnp.int32), axis=1, keepdims=True)
    num_neg = jnp.minimum(NEG_POS_RATIO * num_pos, max_neg)
    neg = idx_rank < num_neg
    sel = pos | neg
    loss_c = jnp.sum(jnp.where(sel, ce_all, 0.0))
    total = jnp.sum(num_pos).astype(jnp.float32)
    return (loss_l / total, loss_c / total)


def setup_inputs(seed: int = 0):
    key = jax.random.key(seed)
    B, P, O = 32, 16320, 8
    k1, k2, k3, k4, k5, k6, k7, k8 = jax.random.split(key, 8)
    arm_loc_pred = jax.random.normal(k1, (B, P, 4), dtype=jnp.float32) * 0.1
    arm_conf_pred = jax.random.normal(k2, (B, P, 2), dtype=jnp.float32)
    odm_loc_pred = jax.random.normal(k3, (B, P, 4), dtype=jnp.float32) * 0.1
    odm_conf_pred = jax.random.normal(k4, (B, P, NUM_CLASSES), dtype=jnp.float32)
    pc = jax.random.uniform(k5, (P, 2), minval=0.05, maxval=0.95, dtype=jnp.float32)
    pwh = jax.random.uniform(k6, (P, 2), minval=0.05, maxval=0.4, dtype=jnp.float32)
    priors = jnp.concatenate([pc, pwh], axis=1)
    tc = jax.random.uniform(k7, (B, O, 2), minval=0.25, maxval=0.75, dtype=jnp.float32)
    twh = jax.random.uniform(k8, (B, O, 2), minval=0.1, maxval=0.4, dtype=jnp.float32)
    x1y1 = tc - twh / 2
    x2y2 = tc + twh / 2
    lab = jax.random.randint(jax.random.fold_in(key, 99), (B, O, 1), 1, NUM_CLASSES).astype(jnp.float32)
    targets = jnp.concatenate([x1y1, x2y2, lab], axis=-1)
    return {"arm_loc_pred": arm_loc_pred, "arm_conf_pred": arm_conf_pred,
            "odm_loc_pred": odm_loc_pred, "odm_conf_pred": odm_conf_pred,
            "priors": priors, "targets": targets}

if __name__ == "__main__":
    import jax
    _d = setup_inputs()
    print(jax.jit(kernel)(*tuple(_d.values())))

</pallas_src>

<mosaic_0001>
module attributes {stable_mosaic.version = 14 : i64} {
  func.func @body(%arg0: i32, %arg1: memref<4x4x128x128xf32, #tpu.memory_space<vmem>>, %arg2: memref<4x2x128x128xf32, #tpu.memory_space<vmem>>, %arg3: memref<4x4x128x128xf32, #tpu.memory_space<vmem>>, %arg4: memref<4x21x128x128xf32, #tpu.memory_space<vmem>>, %arg5: memref<4x128x128xf32, #tpu.memory_space<vmem>>, %arg6: memref<4x8x5xf32, #tpu.memory_space<vmem>>, %arg7: memref<4x8x128xf32, #tpu.memory_space<vmem>>) attributes {dimension_semantics = [#tpu.dimension_semantics<parallel>], iteration_bounds = array<i64: 8>, scalar_prefetch = 0 : i64, scratch_operands = 0 : i64, tpu.core_type = #tpu.core_type<tc>, window_params = [{transform_indices = @transform_0, window_bounds = array<i64: 4, 4, 128, 128>}, {transform_indices = @transform_1, window_bounds = array<i64: 4, 2, 128, 128>}, {transform_indices = @transform_2, window_bounds = array<i64: 4, 4, 128, 128>}, {transform_indices = @transform_3, window_bounds = array<i64: 4, 21, 128, 128>}, {pipeline_mode = #tpu.pipeline_mode<synchronous>, transform_indices = @transform_4, window_bounds = array<i64: 4, 128, 128>}, {transform_indices = @transform_5, window_bounds = array<i64: 4, 8, 5>}, {transform_indices = @transform_6, window_bounds = array<i64: 4, 8, 128>}]} {
    %iota3A = tpu.iota {dimensions = array<i32: 0>} : vector<128x128xi32>
    %mul3A = arith.constant 128 : i32
    %mul3A_0 = vector.broadcast %mul3A : i32 to vector<128x128xi32>
    %mul3A_1 = arith.muli %iota3A, %mul3A_0 : vector<128x128xi32>
    %iota3A_2 = tpu.iota {dimensions = array<i32: 1>} : vector<128x128xi32>
    %add3A = arith.addi %mul3A_1, %iota3A_2 : vector<128x128xi32>
    %lt3A = arith.constant 16320 : i32
    %lt3A_3 = vector.broadcast %lt3A : i32 to vector<128x128xi32>
    %lt3A_4 = arith.cmpi slt, %add3A, %lt3A_3 : vector<128x128xi32>
    %get3A = arith.constant 0 : index
    %get3A_5 = arith.constant 0 : index
    %get3A_6 = arith.constant 0 : index
    %get3A_7 = arith.constant 0 : index
    %get3A_8 = vector.load %arg1[%get3A, %get3A_5, %get3A_6, %get3A_7] : memref<4x4x128x128xf32, #tpu.memory_space<vmem>>, vector<4x4x128x128xf32>
    %get3A_9 = arith.constant 0 : index
    %get3A_10 = arith.constant 0 : index
    %get3A_11 = arith.constant 0 : index
    %get3A_12 = vector.load %arg5[%get3A_9, %get3A_10, %get3A_11] : memref<4x128x128xf32, #tpu.memory_space<vmem>>, vector<1x128x128xf32>
    %get3A_13 = vector.shape_cast %get3A_12 : vector<1x128x128xf32> to vector<128x128xf32>
    %get3A_14 = arith.constant 1 : index
    %get3A_15 = arith.constant 0 : index
    %get3A_16 = arith.constant 0 : index
    %get3A_17 = vector.load %arg5[%get3A_14, %get3A_15, %get3A_16] : memref<4x128x128xf32, #tpu.memory_space<vmem>>, vector<1x128x128xf32>
    %get3A_18 = vector.shape_cast %get3A_17 : vector<1x128x128xf32> to vector<128x128xf32>
    %get3A_19 = arith.constant 2 : index
    %get3A_20 = arith.constant 0 : index
    %get3A_21 = arith.constant 0 : index
    %get3A_22 = vector.load %arg5[%get3A_19, %get3A_20, %get3A_21] : memref<4x128x128xf32, #tpu.memory_space<vmem>>, vector<1x128x128xf32>
    %get3A_23 = vector.shape_cast %get3A_22 : vector<1x128x128xf32> to vector<128x128xf32>
    %get3A_24 = arith.constant 3 : index
    %get3A_25 = arith.constant 0 : index
    %get3A_26 = arith.constant 0 : index
    %get3A_27 = vector.load %arg5[%get3A_24, %get3A_25, %get3A_26] : memref<4x128x128xf32, #tpu.memory_space<vmem>>, vector<1x128x128xf32>
    %get3A_28 = vector.shape_cast %get3A_27 : vector<1x128x128xf32> to vector<128x128xf32>
    %slice3A = vector.extract_strided_slice %get3A_8 {offsets = [0, 0, 0, 0], sizes = [4, 1, 128, 128], strides = [1, 1, 1, 1]} : vector<4x4x128x128xf32> to vector<4x1x128x128xf32>
    %squeeze3A = vector.shape_cast %slice3A : vector<4x1x128x128xf32> to vector<4x128x128xf32>
    %mul3A_29 = arith.constant 1.000000e-01 : f32
    %mul3A_30 = vector.broadcast %mul3A_29 : f32 to vector<128x128xf32>
    %mul3A_31 = arith.mulf %mul3A_30, %get3A_23 : vector<128x128xf32>
    %broadcast_in_dim3A = vector.shape_cast %mul3A_31 : vector<128x128xf32> to vector<1x128x128xf32>
    %mul3A_32 = vector.broadcast %broadcast_in_dim3A : vector<1x128x128xf32> to vector<4x128x128xf32>
    %mul3A_33 = arith.mulf %squeeze3A, %mul3A_32 : vector<4x128x128xf32>
    %broadcast_in_dim3A_34 = vector.shape_cast %get3A_13 : vector<128x128xf32> to vector<1x128x128xf32>
    %add3A_35 = vector.broadcast %broadcast_in_dim3A_34 : vector<1x128x128xf32> to vector<4x128x128xf32>
    %add3A_36 = arith.addf %add3A_35, %mul3A_33 : vector<4x128x128xf32>
    %slice3A_37 = vector.extract_strided_slice %get3A_8 {offsets = [0, 1, 0, 0], sizes = [4, 1, 128, 128], strides = [1, 1, 1, 1]} : vector<4x4x128x128xf32> to vector<4x1x128x128xf32>
    %squeeze3A_38 = vector.shape_cast %slice3A_37 : vector<4x1x128x128xf32> to vector<4x128x128xf32>
    %mul3A_39 = arith.constant 1.000000e-01 : f32
    %mul3A_40 = vector.broadcast %mul3A_39 : f32 to vector<128x128xf32>
    %mul3A_41 = arith.mulf %mul3A_40, %get3A_28 : vector<128x128xf32>
    %broadcast_in_dim3A_42 = vector.shape_cast %mul3A_41 : vector<128x128xf32> to vector<1x128x128xf32>
    %mul3A_43 = vector.broadcast %broadcast_in_dim3A_42 : vector<1x128x128xf32> to vector<4x128x128xf32>
    %mul3A_44 = arith.mulf %squeeze3A_38, %mul3A_43 : vector<4x128x128xf32>
    %broadcast_in_dim3A_45 = vector.shape_cast %get3A_18 : vector<128x128xf32> to vector<1x128x128xf32>
    %add3A_46 = vector.broadcast %broadcast_in_dim3A_45 : vector<1x128x128xf32> to vector<4x128x128xf32>
    %add3A_47 = arith.addf %add3A_46, %mul3A_44 : vector<4x128x128xf32>
    %slice3A_48 = vector.extract_strided_slice %get3A_8 {offsets = [0, 2, 0, 0], sizes = [4, 1, 128, 128], strides = [1, 1, 1, 1]} : vector<4x4x128x128xf32> to vector<4x1x128x128xf32>
    %squeeze3A_49 = vector.shape_cast %slice3A_48 : vector<4x1x128x128xf32> to vector<4x128x128xf32>
    %mul3A_50 = arith.constant 2.000000e-01 : f32
    %mul3A_51 = vector.broadcast %mul3A_50 : f32 to vector<4x128x128xf32>
    %mul3A_52 = arith.mulf %squeeze3A_49, %mul3A_51 : vector<4x128x128xf32>
    %exp3A = math.exp %mul3A_52 : vector<4x128x128xf32>
    %broadcast_in_dim3A_53 = vector.shape_cast %get3A_23 : vector<128x128xf32> to vector<1x128x128xf32>
    %mul3A_54 = vector.broadcast %broadcast_in_dim3A_53 : vector<1x128x128xf32> to vector<4x128x128xf32>
    %mul3A_55 = arith.mulf %mul3A_54, %exp3A : vector<4x128x128xf32>
    %slice3A_56 = vector.extract_strided_slice %get3A_8 {offsets = [0, 3, 0, 0], sizes = [4, 1, 128, 128], strides = [1, 1, 1, 1]} : vector<4x4x128x128xf32> to vector<4x1x128x128xf32>
    %squeeze3A_57 = vector.shape_cast %slice3A_56 : vector<4x1x128x128xf32> to vector<4x128x128xf32>
    %mul3A_58 = arith.constant 2.000000e-01 : f32
    %mul3A_59 = vector.broadcast %mul3A_58 : f32 to vector<4x128x128xf32>
    %mul3A_60 = arith.mulf %squeeze3A_57, %mul3A_59 : vector<4x128x128xf32>
    %exp3A_61 = math.exp %mul3A_60 : vector<4x128x128xf32>
    %broadcast_in_dim3A_62 = vector.shape_cast %get3A_28 : vector<128x128xf32> to vector<1x128x128xf32>
    %mul3A_63 = vector.broadcast %broadcast_in_dim3A_62 : vector<1x128x128xf32> to vector<4x128x128xf32>
    %mul3A_64 = arith.mulf %mul3A_63, %exp3A_61 : vector<4x128x128xf32>
    %mul3A_65 = arith.constant 5.000000e-01 : f32
    %mul3A_66 = vector.broadcast %mul3A_65 : f32 to vector<4x128x128xf32>
    %mul3A_67 = arith.mulf %mul3A_55, %mul3A_66 : vector<4x128x128xf32>
    %sub3A = arith.subf %add3A_36, %mul3A_67 : vector<4x128x128xf32>
    %mul3A_68 = arith.constant 5.000000e-01 : f32
    %mul3A_69 = vector.broadcast %mul3A_68 : f32 to vector<4x128x128xf32>
    %mul3A_70 = arith.mulf %mul3A_64, %mul3A_69 : vector<4x128x128xf32>
    %sub3A_71 = arith.subf %add3A_47, %mul3A_70 : vector<4x128x128xf32>
    %mul3A_72 = arith.constant 5.000000e-01 : f32
    %mul3A_73 = vector.broadcast %mul3A_72 : f32 to vector<4x128x128xf32>
    %mul3A_74 = arith.mulf %mul3A_55, %mul3A_73 : vector<4x128x128xf32>
    %add3A_75 = arith.addf %add3A_36, %mul3A_74 : vector<4x128x128xf32>
    %mul3A_76 = arith.constant 5.000000e-01 : f32
    %mul3A_77 = vector.broadcast %mul3A_76 : f32 to vector<4x128x128xf32>
    %mul3A_78 = arith.mulf %mul3A_64, %mul3A_77 : vector<4x128x128xf32>
    %add3A_79 = arith.addf %add3A_47, %mul3A_78 : vector<4x128x128xf32>
    %mul3A_80 = arith.mulf %mul3A_55, %mul3A_64 : vector<4x128x128xf32>
    %iota3A_81 = tpu.iota {dimensions = array<i32: 0>} : vector<128x128xi32>
    %mul3A_82 = arith.constant 128 : i32
    %mul3A_83 = vector.broadcast %mul3A_82 : i32 to vector<128x128xi32>
    %mul3A_84 = arith.muli %iota3A_81, %mul3A_83 : vector<128x128xi32>
    %iota3A_85 = tpu.iota {dimensions = array<i32: 1>} : vector<128x128xi32>
    %add3A_86 = arith.addi %mul3A_84, %iota3A_85 : vector<128x128xi32>
    %get3A_87 = arith.constant 0 : index
    %get3A_88 = arith.constant 0 : index
    %get3A_89 = arith.constant 0 : index
    %get3A_90 = vector.load %arg6[%get3A_87, %get3A_88, %get3A_89] : memref<4x8x5xf32, #tpu.memory_space<vmem>>, vector<4x8x5xf32>
    %broadcast_in_dim3A_91 = arith.constant 0 : i32
    %broadcast_in_dim3A_92 = vector.broadcast %broadcast_in_dim3A_91 : i32 to vector<4x128x128xi32>
    %slice3A_93 = vector.extract_strided_slice %get3A_90 {offsets = [0, 0, 0], sizes = [4, 1, 1], strides = [1, 1, 1]} : vector<4x8x5xf32> to vector<4x1x1xf32>
    %slice3A_94 = vector.extract_strided_slice %get3A_90 {offsets = [0, 0, 1], sizes = [4, 1, 1], strides = [1, 1, 1]} : vector<4x8x5xf32> to vector<4x1x1xf32>
    %slice3A_95 = vector.extract_strided_slice %get3A_90 {offsets = [0, 0, 2], sizes = [4, 1, 1], strides = [1, 1, 1]} : vector<4x8x5xf32> to vector<4x1x1xf32>
    %slice3A_96 = vector.extract_strided_slice %get3A_90 {offsets = [0, 0, 3], sizes = [4, 1, 1], strides = [1, 1, 1]} : vector<4x8x5xf32> to vector<4x1x1xf32>
    %min3A = vector.broadcast %slice3A_95 : vector<4x1x1xf32> to vector<4x128x128xf32>
    %min3A_97 = arith.minimumf %min3A, %add3A_75 : vector<4x128x128xf32>
    %max3A = vector.broadcast %slice3A_93 : vector<4x1x1xf32> to vector<4x128x128xf32>
    %max3A_98 = arith.maximumf %max3A, %sub3A : vector<4x128x128xf32>
    %sub3A_99 = arith.subf %min3A_97, %max3A_98 : vector<4x128x128xf32>
    %max3A_100 = arith.constant 0.000000e+00 : f32
    %max3A_101 = vector.broadcast %max3A_100 : f32 to vector<4x128x128xf32>
    %max3A_102 = arith.maximumf %sub3A_99, %max3A_101 : vector<4x128x128xf32>
    %min3A_103 = vector.broadcast %slice3A_96 : vector<4x1x1xf32> to vector<4x128x128xf32>
    %min3A_104 = arith.minimumf %min3A_103, %add3A_79 : vector<4x128x128xf32>
    %max3A_105 = vector.broadcast %slice3A_94 : vector<4x1x1xf32> to vector<4x128x128xf32>
    %max3A_106 = arith.maximumf %max3A_105, %sub3A_71 : vector<4x128x128xf32>
    %sub3A_107 = arith.subf %min3A_104, %max3A_106 : vector<4x128x128xf32>
    %max3A_108 = arith.constant 0.000000e+00 : f32
    %max3A_109 = vector.broadcast %max3A_108 : f32 to vector<4x128x128xf32>
    %max3A_110 = arith.maximumf %sub3A_107, %max3A_109 : vector<4x128x128xf32>
    %mul3A_111 = arith.mulf %max3A_102, %max3A_110 : vector<4x128x128xf32>
    %sub3A_112 = arith.subf %slice3A_95, %slice3A_93 : vector<4x1x1xf32>
    %sub3A_113 = arith.subf %slice3A_96, %slice3A_94 : vector<4x1x1xf32>
    %mul3A_114 = arith.mulf %sub3A_112, %sub3A_113 : vector<4x1x1xf32>
    %add3A_115 = vector.broadcast %mul3A_114 : vector<4x1x1xf32> to vector<4x128x128xf32>
    %add3A_116 = arith.addf %add3A_115, %mul3A_80 : vector<4x128x128xf32>
    %sub3A_117 = arith.subf %add3A_116, %mul3A_111 : vector<4x128x128xf32>
    %div3A = arith.divf %mul3A_111, %sub3A_117 : vector<4x128x128xf32>
    %slice3A_118 = vector.extract_strided_slice %div3A {offsets = [0, 0, 0], sizes = [1, 128, 128], strides = [1, 1, 1]} : vector<4x128x128xf32> to vector<1x128x128xf32>
    %squeeze3A_119 = vector.shape_cast %slice3A_118 : vector<1x128x128xf32> to vector<128x128xf32>
    %reduce_max3A = vector.shape_cast %squeeze3A_119 : vector<128x128xf32> to vector<1x128x128xf32>
    %reduce_max3A_120 = arith.constant dense<0xFF800000> : vector<1xf32>
    %reduce_max3A_121 = vector.multi_reduction <maximumf>, %reduce_max3A, %reduce_max3A_120 [1, 2] : vector<1x128x128xf32> to vector<1xf32>
    %reduce_max3A_122 = vector.shape_cast %reduce_max3A_121 : vector<1xf32> to vector<1x1x1xf32>
    %reduce_max3A_123 = vector.extract %reduce_max3A_122[0, 0, 0] : f32 from vector<1x1x1xf32>
    %slice3A_124 = vector.extract_strided_slice %div3A {offsets = [1, 0, 0], sizes = [1, 128, 128], strides = [1, 1, 1]} : vector<4x128x128xf32> to vector<1x128x128xf32>
    %squeeze3A_125 = vector.shape_cast %slice3A_124 : vector<1x128x128xf32> to vector<128x128xf32>
    %reduce_max3A_126 = vector.shape_cast %squeeze3A_125 : vector<128x128xf32> to vector<1x128x128xf32>
    %reduce_max3A_127 = arith.constant dense<0xFF800000> : vector<1xf32>
    %reduce_max3A_128 = vector.multi_reduction <maximumf>, %reduce_max3A_126, %reduce_max3A_127 [1, 2] : vector<1x128x128xf32> to vector<1xf32>
    %reduce_max3A_129 = vector.shape_cast %reduce_max3A_128 : vector<1xf32> to vector<1x1x1xf32>
    %reduce_max3A_130 = vector.extract %reduce_max3A_129[0, 0, 0] : f32 from vector<1x1x1xf32>
    %slice3A_131 = vector.extract_strided_slice %div3A {offsets = [2, 0, 0], sizes = [1, 128, 128], strides = [1, 1, 1]} : vector<4x128x128xf32> to vector<1x128x128xf32>
    %squeeze3A_132 = vector.shape_cast %slice3A_131 : vector<1x128x128xf32> to vector<128x128xf32>
    %reduce_max3A_133 = vector.shape_cast %squeeze3A_132 : vector<128x128xf32> to vector<1x128x128xf32>
    %reduce_max3A_134 = arith.constant dense<0xFF800000> : vector<1xf32>
    %reduce_max3A_135 = vector.multi_reduction <maximumf>, %reduce_max3A_133, %reduce_max3A_134 [1, 2] : vector<1x128x128xf32> to vector<1xf32>
    %reduce_max3A_136 = vector.shape_cast %reduce_max3A_135 : vector<1xf32> to vector<1x1x1xf32>
    %reduce_max3A_137 = vector.extract %reduce_max3A_136[0, 0, 0] : f32 from vector<1x1x1xf32>
    %slice3A_138 = vector.extract_strided_slice %div3A {offsets = [3, 0, 0], sizes = [1, 128, 128], strides = [1, 1, 1]} : vector<4x128x128xf32> to vector<1x128x128xf32>
    %squeeze3A_139 = vector.shape_cast %slice3A_138 : vector<1x128x128xf32> to vector<128x128xf32>
    %reduce_max3A_140 = vector.shape_cast %squeeze3A_139 : vector<128x128xf32> to vector<1x128x128xf32>
    %reduce_max3A_141 = arith.constant dense<0xFF800000> : vector<1xf32>
    %reduce_max3A_142 = vector.multi_reduction <maximumf>, %reduce_max3A_140, %reduce_max3A_141 [1, 2] : vector<1x128x128xf32> to vector<1xf32>
    %reduce_max3A_143 = vector.shape_cast %reduce_max3A_142 : vector<1xf32> to vector<1x1x1xf32>
    %reduce_max3A_144 = vector.extract %reduce_max3A_143[0, 0, 0] : f32 from vector<1x1x1xf32>
    %slice3A_145 = vector.extract_strided_slice %div3A {offsets = [0, 0, 0], sizes = [1, 128, 128], strides = [1, 1, 1]} : vector<4x128x128xf32> to vector<1x128x128xf32>
    %squeeze3A_146 = vector.shape_cast %slice3A_145 : vector<1x128x128xf32> to vector<128x128xf32>
    %eq3A = vector.broadcast %reduce_max3A_123 : f32 to vector<128x128xf32>
    %eq3A_147 = arith.cmpf oeq, %squeeze3A_146, %eq3A : vector<128x128xf32>
    %jit3A = arith.constant 16384 : i32
    %broadcast_in_dim3A_148 = vector.broadcast %jit3A : i32 to vector<128x128xi32>
    %select_n3A = arith.select %eq3A_147, %add3A_86, %broadcast_in_dim3A_148 : vector<128x128xi1>, vector<128x128xi32>
    %reduce_min3A = vector.shape_cast %select_n3A : vector<128x128xi32> to vector<1x128x128xi32>
    %reduce_min3A_149 = arith.constant dense<2147483647> : vector<1xi32>
    %reduce_min3A_150 = vector.multi_reduction <minsi>, %reduce_min3A, %reduce_min3A_149 [1, 2] : vector<1x128x128xi32> to vector<1xi32>
    %reduce_min3A_151 = vector.shape_cast %reduce_min3A_150 : vector<1xi32> to vector<1x1x1xi32>
    %reduce_min3A_152 = vector.extract %reduce_min3A_151[0, 0, 0] : i32 from vector<1x1x1xi32>
    %slice3A_153 = vector.extract_strided_slice %div3A {offsets = [1, 0, 0], sizes = [1, 128, 128], strides = [1, 1, 1]} : vector<4x128x128xf32> to vector<1x128x128xf32>
    %squeeze3A_154 = vector.shape_cast %slice3A_153 : vector<1x128x128xf32> to vector<128x128xf32>
    %eq3A_155 = vector.broadcast %reduce_max3A_130 : f32 to vector<128x128xf32>
    %eq3A_156 = arith.cmpf oeq, %squeeze3A_154, %eq3A_155 : vector<128x128xf32>
    %jit3A_157 = arith.constant 16384 : i32
    %broadcast_in_dim3A_158 = vector.broadcast %jit3A_157 : i32 to vector<128x128xi32>
    %select_n3A_159 = arith.select %eq3A_156, %add3A_86, %broadcast_in_dim3A_158 : vector<128x128xi1>, vector<128x128xi32>
    %reduce_min3A_160 = vector.shape_cast %select_n3A_159 : vector<128x128xi32> to vector<1x128x128xi32>
    %reduce_min3A_161 = arith.constant dense<2147483647> : vector<1xi32>
    %reduce_min3A_162 = vector.multi_reduction <minsi>, %reduce_min3A_160, %reduce_min3A_161 [1, 2] : vector<1x128x128xi32> to vector<1xi32>
    %reduce_min3A_163 = vector.shape_cast %reduce_min3A_162 : vector<1xi32> to vector<1x1x1xi32>
    %reduce_min3A_164 = vector.extract %reduce_min3A_163[0, 0, 0] : i32 from vector<1x1x1xi32>
    %slice3A_165 = vector.extract_strided_slice %div3A {offsets = [2, 0, 0], sizes = [1, 128, 128], strides = [1, 1, 1]} : vector<4x128x128xf32> to vector<1x128x128xf32>
    %squeeze3A_166 = vector.shape_cast %slice3A_165 : vector<1x128x128xf32> to vector<128x128xf32>
    %eq3A_167 = vector.broadcast %reduce_max3A_137 : f32 to vector<128x128xf32>
    %eq3A_168 = arith.cmpf oeq, %squeeze3A_166, %eq3A_167 : vector<128x128xf32>
    %jit3A_169 = arith.constant 16384 : i32
    %broadcast_in_dim3A_170 = vector.broadcast %jit3A_169 : i32 to vector<128x128xi32>
    %select_n3A_171 = arith.select %eq3A_168, %add3A_86, %broadcast_in_dim3A_170 : vector<128x128xi1>, vector<128x128xi32>
    %reduce_min3A_172 = vector.shape_cast %select_n3A_171 : vector<128x128xi32> to vector<1x128x128xi32>
    %reduce_min3A_173 = arith.constant dense<2147483647> : vector<1xi32>
    %reduce_min3A_174 = vector.multi_reduction <minsi>, %reduce_min3A_172, %reduce_min3A_173 [1, 2] : vector<1x128x128xi32> to vector<1xi32>
    %reduce_min3A_175 = vector.shape_cast %reduce_min3A_174 : vector<1xi32> to vector<1x1x1xi32>
    %reduce_min3A_176 = vector.extract %reduce_min3A_175[0, 0, 0] : i32 from vector<1x1x1xi32>
    %slice3A_177 = vector.extract_strided_slice %div3A {offsets = [3, 0, 0], sizes = [1, 128, 128], strides = [1, 1, 1]} : vector<4x128x128xf32> to vector<1x128x128xf32>
    %squeeze3A_178 = vector.shape_cast %slice3A_177 : vector<1x128x128xf32> to vector<128x128xf32>
    %eq3A_179 = vector.broadcast %reduce_max3A_144 : f32 to vector<128x128xf32>
    %eq3A_180 = arith.cmpf oeq, %squeeze3A_178, %eq3A_179 : vector<128x128xf32>
    %jit3A_181 = arith.constant 16384 : i32
    %broadcast_in_dim3A_182 = vector.broadcast %jit3A_181 : i32 to vector<128x128xi32>
    %select_n3A_183 = arith.select %eq3A_180, %add3A_86, %broadcast_in_dim3A_182 : vector<128x128xi1>, vector<128x128xi32>
    %reduce_min3A_184 = vector.shape_cast %select_n3A_183 : vector<128x128xi32> to vector<1x128x128xi32>
    %reduce_min3A_185 = arith.constant dense<2147483647> : vector<1xi32>
    %reduce_min3A_186 = vector.multi_reduction <minsi>, %reduce_min3A_184, %reduce_min3A_185 [1, 2] : vector<1x128x128xi32> to vector<1xi32>
    %reduce_min3A_187 = vector.shape_cast %reduce_min3A_186 : vector<1xi32> to vector<1x1x1xi32>
    %reduce_min3A_188 = vector.extract %reduce_min3A_187[0, 0, 0] : i32 from vector<1x1x1xi32>
    %slice3A_189 = vector.extract_strided_slice %get3A_90 {offsets = [0, 1, 0], sizes = [4, 1, 1], strides = [1, 1, 1]} : vector<4x8x5xf32> to vector<4x1x1xf32>
    %slice3A_190 = vector.extract_strided_slice %get3A_90 {offsets = [0, 1, 1], sizes = [4, 1, 1], strides = [1, 1, 1]} : vector<4x8x5xf32> to vector<4x1x1xf32>
    %slice3A_191 = vector.extract_strided_slice %get3A_90 {offsets = [0, 1, 2], sizes = [4, 1, 1], strides = [1, 1, 1]} : vector<4x8x5xf32> to vector<4x1x1xf32>
    %slice3A_192 = vector.extract_strided_slice %get3A_90 {offsets = [0, 1, 3], sizes = [4, 1, 1], strides = [1, 1, 1]} : vector<4x8x5xf32> to vector<4x1x1xf32>
    %min3A_193 = vector.broadcast %slice3A_191 : vector<4x1x1xf32> to vector<4x128x128xf32>
    %min3A_194 = arith.minimumf %min3A_193, %add3A_75 : vector<4x128x128xf32>
    %max3A_195 = vector.broadcast %slice3A_189 : vector<4x1x1xf32> to vector<4x128x128xf32>
    %max3A_196 = arith.maximumf %max3A_195, %sub3A : vector<4x128x128xf32>
    %sub3A_197 = arith.subf %min3A_194, %max3A_196 : vector<4x128x128xf32>
    %max3A_198 = arith.constant 0.000000e+00 : f32
    %max3A_199 = vector.broadcast %max3A_198 : f32 to vector<4x128x128xf32>
    %max3A_200 = arith.maximumf %sub3A_197, %max3A_199 : vector<4x128x128xf32>
    %min3A_201 = vector.broadcast %slice3A_192 : vector<4x1x1xf32> to vector<4x128x128xf32>
    %min3A_202 = arith.minimumf %min3A_201, %add3A_79 : vector<4x128x128xf32>
    %max3A_203 = vector.broadcast %slice3A_190 : vector<4x1x1xf32> to vector<4x128x128xf32>
    %max3A_204 = arith.maximumf %max3A_203, %sub3A_71 : vector<4x128x128xf32>
    %sub3A_205 = arith.subf %min3A_202, %max3A_204 : vector<4x128x128xf32>
    %max3A_206 = arith.constant 0.000000e+00 : f32
    %max3A_207 = vector.broadcast %max3A_206 : f32 to vector<4x128x128xf32>
    %max3A_208 = arith.maximumf %sub3A_205, %max3A_207 : vector<4x128x128xf32>
    %mul3A_209 = arith.mulf %max3A_200, %max3A_208 : vector<4x128x128xf32>
    %sub3A_210 = arith.subf %slice3A_191, %slice3A_189 : vector<4x1x1xf32>
    %sub3A_211 = arith.subf %slice3A_192, %slice3A_190 : vector<4x1x1xf32>
    %mul3A_212 = arith.mulf %sub3A_210, %sub3A_211 : vector<4x1x1xf32>
    %add3A_213 = vector.broadcast %mul3A_212 : vector<4x1x1xf32> to vector<4x128x128xf32>
    %add3A_214 = arith.addf %add3A_213, %mul3A_80 : vector<4x128x128xf32>
    %sub3A_215 = arith.subf %add3A_214, %mul3A_209 : vector<4x128x128xf32>
    %div3A_216 = arith.divf %mul3A_209, %sub3A_215 : vector<4x128x128xf32>
    %gt3A = arith.cmpf ogt, %div3A_216, %div3A : vector<4x128x128xf32>
    %max3A_217 = arith.maximumf %div3A, %div3A_216 : vector<4x128x128xf32>
    %jit3A_218 = arith.constant 1 : i32
    %broadcast_in_dim3A_219 = vector.broadcast %jit3A_218 : i32 to vector<4x128x128xi32>
    %select_n3A_220 = arith.select %gt3A, %broadcast_in_dim3A_219, %broadcast_in_dim3A_92 : vector<4x128x128xi1>, vector<4x128x128xi32>
    %slice3A_221 = vector.extract_strided_slice %div3A_216 {offsets = [0, 0, 0], sizes = [1, 128, 128], strides = [1, 1, 1]} : vector<4x128x128xf32> to vector<1x128x128xf32>
    %squeeze3A_222 = vector.shape_cast %slice3A_221 : vector<1x128x128xf32> to vector<128x128xf32>
    %reduce_max3A_223 = vector.shape_cast %squeeze3A_222 : vector<128x128xf32> to vector<1x128x128xf32>
    %reduce_max3A_224 = arith.constant dense<0xFF800000> : vector<1xf32>
    %reduce_max3A_225 = vector.multi_reduction <maximumf>, %reduce_max3A_223, %reduce_max3A_224 [1, 2] : vector<1x128x128xf32> to vector<1xf32>
    %reduce_max3A_226 = vector.shape_cast %reduce_max3A_225 : vector<1xf32> to vector<1x1x1xf32>
    %reduce_max3A_227 = vector.extract %reduce_max3A_226[0, 0, 0] : f32 from vector<1x1x1xf32>
    %slice3A_228 = vector.extract_strided_slice %div3A_216 {offsets = [1, 0, 0], sizes = [1, 128, 128], strides = [1, 1, 1]} : vector<4x128x128xf32> to vector<1x128x128xf32>
    %squeeze3A_229 = vector.shape_cast %slice3A_228 : vector<1x128x128xf32> to vector<128x128xf32>
    %reduce_max3A_230 = vector.shape_cast %squeeze3A_229 : vector<128x128xf32> to vector<1x128x128xf32>
    %reduce_max3A_231 = arith.constant dense<0xFF800000> : vector<1xf32>
    %reduce_max3A_232 = vector.multi_reduction <maximumf>, %reduce_max3A_230, %reduce_max3A_231 [1, 2] : vector<1x128x128xf32> to vector<1xf32>
    %reduce_max3A_233 = vector.shape_cast %reduce_max3A_232 : vector<1xf32> to vector<1x1x1xf32>
    %reduce_max3A_234 = vector.extract %reduce_max3A_233[0, 0, 0] : f32 from vector<1x1x1xf32>
    %slice3A_235 = vector.extract_strided_slice %div3A_216 {offsets = [2, 0, 0], sizes = [1, 128, 128], strides = [1, 1, 1]} : vector<4x128x128xf32> to vector<1x128x128xf32>
    %squeeze3A_236 = vector.shape_cast %slice3A_235 : vector<1x128x128xf32> to vector<128x128xf32>
    %reduce_max3A_237 = vector.shape_cast %squeeze3A_236 : vector<128x128xf32> to vector<1x128x128xf32>
    %reduce_max3A_238 = arith.constant dense<0xFF800000> : vector<1xf32>
    %reduce_max3A_239 = vector.multi_reduction <maximumf>, %reduce_max3A_237, %reduce_max3A_238 [1, 2] : vector<1x128x128xf32> to vector<1xf32>
    %reduce_max3A_240 = vector.shape_cast %reduce_max3A_239 : vector<1xf32> to vector<1x1x1xf32>
    %reduce_max3A_241 = vector.extract %reduce_max3A_240[0, 0, 0] : f32 from vector<1x1x1xf32>
    %slice3A_242 = vector.extract_strided_slice %div3A_216 {offsets = [3, 0, 0], sizes = [1, 128, 128], strides = [1, 1, 1]} : vector<4x128x128xf32> to vector<1x128x128xf32>
    %squeeze3A_243 = vector.shape_cast %slice3A_242 : vector<1x128x128xf32> to vector<128x128xf32>
    %reduce_max3A_244 = vector.shape_cast %squeeze3A_243 : vector<128x128xf32> to vector<1x128x128xf32>
    %reduce_max3A_245 = arith.constant dense<0xFF800000> : vector<1xf32>
    %reduce_max3A_246 = vector.multi_reduction <maximumf>, %reduce_max3A_244, %reduce_max3A_245 [1, 2] : vector<1x128x128xf32> to vector<1xf32>
    %reduce_max3A_247 = vector.shape_cast %reduce_max3A_246 : vector<1xf32> to vector<1x1x1xf32>
    %reduce_max3A_248 = vector.extract %reduce_max3A_247[0, 0, 0] : f32 from vector<1x1x1xf32>
    %slice3A_249 = vector.extract_strided_slice %div3A_216 {offsets = [0, 0, 0], sizes = [1, 128, 128], strides = [1, 1, 1]} : vector<4x128x128xf32> to vector<1x128x128xf32>
    %squeeze3A_250 = vector.shape_cast %slice3A_249 : vector<1x128x128xf32> to vector<128x128xf32>
    %eq3A_251 = vector.broadcast %reduce_max3A_227 : f32 to vector<128x128xf32>
    %eq3A_252 = arith.cmpf oeq, %squeeze3A_250, %eq3A_251 : vector<128x128xf32>
    %jit3A_253 = arith.constant 16384 : i32
    %broadcast_in_dim3A_254 = vector.broadcast %jit3A_253 : i32 to vector<128x128xi32>
    %select_n3A_255 = arith.select %eq3A_252, %add3A_86, %broadcast_in_dim3A_254 : vector<128x128xi1>, vector<128x128xi32>
    %reduce_min3A_256 = vector.shape_cast %select_n3A_255 : vector<128x128xi32> to vector<1x128x128xi32>
    %reduce_min3A_257 = arith.constant dense<2147483647> : vector<1xi32>
    %reduce_min3A_258 = vector.multi_reduction <minsi>, %reduce_min3A_256, %reduce_min3A_257 [1, 2] : vector<1x128x128xi32> to vector<1xi32>
    %reduce_min3A_259 = vector.shape_cast %reduce_min3A_258 : vector<1xi32> to vector<1x1x1xi32>
    %reduce_min3A_260 = vector.extract %reduce_min3A_259[0, 0, 0] : i32 from vector<1x1x1xi32>
    %slice3A_261 = vector.extract_strided_slice %div3A_216 {offsets = [1, 0, 0], sizes = [1, 128, 128], strides = [1, 1, 1]} : vector<4x128x128xf32> to vector<1x128x128xf32>
    %squeeze3A_262 = vector.shape_cast %slice3A_261 : vector<1x128x128xf32> to vector<128x128xf32>
    %eq3A_263 = vector.broadcast %reduce_max3A_234 : f32 to vector<128x128xf32>
    %eq3A_264 = arith.cmpf oeq, %squeeze3A_262, %eq3A_263 : vector<128x128xf32>
    %jit3A_265 = arith.constant 16384 : i32
    %broadcast_in_dim3A_266 = vector.broadcast %jit3A_265 : i32 to vector<128x128xi32>
    %select_n3A_267 = arith.select %eq3A_264, %add3A_86, %broadcast_in_dim3A_266 : vector<128x128xi1>, vector<128x128xi32>
    %reduce_min3A_268 = vector.shape_cast %select_n3A_267 : vector<128x128xi32> to vector<1x128x128xi32>
    %reduce_min3A_269 = arith.constant dense<2147483647> : vector<1xi32>
    %reduce_min3A_270 = vector.multi_reduction <minsi>, %reduce_min3A_268, %reduce_min3A_269 [1, 2] : vector<1x128x128xi32> to vector<1xi32>
    %reduce_min3A_271 = vector.shape_cast %reduce_min3A_270 : vector<1xi32> to vector<1x1x1xi32>
    %reduce_min3A_272 = vector.extract %reduce_min3A_271[0, 0, 0] : i32 from vector<1x1x1xi32>
    %slice3A_273 = vector.extract_strided_slice %div3A_216 {offsets = [2, 0, 0], sizes = [1, 128, 128], strides = [1, 1, 1]} : vector<4x128x128xf32> to vector<1x128x128xf32>
    %squeeze3A_274 = vector.shape_cast %slice3A_273 : vector<1x128x128xf32> to vector<128x128xf32>
    %eq3A_275 = vector.broadcast %reduce_max3A_241 : f32 to vector<128x128xf32>
    %eq3A_276 = arith.cmpf oeq, %squeeze3A_274, %eq3A_275 : vector<128x128xf32>
    %jit3A_277 = arith.constant 16384 : i32
    %broadcast_in_dim3A_278 = vector.broadcast %jit3A_277 : i32 to vector<128x128xi32>
    %select_n3A_279 = arith.select %eq3A_276, %add3A_86, %broadcast_in_dim3A_278 : vector<128x128xi1>, vector<128x128xi32>
    %reduce_min3A_280 = vector.shape_cast %select_n3A_279 : vector<128x128xi32> to vector<1x128x128xi32>
    %reduce_min3A_281 = arith.constant dense<2147483647> : vector<1xi32>
    %reduce_min3A_282 = vector.multi_reduction <minsi>, %reduce_min3A_280, %reduce_min3A_281 [1, 2] : vector<1x128x128xi32> to vector<1xi32>
    %reduce_min3A_283 = vector.shape_cast %reduce_min3A_282 : vector<1xi32> to vector<1x1x1xi32>
    %reduce_min3A_284 = vector.extract %reduce_min3A_283[0, 0, 0] : i32 from vector<1x1x1xi32>
    %slice3A_285 = vector.extract_strided_slice %div3A_216 {offsets = [3, 0, 0], sizes = [1, 128, 128], strides = [1, 1, 1]} : vector<4x128x128xf32> to vector<1x128x128xf32>
    %squeeze3A_286 = vector.shape_cast %slice3A_285 : vector<1x128x128xf32> to vector<128x128xf32>
    %eq3A_287 = vector.broadcast %reduce_max3A_248 : f32 to vector<128x128xf32>
    %eq3A_288 = arith.cmpf oeq, %squeeze3A_286, %eq3A_287 : vector<128x128xf32>
    %jit3A_289 = arith.constant 16384 : i32
    %broadcast_in_dim3A_290 = vector.broadcast %jit3A_289 : i32 to vector<128x128xi32>
    %select_n3A_291 = arith.select %eq3A_288, %add3A_86, %broadcast_in_dim3A_290 : vector<128x128xi1>, vector<128x128xi32>
    %reduce_min3A_292 = vector.shape_cast %select_n3A_291 : vector<128x128xi32> to vector<1x128x128xi32>
    %reduce_min3A_293 = arith.constant dense<2147483647> : vector<1xi32>
    %reduce_min3A_294 = vector.multi_reduction <minsi>, %reduce_min3A_292, %reduce_min3A_293 [1, 2] : vector<1x128x128xi32> to vector<1xi32>
    %reduce_min3A_295 = vector.shape_cast %reduce_min3A_294 : vector<1xi32> to vector<1x1x1xi32>
    %reduce_min3A_296 = vector.extract %reduce_min3A_295[0, 0, 0] : i32 from vector<1x1x1xi32>
    %slice3A_297 = vector.extract_strided_slice %get3A_90 {offsets = [0, 2, 0], sizes = [4, 1, 1], strides = [1, 1, 1]} : vector<4x8x5xf32> to vector<4x1x1xf32>
    %slice3A_298 = vector.extract_strided_slice %get3A_90 {offsets = [0, 2, 1], sizes = [4, 1, 1], strides = [1, 1, 1]} : vector<4x8x5xf32> to vector<4x1x1xf32>
    %slice3A_299 = vector.extract_strided_slice %get3A_90 {offsets = [0, 2, 2], sizes = [4, 1, 1], strides = [1, 1, 1]} : vector<4x8x5xf32> to vector<4x1x1xf32>
    %slice3A_300 = vector.extract_strided_slice %get3A_90 {offsets = [0, 2, 3], sizes = [4, 1, 1], strides = [1, 1, 1]} : vector<4x8x5xf32> to vector<4x1x1xf32>
    %min3A_301 = vector.broadcast %slice3A_299 : vector<4x1x1xf32> to vector<4x128x128xf32>
    %min3A_302 = arith.minimumf %min3A_301, %add3A_75 : vector<4x128x128xf32>
    %max3A_303 = vector.broadcast %slice3A_297 : vector<4x1x1xf32> to vector<4x128x128xf32>
    %max3A_304 = arith.maximumf %max3A_303, %sub3A : vector<4x128x128xf32>
    %sub3A_305 = arith.subf %min3A_302, %max3A_304 : vector<4x128x128xf32>
    %max3A_306 = arith.constant 0.000000e+00 : f32
    %max3A_307 = vector.broadcast %max3A_306 : f32 to vector<4x128x128xf32>
    %max3A_308 = arith.maximumf %sub3A_305, %max3A_307 : vector<4x128x128xf32>
    %min3A_309 = vector.broadcast %slice3A_300 : vector<4x1x1xf32> to vector<4x128x128xf32>
    %min3A_310 = arith.minimumf %min3A_309, %add3A_79 : vector<4x128x128xf32>
    %max3A_311 = vector.broadcast %slice3A_298 : vector<4x1x1xf32> to vector<4x128x128xf32>
    %max3A_312 = arith.maximumf %max3A_311, %sub3A_71 : vector<4x128x128xf32>
    %sub3A_313 = arith.subf %min3A_310, %max3A_312 : vector<4x128x128xf32>
    %max3A_314 = arith.constant 0.000000e+00 : f32
    %max3A_315 = vector.broadcast %max3A_314 : f32 to vector<4x128x128xf32>
    %max3A_316 = arith.maximumf %sub3A_313, %max3A_315 : vector<4x128x128xf32>
    %mul3A_317 = arith.mulf %max3A_308, %max3A_316 : vector<4x128x128xf32>
    %sub3A_318 = arith.subf %slice3A_299, %slice3A_297 : vector<4x1x1xf32>
    %sub3A_319 = arith.subf %slice3A_300, %slice3A_298 : vector<4x1x1xf32>
    %mul3A_320 = arith.mulf %sub3A_318, %sub3A_319 : vector<4x1x1xf32>
    %add3A_321 = vector.broadcast %mul3A_320 : vector<4x1x1xf32> to vector<4x128x128xf32>
    %add3A_322 = arith.addf %add3A_321, %mul3A_80 : vector<4x128x128xf32>
    %sub3A_323 = arith.subf %add3A_322, %mul3A_317 : vector<4x128x128xf32>
    %div3A_324 = arith.divf %mul3A_317, %sub3A_323 : vector<4x128x128xf32>
    %gt3A_325 = arith.cmpf ogt, %div3A_324, %max3A_217 : vector<4x128x128xf32>
    %max3A_326 = arith.maximumf %max3A_217, %div3A_324 : vector<4x128x128xf32>
    %jit3A_327 = arith.constant 2 : i32
    %broadcast_in_dim3A_328 = vector.broadcast %jit3A_327 : i32 to vector<4x128x128xi32>
    %select_n3A_329 = arith.select %gt3A_325, %broadcast_in_dim3A_328, %select_n3A_220 : vector<4x128x128xi1>, vector<4x128x128xi32>
    %slice3A_330 = vector.extract_strided_slice %div3A_324 {offsets = [0, 0, 0], sizes = [1, 128, 128], strides = [1, 1, 1]} : vector<4x128x128xf32> to vector<1x128x128xf32>
    %squeeze3A_331 = vector.shape_cast %slice3A_330 : vector<1x128x128xf32> to vector<128x128xf32>
    %reduce_max3A_332 = vector.shape_cast %squeeze3A_331 : vector<128x128xf32> to vector<1x128x128xf32>
    %reduce_max3A_333 = arith.constant dense<0xFF800000> : vector<1xf32>
    %reduce_max3A_334 = vector.multi_reduction <maximumf>, %reduce_max3A_332, %reduce_max3A_333 [1, 2] : vector<1x128x128xf32> to vector<1xf32>
    %reduce_max3A_335 = vector.shape_cast %reduce_max3A_334 : vector<1xf32> to vector<1x1x1xf32>
    %reduce_max3A_336 = vector.extract %reduce_max3A_335[0, 0, 0] : f32 from vector<1x1x1xf32>
    %slice3A_337 = vector.extract_strided_slice %div3A_324 {offsets = [1, 0, 0], sizes = [1, 128, 128], strides = [1, 1, 1]} : vector<4x128x128xf32> to vector<1x128x128xf32>
    %squeeze3A_338 = vector.shape_cast %slice3A_337 : vector<1x128x128xf32> to vector<128x128xf32>
    %reduce_max3A_339 = vector.shape_cast %squeeze3A_338 : vector<128x128xf32> to vector<1x128x128xf32>
    %reduce_max3A_340 = arith.constant dense<0xFF800000> : vector<1xf32>
    %reduce_max3A_341 = vector.multi_reduction <maximumf>, %reduce_max3A_339, %reduce_max3A_340 [1, 2] : vector<1x128x128xf32> to vector<1xf32>
    %reduce_max3A_342 = vector.shape_cast %reduce_max3A_341 : vector<1xf32> to vector<1x1x1xf32>
    %reduce_max3A_343 = vector.extract %reduce_max3A_342[0, 0, 0] : f32 from vector<1x1x1xf32>
    %slice3A_344 = vector.extract_strided_slice %div3A_324 {offsets = [2, 0, 0], sizes = [1, 128, 128], strides = [1, 1, 1]} : vector<4x128x128xf32> to vector<1x128x128xf32>
    %squeeze3A_345 = vector.shape_cast %slice3A_344 : vector<1x128x128xf32> to vector<128x128xf32>
    %reduce_max3A_346 = vector.shape_cast %squeeze3A_345 : vector<128x128xf32> to vector<1x128x128xf32>
    %reduce_max3A_347 = arith.constant dense<0xFF800000> : vector<1xf32>
    %reduce_max3A_348 = vector.multi_reduction <maximumf>, %reduce_max3A_346, %reduce_max3A_347 [1, 2] : vector<1x128x128xf32> to vector<1xf32>
    %reduce_max3A_349 = vector.shape_cast %reduce_max3A_348 : vector<1xf32> to vector<1x1x1xf32>
    %reduce_max3A_350 = vector.extract %reduce_max3A_349[0, 0, 0] : f32 from vector<1x1x1xf32>
    %slice3A_351 = vector.extract_strided_slice %div3A_324 {offsets = [3, 0, 0], sizes = [1, 128, 128], strides = [1, 1, 1]} : vector<4x128x128xf32> to vector<1x128x128xf32>
    %squeeze3A_352 = vector.shape_cast %slice3A_351 : vector<1x128x128xf32> to vector<128x128xf32>
    %reduce_max3A_353 = vector.shape_cast %squeeze3A_352 : vector<128x128xf32> to vector<1x128x128xf32>
    %reduce_max3A_354 = arith.constant dense<0xFF800000> : vector<1xf32>
    %reduce_max3A_355 = vector.multi_reduction <maximumf>, %reduce_max3A_353, %reduce_max3A_354 [1, 2] : vector<1x128x128xf32> to vector<1xf32>
    %reduce_max3A_356 = vector.shape_cast %reduce_max3A_355 : vector<1xf32> to vector<1x1x1xf32>
    %reduce_max3A_357 = vector.extract %reduce_max3A_356[0, 0, 0] : f32 from vector<1x1x1xf32>
    %slice3A_358 = vector.extract_strided_slice %div3A_324 {offsets = [0, 0, 0], sizes = [1, 128, 128], strides = [1, 1, 1]} : vector<4x128x128xf32> to vector<1x128x128xf32>
    %squeeze3A_359 = vector.shape_cast %slice3A_358 : vector<1x128x128xf32> to vector<128x128xf32>
    %eq3A_360 = vector.broadcast %reduce_max3A_336 : f32 to vector<128x128xf32>
    %eq3A_361 = arith.cmpf oeq, %squeeze3A_359, %eq3A_360 : vector<128x128xf32>
    %jit3A_362 = arith.constant 16384 : i32
    %broadcast_in_dim3A_363 = vector.broadcast %jit3A_362 : i32 to vector<128x128xi32>
    %select_n3A_364 = arith.select %eq3A_361, %add3A_86, %broadcast_in_dim3A_363 : vector<128x128xi1>, vector<128x128xi32>
    %reduce_min3A_365 = vector.shape_cast %select_n3A_364 : vector<128x128xi32> to vector<1x128x128xi32>
    %reduce_min3A_366 = arith.constant dense<2147483647> : vector<1xi32>
    %reduce_min3A_367 = vector.multi_reduction <minsi>, %reduce_min3A_365, %reduce_min3A_366 [1, 2] : vector<1x128x128xi32> to vector<1xi32>
    %reduce_min3A_368 = vector.shape_cast %reduce_min3A_367 : vector<1xi32> to vector<1x1x1xi32>
    %reduce_min3A_369 = vector.extract %reduce_min3A_368[0, 0, 0] : i32 from vector<1x1x1xi32>
    %slice3A_370 = vector.extract_strided_slice %div3A_324 {offsets = [1, 0, 0], sizes = [1, 128, 128], strides = [1, 1, 1]} : vector<4x128x128xf32> to vector<1x128x128xf32>
    %squeeze3A_371 = vector.shape_cast %slice3A_370 : vector<1x128x128xf32> to vector<128x128xf32>
    %eq3A_372 = vector.broadcast %reduce_max3A_343 : f32 to vector<128x128xf32>
    %eq3A_373 = arith.cmpf oeq, %squeeze3A_371, %eq3A_372 : vector<128x128xf32>
    %jit3A_374 = arith.constant 16384 : i32
    %broadcast_in_dim3A_375 = vector.broadcast %jit3A_374 : i32 to vector<128x128xi32>
    %select_n3A_376 = arith.select %eq3A_373, %add3A_86, %broadcast_in_dim3A_375 : vector<128x128xi1>, vector<128x128xi32>
    %reduce_min3A_377 = vector.shape_cast %select_n3A_376 : vector<128x128xi32> to vector<1x128x128xi32>
    %reduce_min3A_378 = arith.constant dense<2147483647> : vector<1xi32>
    %reduce_min3A_379 = vector.multi_reduction <minsi>, %reduce_min3A_377, %reduce_min3A_378 [1, 2] : vector<1x128x128xi32> to vector<1xi32>
    %reduce_min3A_380 = vector.shape_cast %reduce_min3A_379 : vector<1xi32> to vector<1x1x1xi32>
    %reduce_min3A_381 = vector.extract %reduce_min3A_380[0, 0, 0] : i32 from vector<1x1x1xi32>
    %slice3A_382 = vector.extract_strided_slice %div3A_324 {offsets = [2, 0, 0], sizes = [1, 128, 128], strides = [1, 1, 1]} : vector<4x128x128xf32> to vector<1x128x128xf32>
    %squeeze3A_383 = vector.shape_cast %slice3A_382 : vector<1x128x128xf32> to vector<128x128xf32>
    %eq3A_384 = vector.broadcast %reduce_max3A_350 : f32 to vector<128x128xf32>
    %eq3A_385 = arith.cmpf oeq, %squeeze3A_383, %eq3A_384 : vector<128x128xf32>
    %jit3A_386 = arith.constant 16384 : i32
    %broadcast_in_dim3A_387 = vector.broadcast %jit3A_386 : i32 to vector<128x128xi32>
    %select_n3A_388 = arith.select %eq3A_385, %add3A_86, %broadcast_in_dim3A_387 : vector<128x128xi1>, vector<128x128xi32>
    %reduce_min3A_389 = vector.shape_cast %select_n3A_388 : vector<128x128xi32> to vector<1x128x128xi32>
    %reduce_min3A_390 = arith.constant dense<2147483647> : vector<1xi32>
    %reduce_min3A_391 = vector.multi_reduction <minsi>, %reduce_min3A_389, %reduce_min3A_390 [1, 2] : vector<1x128x128xi32> to vector<1xi32>
    %reduce_min3A_392 = vector.shape_cast %reduce_min3A_391 : vector<1xi32> to vector<1x1x1xi32>
    %reduce_min3A_393 = vector.extract %reduce_min3A_392[0, 0, 0] : i32 from vector<1x1x1xi32>
    %slice3A_394 = vector.extract_strided_slice %div3A_324 {offsets = [3, 0, 0], sizes = [1, 128, 128], strides = [1, 1, 1]} : vector<4x128x128xf32> to vector<1x128x128xf32>
    %squeeze3A_395 = vector.shape_cast %slice3A_394 : vector<1x128x128xf32> to vector<128x128xf32>
    %eq3A_396 = vector.broadcast %reduce_max3A_357 : f32 to vector<128x128xf32>
    %eq3A_397 = arith.cmpf oeq, %squeeze3A_395, %eq3A_396 : vector<128x128xf32>
    %jit3A_398 = arith.constant 16384 : i32
    %broadcast_in_dim3A_399 = vector.broadcast %jit3A_398 : i32 to vector<128x128xi32>
    %select_n3A_400 = arith.select %eq3A_397, %add3A_86, %broadcast_in_dim3A_399 : vector<128x128xi1>, vector<128x128xi32>
    %reduce_min3A_401 = vector.shape_cast %select_n3A_400 : vector<128x128xi32> to vector<1x128x128xi32>
    %reduce_min3A_402 = arith.constant dense<2147483647> : vector<1xi32>
    %reduce_min3A_403 = vector.multi_reduction <minsi>, %reduce_min3A_401, %reduce_min3A_402 [1, 2] : vector<1x128x128xi32> to vector<1xi32>
    %reduce_min3A_404 = vector.shape_cast %reduce_min3A_403 : vector<1xi32> to vector<1x1x1xi32>
    %reduce_min3A_405 = vector.extract %reduce_min3A_404[0, 0, 0] : i32 from vector<1x1x1xi32>
    %slice3A_406 = vector.extract_strided_slice %get3A_90 {offsets = [0, 3, 0], sizes = [4, 1, 1], strides = [1, 1, 1]} : vector<4x8x5xf32> to vector<4x1x1xf32>
    %slice3A_407 = vector.extract_strided_slice %get3A_90 {offsets = [0, 3, 1], sizes = [4, 1, 1], strides = [1, 1, 1]} : vector<4x8x5xf32> to vector<4x1x1xf32>
    %slice3A_408 = vector.extract_strided_slice %get3A_90 {offsets = [0, 3, 2], sizes = [4, 1, 1], strides = [1, 1, 1]} : vector<4x8x5xf32> to vector<4x1x1xf32>
    %slice3A_409 = vector.extract_strided_slice %get3A_90 {offsets = [0, 3, 3], sizes = [4, 1, 1], strides = [1, 1, 1]} : vector<4x8x5xf32> to vector<4x1x1xf32>
    %min3A_410 = vector.broadcast %slice3A_408 : vector<4x1x1xf32> to vector<4x128x128xf32>
    %min3A_411 = arith.minimumf %min3A_410, %add3A_75 : vector<4x128x128xf32>
    %max3A_412 = vector.broadcast %slice3A_406 : vector<4x1x1xf32> to vector<4x128x128xf32>
    %max3A_413 = arith.maximumf %max3A_412, %sub3A : vector<4x128x128xf32>
    %sub3A_414 = arith.subf %min3A_411, %max3A_413 : vector<4x128x128xf32>
    %max3A_415 = arith.constant 0.000000e+00 : f32
    %max3A_416 = vector.broadcast %max3A_415 : f32 to vector<4x128x128xf32>
    %max3A_417 = arith.maximumf %sub3A_414, %max3A_416 : vector<4x128x128xf32>
    %min3A_418 = vector.broadcast %slice3A_409 : vector<4x1x1xf32> to vector<4x128x128xf32>
    %min3A_419 = arith.minimumf %min3A_418, %add3A_79 : vector<4x128x128xf32>
    %max3A_420 = vector.broadcast %slice3A_407 : vector<4x1x1xf32> to vector<4x128x128xf32>
    %max3A_421 = arith.maximumf %max3A_420, %sub3A_71 : vector<4x128x128xf32>
    %sub3A_422 = arith.subf %min3A_419, %max3A_421 : vector<4x128x128xf32>
    %max3A_423 = arith.constant 0.000000e+00 : f32
    %max3A_424 = vector.broadcast %max3A_423 : f32 to vector<4x128x128xf32>
    %max3A_425 = arith.maximumf %sub3A_422, %max3A_424 : vector<4x128x128xf32>
    %mul3A_426 = arith.mulf %max3A_417, %max3A_425 : vector<4x128x128xf32>
    %sub3A_427 = arith.subf %slice3A_408, %slice3A_406 : vector<4x1x1xf32>
    %sub3A_428 = arith.subf %slice3A_409, %slice3A_407 : vector<4x1x1xf32>
    %mul3A_429 = arith.mulf %sub3A_427, %sub3A_428 : vector<4x1x1xf32>
    %add3A_430 = vector.broadcast %mul3A_429 : vector<4x1x1xf32> to vector<4x128x128xf32>
    %add3A_431 = arith.addf %add3A_430, %mul3A_80 : vector<4x128x128xf32>
    %sub3A_432 = arith.subf %add3A_431, %mul3A_426 : vector<4x128x128xf32>
    %div3A_433 = arith.divf %mul3A_426, %sub3A_432 : vector<4x128x128xf32>
    %gt3A_434 = arith.cmpf ogt, %div3A_433, %max3A_326 : vector<4x128x128xf32>
    %max3A_435 = arith.maximumf %max3A_326, %div3A_433 : vector<4x128x128xf32>
    %jit3A_436 = arith.constant 3 : i32
    %broadcast_in_dim3A_437 = vector.broadcast %jit3A_436 : i32 to vector<4x128x128xi32>
    %select_n3A_438 = arith.select %gt3A_434, %broadcast_in_dim3A_437, %select_n3A_329 : vector<4x128x128xi1>, vector<4x128x128xi32>
    %slice3A_439 = vector.extract_strided_slice %div3A_433 {offsets = [0, 0, 0], sizes = [1, 128, 128], strides = [1, 1, 1]} : vector<4x128x128xf32> to vector<1x128x128xf32>
    %squeeze3A_440 = vector.shape_cast %slice3A_439 : vector<1x128x128xf32> to vector<128x128xf32>
    %reduce_max3A_441 = vector.shape_cast %squeeze3A_440 : vector<128x128xf32> to vector<1x128x128xf32>
    %reduce_max3A_442 = arith.constant dense<0xFF800000> : vector<1xf32>
    %reduce_max3A_443 = vector.multi_reduction <maximumf>, %reduce_max3A_441, %reduce_max3A_442 [1, 2] : vector<1x128x128xf32> to vector<1xf32>
    %reduce_max3A_444 = vector.shape_cast %reduce_max3A_443 : vector<1xf32> to vector<1x1x1xf32>
    %reduce_max3A_445 = vector.extract %reduce_max3A_444[0, 0, 0] : f32 from vector<1x1x1xf32>
    %slice3A_446 = vector.extract_strided_slice %div3A_433 {offsets = [1, 0, 0], sizes = [1, 128, 128], strides = [1, 1, 1]} : vector<4x128x128xf32> to vector<1x128x128xf32>
    %squeeze3A_447 = vector.shape_cast %slice3A_446 : vector<1x128x128xf32> to vector<128x128xf32>
    %reduce_max3A_448 = vector.shape_cast %squeeze3A_447 : vector<128x128xf32> to vector<1x128x128xf32>
    %reduce_max3A_449 = arith.constant dense<0xFF800000> : vector<1xf32>
    %reduce_max3A_450 = vector.multi_reduction <maximumf>, %reduce_max3A_448, %reduce_max3A_449 [1, 2] : vector<1x128x128xf32> to vector<1xf32>
    %reduce_max3A_451 = vector.shape_cast %reduce_max3A_450 : vector<1xf32> to vector<1x1x1xf32>
    %reduce_max3A_452 = vector.extract %reduce_max3A_451[0, 0, 0] : f32 from vector<1x1x1xf32>
    %slice3A_453 = vector.extract_strided_slice %div3A_433 {offsets = [2, 0, 0], sizes = [1, 128, 128], strides = [1, 1, 1]} : vector<4x128x128xf32> to vector<1x128x128xf32>
    %squeeze3A_454 = vector.shape_cast %slice3A_453 : vector<1x128x128xf32> to vector<128x128xf32>
    %reduce_max3A_455 = vector.shape_cast %squeeze3A_454 : vector<128x128xf32> to vector<1x128x128xf32>
    %reduce_max3A_456 = arith.constant dense<0xFF800000> : vector<1xf32>
    %reduce_max3A_457 = vector.multi_reduction <maximumf>, %reduce_max3A_455, %reduce_max3A_456 [1, 2] : vector<1x128x128xf32> to vector<1xf32>
    %reduce_max3A_458 = vector.shape_cast %reduce_max3A_457 : vector<1xf32> to vector<1x1x1xf32>
    %reduce_max3A_459 = vector.extract %reduce_max3A_458[0, 0, 0] : f32 from vector<1x1x1xf32>
    %slice3A_460 = vector.extract_strided_slice %div3A_433 {offsets = [3, 0, 0], sizes = [1, 128, 128], strides = [1, 1, 1]} : vector<4x128x128xf32> to vector<1x128x128xf32>
    %squeeze3A_461 = vector.shape_cast %slice3A_460 : vector<1x128x128xf32> to vector<128x128xf32>
    %reduce_max3A_462 = vector.shape_cast %squeeze3A_461 : vector<128x128xf32> to vector<1x128x128xf32>
    %reduce_max3A_463 = arith.constant dense<0xFF800000> : vector<1xf32>
    %reduce_max3A_464 = vector.multi_reduction <maximumf>, %reduce_max3A_462, %reduce_max3A_463 [1, 2] : vector<1x128x128xf32> to vector<1xf32>
    %reduce_max3A_465 = vector.shape_cast %reduce_max3A_464 : vector<1xf32> to vector<1x1x1xf32>
    %reduce_max3A_466 = vector.extract %reduce_max3A_465[0, 0, 0] : f32 from vector<1x1x1xf32>
    %slice3A_467 = vector.extract_strided_slice %div3A_433 {offsets = [0, 0, 0], sizes = [1, 128, 128], strides = [1, 1, 1]} : vector<4x128x128xf32> to vector<1x128x128xf32>
    %squeeze3A_468 = vector.shape_cast %slice3A_467 : vector<1x128x128xf32> to vector<128x128xf32>
    %eq3A_469 = vector.broadcast %reduce_max3A_445 : f32 to vector<128x128xf32>
    %eq3A_470 = arith.cmpf oeq, %squeeze3A_468, %eq3A_469 : vector<128x128xf32>
    %jit3A_471 = arith.constant 16384 : i32
    %broadcast_in_dim3A_472 = vector.broadcast %jit3A_471 : i32 to vector<128x128xi32>
    %select_n3A_473 = arith.select %eq3A_470, %add3A_86, %broadcast_in_dim3A_472 : vector<128x128xi1>, vector<128x128xi32>
    %reduce_min3A_474 = vector.shape_cast %select_n3A_473 : vector<128x128xi32> to vector<1x128x128xi32>
    %reduce_min3A_475 = arith.constant dense<2147483647> : vector<1xi32>
    %reduce_min3A_476 = vector.multi_reduction <minsi>, %reduce_min3A_474, %reduce_min3A_475 [1, 2] : vector<1x128x128xi32> to vector<1xi32>
    %reduce_min3A_477 = vector.shape_cast %reduce_min3A_476 : vector<1xi32> to vector<1x1x1xi32>
    %reduce_min3A_478 = vector.extract %reduce_min3A_477[0, 0, 0] : i32 from vector<1x1x1xi32>
    %slice3A_479 = vector.extract_strided_slice %div3A_433 {offsets = [1, 0, 0], sizes = [1, 128, 128], strides = [1, 1, 1]} : vector<4x128x128xf32> to vector<1x128x128xf32>
    %squeeze3A_480 = vector.shape_cast %slice3A_479 : vector<1x128x128xf32> to vector<128x128xf32>
    %eq3A_481 = vector.broadcast %reduce_max3A_452 : f32 to vector<128x128xf32>
    %eq3A_482 = arith.cmpf oeq, %squeeze3A_480, %eq3A_481 : vector<128x128xf32>
    %jit3A_483 = arith.constant 16384 : i32
    %broadcast_in_dim3A_484 = vector.broadcast %jit3A_483 : i32 to vector<128x128xi32>
    %select_n3A_485 = arith.select %eq3A_482, %add3A_86, %broadcast_in_dim3A_484 : vector<128x128xi1>, vector<128x128xi32>
    %reduce_min3A_486 = vector.shape_cast %select_n3A_485 : vector<128x128xi32> to vector<1x128x128xi32>
    %reduce_min3A_487 = arith.constant dense<2147483647> : vector<1xi32>
    %reduce_min3A_488 = vector.multi_reduction <minsi>, %reduce_min3A_486, %reduce_min3A_487 [1, 2] : vector<1x128x128xi32> to vector<1xi32>
    %reduce_min3A_489 = vector.shape_cast %reduce_min3A_488 : vector<1xi32> to vector<1x1x1xi32>
    %reduce_min3A_490 = vector.extract %reduce_min3A_489[0, 0, 0] : i32 from vector<1x1x1xi32>
    %slice3A_491 = vector.extract_strided_slice %div3A_433 {offsets = [2, 0, 0], sizes = [1, 128, 128], strides = [1, 1, 1]} : vector<4x128x128xf32> to vector<1x128x128xf32>
    %squeeze3A_492 = vector.shape_cast %slice3A_491 : vector<1x128x128xf32> to vector<128x128xf32>
    %eq3A_493 = vector.broadcast %reduce_max3A_459 : f32 to vector<128x128xf32>
    %eq3A_494 = arith.cmpf oeq, %squeeze3A_492, %eq3A_493 : vector<128x128xf32>
    %jit3A_495 = arith.constant 16384 : i32
    %broadcast_in_dim3A_496 = vector.broadcast %jit3A_495 : i32 to vector<128x128xi32>
    %select_n3A_497 = arith.select %eq3A_494, %add3A_86, %broadcast_in_dim3A_496 : vector<128x128xi1>, vector<128x128xi32>
    %reduce_min3A_498 = vector.shape_cast %select_n3A_497 : vector<128x128xi32> to vector<1x128x128xi32>
    %reduce_min3A_499 = arith.constant dense<2147483647> : vector<1xi32>
    %reduce_min3A_500 = vector.multi_reduction <minsi>, %reduce_min3A_498, %reduce_min3A_499 [1, 2] : vector<1x128x128xi32> to vector<1xi32>
    %reduce_min3A_501 = vector.shape_cast %reduce_min3A_500 : vector<1xi32> to vector<1x1x1xi32>
    %reduce_min3A_502 = vector.extract %reduce_min3A_501[0, 0, 0] : i32 from vector<1x1x1xi32>
    %slice3A_503 = vector.extract_strided_slice %div3A_433 {offsets = [3, 0, 0], sizes = [1, 128, 128], strides = [1, 1, 1]} : vector<4x128x128xf32> to vector<1x128x128xf32>
    %squeeze3A_504 = vector.shape_cast %slice3A_503 : vector<1x128x128xf32> to vector<128x128xf32>
    %eq3A_505 = vector.broadcast %reduce_max3A_466 : f32 to vector<128x128xf32>
    %eq3A_506 = arith.cmpf oeq, %squeeze3A_504, %eq3A_505 : vector<128x128xf32>
    %jit3A_507 = arith.constant 16384 : i32
    %broadcast_in_dim3A_508 = vector.broadcast %jit3A_507 : i32 to vector<128x128xi32>
    %select_n3A_509 = arith.select %eq3A_506, %add3A_86, %broadcast_in_dim3A_508 : vector<128x128xi1>, vector<128x128xi32>
    %reduce_min3A_510 = vector.shape_cast %select_n3A_509 : vector<128x128xi32> to vector<1x128x128xi32>
    %reduce_min3A_511 = arith.constant dense<2147483647> : vector<1xi32>
    %reduce_min3A_512 = vector.multi_reduction <minsi>, %reduce_min3A_510, %reduce_min3A_511 [1, 2] : vector<1x128x128xi32> to vector<1xi32>
    %reduce_min3A_513 = vector.shape_cast %reduce_min3A_512 : vector<1xi32> to vector<1x1x1xi32>
    %reduce_min3A_514 = vector.extract %reduce_min3A_513[0, 0, 0] : i32 from vector<1x1x1xi32>
    %slice3A_515 = vector.extract_strided_slice %get3A_90 {offsets = [0, 4, 0], sizes = [4, 1, 1], strides = [1, 1, 1]} : vector<4x8x5xf32> to vector<4x1x1xf32>
    %slice3A_516 = vector.extract_strided_slice %get3A_90 {offsets = [0, 4, 1], sizes = [4, 1, 1], strides = [1, 1, 1]} : vector<4x8x5xf32> to vector<4x1x1xf32>
    %slice3A_517 = vector.extract_strided_slice %get3A_90 {offsets = [0, 4, 2], sizes = [4, 1, 1], strides = [1, 1, 1]} : vector<4x8x5xf32> to vector<4x1x1xf32>
    %slice3A_518 = vector.extract_strided_slice %get3A_90 {offsets = [0, 4, 3], sizes = [4, 1, 1], strides = [1, 1, 1]} : vector<4x8x5xf32> to vector<4x1x1xf32>
    %min3A_519 = vector.broadcast %slice3A_517 : vector<4x1x1xf32> to vector<4x128x128xf32>
    %min3A_520 = arith.minimumf %min3A_519, %add3A_75 : vector<4x128x128xf32>
    %max3A_521 = vector.broadcast %slice3A_515 : vector<4x1x1xf32> to vector<4x128x128xf32>
    %max3A_522 = arith.maximumf %max3A_521, %sub3A : vector<4x128x128xf32>
    %sub3A_523 = arith.subf %min3A_520, %max3A_522 : vector<4x128x128xf32>
    %max3A_524 = arith.constant 0.000000e+00 : f32
    %max3A_525 = vector.broadcast %max3A_524 : f32 to vector<4x128x128xf32>
    %max3A_526 = arith.maximumf %sub3A_523, %max3A_525 : vector<4x128x128xf32>
    %min3A_527 = vector.broadcast %slice3A_518 : vector<4x1x1xf32> to vector<4x128x128xf32>
    %min3A_528 = arith.minimumf %min3A_527, %add3A_79 : vector<4x128x128xf32>
    %max3A_529 = vector.broadcast %slice3A_516 : vector<4x1x1xf32> to vector<4x128x128xf32>
    %max3A_530 = arith.maximumf %max3A_529, %sub3A_71 : vector<4x128x128xf32>
    %sub3A_531 = arith.subf %min3A_528, %max3A_530 : vector<4x128x128xf32>
    %max3A_532 = arith.constant 0.000000e+00 : f32
    %max3A_533 = vector.broadcast %max3A_532 : f32 to vector<4x128x128xf32>
    %max3A_534 = arith.maximumf %sub3A_531, %max3A_533 : vector<4x128x128xf32>
    %mul3A_535 = arith.mulf %max3A_526, %max3A_534 : vector<4x128x128xf32>
    %sub3A_536 = arith.subf %slice3A_517, %slice3A_515 : vector<4x1x1xf32>
    %sub3A_537 = arith.subf %slice3A_518, %slice3A_516 : vector<4x1x1xf32>
    %mul3A_538 = arith.mulf %sub3A_536, %sub3A_537 : vector<4x1x1xf32>
    %add3A_539 = vector.broadcast %mul3A_538 : vector<4x1x1xf32> to vector<4x128x128xf32>
    %add3A_540 = arith.addf %add3A_539, %mul3A_80 : vector<4x128x128xf32>
    %sub3A_541 = arith.subf %add3A_540, %mul3A_535 : vector<4x128x128xf32>
    %div3A_542 = arith.divf %mul3A_535, %sub3A_541 : vector<4x128x128xf32>
    %gt3A_543 = arith.cmpf ogt, %div3A_542, %max3A_435 : vector<4x128x128xf32>
    %max3A_544 = arith.maximumf %max3A_435, %div3A_542 : vector<4x128x128xf32>
    %jit3A_545 = arith.constant 4 : i32
    %broadcast_in_dim3A_546 = vector.broadcast %jit3A_545 : i32 to vector<4x128x128xi32>
    %select_n3A_547 = arith.select %gt3A_543, %broadcast_in_dim3A_546, %select_n3A_438 : vector<4x128x128xi1>, vector<4x128x128xi32>
    %slice3A_548 = vector.extract_strided_slice %div3A_542 {offsets = [0, 0, 0], sizes = [1, 128, 128], strides = [1, 1, 1]} : vector<4x128x128xf32> to vector<1x128x128xf32>
    %squeeze3A_549 = vector.shape_cast %slice3A_548 : vector<1x128x128xf32> to vector<128x128xf32>
    %reduce_max3A_550 = vector.shape_cast %squeeze3A_549 : vector<128x128xf32> to vector<1x128x128xf32>
    %reduce_max3A_551 = arith.constant dense<0xFF800000> : vector<1xf32>
    %reduce_max3A_552 = vector.multi_reduction <maximumf>, %reduce_max3A_550, %reduce_max3A_551 [1, 2] : vector<1x128x128xf32> to vector<1xf32>
    %reduce_max3A_553 = vector.shape_cast %reduce_max3A_552 : vector<1xf32> to vector<1x1x1xf32>
    %reduce_max3A_554 = vector.extract %reduce_max3A_553[0, 0, 0] : f32 from vector<1x1x1xf32>
    %slice3A_555 = vector.extract_strided_slice %div3A_542 {offsets = [1, 0, 0], sizes = [1, 128, 128], strides = [1, 1, 1]} : vector<4x128x128xf32> to vector<1x128x128xf32>
    %squeeze3A_556 = vector.shape_cast %slice3A_555 : vector<1x128x128xf32> to vector<128x128xf32>
    %reduce_max3A_557 = vector.shape_cast %squeeze3A_556 : vector<128x128xf32> to vector<1x128x128xf32>
    %reduce_max3A_558 = arith.constant dense<0xFF800000> : vector<1xf32>
    %reduce_max3A_559 = vector.multi_reduction <maximumf>, %reduce_max3A_557, %reduce_max3A_558 [1, 2] : vector<1x128x128xf32> to vector<1xf32>
    %reduce_max3A_560 = vector.shape_cast %reduce_max3A_559 : vector<1xf32> to vector<1x1x1xf32>
    %reduce_max3A_561 = vector.extract %reduce_max3A_560[0, 0, 0] : f32 from vector<1x1x1xf32>
    %slice3A_562 = vector.extract_strided_slice %div3A_542 {offsets = [2, 0, 0], sizes = [1, 128, 128], strides = [1, 1, 1]} : vector<4x128x128xf32> to vector<1x128x128xf32>
    %squeeze3A_563 = vector.shape_cast %slice3A_562 : vector<1x128x128xf32> to vector<128x128xf32>
    %reduce_max3A_564 = vector.shape_cast %squeeze3A_563 : vector<128x128xf32> to vector<1x128x128xf32>
    %reduce_max3A_565 = arith.constant dense<0xFF800000> : vector<1xf32>
    %reduce_max3A_566 = vector.multi_reduction <maximumf>, %reduce_max3A_564, %reduce_max3A_565 [1, 2] : vector<1x128x128xf32> to vector<1xf32>
    %reduce_max3A_567 = vector.shape_cast %reduce_max3A_566 : vector<1xf32> to vector<1x1x1xf32>
    %reduce_max3A_568 = vector.extract %reduce_max3A_567[0, 0, 0] : f32 from vector<1x1x1xf32>
    %slice3A_569 = vector.extract_strided_slice %div3A_542 {offsets = [3, 0, 0], sizes = [1, 128, 128], strides = [1, 1, 1]} : vector<4x128x128xf32> to vector<1x128x128xf32>
    %squeeze3A_570 = vector.shape_cast %slice3A_569 : vector<1x128x128xf32> to vector<128x128xf32>
    %reduce_max3A_571 = vector.shape_cast %squeeze3A_570 : vector<128x128xf32> to vector<1x128x128xf32>
    %reduce_max3A_572 = arith.constant dense<0xFF800000> : vector<1xf32>
    %reduce_max3A_573 = vector.multi_reduction <maximumf>, %reduce_max3A_571, %reduce_max3A_572 [1, 2] : vector<1x128x128xf32> to vector<1xf32>
    %reduce_max3A_574 = vector.shape_cast %reduce_max3A_573 : vector<1xf32> to vector<1x1x1xf32>
    %reduce_max3A_575 = vector.extract %reduce_max3A_574[0, 0, 0] : f32 from vector<1x1x1xf32>
    %slice3A_576 = vector.extract_strided_slice %div3A_542 {offsets = [0, 0, 0], sizes = [1, 128, 128], strides = [1, 1, 1]} : vector<4x128x128xf32> to vector<1x128x128xf32>
    %squeeze3A_577 = vector.shape_cast %slice3A_576 : vector<1x128x128xf32> to vector<128x128xf32>
    %eq3A_578 = vector.broadcast %reduce_max3A_554 : f32 to vector<128x128xf32>
    %eq3A_579 = arith.cmpf oeq, %squeeze3A_577, %eq3A_578 : vector<128x128xf32>
    %jit3A_580 = arith.constant 16384 : i32
    %broadcast_in_dim3A_581 = vector.broadcast %jit3A_580 : i32 to vector<128x128xi32>
    %select_n3A_582 = arith.select %eq3A_579, %add3A_86, %broadcast_in_dim3A_581 : vector<128x128xi1>, vector<128x128xi32>
    %reduce_min3A_583 = vector.shape_cast %select_n3A_582 : vector<128x128xi32> to vector<1x128x128xi32>
    %reduce_min3A_584 = arith.constant dense<2147483647> : vector<1xi32>
    %reduce_min3A_585 = vector.multi_reduction <minsi>, %reduce_min3A_583, %reduce_min3A_584 [1, 2] : vector<1x128x128xi32> to vector<1xi32>
    %reduce_min3A_586 = vector.shape_cast %reduce_min3A_585 : vector<1xi32> to vector<1x1x1xi32>
    %reduce_min3A_587 = vector.extract %reduce_min3A_586[0, 0, 0] : i32 from vector<1x1x1xi32>
    %slice3A_588 = vector.extract_strided_slice %div3A_542 {offsets = [1, 0, 0], sizes = [1, 128, 128], strides = [1, 1, 1]} : vector<4x128x128xf32> to vector<1x128x128xf32>
    %squeeze3A_589 = vector.shape_cast %slice3A_588 : vector<1x128x128xf32> to vector<128x128xf32>
    %eq3A_590 = vector.broadcast %reduce_max3A_561 : f32 to vector<128x128xf32>
    %eq3A_591 = arith.cmpf oeq, %squeeze3A_589, %eq3A_590 : vector<128x128xf32>
    %jit3A_592 = arith.constant 16384 : i32
    %broadcast_in_dim3A_593 = vector.broadcast %jit3A_592 : i32 to vector<128x128xi32>
    %select_n3A_594 = arith.select %eq3A_591, %add3A_86, %broadcast_in_dim3A_593 : vector<128x128xi1>, vector<128x128xi32>
    %reduce_min3A_595 = vector.shape_cast %select_n3A_594 : vector<128x128xi32> to vector<1x128x128xi32>
    %reduce_min3A_596 = arith.constant dense<2147483647> : vector<1xi32>
    %reduce_min3A_597 = vector.multi_reduction <minsi>, %reduce_min3A_595, %reduce_min3A_596 [1, 2] : vector<1x128x128xi32> to vector<1xi32>
    %reduce_min3A_598 = vector.shape_cast %reduce_min3A_597 : vector<1xi32> to vector<1x1x1xi32>
    %reduce_min3A_599 = vector.extract %reduce_min3A_598[0, 0, 0] : i32 from vector<1x1x1xi32>
    %slice3A_600 = vector.extract_strided_slice %div3A_542 {offsets = [2, 0, 0], sizes = [1, 128, 128], strides = [1, 1, 1]} : vector<4x128x128xf32> to vector<1x128x128xf32>
    %squeeze3A_601 = vector.shape_cast %slice3A_600 : vector<1x128x128xf32> to vector<128x128xf32>
    %eq3A_602 = vector.broadcast %reduce_max3A_568 : f32 to vector<128x128xf32>
    %eq3A_603 = arith.cmpf oeq, %squeeze3A_601, %eq3A_602 : vector<128x128xf32>
    %jit3A_604 = arith.constant 16384 : i32
    %broadcast_in_dim3A_605 = vector.broadcast %jit3A_604 : i32 to vector<128x128xi32>
    %select_n3A_606 = arith.select %eq3A_603, %add3A_86, %broadcast_in_dim3A_605 : vector<128x128xi1>, vector<128x128xi32>
    %reduce_min3A_607 = vector.shape_cast %select_n3A_606 : vector<128x128xi32> to vector<1x128x128xi32>
    %reduce_min3A_608 = arith.constant dense<2147483647> : vector<1xi32>
    %reduce_min3A_609 = vector.multi_reduction <minsi>, %reduce_min3A_607, %reduce_min3A_608 [1, 2] : vector<1x128x128xi32> to vector<1xi32>
    %reduce_min3A_610 = vector.shape_cast %reduce_min3A_609 : vector<1xi32> to vector<1x1x1xi32>
    %reduce_min3A_611 = vector.extract %reduce_min3A_610[0, 0, 0] : i32 from vector<1x1x1xi32>
    %slice3A_612 = vector.extract_strided_slice %div3A_542 {offsets = [3, 0, 0], sizes = [1, 128, 128], strides = [1, 1, 1]} : vector<4x128x128xf32> to vector<1x128x128xf32>
    %squeeze3A_613 = vector.shape_cast %slice3A_612 : vector<1x128x128xf32> to vector<128x128xf32>
    %eq3A_614 = vector.broadcast %reduce_max3A_575 : f32 to vector<128x128xf32>
    %eq3A_615 = arith.cmpf oeq, %squeeze3A_613, %eq3A_614 : vector<128x128xf32>
    %jit3A_616 = arith.constant 16384 : i32
    %broadcast_in_dim3A_617 = vector.broadcast %jit3A_616 : i32 to vector<128x128xi32>
    %select_n3A_618 = arith.select %eq3A_615, %add3A_86, %broadcast_in_dim3A_617 : vector<128x128xi1>, vector<128x128xi32>
    %reduce_min3A_619 = vector.shape_cast %select_n3A_618 : vector<128x128xi32> to vector<1x128x128xi32>
    %reduce_min3A_620 = arith.constant dense<2147483647> : vector<1xi32>
    %reduce_min3A_621 = vector.multi_reduction <minsi>, %reduce_min3A_619, %reduce_min3A_620 [1, 2] : vector<1x128x128xi32> to vector<1xi32>
    %reduce_min3A_622 = vector.shape_cast %reduce_min3A_621 : vector<1xi32> to vector<1x1x1xi32>
    %reduce_min3A_623 = vector.extract %reduce_min3A_622[0, 0, 0] : i32 from vector<1x1x1xi32>
    %slice3A_624 = vector.extract_strided_slice %get3A_90 {offsets = [0, 5, 0], sizes = [4, 1, 1], strides = [1, 1, 1]} : vector<4x8x5xf32> to vector<4x1x1xf32>
    %slice3A_625 = vector.extract_strided_slice %get3A_90 {offsets = [0, 5, 1], sizes = [4, 1, 1], strides = [1, 1, 1]} : vector<4x8x5xf32> to vector<4x1x1xf32>
    %slice3A_626 = vector.extract_strided_slice %get3A_90 {offsets = [0, 5, 2], sizes = [4, 1, 1], strides = [1, 1, 1]} : vector<4x8x5xf32> to vector<4x1x1xf32>
    %slice3A_627 = vector.extract_strided_slice %get3A_90 {offsets = [0, 5, 3], sizes = [4, 1, 1], strides = [1, 1, 1]} : vector<4x8x5xf32> to vector<4x1x1xf32>
    %min3A_628 = vector.broadcast %slice3A_626 : vector<4x1x1xf32> to vector<4x128x128xf32>
    %min3A_629 = arith.minimumf %min3A_628, %add3A_75 : vector<4x128x128xf32>
    %max3A_630 = vector.broadcast %slice3A_624 : vector<4x1x1xf32> to vector<4x128x128xf32>
    %max3A_631 = arith.maximumf %max3A_630, %sub3A : vector<4x128x128xf32>
    %sub3A_632 = arith.subf %min3A_629, %max3A_631 : vector<4x128x128xf32>
    %max3A_633 = arith.constant 0.000000e+00 : f32
    %max3A_634 = vector.broadcast %max3A_633 : f32 to vector<4x128x128xf32>
    %max3A_635 = arith.maximumf %sub3A_632, %max3A_634 : vector<4x128x128xf32>
    %min3A_636 = vector.broadcast %slice3A_627 : vector<4x1x1xf32> to vector<4x128x128xf32>
    %min3A_637 = arith.minimumf %min3A_636, %add3A_79 : vector<4x128x128xf32>
    %max3A_638 = vector.broadcast %slice3A_625 : vector<4x1x1xf32> to vector<4x128x128xf32>
    %max3A_639 = arith.maximumf %max3A_638, %sub3A_71 : vector<4x128x128xf32>
    %sub3A_640 = arith.subf %min3A_637, %max3A_639 : vector<4x128x128xf32>
    %max3A_641 = arith.constant 0.000000e+00 : f32
    %max3A_642 = vector.broadcast %max3A_641 : f32 to vector<4x128x128xf32>
    %max3A_643 = arith.maximumf %sub3A_640, %max3A_642 : vector<4x128x128xf32>
    %mul3A_644 = arith.mulf %max3A_635, %max3A_643 : vector<4x128x128xf32>
    %sub3A_645 = arith.subf %slice3A_626, %slice3A_624 : vector<4x1x1xf32>
    %sub3A_646 = arith.subf %slice3A_627, %slice3A_625 : vector<4x1x1xf32>
    %mul3A_647 = arith.mulf %sub3A_645, %sub3A_646 : vector<4x1x1xf32>
    %add3A_648 = vector.broadcast %mul3A_647 : vector<4x1x1xf32> to vector<4x128x128xf32>
    %add3A_649 = arith.addf %add3A_648, %mul3A_80 : vector<4x128x128xf32>
    %sub3A_650 = arith.subf %add3A_649, %mul3A_644 : vector<4x128x128xf32>
    %div3A_651 = arith.divf %mul3A_644, %sub3A_650 : vector<4x128x128xf32>
    %gt3A_652 = arith.cmpf ogt, %div3A_651, %max3A_544 : vector<4x128x128xf32>
    %max3A_653 = arith.maximumf %max3A_544, %div3A_651 : vector<4x128x128xf32>
    %jit3A_654 = arith.constant 5 : i32
    %broadcast_in_dim3A_655 = vector.broadcast %jit3A_654 : i32 to vector<4x128x128xi32>
    %select_n3A_656 = arith.select %gt3A_652, %broadcast_in_dim3A_655, %select_n3A_547 : vector<4x128x128xi1>, vector<4x128x128xi32>
    %slice3A_657 = vector.extract_strided_slice %div3A_651 {offsets = [0, 0, 0], sizes = [1, 128, 128], strides = [1, 1, 1]} : vector<4x128x128xf32> to vector<1x128x128xf32>
    %squeeze3A_658 = vector.shape_cast %slice3A_657 : vector<1x128x128xf32> to vector<128x128xf32>
    %reduce_max3A_659 = vector.shape_cast %squeeze3A_658 : vector<128x128xf32> to vector<1x128x128xf32>
    %reduce_max3A_660 = arith.constant dense<0xFF800000> : vector<1xf32>
    %reduce_max3A_661 = vector.multi_reduction <maximumf>, %reduce_max3A_659, %reduce_max3A_660 [1, 2] : vector<1x128x128xf32> to vector<1xf32>
    %reduce_max3A_662 = vector.shape_cast %reduce_max3A_661 : vector<1xf32> to vector<1x1x1xf32>
    %reduce_max3A_663 = vector.extract %reduce_max3A_662[0, 0, 0] : f32 from vector<1x1x1xf32>
    %slice3A_664 = vector.extract_strided_slice %div3A_651 {offsets = [1, 0, 0], sizes = [1, 128, 128], strides = [1, 1, 1]} : vector<4x128x128xf32> to vector<1x128x128xf32>
    %squeeze3A_665 = vector.shape_cast %slice3A_664 : vector<1x128x128xf32> to vector<128x128xf32>
    %reduce_max3A_666 = vector.shape_cast %squeeze3A_665 : vector<128x128xf32> to vector<1x128x128xf32>
    %reduce_max3A_667 = arith.constant dense<0xFF800000> : vector<1xf32>
    %reduce_max3A_668 = vector.multi_reduction <maximumf>, %reduce_max3A_666, %reduce_max3A_667 [1, 2] : vector<1x128x128xf32> to vector<1xf32>
    %reduce_max3A_669 = vector.shape_cast %reduce_max3A_668 : vector<1xf32> to vector<1x1x1xf32>
    %reduce_max3A_670 = vector.extract %reduce_max3A_669[0, 0, 0] : f32 from vector<1x1x1xf32>
    %slice3A_671 = vector.extract_strided_slice %div3A_651 {offsets = [2, 0, 0], sizes = [1, 128, 128], strides = [1, 1, 1]} : vector<4x128x128xf32> to vector<1x128x128xf32>
    %squeeze3A_672 = vector.shape_cast %slice3A_671 : vector<1x128x128xf32> to vector<128x128xf32>
    %reduce_max3A_673 = vector.shape_cast %squeeze3A_672 : vector<128x128xf32> to vector<1x128x128xf32>
    %reduce_max3A_674 = arith.constant dense<0xFF800000> : vector<1xf32>
    %reduce_max3A_675 = vector.multi_reduction <maximumf>, %reduce_max3A_673, %reduce_max3A_674 [1, 2] : vector<1x128x128xf32> to vector<1xf32>
    %reduce_max3A_676 = vector.shape_cast %reduce_max3A_675 : vector<1xf32> to vector<1x1x1xf32>
    %reduce_max3A_677 = vector.extract %reduce_max3A_676[0, 0, 0] : f32 from vector<1x1x1xf32>
    %slice3A_678 = vector.extract_strided_slice %div3A_651 {offsets = [3, 0, 0], sizes = [1, 128, 128], strides = [1, 1, 1]} : vector<4x128x128xf32> to vector<1x128x128xf32>
    %squeeze3A_679 = vector.shape_cast %slice3A_678 : vector<1x128x128xf32> to vector<128x128xf32>
    %reduce_max3A_680 = vector.shape_cast %squeeze3A_679 : vector<128x128xf32> to vector<1x128x128xf32>
    %reduce_max3A_681 = arith.constant dense<0xFF800000> : vector<1xf32>
    %reduce_max3A_682 = vector.multi_reduction <maximumf>, %reduce_max3A_680, %reduce_max3A_681 [1, 2] : vector<1x128x128xf32> to vector<1xf32>
    %reduce_max3A_683 = vector.shape_cast %reduce_max3A_682 : vector<1xf32> to vector<1x1x1xf32>
    %reduce_max3A_684 = vector.extract %reduce_max3A_683[0, 0, 0] : f32 from vector<1x1x1xf32>
    %slice3A_685 = vector.extract_strided_slice %div3A_651 {offsets = [0, 0, 0], sizes = [1, 128, 128], strides = [1, 1, 1]} : vector<4x128x128xf32> to vector<1x128x128xf32>
    %squeeze3A_686 = vector.shape_cast %slice3A_685 : vector<1x128x128xf32> to vector<128x128xf32>
    %eq3A_687 = vector.broadcast %reduce_max3A_663 : f32 to vector<128x128xf32>
    %eq3A_688 = arith.cmpf oeq, %squeeze3A_686, %eq3A_687 : vector<128x128xf32>
    %jit3A_689 = arith.constant 16384 : i32
    %broadcast_in_dim3A_690 = vector.broadcast %jit3A_689 : i32 to vector<128x128xi32>
    %select_n3A_691 = arith.select %eq3A_688, %add3A_86, %broadcast_in_dim3A_690 : vector<128x128xi1>, vector<128x128xi32>
    %reduce_min3A_692 = vector.shape_cast %select_n3A_691 : vector<128x128xi32> to vector<1x128x128xi32>
    %reduce_min3A_693 = arith.constant dense<2147483647> : vector<1xi32>
    %reduce_min3A_694 = vector.multi_reduction <minsi>, %reduce_min3A_692, %reduce_min3A_693 [1, 2] : vector<1x128x128xi32> to vector<1xi32>
    %reduce_min3A_695 = vector.shape_cast %reduce_min3A_694 : vector<1xi32> to vector<1x1x1xi32>
    %reduce_min3A_696 = vector.extract %reduce_min3A_695[0, 0, 0] : i32 from vector<1x1x1xi32>
    %slice3A_697 = vector.extract_strided_slice %div3A_651 {offsets = [1, 0, 0], sizes = [1, 128, 128], strides = [1, 1, 1]} : vector<4x128x128xf32> to vector<1x128x128xf32>
    %squeeze3A_698 = vector.shape_cast %slice3A_697 : vector<1x128x128xf32> to vector<128x128xf32>
    %eq3A_699 = vector.broadcast %reduce_max3A_670 : f32 to vector<128x128xf32>
    %eq3A_700 = arith.cmpf oeq, %squeeze3A_698, %eq3A_699 : vector<128x128xf32>
    %jit3A_701 = arith.constant 16384 : i32
    %broadcast_in_dim3A_702 = vector.broadcast %jit3A_701 : i32 to vector<128x128xi32>
    %select_n3A_703 = arith.select %eq3A_700, %add3A_86, %broadcast_in_dim3A_702 : vector<128x128xi1>, vector<128x128xi32>
    %reduce_min3A_704 = vector.shape_cast %select_n3A_703 : vector<128x128xi32> to vector<1x128x128xi32>
    %reduce_min3A_705 = arith.constant dense<2147483647> : vector<1xi32>
    %reduce_min3A_706 = vector.multi_reduction <minsi>, %reduce_min3A_704, %reduce_min3A_705 [1, 2] : vector<1x128x128xi32> to vector<1xi32>
    %reduce_min3A_707 = vector.shape_cast %reduce_min3A_706 : vector<1xi32> to vector<1x1x1xi32>
    %reduce_min3A_708 = vector.extract %reduce_min3A_707[0, 0, 0] : i32 from vector<1x1x1xi32>
    %slice3A_709 = vector.extract_strided_slice %div3A_651 {offsets = [2, 0, 0], sizes = [1, 128, 128], strides = [1, 1, 1]} : vector<4x128x128xf32> to vector<1x128x128xf32>
    %squeeze3A_710 = vector.shape_cast %slice3A_709 : vector<1x128x128xf32> to vector<128x128xf32>
    %eq3A_711 = vector.broadcast %reduce_max3A_677 : f32 to vector<128x128xf32>
    %eq3A_712 = arith.cmpf oeq, %squeeze3A_710, %eq3A_711 : vector<128x128xf32>
    %jit3A_713 = arith.constant 16384 : i32
    %broadcast_in_dim3A_714 = vector.broadcast %jit3A_713 : i32 to vector<128x128xi32>
    %select_n3A_715 = arith.select %eq3A_712, %add3A_86, %broadcast_in_dim3A_714 : vector<128x128xi1>, vector<128x128xi32>
    %reduce_min3A_716 = vector.shape_cast %select_n3A_715 : vector<128x128xi32> to vector<1x128x128xi32>
    %reduce_min3A_717 = arith.constant dense<2147483647> : vector<1xi32>
    %reduce_min3A_718 = vector.multi_reduction <minsi>, %reduce_min3A_716, %reduce_min3A_717 [1, 2] : vector<1x128x128xi32> to vector<1xi32>
    %reduce_min3A_719 = vector.shape_cast %reduce_min3A_718 : vector<1xi32> to vector<1x1x1xi32>
    %reduce_min3A_720 = vector.extract %reduce_min3A_719[0, 0, 0] : i32 from vector<1x1x1xi32>
    %slice3A_721 = vector.extract_strided_slice %div3A_651 {offsets = [3, 0, 0], sizes = [1, 128, 128], strides = [1, 1, 1]} : vector<4x128x128xf32> to vector<1x128x128xf32>
    %squeeze3A_722 = vector.shape_cast %slice3A_721 : vector<1x128x128xf32> to vector<128x128xf32>
    %eq3A_723 = vector.broadcast %reduce_max3A_684 : f32 to vector<128x128xf32>
    %eq3A_724 = arith.cmpf oeq, %squeeze3A_722, %eq3A_723 : vector<128x128xf32>
    %jit3A_725 = arith.constant 16384 : i32
    %broadcast_in_dim3A_726 = vector.broadcast %jit3A_725 : i32 to vector<128x128xi32>
    %select_n3A_727 = arith.select %eq3A_724, %add3A_86, %broadcast_in_dim3A_726 : vector<128x128xi1>, vector<128x128xi32>
    %reduce_min3A_728 = vector.shape_cast %select_n3A_727 : vector<128x128xi32> to vector<1x128x128xi32>
    %reduce_min3A_729 = arith.constant dense<2147483647> : vector<1xi32>
    %reduce_min3A_730 = vector.multi_reduction <minsi>, %reduce_min3A_728, %reduce_min3A_729 [1, 2] : vector<1x128x128xi32> to vector<1xi32>
    %reduce_min3A_731 = vector.shape_cast %reduce_min3A_730 : vector<1xi32> to vector<1x1x1xi32>
    %reduce_min3A_732 = vector.extract %reduce_min3A_731[0, 0, 0] : i32 from vector<1x1x1xi32>
    %slice3A_733 = vector.extract_strided_slice %get3A_90 {offsets = [0, 6, 0], sizes = [4, 1, 1], strides = [1, 1, 1]} : vector<4x8x5xf32> to vector<4x1x1xf32>
    %slice3A_734 = vector.extract_strided_slice %get3A_90 {offsets = [0, 6, 1], sizes = [4, 1, 1], strides = [1, 1, 1]} : vector<4x8x5xf32> to vector<4x1x1xf32>
    %slice3A_735 = vector.extract_strided_slice %get3A_90 {offsets = [0, 6, 2], sizes = [4, 1, 1], strides = [1, 1, 1]} : vector<4x8x5xf32> to vector<4x1x1xf32>
    %slice3A_736 = vector.extract_strided_slice %get3A_90 {offsets = [0, 6, 3], sizes = [4, 1, 1], strides = [1, 1, 1]} : vector<4x8x5xf32> to vector<4x1x1xf32>
    %min3A_737 = vector.broadcast %slice3A_735 : vector<4x1x1xf32> to vector<4x128x128xf32>
    %min3A_738 = arith.minimumf %min3A_737, %add3A_75 : vector<4x128x128xf32>
    %max3A_739 = vector.broadcast %slice3A_733 : vector<4x1x1xf32> to vector<4x128x128xf32>
    %max3A_740 = arith.maximumf %max3A_739, %sub3A : vector<4x128x128xf32>
    %sub3A_741 = arith.subf %min3A_738, %max3A_740 : vector<4x128x128xf32>
    %max3A_742 = arith.constant 0.000000e+00 : f32
    %max3A_743 = vector.broadcast %max3A_742 : f32 to vector<4x128x128xf32>
    %max3A_744 = arith.maximumf %sub3A_741, %max3A_743 : vector<4x128x128xf32>
    %min3A_745 = vector.broadcast %slice3A_736 : vector<4x1x1xf32> to vector<4x128x128xf32>
    %min3A_746 = arith.minimumf %min3A_745, %add3A_79 : vector<4x128x128xf32>
    %max3A_747 = vector.broadcast %slice3A_734 : vector<4x1x1xf32> to vector<4x128x128xf32>
    %max3A_748 = arith.maximumf %max3A_747, %sub3A_71 : vector<4x128x128xf32>
    %sub3A_749 = arith.subf %min3A_746, %max3A_748 : vector<4x128x128xf32>
    %max3A_750 = arith.constant 0.000000e+00 : f32
    %max3A_751 = vector.broadcast %max3A_750 : f32 to vector<4x128x128xf32>
    %max3A_752 = arith.maximumf %sub3A_749, %max3A_751 : vector<4x128x128xf32>
    %mul3A_753 = arith.mulf %max3A_744, %max3A_752 : vector<4x128x128xf32>
    %sub3A_754 = arith.subf %slice3A_735, %slice3A_733 : vector<4x1x1xf32>
    %sub3A_755 = arith.subf %slice3A_736, %slice3A_734 : vector<4x1x1xf32>
    %mul3A_756 = arith.mulf %sub3A_754, %sub3A_755 : vector<4x1x1xf32>
    %add3A_757 = vector.broadcast %mul3A_756 : vector<4x1x1xf32> to vector<4x128x128xf32>
    %add3A_758 = arith.addf %add3A_757, %mul3A_80 : vector<4x128x128xf32>
    %sub3A_759 = arith.subf %add3A_758, %mul3A_753 : vector<4x128x128xf32>
    %div3A_760 = arith.divf %mul3A_753, %sub3A_759 : vector<4x128x128xf32>
    %gt3A_761 = arith.cmpf ogt, %div3A_760, %max3A_653 : vector<4x128x128xf32>
    %max3A_762 = arith.maximumf %max3A_653, %div3A_760 : vector<4x128x128xf32>
    %jit3A_763 = arith.constant 6 : i32
    %broadcast_in_dim3A_764 = vector.broadcast %jit3A_763 : i32 to vector<4x128x128xi32>
    %select_n3A_765 = arith.select %gt3A_761, %broadcast_in_dim3A_764, %select_n3A_656 : vector<4x128x128xi1>, vector<4x128x128xi32>
    %slice3A_766 = vector.extract_strided_slice %div3A_760 {offsets = [0, 0, 0], sizes = [1, 128, 128], strides = [1, 1, 1]} : vector<4x128x128xf32> to vector<1x128x128xf32>
    %squeeze3A_767 = vector.shape_cast %slice3A_766 : vector<1x128x128xf32> to vector<128x128xf32>
    %reduce_max3A_768 = vector.shape_cast %squeeze3A_767 : vector<128x128xf32> to vector<1x128x128xf32>
    %reduce_max3A_769 = arith.constant dense<0xFF800000> : vector<1xf32>
    %reduce_max3A_770 = vector.multi_reduction <maximumf>, %reduce_max3A_768, %reduce_max3A_769 [1, 2] : vector<1x128x128xf32> to vector<1xf32>
    %reduce_max3A_771 = vector.shape_cast %reduce_max3A_770 : vector<1xf32> to vector<1x1x1xf32>
    %reduce_max3A_772 = vector.extract %reduce_max3A_771[0, 0, 0] : f32 from vector<1x1x1xf32>
    %slice3A_773 = vector.extract_strided_slice %div3A_760 {offsets = [1, 0, 0], sizes = [1, 128, 128], strides = [1, 1, 1]} : vector<4x128x128xf32> to vector<1x128x128xf32>
    %squeeze3A_774 = vector.shape_cast %slice3A_773 : vector<1x128x128xf32> to vector<128x128xf32>
    %reduce_max3A_775 = vector.shape_cast %squeeze3A_774 : vector<128x128xf32> to vector<1x128x128xf32>
    %reduce_max3A_776 = arith.constant dense<0xFF800000> : vector<1xf32>
    %reduce_max3A_777 = vector.multi_reduction <maximumf>, %reduce_max3A_775, %reduce_max3A_776 [1, 2] : vector<1x128x128xf32> to vector<1xf32>
    %reduce_max3A_778 = vector.shape_cast %reduce_max3A_777 : vector<1xf32> to vector<1x1x1xf32>
    %reduce_max3A_779 = vector.extract %reduce_max3A_778[0, 0, 0] : f32 from vector<1x1x1xf32>
    %slice3A_780 = vector.extract_strided_slice %div3A_760 {offsets = [2, 0, 0], sizes = [1, 128, 128], strides = [1, 1, 1]} : vector<4x128x128xf32> to vector<1x128x128xf32>
    %squeeze3A_781 = vector.shape_cast %slice3A_780 : vector<1x128x128xf32> to vector<128x128xf32>
    %reduce_max3A_782 = vector.shape_cast %squeeze3A_781 : vector<128x128xf32> to vector<1x128x128xf32>
    %reduce_max3A_783 = arith.constant dense<0xFF800000> : vector<1xf32>
    %reduce_max3A_784 = vector.multi_reduction <maximumf>, %reduce_max3A_782, %reduce_max3A_783 [1, 2] : vector<1x128x128xf32> to vector<1xf32>
    %reduce_max3A_785 = vector.shape_cast %reduce_max3A_784 : vector<1xf32> to vector<1x1x1xf32>
    %reduce_max3A_786 = vector.extract %reduce_max3A_785[0, 0, 0] : f32 from vector<1x1x1xf32>
    %slice3A_787 = vector.extract_strided_slice %div3A_760 {offsets = [3, 0, 0], sizes = [1, 128, 128], strides = [1, 1, 1]} : vector<4x128x128xf32> to vector<1x128x128xf32>
    %squeeze3A_788 = vector.shape_cast %slice3A_787 : vector<1x128x128xf32> to vector<128x128xf32>
    %reduce_max3A_789 = vector.shape_cast %squeeze3A_788 : vector<128x128xf32> to vector<1x128x128xf32>
    %reduce_max3A_790 = arith.constant dense<0xFF800000> : vector<1xf32>
    %reduce_max3A_791 = vector.multi_reduction <maximumf>, %reduce_max3A_789, %reduce_max3A_790 [1, 2] : vector<1x128x128xf32> to vector<1xf32>
    %reduce_max3A_792 = vector.shape_cast %reduce_max3A_791 : vector<1xf32> to vector<1x1x1xf32>
    %reduce_max3A_793 = vector.extract %reduce_max3A_792[0, 0, 0] : f32 from vector<1x1x1xf32>
    %slice3A_794 = vector.extract_strided_slice %div3A_760 {offsets = [0, 0, 0], sizes = [1, 128, 128], strides = [1, 1, 1]} : vector<4x128x128xf32> to vector<1x128x128xf32>
    %squeeze3A_795 = vector.shape_cast %slice3A_794 : vector<1x128x128xf32> to vector<128x128xf32>
    %eq3A_796 = vector.broadcast %reduce_max3A_772 : f32 to vector<128x128xf32>
    %eq3A_797 = arith.cmpf oeq, %squeeze3A_795, %eq3A_796 : vector<128x128xf32>
    %jit3A_798 = arith.constant 16384 : i32
    %broadcast_in_dim3A_799 = vector.broadcast %jit3A_798 : i32 to vector<128x128xi32>
    %select_n3A_800 = arith.select %eq3A_797, %add3A_86, %broadcast_in_dim3A_799 : vector<128x128xi1>, vector<128x128xi32>
    %reduce_min3A_801 = vector.shape_cast %select_n3A_800 : vector<128x128xi32> to vector<1x128x128xi32>
    %reduce_min3A_802 = arith.constant dense<2147483647> : vector<1xi32>
    %reduce_min3A_803 = vector.multi_reduction <minsi>, %reduce_min3A_801, %reduce_min3A_802 [1, 2] : vector<1x128x128xi32> to vector<1xi32>
    %reduce_min3A_804 = vector.shape_cast %reduce_min3A_803 : vector<1xi32> to vector<1x1x1xi32>
    %reduce_min3A_805 = vector.extract %reduce_min3A_804[0, 0, 0] : i32 from vector<1x1x1xi32>
    %slice3A_806 = vector.extract_strided_slice %div3A_760 {offsets = [1, 0, 0], sizes = [1, 128, 128], strides = [1, 1, 1]} : vector<4x128x128xf32> to vector<1x128x128xf32>
    %squeeze3A_807 = vector.shape_cast %slice3A_806 : vector<1x128x128xf32> to vector<128x128xf32>
    %eq3A_808 = vector.broadcast %reduce_max3A_779 : f32 to vector<128x128xf32>
    %eq3A_809 = arith.cmpf oeq, %squeeze3A_807, %eq3A_808 : vector<128x128xf32>
    %jit3A_810 = arith.constant 16384 : i32
    %broadcast_in_dim3A_811 = vector.broadcast %jit3A_810 : i32 to vector<128x128xi32>
    %select_n3A_812 = arith.select %eq3A_809, %add3A_86, %broadcast_in_dim3A_811 : vector<128x128xi1>, vector<128x128xi32>
    %reduce_min3A_813 = vector.shape_cast %select_n3A_812 : vector<128x128xi32> to vector<1x128x128xi32>
    %reduce_min3A_814 = arith.constant dense<2147483647> : vector<1xi32>
    %reduce_min3A_815 = vector.multi_reduction <minsi>, %reduce_min3A_813, %reduce_min3A_814 [1, 2] : vector<1x128x128xi32> to vector<1xi32>
    %reduce_min3A_816 = vector.shape_cast %reduce_min3A_815 : vector<1xi32> to vector<1x1x1xi32>
    %reduce_min3A_817 = vector.extract %reduce_min3A_816[0, 0, 0] : i32 from vector<1x1x1xi32>
    %slice3A_818 = vector.extract_strided_slice %div3A_760 {offsets = [2, 0, 0], sizes = [1, 128, 128], strides = [1, 1, 1]} : vector<4x128x128xf32> to vector<1x128x128xf32>
    %squeeze3A_819 = vector.shape_cast %slice3A_818 : vector<1x128x128xf32> to vector<128x128xf32>
    %eq3A_820 = vector.broadcast %reduce_max3A_786 : f32 to vector<128x128xf32>
    %eq3A_821 = arith.cmpf oeq, %squeeze3A_819, %eq3A_820 : vector<128x128xf32>
    %jit3A_822 = arith.constant 16384 : i32
    %broadcast_in_dim3A_823 = vector.broadcast %jit3A_822 : i32 to vector<128x128xi32>
    %select_n3A_824 = arith.select %eq3A_821, %add3A_86, %broadcast_in_dim3A_823 : vector<128x128xi1>, vector<128x128xi32>
    %reduce_min3A_825 = vector.shape_cast %select_n3A_824 : vector<128x128xi32> to vector<1x128x128xi32>
    %reduce_min3A_826 = arith.constant dense<2147483647> : vector<1xi32>
    %reduce_min3A_827 = vector.multi_reduction <minsi>, %reduce_min3A_825, %reduce_min3A_826 [1, 2] : vector<1x128x128xi32> to vector<1xi32>
    %reduce_min3A_828 = vector.shape_cast %reduce_min3A_827 : vector<1xi32> to vector<1x1x1xi32>
    %reduce_min3A_829 = vector.extract %reduce_min3A_828[0, 0, 0] : i32 from vector<1x1x1xi32>
    %slice3A_830 = vector.extract_strided_slice %div3A_760 {offsets = [3, 0, 0], sizes = [1, 128, 128], strides = [1, 1, 1]} : vector<4x128x128xf32> to vector<1x128x128xf32>
    %squeeze3A_831 = vector.shape_cast %slice3A_830 : vector<1x128x128xf32> to vector<128x128xf32>
    %eq3A_832 = vector.broadcast %reduce_max3A_793 : f32 to vector<128x128xf32>
    %eq3A_833 = arith.cmpf oeq, %squeeze3A_831, %eq3A_832 : vector<128x128xf32>
    %jit3A_834 = arith.constant 16384 : i32
    %broadcast_in_dim3A_835 = vector.broadcast %jit3A_834 : i32 to vector<128x128xi32>
    %select_n3A_836 = arith.select %eq3A_833, %add3A_86, %broadcast_in_dim3A_835 : vector<128x128xi1>, vector<128x128xi32>
    %reduce_min3A_837 = vector.shape_cast %select_n3A_836 : vector<128x128xi32> to vector<1x128x128xi32>
    %reduce_min3A_838 = arith.constant dense<2147483647> : vector<1xi32>
    %reduce_min3A_839 = vector.multi_reduction <minsi>, %reduce_min3A_837, %reduce_min3A_838 [1, 2] : vector<1x128x128xi32> to vector<1xi32>
    %reduce_min3A_840 = vector.shape_cast %reduce_min3A_839 : vector<1xi32> to vector<1x1x1xi32>
    %reduce_min3A_841 = vector.extract %reduce_min3A_840[0, 0, 0] : i32 from vector<1x1x1xi32>
    %slice3A_842 = vector.extract_strided_slice %get3A_90 {offsets = [0, 7, 0], sizes = [4, 1, 1], strides = [1, 1, 1]} : vector<4x8x5xf32> to vector<4x1x1xf32>
    %slice3A_843 = vector.extract_strided_slice %get3A_90 {offsets = [0, 7, 1], sizes = [4, 1, 1], strides = [1, 1, 1]} : vector<4x8x5xf32> to vector<4x1x1xf32>
    %slice3A_844 = vector.extract_strided_slice %get3A_90 {offsets = [0, 7, 2], sizes = [4, 1, 1], strides = [1, 1, 1]} : vector<4x8x5xf32> to vector<4x1x1xf32>
    %slice3A_845 = vector.extract_strided_slice %get3A_90 {offsets = [0, 7, 3], sizes = [4, 1, 1], strides = [1, 1, 1]} : vector<4x8x5xf32> to vector<4x1x1xf32>
    %min3A_846 = vector.broadcast %slice3A_844 : vector<4x1x1xf32> to vector<4x128x128xf32>
    %min3A_847 = arith.minimumf %min3A_846, %add3A_75 : vector<4x128x128xf32>
    %max3A_848 = vector.broadcast %slice3A_842 : vector<4x1x1xf32> to vector<4x128x128xf32>
    %max3A_849 = arith.maximumf %max3A_848, %sub3A : vector<4x128x128xf32>
    %sub3A_850 = arith.subf %min3A_847, %max3A_849 : vector<4x128x128xf32>
    %max3A_851 = arith.constant 0.000000e+00 : f32
    %max3A_852 = vector.broadcast %max3A_851 : f32 to vector<4x128x128xf32>
    %max3A_853 = arith.maximumf %sub3A_850, %max3A_852 : vector<4x128x128xf32>
    %min3A_854 = vector.broadcast %slice3A_845 : vector<4x1x1xf32> to vector<4x128x128xf32>
    %min3A_855 = arith.minimumf %min3A_854, %add3A_79 : vector<4x128x128xf32>
    %max3A_856 = vector.broadcast %slice3A_843 : vector<4x1x1xf32> to vector<4x128x128xf32>
    %max3A_857 = arith.maximumf %max3A_856, %sub3A_71 : vector<4x128x128xf32>
    %sub3A_858 = arith.subf %min3A_855, %max3A_857 : vector<4x128x128xf32>
    %max3A_859 = arith.constant 0.000000e+00 : f32
    %max3A_860 = vector.broadcast %max3A_859 : f32 to vector<4x128x128xf32>
    %max3A_861 = arith.maximumf %sub3A_858, %max3A_860 : vector<4x128x128xf32>
    %mul3A_862 = arith.mulf %max3A_853, %max3A_861 : vector<4x128x128xf32>
    %sub3A_863 = arith.subf %slice3A_844, %slice3A_842 : vector<4x1x1xf32>
    %sub3A_864 = arith.subf %slice3A_845, %slice3A_843 : vector<4x1x1xf32>
    %mul3A_865 = arith.mulf %sub3A_863, %sub3A_864 : vector<4x1x1xf32>
    %add3A_866 = vector.broadcast %mul3A_865 : vector<4x1x1xf32> to vector<4x128x128xf32>
    %add3A_867 = arith.addf %add3A_866, %mul3A_80 : vector<4x128x128xf32>
    %sub3A_868 = arith.subf %add3A_867, %mul3A_862 : vector<4x128x128xf32>
    %div3A_869 = arith.divf %mul3A_862, %sub3A_868 : vector<4x128x128xf32>
    %gt3A_870 = arith.cmpf ogt, %div3A_869, %max3A_762 : vector<4x128x128xf32>
    %max3A_871 = arith.maximumf %max3A_762, %div3A_869 : vector<4x128x128xf32>
    %jit3A_872 = arith.constant 7 : i32
    %broadcast_in_dim3A_873 = vector.broadcast %jit3A_872 : i32 to vector<4x128x128xi32>
    %select_n3A_874 = arith.select %gt3A_870, %broadcast_in_dim3A_873, %select_n3A_765 : vector<4x128x128xi1>, vector<4x128x128xi32>
    %slice3A_875 = vector.extract_strided_slice %div3A_869 {offsets = [0, 0, 0], sizes = [1, 128, 128], strides = [1, 1, 1]} : vector<4x128x128xf32> to vector<1x128x128xf32>
    %squeeze3A_876 = vector.shape_cast %slice3A_875 : vector<1x128x128xf32> to vector<128x128xf32>
    %reduce_max3A_877 = vector.shape_cast %squeeze3A_876 : vector<128x128xf32> to vector<1x128x128xf32>
    %reduce_max3A_878 = arith.constant dense<0xFF800000> : vector<1xf32>
    %reduce_max3A_879 = vector.multi_reduction <maximumf>, %reduce_max3A_877, %reduce_max3A_878 [1, 2] : vector<1x128x128xf32> to vector<1xf32>
    %reduce_max3A_880 = vector.shape_cast %reduce_max3A_879 : vector<1xf32> to vector<1x1x1xf32>
    %reduce_max3A_881 = vector.extract %reduce_max3A_880[0, 0, 0] : f32 from vector<1x1x1xf32>
    %slice3A_882 = vector.extract_strided_slice %div3A_869 {offsets = [1, 0, 0], sizes = [1, 128, 128], strides = [1, 1, 1]} : vector<4x128x128xf32> to vector<1x128x128xf32>
    %squeeze3A_883 = vector.shape_cast %slice3A_882 : vector<1x128x128xf32> to vector<128x128xf32>
    %reduce_max3A_884 = vector.shape_cast %squeeze3A_883 : vector<128x128xf32> to vector<1x128x128xf32>
    %reduce_max3A_885 = arith.constant dense<0xFF800000> : vector<1xf32>
    %reduce_max3A_886 = vector.multi_reduction <maximumf>, %reduce_max3A_884, %reduce_max3A_885 [1, 2] : vector<1x128x128xf32> to vector<1xf32>
    %reduce_max3A_887 = vector.shape_cast %reduce_max3A_886 : vector<1xf32> to vector<1x1x1xf32>
    %reduce_max3A_888 = vector.extract %reduce_max3A_887[0, 0, 0] : f32 from vector<1x1x1xf32>
    %slice3A_889 = vector.extract_strided_slice %div3A_869 {offsets = [2, 0, 0], sizes = [1, 128, 128], strides = [1, 1, 1]} : vector<4x128x128xf32> to vector<1x128x128xf32>
    %squeeze3A_890 = vector.shape_cast %slice3A_889 : vector<1x128x128xf32> to vector<128x128xf32>
    %reduce_max3A_891 = vector.shape_cast %squeeze3A_890 : vector<128x128xf32> to vector<1x128x128xf32>
    %reduce_max3A_892 = arith.constant dense<0xFF800000> : vector<1xf32>
    %reduce_max3A_893 = vector.multi_reduction <maximumf>, %reduce_max3A_891, %reduce_max3A_892 [1, 2] : vector<1x128x128xf32> to vector<1xf32>
    %reduce_max3A_894 = vector.shape_cast %reduce_max3A_893 : vector<1xf32> to vector<1x1x1xf32>
    %reduce_max3A_895 = vector.extract %reduce_max3A_894[0, 0, 0] : f32 from vector<1x1x1xf32>
    %slice3A_896 = vector.extract_strided_slice %div3A_869 {offsets = [3, 0, 0], sizes = [1, 128, 128], strides = [1, 1, 1]} : vector<4x128x128xf32> to vector<1x128x128xf32>
    %squeeze3A_897 = vector.shape_cast %slice3A_896 : vector<1x128x128xf32> to vector<128x128xf32>
    %reduce_max3A_898 = vector.shape_cast %squeeze3A_897 : vector<128x128xf32> to vector<1x128x128xf32>
    %reduce_max3A_899 = arith.constant dense<0xFF800000> : vector<1xf32>
    %reduce_max3A_900 = vector.multi_reduction <maximumf>, %reduce_max3A_898, %reduce_max3A_899 [1, 2] : vector<1x128x128xf32> to vector<1xf32>
    %reduce_max3A_901 = vector.shape_cast %reduce_max3A_900 : vector<1xf32> to vector<1x1x1xf32>
    %reduce_max3A_902 = vector.extract %reduce_max3A_901[0, 0, 0] : f32 from vector<1x1x1xf32>
    %slice3A_903 = vector.extract_strided_slice %div3A_869 {offsets = [0, 0, 0], sizes = [1, 128, 128], strides = [1, 1, 1]} : vector<4x128x128xf32> to vector<1x128x128xf32>
    %squeeze3A_904 = vector.shape_cast %slice3A_903 : vector<1x128x128xf32> to vector<128x128xf32>
    %eq3A_905 = vector.broadcast %reduce_max3A_881 : f32 to vector<128x128xf32>
    %eq3A_906 = arith.cmpf oeq, %squeeze3A_904, %eq3A_905 : vector<128x128xf32>
    %jit3A_907 = arith.constant 16384 : i32
    %broadcast_in_dim3A_908 = vector.broadcast %jit3A_907 : i32 to vector<128x128xi32>
    %select_n3A_909 = arith.select %eq3A_906, %add3A_86, %broadcast_in_dim3A_908 : vector<128x128xi1>, vector<128x128xi32>
    %reduce_min3A_910 = vector.shape_cast %select_n3A_909 : vector<128x128xi32> to vector<1x128x128xi32>
    %reduce_min3A_911 = arith.constant dense<2147483647> : vector<1xi32>
    %reduce_min3A_912 = vector.multi_reduction <minsi>, %reduce_min3A_910, %reduce_min3A_911 [1, 2] : vector<1x128x128xi32> to vector<1xi32>
    %reduce_min3A_913 = vector.shape_cast %reduce_min3A_912 : vector<1xi32> to vector<1x1x1xi32>
    %reduce_min3A_914 = vector.extract %reduce_min3A_913[0, 0, 0] : i32 from vector<1x1x1xi32>
    %slice3A_915 = vector.extract_strided_slice %div3A_869 {offsets = [1, 0, 0], sizes = [1, 128, 128], strides = [1, 1, 1]} : vector<4x128x128xf32> to vector<1x128x128xf32>
    %squeeze3A_916 = vector.shape_cast %slice3A_915 : vector<1x128x128xf32> to vector<128x128xf32>
    %eq3A_917 = vector.broadcast %reduce_max3A_888 : f32 to vector<128x128xf32>
    %eq3A_918 = arith.cmpf oeq, %squeeze3A_916, %eq3A_917 : vector<128x128xf32>
    %jit3A_919 = arith.constant 16384 : i32
    %broadcast_in_dim3A_920 = vector.broadcast %jit3A_919 : i32 to vector<128x128xi32>
    %select_n3A_921 = arith.select %eq3A_918, %add3A_86, %broadcast_in_dim3A_920 : vector<128x128xi1>, vector<128x128xi32>
    %reduce_min3A_922 = vector.shape_cast %select_n3A_921 : vector<128x128xi32> to vector<1x128x128xi32>
    %reduce_min3A_923 = arith.constant dense<2147483647> : vector<1xi32>
    %reduce_min3A_924 = vector.multi_reduction <minsi>, %reduce_min3A_922, %reduce_min3A_923 [1, 2] : vector<1x128x128xi32> to vector<1xi32>
    %reduce_min3A_925 = vector.shape_cast %reduce_min3A_924 : vector<1xi32> to vector<1x1x1xi32>
    %reduce_min3A_926 = vector.extract %reduce_min3A_925[0, 0, 0] : i32 from vector<1x1x1xi32>
    %slice3A_927 = vector.extract_strided_slice %div3A_869 {offsets = [2, 0, 0], sizes = [1, 128, 128], strides = [1, 1, 1]} : vector<4x128x128xf32> to vector<1x128x128xf32>
    %squeeze3A_928 = vector.shape_cast %slice3A_927 : vector<1x128x128xf32> to vector<128x128xf32>
    %eq3A_929 = vector.broadcast %reduce_max3A_895 : f32 to vector<128x128xf32>
    %eq3A_930 = arith.cmpf oeq, %squeeze3A_928, %eq3A_929 : vector<128x128xf32>
    %jit3A_931 = arith.constant 16384 : i32
    %broadcast_in_dim3A_932 = vector.broadcast %jit3A_931 : i32 to vector<128x128xi32>
    %select_n3A_933 = arith.select %eq3A_930, %add3A_86, %broadcast_in_dim3A_932 : vector<128x128xi1>, vector<128x128xi32>
    %reduce_min3A_934 = vector.shape_cast %select_n3A_933 : vector<128x128xi32> to vector<1x128x128xi32>
    %reduce_min3A_935 = arith.constant dense<2147483647> : vector<1xi32>
    %reduce_min3A_936 = vector.multi_reduction <minsi>, %reduce_min3A_934, %reduce_min3A_935 [1, 2] : vector<1x128x128xi32> to vector<1xi32>
    %reduce_min3A_937 = vector.shape_cast %reduce_min3A_936 : vector<1xi32> to vector<1x1x1xi32>
    %reduce_min3A_938 = vector.extract %reduce_min3A_937[0, 0, 0] : i32 from vector<1x1x1xi32>
    %slice3A_939 = vector.extract_strided_slice %div3A_869 {offsets = [3, 0, 0], sizes = [1, 128, 128], strides = [1, 1, 1]} : vector<4x128x128xf32> to vector<1x128x128xf32>
    %squeeze3A_940 = vector.shape_cast %slice3A_939 : vector<1x128x128xf32> to vector<128x128xf32>
    %eq3A_941 = vector.broadcast %reduce_max3A_902 : f32 to vector<128x128xf32>
    %eq3A_942 = arith.cmpf oeq, %squeeze3A_940, %eq3A_941 : vector<128x128xf32>
    %jit3A_943 = arith.constant 16384 : i32
    %broadcast_in_dim3A_944 = vector.broadcast %jit3A_943 : i32 to vector<128x128xi32>
    %select_n3A_945 = arith.select %eq3A_942, %add3A_86, %broadcast_in_dim3A_944 : vector<128x128xi1>, vector<128x128xi32>
    %reduce_min3A_946 = vector.shape_cast %select_n3A_945 : vector<128x128xi32> to vector<1x128x128xi32>
    %reduce_min3A_947 = arith.constant dense<2147483647> : vector<1xi32>
    %reduce_min3A_948 = vector.multi_reduction <minsi>, %reduce_min3A_946, %reduce_min3A_947 [1, 2] : vector<1x128x128xi32> to vector<1xi32>
    %reduce_min3A_949 = vector.shape_cast %reduce_min3A_948 : vector<1xi32> to vector<1x1x1xi32>
    %reduce_min3A_950 = vector.extract %reduce_min3A_949[0, 0, 0] : i32 from vector<1x1x1xi32>
    %eq3A_951 = vector.broadcast %reduce_min3A_152 : i32 to vector<128x128xi32>
    %eq3A_952 = arith.cmpi eq, %add3A_86, %eq3A_951 : vector<128x128xi32>
    %eq3A_953 = vector.broadcast %reduce_min3A_164 : i32 to vector<128x128xi32>
    %eq3A_954 = arith.cmpi eq, %add3A_86, %eq3A_953 : vector<128x128xi32>
    %eq3A_955 = vector.broadcast %reduce_min3A_176 : i32 to vector<128x128xi32>
    %eq3A_956 = arith.cmpi eq, %add3A_86, %eq3A_955 : vector<128x128xi32>
    %eq3A_957 = vector.broadcast %reduce_min3A_188 : i32 to vector<128x128xi32>
    %eq3A_958 = arith.cmpi eq, %add3A_86, %eq3A_957 : vector<128x128xi32>
    %stack3A = vector.shape_cast %eq3A_952 : vector<128x128xi1> to vector<1x128x128xi1>
    %stack3A_959 = vector.shape_cast %eq3A_954 : vector<128x128xi1> to vector<1x128x128xi1>
    %stack3A_960 = vector.shape_cast %eq3A_956 : vector<128x128xi1> to vector<1x128x128xi1>
    %stack3A_961 = vector.shape_cast %eq3A_958 : vector<128x128xi1> to vector<1x128x128xi1>
    %stack3A_962 = tpu.concatenate %stack3A, %stack3A_959, %stack3A_960, %stack3A_961 in 0 : vector<1x128x128xi1>, vector<1x128x128xi1>, vector<1x128x128xi1>, vector<1x128x128xi1> -> vector<4x128x128xi1>
    %jit3A_963 = arith.constant 2.000000e+00 : f32
    %broadcast_in_dim3A_964 = vector.broadcast %jit3A_963 : f32 to vector<4x128x128xf32>
    %select_n3A_965 = arith.select %stack3A_962, %broadcast_in_dim3A_964, %max3A_871 : vector<4x128x128xi1>, vector<4x128x128xf32>
    %jit3A_966 = arith.constant 0 : i32
    %broadcast_in_dim3A_967 = vector.broadcast %jit3A_966 : i32 to vector<4x128x128xi32>
    %select_n3A_968 = arith.select %stack3A_962, %broadcast_in_dim3A_967, %select_n3A_874 : vector<4x128x128xi1>, vector<4x128x128xi32>
    %eq3A_969 = vector.broadcast %reduce_min3A_260 : i32 to vector<128x128xi32>
    %eq3A_970 = arith.cmpi eq, %add3A_86, %eq3A_969 : vector<128x128xi32>
    %eq3A_971 = vector.broadcast %reduce_min3A_272 : i32 to vector<128x128xi32>
    %eq3A_972 = arith.cmpi eq, %add3A_86, %eq3A_971 : vector<128x128xi32>
    %eq3A_973 = vector.broadcast %reduce_min3A_284 : i32 to vector<128x128xi32>
    %eq3A_974 = arith.cmpi eq, %add3A_86, %eq3A_973 : vector<128x128xi32>
    %eq3A_975 = vector.broadcast %reduce_min3A_296 : i32 to vector<128x128xi32>
    %eq3A_976 = arith.cmpi eq, %add3A_86, %eq3A_975 : vector<128x128xi32>
    %stack3A_977 = vector.shape_cast %eq3A_970 : vector<128x128xi1> to vector<1x128x128xi1>
    %stack3A_978 = vector.shape_cast %eq3A_972 : vector<128x128xi1> to vector<1x128x128xi1>
    %stack3A_979 = vector.shape_cast %eq3A_974 : vector<128x128xi1> to vector<1x128x128xi1>
    %stack3A_980 = vector.shape_cast %eq3A_976 : vector<128x128xi1> to vector<1x128x128xi1>
    %stack3A_981 = tpu.concatenate %stack3A_977, %stack3A_978, %stack3A_979, %stack3A_980 in 0 : vector<1x128x128xi1>, vector<1x128x128xi1>, vector<1x128x128xi1>, vector<1x128x128xi1> -> vector<4x128x128xi1>
    %jit3A_982 = arith.constant 2.000000e+00 : f32
    %broadcast_in_dim3A_983 = vector.broadcast %jit3A_982 : f32 to vector<4x128x128xf32>
    %select_n3A_984 = arith.select %stack3A_981, %broadcast_in_dim3A_983, %select_n3A_965 : vector<4x128x128xi1>, vector<4x128x128xf32>
    %jit3A_985 = arith.constant 1 : i32
    %broadcast_in_dim3A_986 = vector.broadcast %jit3A_985 : i32 to vector<4x128x128xi32>
    %select_n3A_987 = arith.select %stack3A_981, %broadcast_in_dim3A_986, %select_n3A_968 : vector<4x128x128xi1>, vector<4x128x128xi32>
    %eq3A_988 = vector.broadcast %reduce_min3A_369 : i32 to vector<128x128xi32>
    %eq3A_989 = arith.cmpi eq, %add3A_86, %eq3A_988 : vector<128x128xi32>
    %eq3A_990 = vector.broadcast %reduce_min3A_381 : i32 to vector<128x128xi32>
    %eq3A_991 = arith.cmpi eq, %add3A_86, %eq3A_990 : vector<128x128xi32>
    %eq3A_992 = vector.broadcast %reduce_min3A_393 : i32 to vector<128x128xi32>
    %eq3A_993 = arith.cmpi eq, %add3A_86, %eq3A_992 : vector<128x128xi32>
    %eq3A_994 = vector.broadcast %reduce_min3A_405 : i32 to vector<128x128xi32>
    %eq3A_995 = arith.cmpi eq, %add3A_86, %eq3A_994 : vector<128x128xi32>
    %stack3A_996 = vector.shape_cast %eq3A_989 : vector<128x128xi1> to vector<1x128x128xi1>
    %stack3A_997 = vector.shape_cast %eq3A_991 : vector<128x128xi1> to vector<1x128x128xi1>
    %stack3A_998 = vector.shape_cast %eq3A_993 : vector<128x128xi1> to vector<1x128x128xi1>
    %stack3A_999 = vector.shape_cast %eq3A_995 : vector<128x128xi1> to vector<1x128x128xi1>
    %stack3A_1000 = tpu.concatenate %stack3A_996, %stack3A_997, %stack3A_998, %stack3A_999 in 0 : vector<1x128x128xi1>, vector<1x128x128xi1>, vector<1x128x128xi1>, vector<1x128x128xi1> -> vector<4x128x128xi1>
    %jit3A_1001 = arith.constant 2.000000e+00 : f32
    %broadcast_in_dim3A_1002 = vector.broadcast %jit3A_1001 : f32 to vector<4x128x128xf32>
    %select_n3A_1003 = arith.select %stack3A_1000, %broadcast_in_dim3A_1002, %select_n3A_984 : vector<4x128x128xi1>, vector<4x128x128xf32>
    %jit3A_1004 = arith.constant 2 : i32
    %broadcast_in_dim3A_1005 = vector.broadcast %jit3A_1004 : i32 to vector<4x128x128xi32>
    %select_n3A_1006 = arith.select %stack3A_1000, %broadcast_in_dim3A_1005, %select_n3A_987 : vector<4x128x128xi1>, vector<4x128x128xi32>
    %eq3A_1007 = vector.broadcast %reduce_min3A_478 : i32 to vector<128x128xi32>
    %eq3A_1008 = arith.cmpi eq, %add3A_86, %eq3A_1007 : vector<128x128xi32>
    %eq3A_1009 = vector.broadcast %reduce_min3A_490 : i32 to vector<128x128xi32>
    %eq3A_1010 = arith.cmpi eq, %add3A_86, %eq3A_1009 : vector<128x128xi32>
    %eq3A_1011 = vector.broadcast %reduce_min3A_502 : i32 to vector<128x128xi32>
    %eq3A_1012 = arith.cmpi eq, %add3A_86, %eq3A_1011 : vector<128x128xi32>
    %eq3A_1013 = vector.broadcast %reduce_min3A_514 : i32 to vector<128x128xi32>
    %eq3A_1014 = arith.cmpi eq, %add3A_86, %eq3A_1013 : vector<128x128xi32>
    %stack3A_1015 = vector.shape_cast %eq3A_1008 : vector<128x128xi1> to vector<1x128x128xi1>
    %stack3A_1016 = vector.shape_cast %eq3A_1010 : vector<128x128xi1> to vector<1x128x128xi1>
    %stack3A_1017 = vector.shape_cast %eq3A_1012 : vector<128x128xi1> to vector<1x128x128xi1>
    %stack3A_1018 = vector.shape_cast %eq3A_1014 : vector<128x128xi1> to vector<1x128x128xi1>
    %stack3A_1019 = tpu.concatenate %stack3A_1015, %stack3A_1016, %stack3A_1017, %stack3A_1018 in 0 : vector<1x128x128xi1>, vector<1x128x128xi1>, vector<1x128x128xi1>, vector<1x128x128xi1> -> vector<4x128x128xi1>
    %jit3A_1020 = arith.constant 2.000000e+00 : f32
    %broadcast_in_dim3A_1021 = vector.broadcast %jit3A_1020 : f32 to vector<4x128x128xf32>
    %select_n3A_1022 = arith.select %stack3A_1019, %broadcast_in_dim3A_1021, %select_n3A_1003 : vector<4x128x128xi1>, vector<4x128x128xf32>
    %jit3A_1023 = arith.constant 3 : i32
    %broadcast_in_dim3A_1024 = vector.broadcast %jit3A_1023 : i32 to vector<4x128x128xi32>
    %select_n3A_1025 = arith.select %stack3A_1019, %broadcast_in_dim3A_1024, %select_n3A_1006 : vector<4x128x128xi1>, vector<4x128x128xi32>
    %eq3A_1026 = vector.broadcast %reduce_min3A_587 : i32 to vector<128x128xi32>
    %eq3A_1027 = arith.cmpi eq, %add3A_86, %eq3A_1026 : vector<128x128xi32>
    %eq3A_1028 = vector.broadcast %reduce_min3A_599 : i32 to vector<128x128xi32>
    %eq3A_1029 = arith.cmpi eq, %add3A_86, %eq3A_1028 : vector<128x128xi32>
    %eq3A_1030 = vector.broadcast %reduce_min3A_611 : i32 to vector<128x128xi32>
    %eq3A_1031 = arith.cmpi eq, %add3A_86, %eq3A_1030 : vector<128x128xi32>
    %eq3A_1032 = vector.broadcast %reduce_min3A_623 : i32 to vector<128x128xi32>
    %eq3A_1033 = arith.cmpi eq, %add3A_86, %eq3A_1032 : vector<128x128xi32>
    %stack3A_1034 = vector.shape_cast %eq3A_1027 : vector<128x128xi1> to vector<1x128x128xi1>
    %stack3A_1035 = vector.shape_cast %eq3A_1029 : vector<128x128xi1> to vector<1x128x128xi1>
    %stack3A_1036 = vector.shape_cast %eq3A_1031 : vector<128x128xi1> to vector<1x128x128xi1>
    %stack3A_1037 = vector.shape_cast %eq3A_1033 : vector<128x128xi1> to vector<1x128x128xi1>
    %stack3A_1038 = tpu.concatenate %stack3A_1034, %stack3A_1035, %stack3A_1036, %stack3A_1037 in 0 : vector<1x128x128xi1>, vector<1x128x128xi1>, vector<1x128x128xi1>, vector<1x128x128xi1> -> vector<4x128x128xi1>
    %jit3A_1039 = arith.constant 2.000000e+00 : f32
    %broadcast_in_dim3A_1040 = vector.broadcast %jit3A_1039 : f32 to vector<4x128x128xf32>
    %select_n3A_1041 = arith.select %stack3A_1038, %broadcast_in_dim3A_1040, %select_n3A_1022 : vector<4x128x128xi1>, vector<4x128x128xf32>
    %jit3A_1042 = arith.constant 4 : i32
    %broadcast_in_dim3A_1043 = vector.broadcast %jit3A_1042 : i32 to vector<4x128x128xi32>
    %select_n3A_1044 = arith.select %stack3A_1038, %broadcast_in_dim3A_1043, %select_n3A_1025 : vector<4x128x128xi1>, vector<4x128x128xi32>
    %eq3A_1045 = vector.broadcast %reduce_min3A_696 : i32 to vector<128x128xi32>
    %eq3A_1046 = arith.cmpi eq, %add3A_86, %eq3A_1045 : vector<128x128xi32>
    %eq3A_1047 = vector.broadcast %reduce_min3A_708 : i32 to vector<128x128xi32>
    %eq3A_1048 = arith.cmpi eq, %add3A_86, %eq3A_1047 : vector<128x128xi32>
    %eq3A_1049 = vector.broadcast %reduce_min3A_720 : i32 to vector<128x128xi32>
    %eq3A_1050 = arith.cmpi eq, %add3A_86, %eq3A_1049 : vector<128x128xi32>
    %eq3A_1051 = vector.broadcast %reduce_min3A_732 : i32 to vector<128x128xi32>
    %eq3A_1052 = arith.cmpi eq, %add3A_86, %eq3A_1051 : vector<128x128xi32>
    %stack3A_1053 = vector.shape_cast %eq3A_1046 : vector<128x128xi1> to vector<1x128x128xi1>
    %stack3A_1054 = vector.shape_cast %eq3A_1048 : vector<128x128xi1> to vector<1x128x128xi1>
    %stack3A_1055 = vector.shape_cast %eq3A_1050 : vector<128x128xi1> to vector<1x128x128xi1>
    %stack3A_1056 = vector.shape_cast %eq3A_1052 : vector<128x128xi1> to vector<1x128x128xi1>
    %stack3A_1057 = tpu.concatenate %stack3A_1053, %stack3A_1054, %stack3A_1055, %stack3A_1056 in 0 : vector<1x128x128xi1>, vector<1x128x128xi1>, vector<1x128x128xi1>, vector<1x128x128xi1> -> vector<4x128x128xi1>
    %jit3A_1058 = arith.constant 2.000000e+00 : f32
    %broadcast_in_dim3A_1059 = vector.broadcast %jit3A_1058 : f32 to vector<4x128x128xf32>
    %select_n3A_1060 = arith.select %stack3A_1057, %broadcast_in_dim3A_1059, %select_n3A_1041 : vector<4x128x128xi1>, vector<4x128x128xf32>
    %jit3A_1061 = arith.constant 5 : i32
    %broadcast_in_dim3A_1062 = vector.broadcast %jit3A_1061 : i32 to vector<4x128x128xi32>
    %select_n3A_1063 = arith.select %stack3A_1057, %broadcast_in_dim3A_1062, %select_n3A_1044 : vector<4x128x128xi1>, vector<4x128x128xi32>
    %eq3A_1064 = vector.broadcast %reduce_min3A_805 : i32 to vector<128x128xi32>
    %eq3A_1065 = arith.cmpi eq, %add3A_86, %eq3A_1064 : vector<128x128xi32>
    %eq3A_1066 = vector.broadcast %reduce_min3A_817 : i32 to vector<128x128xi32>
    %eq3A_1067 = arith.cmpi eq, %add3A_86, %eq3A_1066 : vector<128x128xi32>
    %eq3A_1068 = vector.broadcast %reduce_min3A_829 : i32 to vector<128x128xi32>
    %eq3A_1069 = arith.cmpi eq, %add3A_86, %eq3A_1068 : vector<128x128xi32>
    %eq3A_1070 = vector.broadcast %reduce_min3A_841 : i32 to vector<128x128xi32>
    %eq3A_1071 = arith.cmpi eq, %add3A_86, %eq3A_1070 : vector<128x128xi32>
    %stack3A_1072 = vector.shape_cast %eq3A_1065 : vector<128x128xi1> to vector<1x128x128xi1>
    %stack3A_1073 = vector.shape_cast %eq3A_1067 : vector<128x128xi1> to vector<1x128x128xi1>
    %stack3A_1074 = vector.shape_cast %eq3A_1069 : vector<128x128xi1> to vector<1x128x128xi1>
    %stack3A_1075 = vector.shape_cast %eq3A_1071 : vector<128x128xi1> to vector<1x128x128xi1>
    %stack3A_1076 = tpu.concatenate %stack3A_1072, %stack3A_1073, %stack3A_1074, %stack3A_1075 in 0 : vector<1x128x128xi1>, vector<1x128x128xi1>, vector<1x128x128xi1>, vector<1x128x128xi1> -> vector<4x128x128xi1>
    %jit3A_1077 = arith.constant 2.000000e+00 : f32
    %broadcast_in_dim3A_1078 = vector.broadcast %jit3A_1077 : f32 to vector<4x128x128xf32>
    %select_n3A_1079 = arith.select %stack3A_1076, %broadcast_in_dim3A_1078, %select_n3A_1060 : vector<4x128x128xi1>, vector<4x128x128xf32>
    %jit3A_1080 = arith.constant 6 : i32
    %broadcast_in_dim3A_1081 = vector.broadcast %jit3A_1080 : i32 to vector<4x128x128xi32>
    %select_n3A_1082 = arith.select %stack3A_1076, %broadcast_in_dim3A_1081, %select_n3A_1063 : vector<4x128x128xi1>, vector<4x128x128xi32>
    %eq3A_1083 = vector.broadcast %reduce_min3A_914 : i32 to vector<128x128xi32>
    %eq3A_1084 = arith.cmpi eq, %add3A_86, %eq3A_1083 : vector<128x128xi32>
    %eq3A_1085 = vector.broadcast %reduce_min3A_926 : i32 to vector<128x128xi32>
    %eq3A_1086 = arith.cmpi eq, %add3A_86, %eq3A_1085 : vector<128x128xi32>
    %eq3A_1087 = vector.broadcast %reduce_min3A_938 : i32 to vector<128x128xi32>
    %eq3A_1088 = arith.cmpi eq, %add3A_86, %eq3A_1087 : vector<128x128xi32>
    %eq3A_1089 = vector.broadcast %reduce_min3A_950 : i32 to vector<128x128xi32>
    %eq3A_1090 = arith.cmpi eq, %add3A_86, %eq3A_1089 : vector<128x128xi32>
    %stack3A_1091 = vector.shape_cast %eq3A_1084 : vector<128x128xi1> to vector<1x128x128xi1>
    %stack3A_1092 = vector.shape_cast %eq3A_1086 : vector<128x128xi1> to vector<1x128x128xi1>
    %stack3A_1093 = vector.shape_cast %eq3A_1088 : vector<128x128xi1> to vector<1x128x128xi1>
    %stack3A_1094 = vector.shape_cast %eq3A_1090 : vector<128x128xi1> to vector<1x128x128xi1>
    %stack3A_1095 = tpu.concatenate %stack3A_1091, %stack3A_1092, %stack3A_1093, %stack3A_1094 in 0 : vector<1x128x128xi1>, vector<1x128x128xi1>, vector<1x128x128xi1>, vector<1x128x128xi1> -> vector<4x128x128xi1>
    %jit3A_1096 = arith.constant 2.000000e+00 : f32
    %broadcast_in_dim3A_1097 = vector.broadcast %jit3A_1096 : f32 to vector<4x128x128xf32>
    %select_n3A_1098 = arith.select %stack3A_1095, %broadcast_in_dim3A_1097, %select_n3A_1079 : vector<4x128x128xi1>, vector<4x128x128xf32>
    %jit3A_1099 = arith.constant 7 : i32
    %broadcast_in_dim3A_1100 = vector.broadcast %jit3A_1099 : i32 to vector<4x128x128xi32>
    %select_n3A_1101 = arith.select %stack3A_1095, %broadcast_in_dim3A_1100, %select_n3A_1082 : vector<4x128x128xi1>, vector<4x128x128xi32>
    %broadcast_in_dim3A_1102 = arith.constant 0.000000e+00 : f32
    %broadcast_in_dim3A_1103 = vector.broadcast %broadcast_in_dim3A_1102 : f32 to vector<4x128x128xf32>
    %broadcast_in_dim3A_1104 = arith.constant 0.000000e+00 : f32
    %broadcast_in_dim3A_1105 = vector.broadcast %broadcast_in_dim3A_1104 : f32 to vector<4x128x128xf32>
    %broadcast_in_dim3A_1106 = arith.constant 0.000000e+00 : f32
    %broadcast_in_dim3A_1107 = vector.broadcast %broadcast_in_dim3A_1106 : f32 to vector<4x128x128xf32>
    %broadcast_in_dim3A_1108 = arith.constant 0.000000e+00 : f32
    %broadcast_in_dim3A_1109 = vector.broadcast %broadcast_in_dim3A_1108 : f32 to vector<4x128x128xf32>
    %broadcast_in_dim3A_1110 = arith.constant 0.000000e+00 : f32
    %broadcast_in_dim3A_1111 = vector.broadcast %broadcast_in_dim3A_1110 : f32 to vector<4x128x128xf32>
    %eq3A_1112 = arith.constant 0 : i32
    %eq3A_1113 = vector.broadcast %eq3A_1112 : i32 to vector<4x128x128xi32>
    %eq3A_1114 = arith.cmpi eq, %select_n3A_1101, %eq3A_1113 : vector<4x128x128xi32>
    %slice3A_1115 = vector.extract_strided_slice %get3A_90 {offsets = [0, 0, 0], sizes = [4, 1, 1], strides = [1, 1, 1]} : vector<4x8x5xf32> to vector<4x1x1xf32>
    %broadcast_in_dim3A_1116 = vector.shape_cast %slice3A_1115 : vector<4x1x1xf32> to vector<4x1x1xf32>
    %broadcast_in_dim3A_1117 = vector.broadcast %broadcast_in_dim3A_1116 : vector<4x1x1xf32> to vector<4x128x128xf32>
    %select_n3A_1118 = arith.select %eq3A_1114, %broadcast_in_dim3A_1117, %broadcast_in_dim3A_1103 : vector<4x128x128xi1>, vector<4x128x128xf32>
    %slice3A_1119 = vector.extract_strided_slice %get3A_90 {offsets = [0, 0, 1], sizes = [4, 1, 1], strides = [1, 1, 1]} : vector<4x8x5xf32> to vector<4x1x1xf32>
    %broadcast_in_dim3A_1120 = vector.shape_cast %slice3A_1119 : vector<4x1x1xf32> to vector<4x1x1xf32>
    %broadcast_in_dim3A_1121 = vector.broadcast %broadcast_in_dim3A_1120 : vector<4x1x1xf32> to vector<4x128x128xf32>
    %select_n3A_1122 = arith.select %eq3A_1114, %broadcast_in_dim3A_1121, %broadcast_in_dim3A_1105 : vector<4x128x128xi1>, vector<4x128x128xf32>
    %slice3A_1123 = vector.extract_strided_slice %get3A_90 {offsets = [0, 0, 2], sizes = [4, 1, 1], strides = [1, 1, 1]} : vector<4x8x5xf32> to vector<4x1x1xf32>
    %broadcast_in_dim3A_1124 = vector.shape_cast %slice3A_1123 : vector<4x1x1xf32> to vector<4x1x1xf32>
    %broadcast_in_dim3A_1125 = vector.broadcast %broadcast_in_dim3A_1124 : vector<4x1x1xf32> to vector<4x128x128xf32>
    %select_n3A_1126 = arith.select %eq3A_1114, %broadcast_in_dim3A_1125, %broadcast_in_dim3A_1107 : vector<4x128x128xi1>, vector<4x128x128xf32>
    %slice3A_1127 = vector.extract_strided_slice %get3A_90 {offsets = [0, 0, 3], sizes = [4, 1, 1], strides = [1, 1, 1]} : vector<4x8x5xf32> to vector<4x1x1xf32>
    %broadcast_in_dim3A_1128 = vector.shape_cast %slice3A_1127 : vector<4x1x1xf32> to vector<4x1x1xf32>
    %broadcast_in_dim3A_1129 = vector.broadcast %broadcast_in_dim3A_1128 : vector<4x1x1xf32> to vector<4x128x128xf32>
    %select_n3A_1130 = arith.select %eq3A_1114, %broadcast_in_dim3A_1129, %broadcast_in_dim3A_1109 : vector<4x128x128xi1>, vector<4x128x128xf32>
    %slice3A_1131 = vector.extract_strided_slice %get3A_90 {offsets = [0, 0, 4], sizes = [4, 1, 1], strides = [1, 1, 1]} : vector<4x8x5xf32> to vector<4x1x1xf32>
    %broadcast_in_dim3A_1132 = vector.shape_cast %slice3A_1131 : vector<4x1x1xf32> to vector<4x1x1xf32>
    %broadcast_in_dim3A_1133 = vector.broadcast %broadcast_in_dim3A_1132 : vector<4x1x1xf32> to vector<4x128x128xf32>
    %select_n3A_1134 = arith.select %eq3A_1114, %broadcast_in_dim3A_1133, %broadcast_in_dim3A_1111 : vector<4x128x128xi1>, vector<4x128x128xf32>
    %eq3A_1135 = arith.constant 1 : i32
    %eq3A_1136 = vector.broadcast %eq3A_1135 : i32 to vector<4x128x128xi32>
    %eq3A_1137 = arith.cmpi eq, %select_n3A_1101, %eq3A_1136 : vector<4x128x128xi32>
    %slice3A_1138 = vector.extract_strided_slice %get3A_90 {offsets = [0, 1, 0], sizes = [4, 1, 1], strides = [1, 1, 1]} : vector<4x8x5xf32> to vector<4x1x1xf32>
    %broadcast_in_dim3A_1139 = vector.shape_cast %slice3A_1138 : vector<4x1x1xf32> to vector<4x1x1xf32>
    %broadcast_in_dim3A_1140 = vector.broadcast %broadcast_in_dim3A_1139 : vector<4x1x1xf32> to vector<4x128x128xf32>
    %select_n3A_1141 = arith.select %eq3A_1137, %broadcast_in_dim3A_1140, %select_n3A_1118 : vector<4x128x128xi1>, vector<4x128x128xf32>
    %slice3A_1142 = vector.extract_strided_slice %get3A_90 {offsets = [0, 1, 1], sizes = [4, 1, 1], strides = [1, 1, 1]} : vector<4x8x5xf32> to vector<4x1x1xf32>
    %broadcast_in_dim3A_1143 = vector.shape_cast %slice3A_1142 : vector<4x1x1xf32> to vector<4x1x1xf32>
    %broadcast_in_dim3A_1144 = vector.broadcast %broadcast_in_dim3A_1143 : vector<4x1x1xf32> to vector<4x128x128xf32>
    %select_n3A_1145 = arith.select %eq3A_1137, %broadcast_in_dim3A_1144, %select_n3A_1122 : vector<4x128x128xi1>, vector<4x128x128xf32>
    %slice3A_1146 = vector.extract_strided_slice %get3A_90 {offsets = [0, 1, 2], sizes = [4, 1, 1], strides = [1, 1, 1]} : vector<4x8x5xf32> to vector<4x1x1xf32>
    %broadcast_in_dim3A_1147 = vector.shape_cast %slice3A_1146 : vector<4x1x1xf32> to vector<4x1x1xf32>
    %broadcast_in_dim3A_1148 = vector.broadcast %broadcast_in_dim3A_1147 : vector<4x1x1xf32> to vector<4x128x128xf32>
    %select_n3A_1149 = arith.select %eq3A_1137, %broadcast_in_dim3A_1148, %select_n3A_1126 : vector<4x128x128xi1>, vector<4x128x128xf32>
    %slice3A_1150 = vector.extract_strided_slice %get3A_90 {offsets = [0, 1, 3], sizes = [4, 1, 1], strides = [1, 1, 1]} : vector<4x8x5xf32> to vector<4x1x1xf32>
    %broadcast_in_dim3A_1151 = vector.shape_cast %slice3A_1150 : vector<4x1x1xf32> to vector<4x1x1xf32>
    %broadcast_in_dim3A_1152 = vector.broadcast %broadcast_in_dim3A_1151 : vector<4x1x1xf32> to vector<4x128x128xf32>
    %select_n3A_1153 = arith.select %eq3A_1137, %broadcast_in_dim3A_1152, %select_n3A_1130 : vector<4x128x128xi1>, vector<4x128x128xf32>
    %slice3A_1154 = vector.extract_strided_slice %get3A_90 {offsets = [0, 1, 4], sizes = [4, 1, 1], strides = [1, 1, 1]} : vector<4x8x5xf32> to vector<4x1x1xf32>
    %broadcast_in_dim3A_1155 = vector.shape_cast %slice3A_1154 : vector<4x1x1xf32> to vector<4x1x1xf32>
    %broadcast_in_dim3A_1156 = vector.broadcast %broadcast_in_dim3A_1155 : vector<4x1x1xf32> to vector<4x128x128xf32>
    %select_n3A_1157 = arith.select %eq3A_1137, %broadcast_in_dim3A_1156, %select_n3A_1134 : vector<4x128x128xi1>, vector<4x128x128xf32>
    %eq3A_1158 = arith.constant 2 : i32
    %eq3A_1159 = vector.broadcast %eq3A_1158 : i32 to vector<4x128x128xi32>
    %eq3A_1160 = arith.cmpi eq, %select_n3A_1101, %eq3A_1159 : vector<4x128x128xi32>
    %slice3A_1161 = vector.extract_strided_slice %get3A_90 {offsets = [0, 2, 0], sizes = [4, 1, 1], strides = [1, 1, 1]} : vector<4x8x5xf32> to vector<4x1x1xf32>
    %broadcast_in_dim3A_1162 = vector.shape_cast %slice3A_1161 : vector<4x1x1xf32> to vector<4x1x1xf32>
    %broadcast_in_dim3A_1163 = vector.broadcast %broadcast_in_dim3A_1162 : vector<4x1x1xf32> to vector<4x128x128xf32>
    %select_n3A_1164 = arith.select %eq3A_1160, %broadcast_in_dim3A_1163, %select_n3A_1141 : vector<4x128x128xi1>, vector<4x128x128xf32>
    %slice3A_1165 = vector.extract_strided_slice %get3A_90 {offsets = [0, 2, 1], sizes = [4, 1, 1], strides = [1, 1, 1]} : vector<4x8x5xf32> to vector<4x1x1xf32>
    %broadcast_in_dim3A_1166 = vector.shape_cast %slice3A_1165 : vector<4x1x1xf32> to vector<4x1x1xf32>
    %broadcast_in_dim3A_1167 = vector.broadcast %broadcast_in_dim3A_1166 : vector<4x1x1xf32> to vector<4x128x128xf32>
    %select_n3A_1168 = arith.select %eq3A_1160, %broadcast_in_dim3A_1167, %select_n3A_1145 : vector<4x128x128xi1>, vector<4x128x128xf32>
    %slice3A_1169 = vector.extract_strided_slice %get3A_90 {offsets = [0, 2, 2], sizes = [4, 1, 1], strides = [1, 1, 1]} : vector<4x8x5xf32> to vector<4x1x1xf32>
    %broadcast_in_dim3A_1170 = vector.shape_cast %slice3A_1169 : vector<4x1x1xf32> to vector<4x1x1xf32>
    %broadcast_in_dim3A_1171 = vector.broadcast %broadcast_in_dim3A_1170 : vector<4x1x1xf32> to vector<4x128x128xf32>
    %select_n3A_1172 = arith.select %eq3A_1160, %broadcast_in_dim3A_1171, %select_n3A_1149 : vector<4x128x128xi1>, vector<4x128x128xf32>
    %slice3A_1173 = vector.extract_strided_slice %get3A_90 {offsets = [0, 2, 3], sizes = [4, 1, 1], strides = [1, 1, 1]} : vector<4x8x5xf32> to vector<4x1x1xf32>
    %broadcast_in_dim3A_1174 = vector.shape_cast %slice3A_1173 : vector<4x1x1xf32> to vector<4x1x1xf32>
    %broadcast_in_dim3A_1175 = vector.broadcast %broadcast_in_dim3A_1174 : vector<4x1x1xf32> to vector<4x128x128xf32>
    %select_n3A_1176 = arith.select %eq3A_1160, %broadcast_in_dim3A_1175, %select_n3A_1153 : vector<4x128x128xi1>, vector<4x128x128xf32>
    %slice3A_1177 = vector.extract_strided_slice %get3A_90 {offsets = [0, 2, 4], sizes = [4, 1, 1], strides = [1, 1, 1]} : vector<4x8x5xf32> to vector<4x1x1xf32>
    %broadcast_in_dim3A_1178 = vector.shape_cast %slice3A_1177 : vector<4x1x1xf32> to vector<4x1x1xf32>
    %broadcast_in_dim3A_1179 = vector.broadcast %broadcast_in_dim3A_1178 : vector<4x1x1xf32> to vector<4x128x128xf32>
    %select_n3A_1180 = arith.select %eq3A_1160, %broadcast_in_dim3A_1179, %select_n3A_1157 : vector<4x128x128xi1>, vector<4x128x128xf32>
    %eq3A_1181 = arith.constant 3 : i32
    %eq3A_1182 = vector.broadcast %eq3A_1181 : i32 to vector<4x128x128xi32>
    %eq3A_1183 = arith.cmpi eq, %select_n3A_1101, %eq3A_1182 : vector<4x128x128xi32>
    %slice3A_1184 = vector.extract_strided_slice %get3A_90 {offsets = [0, 3, 0], sizes = [4, 1, 1], strides = [1, 1, 1]} : vector<4x8x5xf32> to vector<4x1x1xf32>
    %broadcast_in_dim3A_1185 = vector.shape_cast %slice3A_1184 : vector<4x1x1xf32> to vector<4x1x1xf32>
    %broadcast_in_dim3A_1186 = vector.broadcast %broadcast_in_dim3A_1185 : vector<4x1x1xf32> to vector<4x128x128xf32>
    %select_n3A_1187 = arith.select %eq3A_1183, %broadcast_in_dim3A_1186, %select_n3A_1164 : vector<4x128x128xi1>, vector<4x128x128xf32>
    %slice3A_1188 = vector.extract_strided_slice %get3A_90 {offsets = [0, 3, 1], sizes = [4, 1, 1], strides = [1, 1, 1]} : vector<4x8x5xf32> to vector<4x1x1xf32>
    %broadcast_in_dim3A_1189 = vector.shape_cast %slice3A_1188 : vector<4x1x1xf32> to vector<4x1x1xf32>
    %broadcast_in_dim3A_1190 = vector.broadcast %broadcast_in_dim3A_1189 : vector<4x1x1xf32> to vector<4x128x128xf32>
    %select_n3A_1191 = arith.select %eq3A_1183, %broadcast_in_dim3A_1190, %select_n3A_1168 : vector<4x128x128xi1>, vector<4x128x128xf32>
    %slice3A_1192 = vector.extract_strided_slice %get3A_90 {offsets = [0, 3, 2], sizes = [4, 1, 1], strides = [1, 1, 1]} : vector<4x8x5xf32> to vector<4x1x1xf32>
    %broadcast_in_dim3A_1193 = vector.shape_cast %slice3A_1192 : vector<4x1x1xf32> to vector<4x1x1xf32>
    %broadcast_in_dim3A_1194 = vector.broadcast %broadcast_in_dim3A_1193 : vector<4x1x1xf32> to vector<4x128x128xf32>
    %select_n3A_1195 = arith.select %eq3A_1183, %broadcast_in_dim3A_1194, %select_n3A_1172 : vector<4x128x128xi1>, vector<4x128x128xf32>
    %slice3A_1196 = vector.extract_strided_slice %get3A_90 {offsets = [0, 3, 3], sizes = [4, 1, 1], strides = [1, 1, 1]} : vector<4x8x5xf32> to vector<4x1x1xf32>
    %broadcast_in_dim3A_1197 = vector.shape_cast %slice3A_1196 : vector<4x1x1xf32> to vector<4x1x1xf32>
    %broadcast_in_dim3A_1198 = vector.broadcast %broadcast_in_dim3A_1197 : vector<4x1x1xf32> to vector<4x128x128xf32>
    %select_n3A_1199 = arith.select %eq3A_1183, %broadcast_in_dim3A_1198, %select_n3A_1176 : vector<4x128x128xi1>, vector<4x128x128xf32>
    %slice3A_1200 = vector.extract_strided_slice %get3A_90 {offsets = [0, 3, 4], sizes = [4, 1, 1], strides = [1, 1, 1]} : vector<4x8x5xf32> to vector<4x1x1xf32>
    %broadcast_in_dim3A_1201 = vector.shape_cast %slice3A_1200 : vector<4x1x1xf32> to vector<4x1x1xf32>
    %broadcast_in_dim3A_1202 = vector.broadcast %broadcast_in_dim3A_1201 : vector<4x1x1xf32> to vector<4x128x128xf32>
    %select_n3A_1203 = arith.select %eq3A_1183, %broadcast_in_dim3A_1202, %select_n3A_1180 : vector<4x128x128xi1>, vector<4x128x128xf32>
    %eq3A_1204 = arith.constant 4 : i32
    %eq3A_1205 = vector.broadcast %eq3A_1204 : i32 to vector<4x128x128xi32>
    %eq3A_1206 = arith.cmpi eq, %select_n3A_1101, %eq3A_1205 : vector<4x128x128xi32>
    %slice3A_1207 = vector.extract_strided_slice %get3A_90 {offsets = [0, 4, 0], sizes = [4, 1, 1], strides = [1, 1, 1]} : vector<4x8x5xf32> to vector<4x1x1xf32>
    %broadcast_in_dim3A_1208 = vector.shape_cast %slice3A_1207 : vector<4x1x1xf32> to vector<4x1x1xf32>
    %broadcast_in_dim3A_1209 = vector.broadcast %broadcast_in_dim3A_1208 : vector<4x1x1xf32> to vector<4x128x128xf32>
    %select_n3A_1210 = arith.select %eq3A_1206, %broadcast_in_dim3A_1209, %select_n3A_1187 : vector<4x128x128xi1>, vector<4x128x128xf32>
    %slice3A_1211 = vector.extract_strided_slice %get3A_90 {offsets = [0, 4, 1], sizes = [4, 1, 1], strides = [1, 1, 1]} : vector<4x8x5xf32> to vector<4x1x1xf32>
    %broadcast_in_dim3A_1212 = vector.shape_cast %slice3A_1211 : vector<4x1x1xf32> to vector<4x1x1xf32>
    %broadcast_in_dim3A_1213 = vector.broadcast %broadcast_in_dim3A_1212 : vector<4x1x1xf32> to vector<4x128x128xf32>
    %select_n3A_1214 = arith.select %eq3A_1206, %broadcast_in_dim3A_1213, %select_n3A_1191 : vector<4x128x128xi1>, vector<4x128x128xf32>
    %slice3A_1215 = vector.extract_strided_slice %get3A_90 {offsets = [0, 4, 2], sizes = [4, 1, 1], strides = [1, 1, 1]} : vector<4x8x5xf32> to vector<4x1x1xf32>
    %broadcast_in_dim3A_1216 = vector.shape_cast %slice3A_1215 : vector<4x1x1xf32> to vector<4x1x1xf32>
    %broadcast_in_dim3A_1217 = vector.broadcast %broadcast_in_dim3A_1216 : vector<4x1x1xf32> to vector<4x128x128xf32>
    %select_n3A_1218 = arith.select %eq3A_1206, %broadcast_in_dim3A_1217, %select_n3A_1195 : vector<4x128x128xi1>, vector<4x128x128xf32>
    %slice3A_1219 = vector.extract_strided_slice %get3A_90 {offsets = [0, 4, 3], sizes = [4, 1, 1], strides = [1, 1, 1]} : vector<4x8x5xf32> to vector<4x1x1xf32>
    %broadcast_in_dim3A_1220 = vector.shape_cast %slice3A_1219 : vector<4x1x1xf32> to vector<4x1x1xf32>
    %broadcast_in_dim3A_1221 = vector.broadcast %broadcast_in_dim3A_1220 : vector<4x1x1xf32> to vector<4x128x128xf32>
    %select_n3A_1222 = arith.select %eq3A_1206, %broadcast_in_dim3A_1221, %select_n3A_1199 : vector<4x128x128xi1>, vector<4x128x128xf32>
    %slice3A_1223 = vector.extract_strided_slice %get3A_90 {offsets = [0, 4, 4], sizes = [4, 1, 1], strides = [1, 1, 1]} : vector<4x8x5xf32> to vector<4x1x1xf32>
    %broadcast_in_dim3A_1224 = vector.shape_cast %slice3A_1223 : vector<4x1x1xf32> to vector<4x1x1xf32>
    %broadcast_in_dim3A_1225 = vector.broadcast %broadcast_in_dim3A_1224 : vector<4x1x1xf32> to vector<4x128x128xf32>
    %select_n3A_1226 = arith.select %eq3A_1206, %broadcast_in_dim3A_1225, %select_n3A_1203 : vector<4x128x128xi1>, vector<4x128x128xf32>
    %eq3A_1227 = arith.constant 5 : i32
    %eq3A_1228 = vector.broadcast %eq3A_1227 : i32 to vector<4x128x128xi32>
    %eq3A_1229 = arith.cmpi eq, %select_n3A_1101, %eq3A_1228 : vector<4x128x128xi32>
    %slice3A_1230 = vector.extract_strided_slice %get3A_90 {offsets = [0, 5, 0], sizes = [4, 1, 1], strides = [1, 1, 1]} : vector<4x8x5xf32> to vector<4x1x1xf32>
    %broadcast_in_dim3A_1231 = vector.shape_cast %slice3A_1230 : vector<4x1x1xf32> to vector<4x1x1xf32>
    %broadcast_in_dim3A_1232 = vector.broadcast %broadcast_in_dim3A_1231 : vector<4x1x1xf32> to vector<4x128x128xf32>
    %select_n3A_1233 = arith.select %eq3A_1229, %broadcast_in_dim3A_1232, %select_n3A_1210 : vector<4x128x128xi1>, vector<4x128x128xf32>
    %slice3A_1234 = vector.extract_strided_slice %get3A_90 {offsets = [0, 5, 1], sizes = [4, 1, 1], strides = [1, 1, 1]} : vector<4x8x5xf32> to vector<4x1x1xf32>
    %broadcast_in_dim3A_1235 = vector.shape_cast %slice3A_1234 : vector<4x1x1xf32> to vector<4x1x1xf32>
    %broadcast_in_dim3A_1236 = vector.broadcast %broadcast_in_dim3A_1235 : vector<4x1x1xf32> to vector<4x128x128xf32>
    %select_n3A_1237 = arith.select %eq3A_1229, %broadcast_in_dim3A_1236, %select_n3A_1214 : vector<4x128x128xi1>, vector<4x128x128xf32>
    %slice3A_1238 = vector.extract_strided_slice %get3A_90 {offsets = [0, 5, 2], sizes = [4, 1, 1], strides = [1, 1, 1]} : vector<4x8x5xf32> to vector<4x1x1xf32>
    %broadcast_in_dim3A_1239 = vector.shape_cast %slice3A_1238 : vector<4x1x1xf32> to vector<4x1x1xf32>
    %broadcast_in_dim3A_1240 = vector.broadcast %broadcast_in_dim3A_1239 : vector<4x1x1xf32> to vector<4x128x128xf32>
    %select_n3A_1241 = arith.select %eq3A_1229, %broadcast_in_dim3A_1240, %select_n3A_1218 : vector<4x128x128xi1>, vector<4x128x128xf32>
    %slice3A_1242 = vector.extract_strided_slice %get3A_90 {offsets = [0, 5, 3], sizes = [4, 1, 1], strides = [1, 1, 1]} : vector<4x8x5xf32> to vector<4x1x1xf32>
    %broadcast_in_dim3A_1243 = vector.shape_cast %slice3A_1242 : vector<4x1x1xf32> to vector<4x1x1xf32>
    %broadcast_in_dim3A_1244 = vector.broadcast %broadcast_in_dim3A_1243 : vector<4x1x1xf32> to vector<4x128x128xf32>
    %select_n3A_1245 = arith.select %eq3A_1229, %broadcast_in_dim3A_1244, %select_n3A_1222 : vector<4x128x128xi1>, vector<4x128x128xf32>
    %slice3A_1246 = vector.extract_strided_slice %get3A_90 {offsets = [0, 5, 4], sizes = [4, 1, 1], strides = [1, 1, 1]} : vector<4x8x5xf32> to vector<4x1x1xf32>
    %broadcast_in_dim3A_1247 = vector.shape_cast %slice3A_1246 : vector<4x1x1xf32> to vector<4x1x1xf32>
    %broadcast_in_dim3A_1248 = vector.broadcast %broadcast_in_dim3A_1247 : vector<4x1x1xf32> to vector<4x128x128xf32>
    %select_n3A_1249 = arith.select %eq3A_1229, %broadcast_in_dim3A_1248, %select_n3A_1226 : vector<4x128x128xi1>, vector<4x128x128xf32>
    %eq3A_1250 = arith.constant 6 : i32
    %eq3A_1251 = vector.broadcast %eq3A_1250 : i32 to vector<4x128x128xi32>
    %eq3A_1252 = arith.cmpi eq, %select_n3A_1101, %eq3A_1251 : vector<4x128x128xi32>
    %slice3A_1253 = vector.extract_strided_slice %get3A_90 {offsets = [0, 6, 0], sizes = [4, 1, 1], strides = [1, 1, 1]} : vector<4x8x5xf32> to vector<4x1x1xf32>
    %broadcast_in_dim3A_1254 = vector.shape_cast %slice3A_1253 : vector<4x1x1xf32> to vector<4x1x1xf32>
    %broadcast_in_dim3A_1255 = vector.broadcast %broadcast_in_dim3A_1254 : vector<4x1x1xf32> to vector<4x128x128xf32>
    %select_n3A_1256 = arith.select %eq3A_1252, %broadcast_in_dim3A_1255, %select_n3A_1233 : vector<4x128x128xi1>, vector<4x128x128xf32>
    %slice3A_1257 = vector.extract_strided_slice %get3A_90 {offsets = [0, 6, 1], sizes = [4, 1, 1], strides = [1, 1, 1]} : vector<4x8x5xf32> to vector<4x1x1xf32>
    %broadcast_in_dim3A_1258 = vector.shape_cast %slice3A_1257 : vector<4x1x1xf32> to vector<4x1x1xf32>
    %broadcast_in_dim3A_1259 = vector.broadcast %broadcast_in_dim3A_1258 : vector<4x1x1xf32> to vector<4x128x128xf32>
    %select_n3A_1260 = arith.select %eq3A_1252, %broadcast_in_dim3A_1259, %select_n3A_1237 : vector<4x128x128xi1>, vector<4x128x128xf32>
    %slice3A_1261 = vector.extract_strided_slice %get3A_90 {offsets = [0, 6, 2], sizes = [4, 1, 1], strides = [1, 1, 1]} : vector<4x8x5xf32> to vector<4x1x1xf32>
    %broadcast_in_dim3A_1262 = vector.shape_cast %slice3A_1261 : vector<4x1x1xf32> to vector<4x1x1xf32>
    %broadcast_in_dim3A_1263 = vector.broadcast %broadcast_in_dim3A_1262 : vector<4x1x1xf32> to vector<4x128x128xf32>
    %select_n3A_1264 = arith.select %eq3A_1252, %broadcast_in_dim3A_1263, %select_n3A_1241 : vector<4x128x128xi1>, vector<4x128x128xf32>
    %slice3A_1265 = vector.extract_strided_slice %get3A_90 {offsets = [0, 6, 3], sizes = [4, 1, 1], strides = [1, 1, 1]} : vector<4x8x5xf32> to vector<4x1x1xf32>
    %broadcast_in_dim3A_1266 = vector.shape_cast %slice3A_1265 : vector<4x1x1xf32> to vector<4x1x1xf32>
    %broadcast_in_dim3A_1267 = vector.broadcast %broadcast_in_dim3A_1266 : vector<4x1x1xf32> to vector<4x128x128xf32>
    %select_n3A_1268 = arith.select %eq3A_1252, %broadcast_in_dim3A_1267, %select_n3A_1245 : vector<4x128x128xi1>, vector<4x128x128xf32>
    %slice3A_1269 = vector.extract_strided_slice %get3A_90 {offsets = [0, 6, 4], sizes = [4, 1, 1], strides = [1, 1, 1]} : vector<4x8x5xf32> to vector<4x1x1xf32>
    %broadcast_in_dim3A_1270 = vector.shape_cast %slice3A_1269 : vector<4x1x1xf32> to vector<4x1x1xf32>
    %broadcast_in_dim3A_1271 = vector.broadcast %broadcast_in_dim3A_1270 : vector<4x1x1xf32> to vector<4x128x128xf32>
    %select_n3A_1272 = arith.select %eq3A_1252, %broadcast_in_dim3A_1271, %select_n3A_1249 : vector<4x128x128xi1>, vector<4x128x128xf32>
    %eq3A_1273 = arith.constant 7 : i32
    %eq3A_1274 = vector.broadcast %eq3A_1273 : i32 to vector<4x128x128xi32>
    %eq3A_1275 = arith.cmpi eq, %select_n3A_1101, %eq3A_1274 : vector<4x128x128xi32>
    %slice3A_1276 = vector.extract_strided_slice %get3A_90 {offsets = [0, 7, 0], sizes = [4, 1, 1], strides = [1, 1, 1]} : vector<4x8x5xf32> to vector<4x1x1xf32>
    %broadcast_in_dim3A_1277 = vector.shape_cast %slice3A_1276 : vector<4x1x1xf32> to vector<4x1x1xf32>
    %broadcast_in_dim3A_1278 = vector.broadcast %broadcast_in_dim3A_1277 : vector<4x1x1xf32> to vector<4x128x128xf32>
    %select_n3A_1279 = arith.select %eq3A_1275, %broadcast_in_dim3A_1278, %select_n3A_1256 : vector<4x128x128xi1>, vector<4x128x128xf32>
    %slice3A_1280 = vector.extract_strided_slice %get3A_90 {offsets = [0, 7, 1], sizes = [4, 1, 1], strides = [1, 1, 1]} : vector<4x8x5xf32> to vector<4x1x1xf32>
    %broadcast_in_dim3A_1281 = vector.shape_cast %slice3A_1280 : vector<4x1x1xf32> to vector<4x1x1xf32>
    %broadcast_in_dim3A_1282 = vector.broadcast %broadcast_in_dim3A_1281 : vector<4x1x1xf32> to vector<4x128x128xf32>
    %select_n3A_1283 = arith.select %eq3A_1275, %broadcast_in_dim3A_1282, %select_n3A_1260 : vector<4x128x128xi1>, vector<4x128x128xf32>
    %slice3A_1284 = vector.extract_strided_slice %get3A_90 {offsets = [0, 7, 2], sizes = [4, 1, 1], strides = [1, 1, 1]} : vector<4x8x5xf32> to vector<4x1x1xf32>
    %broadcast_in_dim3A_1285 = vector.shape_cast %slice3A_1284 : vector<4x1x1xf32> to vector<4x1x1xf32>
    %broadcast_in_dim3A_1286 = vector.broadcast %broadcast_in_dim3A_1285 : vector<4x1x1xf32> to vector<4x128x128xf32>
    %select_n3A_1287 = arith.select %eq3A_1275, %broadcast_in_dim3A_1286, %select_n3A_1264 : vector<4x128x128xi1>, vector<4x128x128xf32>
    %slice3A_1288 = vector.extract_strided_slice %get3A_90 {offsets = [0, 7, 3], sizes = [4, 1, 1], strides = [1, 1, 1]} : vector<4x8x5xf32> to vector<4x1x1xf32>
    %broadcast_in_dim3A_1289 = vector.shape_cast %slice3A_1288 : vector<4x1x1xf32> to vector<4x1x1xf32>
    %broadcast_in_dim3A_1290 = vector.broadcast %broadcast_in_dim3A_1289 : vector<4x1x1xf32> to vector<4x128x128xf32>
    %select_n3A_1291 = arith.select %eq3A_1275, %broadcast_in_dim3A_1290, %select_n3A_1268 : vector<4x128x128xi1>, vector<4x128x128xf32>
    %slice3A_1292 = vector.extract_strided_slice %get3A_90 {offsets = [0, 7, 4], sizes = [4, 1, 1], strides = [1, 1, 1]} : vector<4x8x5xf32> to vector<4x1x1xf32>
    %broadcast_in_dim3A_1293 = vector.shape_cast %slice3A_1292 : vector<4x1x1xf32> to vector<4x1x1xf32>
    %broadcast_in_dim3A_1294 = vector.broadcast %broadcast_in_dim3A_1293 : vector<4x1x1xf32> to vector<4x128x128xf32>
    %select_n3A_1295 = arith.select %eq3A_1275, %broadcast_in_dim3A_1294, %select_n3A_1272 : vector<4x128x128xi1>, vector<4x128x128xf32>
    %lt3A_1296 = arith.constant 5.000000e-01 : f32
    %lt3A_1297 = vector.broadcast %lt3A_1296 : f32 to vector<4x128x128xf32>
    %lt3A_1298 = arith.cmpf olt, %select_n3A_1098, %lt3A_1297 : vector<4x128x128xf32>
    %jit3A_1299 = arith.constant 0.000000e+00 : f32
    %broadcast_in_dim3A_1300 = vector.broadcast %jit3A_1299 : f32 to vector<4x128x128xf32>
    %select_n3A_1301 = arith.select %lt3A_1298, %broadcast_in_dim3A_1300, %select_n3A_1295 : vector<4x128x128xi1>, vector<4x128x128xf32>
    %convert_element_type3A = arith.fptosi %select_n3A_1301 : vector<4x128x128xf32> to vector<4x128x128xi32>
    %gt3A_1302 = arith.constant 0 : i32
    %gt3A_1303 = vector.broadcast %gt3A_1302 : i32 to vector<4x128x128xi32>
    %gt3A_1304 = arith.cmpi sgt, %convert_element_type3A, %gt3A_1303 : vector<4x128x128xi32>
    %add3A_1305 = arith.addf %select_n3A_1279, %select_n3A_1287 : vector<4x128x128xf32>
    %mul3A_1306 = arith.constant 5.000000e-01 : f32
    %mul3A_1307 = vector.broadcast %mul3A_1306 : f32 to vector<4x128x128xf32>
    %mul3A_1308 = arith.mulf %add3A_1305, %mul3A_1307 : vector<4x128x128xf32>
    %sub3A_1309 = arith.subf %mul3A_1308, %add3A_36 : vector<4x128x128xf32>
    %mul3A_1310 = arith.constant 1.000000e-01 : f32
    %mul3A_1311 = vector.broadcast %mul3A_1310 : f32 to vector<4x128x128xf32>
    %mul3A_1312 = arith.mulf %mul3A_1311, %mul3A_55 : vector<4x128x128xf32>
    %div3A_1313 = arith.divf %sub3A_1309, %mul3A_1312 : vector<4x128x128xf32>
    %add3A_1314 = arith.addf %select_n3A_1283, %select_n3A_1291 : vector<4x128x128xf32>
    %mul3A_1315 = arith.constant 5.000000e-01 : f32
    %mul3A_1316 = vector.broadcast %mul3A_1315 : f32 to vector<4x128x128xf32>
    %mul3A_1317 = arith.mulf %add3A_1314, %mul3A_1316 : vector<4x128x128xf32>
    %sub3A_1318 = arith.subf %mul3A_1317, %add3A_47 : vector<4x128x128xf32>
    %mul3A_1319 = arith.constant 1.000000e-01 : f32
    %mul3A_1320 = vector.broadcast %mul3A_1319 : f32 to vector<4x128x128xf32>
    %mul3A_1321 = arith.mulf %mul3A_1320, %mul3A_64 : vector<4x128x128xf32>
    %div3A_1322 = arith.divf %sub3A_1318, %mul3A_1321 : vector<4x128x128xf32>
    %sub3A_1323 = arith.subf %select_n3A_1287, %select_n3A_1279 : vector<4x128x128xf32>
    %div3A_1324 = arith.divf %sub3A_1323, %mul3A_55 : vector<4x128x128xf32>
    %log3A = math.log %div3A_1324 : vector<4x128x128xf32>
    %div3A_1325 = arith.constant 2.000000e-01 : f32
    %div3A_1326 = vector.broadcast %div3A_1325 : f32 to vector<4x128x128xf32>
    %div3A_1327 = arith.divf %log3A, %div3A_1326 : vector<4x128x128xf32>
    %sub3A_1328 = arith.subf %select_n3A_1291, %select_n3A_1283 : vector<4x128x128xf32>
    %div3A_1329 = arith.divf %sub3A_1328, %mul3A_64 : vector<4x128x128xf32>
    %log3A_1330 = math.log %div3A_1329 : vector<4x128x128xf32>
    %div3A_1331 = arith.constant 2.000000e-01 : f32
    %div3A_1332 = vector.broadcast %div3A_1331 : f32 to vector<4x128x128xf32>
    %div3A_1333 = arith.divf %log3A_1330, %div3A_1332 : vector<4x128x128xf32>
    %get3A_1334 = arith.constant 0 : index
    %get3A_1335 = arith.constant 0 : index
    %get3A_1336 = arith.constant 0 : index
    %get3A_1337 = arith.constant 0 : index
    %get3A_1338 = vector.load %arg3[%get3A_1334, %get3A_1335, %get3A_1336, %get3A_1337] : memref<4x4x128x128xf32, #tpu.memory_space<vmem>>, vector<4x4x128x128xf32>
    %slice3A_1339 = vector.extract_strided_slice %get3A_1338 {offsets = [0, 0, 0, 0], sizes = [4, 1, 128, 128], strides = [1, 1, 1, 1]} : vector<4x4x128x128xf32> to vector<4x1x128x128xf32>
    %squeeze3A_1340 = vector.shape_cast %slice3A_1339 : vector<4x1x128x128xf32> to vector<4x128x128xf32>
    %sub3A_1341 = arith.subf %squeeze3A_1340, %div3A_1313 : vector<4x128x128xf32>
    %abs3A = math.absf %sub3A_1341 : vector<4x128x128xf32>
    %lt3A_1342 = arith.constant 1.000000e+00 : f32
    %lt3A_1343 = vector.broadcast %lt3A_1342 : f32 to vector<4x128x128xf32>
    %lt3A_1344 = arith.cmpf olt, %abs3A, %lt3A_1343 : vector<4x128x128xf32>
    %mul3A_1345 = arith.constant 5.000000e-01 : f32
    %mul3A_1346 = vector.broadcast %mul3A_1345 : f32 to vector<4x128x128xf32>
    %mul3A_1347 = arith.mulf %mul3A_1346, %sub3A_1341 : vector<4x128x128xf32>
    %mul3A_1348 = arith.mulf %mul3A_1347, %sub3A_1341 : vector<4x128x128xf32>
    %sub3A_1349 = arith.constant 5.000000e-01 : f32
    %sub3A_1350 = vector.broadcast %sub3A_1349 : f32 to vector<4x128x128xf32>
    %sub3A_1351 = arith.subf %abs3A, %sub3A_1350 : vector<4x128x128xf32>
    %select_n3A_1352 = arith.select %lt3A_1344, %mul3A_1348, %sub3A_1351 : vector<4x128x128xi1>, vector<4x128x128xf32>
    %slice3A_1353 = vector.extract_strided_slice %get3A_1338 {offsets = [0, 1, 0, 0], sizes = [4, 1, 128, 128], strides = [1, 1, 1, 1]} : vector<4x4x128x128xf32> to vector<4x1x128x128xf32>
    %squeeze3A_1354 = vector.shape_cast %slice3A_1353 : vector<4x1x128x128xf32> to vector<4x128x128xf32>
    %sub3A_1355 = arith.subf %squeeze3A_1354, %div3A_1322 : vector<4x128x128xf32>
    %abs3A_1356 = math.absf %sub3A_1355 : vector<4x128x128xf32>
    %lt3A_1357 = arith.constant 1.000000e+00 : f32
    %lt3A_1358 = vector.broadcast %lt3A_1357 : f32 to vector<4x128x128xf32>
    %lt3A_1359 = arith.cmpf olt, %abs3A_1356, %lt3A_1358 : vector<4x128x128xf32>
    %mul3A_1360 = arith.constant 5.000000e-01 : f32
    %mul3A_1361 = vector.broadcast %mul3A_1360 : f32 to vector<4x128x128xf32>
    %mul3A_1362 = arith.mulf %mul3A_1361, %sub3A_1355 : vector<4x128x128xf32>
    %mul3A_1363 = arith.mulf %mul3A_1362, %sub3A_1355 : vector<4x128x128xf32>
    %sub3A_1364 = arith.constant 5.000000e-01 : f32
    %sub3A_1365 = vector.broadcast %sub3A_1364 : f32 to vector<4x128x128xf32>
    %sub3A_1366 = arith.subf %abs3A_1356, %sub3A_1365 : vector<4x128x128xf32>
    %select_n3A_1367 = arith.select %lt3A_1359, %mul3A_1363, %sub3A_1366 : vector<4x128x128xi1>, vector<4x128x128xf32>
    %add3A_1368 = arith.addf %select_n3A_1352, %select_n3A_1367 : vector<4x128x128xf32>
    %slice3A_1369 = vector.extract_strided_slice %get3A_1338 {offsets = [0, 2, 0, 0], sizes = [4, 1, 128, 128], strides = [1, 1, 1, 1]} : vector<4x4x128x128xf32> to vector<4x1x128x128xf32>
    %squeeze3A_1370 = vector.shape_cast %slice3A_1369 : vector<4x1x128x128xf32> to vector<4x128x128xf32>
    %sub3A_1371 = arith.subf %squeeze3A_1370, %div3A_1327 : vector<4x128x128xf32>
    %abs3A_1372 = math.absf %sub3A_1371 : vector<4x128x128xf32>
    %lt3A_1373 = arith.constant 1.000000e+00 : f32
    %lt3A_1374 = vector.broadcast %lt3A_1373 : f32 to vector<4x128x128xf32>
    %lt3A_1375 = arith.cmpf olt, %abs3A_1372, %lt3A_1374 : vector<4x128x128xf32>
    %mul3A_1376 = arith.constant 5.000000e-01 : f32
    %mul3A_1377 = vector.broadcast %mul3A_1376 : f32 to vector<4x128x128xf32>
    %mul3A_1378 = arith.mulf %mul3A_1377, %sub3A_1371 : vector<4x128x128xf32>
    %mul3A_1379 = arith.mulf %mul3A_1378, %sub3A_1371 : vector<4x128x128xf32>
    %sub3A_1380 = arith.constant 5.000000e-01 : f32
    %sub3A_1381 = vector.broadcast %sub3A_1380 : f32 to vector<4x128x128xf32>
    %sub3A_1382 = arith.subf %abs3A_1372, %sub3A_1381 : vector<4x128x128xf32>
    %select_n3A_1383 = arith.select %lt3A_1375, %mul3A_1379, %sub3A_1382 : vector<4x128x128xi1>, vector<4x128x128xf32>
    %add3A_1384 = arith.addf %add3A_1368, %select_n3A_1383 : vector<4x128x128xf32>
    %slice3A_1385 = vector.extract_strided_slice %get3A_1338 {offsets = [0, 3, 0, 0], sizes = [4, 1, 128, 128], strides = [1, 1, 1, 1]} : vector<4x4x128x128xf32> to vector<4x1x128x128xf32>
    %squeeze3A_1386 = vector.shape_cast %slice3A_1385 : vector<4x1x128x128xf32> to vector<4x128x128xf32>
    %sub3A_1387 = arith.subf %squeeze3A_1386, %div3A_1333 : vector<4x128x128xf32>
    %abs3A_1388 = math.absf %sub3A_1387 : vector<4x128x128xf32>
    %lt3A_1389 = arith.constant 1.000000e+00 : f32
    %lt3A_1390 = vector.broadcast %lt3A_1389 : f32 to vector<4x128x128xf32>
    %lt3A_1391 = arith.cmpf olt, %abs3A_1388, %lt3A_1390 : vector<4x128x128xf32>
    %mul3A_1392 = arith.constant 5.000000e-01 : f32
    %mul3A_1393 = vector.broadcast %mul3A_1392 : f32 to vector<4x128x128xf32>
    %mul3A_1394 = arith.mulf %mul3A_1393, %sub3A_1387 : vector<4x128x128xf32>
    %mul3A_1395 = arith.mulf %mul3A_1394, %sub3A_1387 : vector<4x128x128xf32>
    %sub3A_1396 = arith.constant 5.000000e-01 : f32
    %sub3A_1397 = vector.broadcast %sub3A_1396 : f32 to vector<4x128x128xf32>
    %sub3A_1398 = arith.subf %abs3A_1388, %sub3A_1397 : vector<4x128x128xf32>
    %select_n3A_1399 = arith.select %lt3A_1391, %mul3A_1395, %sub3A_1398 : vector<4x128x128xi1>, vector<4x128x128xf32>
    %add3A_1400 = arith.addf %add3A_1384, %select_n3A_1399 : vector<4x128x128xf32>
    %jit3A_1401 = arith.constant 0.000000e+00 : f32
    %broadcast_in_dim3A_1402 = vector.broadcast %jit3A_1401 : f32 to vector<4x128x128xf32>
    %select_n3A_1403 = arith.select %gt3A_1304, %add3A_1400, %broadcast_in_dim3A_1402 : vector<4x128x128xi1>, vector<4x128x128xf32>
    %slice3A_1404 = vector.extract_strided_slice %select_n3A_1403 {offsets = [0, 0, 0], sizes = [1, 128, 128], strides = [1, 1, 1]} : vector<4x128x128xf32> to vector<1x128x128xf32>
    %squeeze3A_1405 = vector.shape_cast %slice3A_1404 : vector<1x128x128xf32> to vector<128x128xf32>
    %reduce_sum3A = vector.shape_cast %squeeze3A_1405 : vector<128x128xf32> to vector<1x128x128xf32>
    %reduce_sum3A_1406 = arith.constant dense<0.000000e+00> : vector<1xf32>
    %reduce_sum3A_1407 = vector.multi_reduction <add>, %reduce_sum3A, %reduce_sum3A_1406 [1, 2] : vector<1x128x128xf32> to vector<1xf32>
    %reduce_sum3A_1408 = vector.shape_cast %reduce_sum3A_1407 : vector<1xf32> to vector<1x1x1xf32>
    %reduce_sum3A_1409 = vector.extract %reduce_sum3A_1408[0, 0, 0] : f32 from vector<1x1x1xf32>
    %slice3A_1410 = vector.extract_strided_slice %select_n3A_1403 {offsets = [1, 0, 0], sizes = [1, 128, 128], strides = [1, 1, 1]} : vector<4x128x128xf32> to vector<1x128x128xf32>
    %squeeze3A_1411 = vector.shape_cast %slice3A_1410 : vector<1x128x128xf32> to vector<128x128xf32>
    %reduce_sum3A_1412 = vector.shape_cast %squeeze3A_1411 : vector<128x128xf32> to vector<1x128x128xf32>
    %reduce_sum3A_1413 = arith.constant dense<0.000000e+00> : vector<1xf32>
    %reduce_sum3A_1414 = vector.multi_reduction <add>, %reduce_sum3A_1412, %reduce_sum3A_1413 [1, 2] : vector<1x128x128xf32> to vector<1xf32>
    %reduce_sum3A_1415 = vector.shape_cast %reduce_sum3A_1414 : vector<1xf32> to vector<1x1x1xf32>
    %reduce_sum3A_1416 = vector.extract %reduce_sum3A_1415[0, 0, 0] : f32 from vector<1x1x1xf32>
    %slice3A_1417 = vector.extract_strided_slice %select_n3A_1403 {offsets = [2, 0, 0], sizes = [1, 128, 128], strides = [1, 1, 1]} : vector<4x128x128xf32> to vector<1x128x128xf32>
    %squeeze3A_1418 = vector.shape_cast %slice3A_1417 : vector<1x128x128xf32> to vector<128x128xf32>
    %reduce_sum3A_1419 = vector.shape_cast %squeeze3A_1418 : vector<128x128xf32> to vector<1x128x128xf32>
    %reduce_sum3A_1420 = arith.constant dense<0.000000e+00> : vector<1xf32>
    %reduce_sum3A_1421 = vector.multi_reduction <add>, %reduce_sum3A_1419, %reduce_sum3A_1420 [1, 2] : vector<1x128x128xf32> to vector<1xf32>
    %reduce_sum3A_1422 = vector.shape_cast %reduce_sum3A_1421 : vector<1xf32> to vector<1x1x1xf32>
    %reduce_sum3A_1423 = vector.extract %reduce_sum3A_1422[0, 0, 0] : f32 from vector<1x1x1xf32>
    %slice3A_1424 = vector.extract_strided_slice %select_n3A_1403 {offsets = [3, 0, 0], sizes = [1, 128, 128], strides = [1, 1, 1]} : vector<4x128x128xf32> to vector<1x128x128xf32>
    %squeeze3A_1425 = vector.shape_cast %slice3A_1424 : vector<1x128x128xf32> to vector<128x128xf32>
    %reduce_sum3A_1426 = vector.shape_cast %squeeze3A_1425 : vector<128x128xf32> to vector<1x128x128xf32>
    %reduce_sum3A_1427 = arith.constant dense<0.000000e+00> : vector<1xf32>
    %reduce_sum3A_1428 = vector.multi_reduction <add>, %reduce_sum3A_1426, %reduce_sum3A_1427 [1, 2] : vector<1x128x128xf32> to vector<1xf32>
    %reduce_sum3A_1429 = vector.shape_cast %reduce_sum3A_1428 : vector<1xf32> to vector<1x1x1xf32>
    %reduce_sum3A_1430 = vector.extract %reduce_sum3A_1429[0, 0, 0] : f32 from vector<1x1x1xf32>
    %get3A_1431 = arith.constant 0 : index
    %get3A_1432 = arith.constant 0 : index
    %get3A_1433 = arith.constant 0 : index
    %get3A_1434 = arith.constant 0 : index
    %get3A_1435 = vector.load %arg4[%get3A_1431, %get3A_1432, %get3A_1433, %get3A_1434] : memref<4x21x128x128xf32, #tpu.memory_space<vmem>>, vector<4x21x128x128xf32>
    %reduce_max3A_1436 = arith.constant dense<0xFF800000> : vector<4x128x128xf32>
    %reduce_max3A_1437 = vector.multi_reduction <maximumf>, %get3A_1435, %reduce_max3A_1436 [1] : vector<4x21x128x128xf32> to vector<4x128x128xf32>
    %broadcast_in_dim3A_1438 = vector.shape_cast %reduce_max3A_1437 : vector<4x128x128xf32> to vector<4x1x128x128xf32>
    %sub3A_1439 = vector.broadcast %broadcast_in_dim3A_1438 : vector<4x1x128x128xf32> to vector<4x21x128x128xf32>
    %sub3A_1440 = arith.subf %get3A_1435, %sub3A_1439 : vector<4x21x128x128xf32>
    %exp3A_1441 = math.exp %sub3A_1440 : vector<4x21x128x128xf32>
    %reduce_sum3A_1442 = arith.constant dense<0.000000e+00> : vector<4x128x128xf32>
    %reduce_sum3A_1443 = vector.multi_reduction <add>, %exp3A_1441, %reduce_sum3A_1442 [1] : vector<4x21x128x128xf32> to vector<4x128x128xf32>
    %log3A_1444 = math.log %reduce_sum3A_1443 : vector<4x128x128xf32>
    %add3A_1445 = arith.addf %reduce_max3A_1437, %log3A_1444 : vector<4x128x128xf32>
    %iota3A_1446 = tpu.iota {dimensions = array<i32: 1>} : vector<4x21x128x128xi32>
    %broadcast_in_dim3A_1447 = vector.shape_cast %convert_element_type3A : vector<4x128x128xi32> to vector<4x1x128x128xi32>
    %eq3A_1448 = vector.broadcast %broadcast_in_dim3A_1447 : vector<4x1x128x128xi32> to vector<4x21x128x128xi32>
    %eq3A_1449 = arith.cmpi eq, %iota3A_1446, %eq3A_1448 : vector<4x21x128x128xi32>
    %jit3A_1450 = arith.constant 0.000000e+00 : f32
    %broadcast_in_dim3A_1451 = vector.broadcast %jit3A_1450 : f32 to vector<4x21x128x128xf32>
    %select_n3A_1452 = arith.select %eq3A_1449, %get3A_1435, %broadcast_in_dim3A_1451 : vector<4x21x128x128xi1>, vector<4x21x128x128xf32>
    %reduce_sum3A_1453 = arith.constant dense<0.000000e+00> : vector<4x128x128xf32>
    %reduce_sum3A_1454 = vector.multi_reduction <add>, %select_n3A_1452, %reduce_sum3A_1453 [1] : vector<4x21x128x128xf32> to vector<4x128x128xf32>
    %sub3A_1455 = arith.subf %add3A_1445, %reduce_sum3A_1454 : vector<4x128x128xf32>
    %get3A_1456 = arith.constant 0 : index
    %get3A_1457 = arith.constant 0 : index
    %get3A_1458 = arith.constant 0 : index
    %get3A_1459 = arith.constant 0 : index
    %get3A_1460 = vector.load %arg2[%get3A_1456, %get3A_1457, %get3A_1458, %get3A_1459] : memref<4x2x128x128xf32, #tpu.memory_space<vmem>>, vector<4x2x128x128xf32>
    %slice3A_1461 = vector.extract_strided_slice %get3A_1460 {offsets = [0, 1, 0, 0], sizes = [4, 1, 128, 128], strides = [1, 1, 1, 1]} : vector<4x2x128x128xf32> to vector<4x1x128x128xf32>
    %squeeze3A_1462 = vector.shape_cast %slice3A_1461 : vector<4x1x128x128xf32> to vector<4x128x128xf32>
    %slice3A_1463 = vector.extract_strided_slice %get3A_1460 {offsets = [0, 0, 0, 0], sizes = [4, 1, 128, 128], strides = [1, 1, 1, 1]} : vector<4x2x128x128xf32> to vector<4x1x128x128xf32>
    %squeeze3A_1464 = vector.shape_cast %slice3A_1463 : vector<4x1x128x128xf32> to vector<4x128x128xf32>
    %sub3A_1465 = arith.subf %squeeze3A_1462, %squeeze3A_1464 : vector<4x128x128xf32>
    %logistic3A = arith.negf %sub3A_1465 : vector<4x128x128xf32>
    %logistic3A_1466 = math.exp %logistic3A : vector<4x128x128xf32>
    %logistic3A_1467 = arith.constant 1.000000e+00 : f32
    %logistic3A_1468 = vector.broadcast %logistic3A_1467 : f32 to vector<4x128x128xf32>
    %logistic3A_1469 = arith.addf %logistic3A_1468, %logistic3A_1466 : vector<4x128x128xf32>
    %logistic3A_1470 = arith.divf %logistic3A_1468, %logistic3A_1469 : vector<4x128x128xf32>
    %le3A = arith.constant 0 : i32
    %le3A_1471 = vector.broadcast %le3A : i32 to vector<4x128x128xi32>
    %le3A_1472 = arith.cmpi sle, %convert_element_type3A, %le3A_1471 : vector<4x128x128xi32>
    %lt3A_1473 = arith.constant 0.00999999977 : f32
    %lt3A_1474 = vector.broadcast %lt3A_1473 : f32 to vector<4x128x128xf32>
    %lt3A_1475 = arith.cmpf olt, %logistic3A_1470, %lt3A_1474 : vector<4x128x128xf32>
    %and3A = arith.andi %le3A_1472, %lt3A_1475 : vector<4x128x128xi1>
    %or3A = arith.ori %gt3A_1304, %and3A : vector<4x128x128xi1>
    %not3A = arith.constant dense<true> : vector<128x128xi1>
    %not3A_1476 = arith.xori %lt3A_4, %not3A : vector<128x128xi1>
    %broadcast_in_dim3A_1477 = vector.shape_cast %not3A_1476 : vector<128x128xi1> to vector<1x128x128xi1>
    %or3A_1478 = vector.broadcast %broadcast_in_dim3A_1477 : vector<1x128x128xi1> to vector<4x128x128xi1>
    %or3A_1479 = arith.ori %or3A, %or3A_1478 : vector<4x128x128xi1>
    %jit3A_1480 = arith.constant 0.000000e+00 : f32
    %broadcast_in_dim3A_1481 = vector.broadcast %jit3A_1480 : f32 to vector<4x128x128xf32>
    %select_n3A_1482 = arith.select %or3A_1479, %broadcast_in_dim3A_1481, %sub3A_1455 : vector<4x128x128xi1>, vector<4x128x128xf32>
    %convert_element_type3A_1483 = arith.extui %gt3A_1304 : vector<4x128x128xi1> to vector<4x128x128xi32>
    %convert_element_type3A_1484 = arith.sitofp %convert_element_type3A_1483 : vector<4x128x128xi32> to vector<4x128x128xf32>
    %slice3A_1485 = vector.extract_strided_slice %convert_element_type3A_1484 {offsets = [0, 0, 0], sizes = [1, 128, 128], strides = [1, 1, 1]} : vector<4x128x128xf32> to vector<1x128x128xf32>
    %squeeze3A_1486 = vector.shape_cast %slice3A_1485 : vector<1x128x128xf32> to vector<128x128xf32>
    %reduce_sum3A_1487 = vector.shape_cast %squeeze3A_1486 : vector<128x128xf32> to vector<1x128x128xf32>
    %reduce_sum3A_1488 = arith.constant dense<0.000000e+00> : vector<1xf32>
    %reduce_sum3A_1489 = vector.multi_reduction <add>, %reduce_sum3A_1487, %reduce_sum3A_1488 [1, 2] : vector<1x128x128xf32> to vector<1xf32>
    %reduce_sum3A_1490 = vector.shape_cast %reduce_sum3A_1489 : vector<1xf32> to vector<1x1x1xf32>
    %reduce_sum3A_1491 = vector.extract %reduce_sum3A_1490[0, 0, 0] : f32 from vector<1x1x1xf32>
    %slice3A_1492 = vector.extract_strided_slice %convert_element_type3A_1484 {offsets = [1, 0, 0], sizes = [1, 128, 128], strides = [1, 1, 1]} : vector<4x128x128xf32> to vector<1x128x128xf32>
    %squeeze3A_1493 = vector.shape_cast %slice3A_1492 : vector<1x128x128xf32> to vector<128x128xf32>
    %reduce_sum3A_1494 = vector.shape_cast %squeeze3A_1493 : vector<128x128xf32> to vector<1x128x128xf32>
    %reduce_sum3A_1495 = arith.constant dense<0.000000e+00> : vector<1xf32>
    %reduce_sum3A_1496 = vector.multi_reduction <add>, %reduce_sum3A_1494, %reduce_sum3A_1495 [1, 2] : vector<1x128x128xf32> to vector<1xf32>
    %reduce_sum3A_1497 = vector.shape_cast %reduce_sum3A_1496 : vector<1xf32> to vector<1x1x1xf32>
    %reduce_sum3A_1498 = vector.extract %reduce_sum3A_1497[0, 0, 0] : f32 from vector<1x1x1xf32>
    %slice3A_1499 = vector.extract_strided_slice %convert_element_type3A_1484 {offsets = [2, 0, 0], sizes = [1, 128, 128], strides = [1, 1, 1]} : vector<4x128x128xf32> to vector<1x128x128xf32>
    %squeeze3A_1500 = vector.shape_cast %slice3A_1499 : vector<1x128x128xf32> to vector<128x128xf32>
    %reduce_sum3A_1501 = vector.shape_cast %squeeze3A_1500 : vector<128x128xf32> to vector<1x128x128xf32>
    %reduce_sum3A_1502 = arith.constant dense<0.000000e+00> : vector<1xf32>
    %reduce_sum3A_1503 = vector.multi_reduction <add>, %reduce_sum3A_1501, %reduce_sum3A_1502 [1, 2] : vector<1x128x128xf32> to vector<1xf32>
    %reduce_sum3A_1504 = vector.shape_cast %reduce_sum3A_1503 : vector<1xf32> to vector<1x1x1xf32>
    %reduce_sum3A_1505 = vector.extract %reduce_sum3A_1504[0, 0, 0] : f32 from vector<1x1x1xf32>
    %slice3A_1506 = vector.extract_strided_slice %convert_element_type3A_1484 {offsets = [3, 0, 0], sizes = [1, 128, 128], strides = [1, 1, 1]} : vector<4x128x128xf32> to vector<1x128x128xf32>
    %squeeze3A_1507 = vector.shape_cast %slice3A_1506 : vector<1x128x128xf32> to vector<128x128xf32>
    %reduce_sum3A_1508 = vector.shape_cast %squeeze3A_1507 : vector<128x128xf32> to vector<1x128x128xf32>
    %reduce_sum3A_1509 = arith.constant dense<0.000000e+00> : vector<1xf32>
    %reduce_sum3A_1510 = vector.multi_reduction <add>, %reduce_sum3A_1508, %reduce_sum3A_1509 [1, 2] : vector<1x128x128xf32> to vector<1xf32>
    %reduce_sum3A_1511 = vector.shape_cast %reduce_sum3A_1510 : vector<1xf32> to vector<1x1x1xf32>
    %reduce_sum3A_1512 = vector.extract %reduce_sum3A_1511[0, 0, 0] : f32 from vector<1x1x1xf32>
    %gt3A_1513 = arith.constant 0.000000e+00 : f32
    %gt3A_1514 = vector.broadcast %gt3A_1513 : f32 to vector<4x128x128xf32>
    %gt3A_1515 = arith.cmpf ogt, %select_n3A_1482, %gt3A_1514 : vector<4x128x128xf32>
    %convert_element_type3A_1516 = arith.extui %gt3A_1515 : vector<4x128x128xi1> to vector<4x128x128xi32>
    %convert_element_type3A_1517 = arith.sitofp %convert_element_type3A_1516 : vector<4x128x128xi32> to vector<4x128x128xf32>
    %slice3A_1518 = vector.extract_strided_slice %convert_element_type3A_1517 {offsets = [0, 0, 0], sizes = [1, 128, 128], strides = [1, 1, 1]} : vector<4x128x128xf32> to vector<1x128x128xf32>
    %squeeze3A_1519 = vector.shape_cast %slice3A_1518 : vector<1x128x128xf32> to vector<128x128xf32>
    %reduce_sum3A_1520 = vector.shape_cast %squeeze3A_1519 : vector<128x128xf32> to vector<1x128x128xf32>
    %reduce_sum3A_1521 = arith.constant dense<0.000000e+00> : vector<1xf32>
    %reduce_sum3A_1522 = vector.multi_reduction <add>, %reduce_sum3A_1520, %reduce_sum3A_1521 [1, 2] : vector<1x128x128xf32> to vector<1xf32>
    %reduce_sum3A_1523 = vector.shape_cast %reduce_sum3A_1522 : vector<1xf32> to vector<1x1x1xf32>
    %reduce_sum3A_1524 = vector.extract %reduce_sum3A_1523[0, 0, 0] : f32 from vector<1x1x1xf32>
    %slice3A_1525 = vector.extract_strided_slice %convert_element_type3A_1517 {offsets = [1, 0, 0], sizes = [1, 128, 128], strides = [1, 1, 1]} : vector<4x128x128xf32> to vector<1x128x128xf32>
    %squeeze3A_1526 = vector.shape_cast %slice3A_1525 : vector<1x128x128xf32> to vector<128x128xf32>
    %reduce_sum3A_1527 = vector.shape_cast %squeeze3A_1526 : vector<128x128xf32> to vector<1x128x128xf32>
    %reduce_sum3A_1528 = arith.constant dense<0.000000e+00> : vector<1xf32>
    %reduce_sum3A_1529 = vector.multi_reduction <add>, %reduce_sum3A_1527, %reduce_sum3A_1528 [1, 2] : vector<1x128x128xf32> to vector<1xf32>
    %reduce_sum3A_1530 = vector.shape_cast %reduce_sum3A_1529 : vector<1xf32> to vector<1x1x1xf32>
    %reduce_sum3A_1531 = vector.extract %reduce_sum3A_1530[0, 0, 0] : f32 from vector<1x1x1xf32>
    %slice3A_1532 = vector.extract_strided_slice %convert_element_type3A_1517 {offsets = [2, 0, 0], sizes = [1, 128, 128], strides = [1, 1, 1]} : vector<4x128x128xf32> to vector<1x128x128xf32>
    %squeeze3A_1533 = vector.shape_cast %slice3A_1532 : vector<1x128x128xf32> to vector<128x128xf32>
    %reduce_sum3A_1534 = vector.shape_cast %squeeze3A_1533 : vector<128x128xf32> to vector<1x128x128xf32>
    %reduce_sum3A_1535 = arith.constant dense<0.000000e+00> : vector<1xf32>
    %reduce_sum3A_1536 = vector.multi_reduction <add>, %reduce_sum3A_1534, %reduce_sum3A_1535 [1, 2] : vector<1x128x128xf32> to vector<1xf32>
    %reduce_sum3A_1537 = vector.shape_cast %reduce_sum3A_1536 : vector<1xf32> to vector<1x1x1xf32>
    %reduce_sum3A_1538 = vector.extract %reduce_sum3A_1537[0, 0, 0] : f32 from vector<1x1x1xf32>
    %slice3A_1539 = vector.extract_strided_slice %convert_element_type3A_1517 {offsets = [3, 0, 0], sizes = [1, 128, 128], strides = [1, 1, 1]} : vector<4x128x128xf32> to vector<1x128x128xf32>
    %squeeze3A_1540 = vector.shape_cast %slice3A_1539 : vector<1x128x128xf32> to vector<128x128xf32>
    %reduce_sum3A_1541 = vector.shape_cast %squeeze3A_1540 : vector<128x128xf32> to vector<1x128x128xf32>
    %reduce_sum3A_1542 = arith.constant dense<0.000000e+00> : vector<1xf32>
    %reduce_sum3A_1543 = vector.multi_reduction <add>, %reduce_sum3A_1541, %reduce_sum3A_1542 [1, 2] : vector<1x128x128xf32> to vector<1xf32>
    %reduce_sum3A_1544 = vector.shape_cast %reduce_sum3A_1543 : vector<1xf32> to vector<1x1x1xf32>
    %reduce_sum3A_1545 = vector.extract %reduce_sum3A_1544[0, 0, 0] : f32 from vector<1x1x1xf32>
    %mul3A_1546 = arith.constant 3.000000e+00 : f32
    %mul3A_1547 = arith.mulf %mul3A_1546, %reduce_sum3A_1491 : f32
    %min3A_1548 = arith.minimumf %mul3A_1547, %reduce_sum3A_1524 : f32
    %mul3A_1549 = arith.constant 3.000000e+00 : f32
    %mul3A_1550 = arith.mulf %mul3A_1549, %reduce_sum3A_1498 : f32
    %min3A_1551 = arith.minimumf %mul3A_1550, %reduce_sum3A_1531 : f32
    %mul3A_1552 = arith.constant 3.000000e+00 : f32
    %mul3A_1553 = arith.mulf %mul3A_1552, %reduce_sum3A_1505 : f32
    %min3A_1554 = arith.minimumf %mul3A_1553, %reduce_sum3A_1538 : f32
    %mul3A_1555 = arith.constant 3.000000e+00 : f32
    %mul3A_1556 = arith.mulf %mul3A_1555, %reduce_sum3A_1512 : f32
    %min3A_1557 = arith.minimumf %mul3A_1556, %reduce_sum3A_1545 : f32
    %slice3A_1558 = vector.extract_strided_slice %select_n3A_1482 {offsets = [0, 0, 0], sizes = [1, 128, 128], strides = [1, 1, 1]} : vector<4x128x128xf32> to vector<1x128x128xf32>
    %squeeze3A_1559 = vector.shape_cast %slice3A_1558 : vector<1x128x128xf32> to vector<128x128xf32>
    %reduce_max3A_1560 = vector.shape_cast %squeeze3A_1559 : vector<128x128xf32> to vector<1x128x128xf32>
    %reduce_max3A_1561 = arith.constant dense<0xFF800000> : vector<1xf32>
    %reduce_max3A_1562 = vector.multi_reduction <maximumf>, %reduce_max3A_1560, %reduce_max3A_1561 [1, 2] : vector<1x128x128xf32> to vector<1xf32>
    %reduce_max3A_1563 = vector.shape_cast %reduce_max3A_1562 : vector<1xf32> to vector<1x1x1xf32>
    %reduce_max3A_1564 = vector.extract %reduce_max3A_1563[0, 0, 0] : f32 from vector<1x1x1xf32>
    %slice3A_1565 = vector.extract_strided_slice %select_n3A_1482 {offsets = [1, 0, 0], sizes = [1, 128, 128], strides = [1, 1, 1]} : vector<4x128x128xf32> to vector<1x128x128xf32>
    %squeeze3A_1566 = vector.shape_cast %slice3A_1565 : vector<1x128x128xf32> to vector<128x128xf32>
    %reduce_max3A_1567 = vector.shape_cast %squeeze3A_1566 : vector<128x128xf32> to vector<1x128x128xf32>
    %reduce_max3A_1568 = arith.constant dense<0xFF800000> : vector<1xf32>
    %reduce_max3A_1569 = vector.multi_reduction <maximumf>, %reduce_max3A_1567, %reduce_max3A_1568 [1, 2] : vector<1x128x128xf32> to vector<1xf32>
    %reduce_max3A_1570 = vector.shape_cast %reduce_max3A_1569 : vector<1xf32> to vector<1x1x1xf32>
    %reduce_max3A_1571 = vector.extract %reduce_max3A_1570[0, 0, 0] : f32 from vector<1x1x1xf32>
    %slice3A_1572 = vector.extract_strided_slice %select_n3A_1482 {offsets = [2, 0, 0], sizes = [1, 128, 128], strides = [1, 1, 1]} : vector<4x128x128xf32> to vector<1x128x128xf32>
    %squeeze3A_1573 = vector.shape_cast %slice3A_1572 : vector<1x128x128xf32> to vector<128x128xf32>
    %reduce_max3A_1574 = vector.shape_cast %squeeze3A_1573 : vector<128x128xf32> to vector<1x128x128xf32>
    %reduce_max3A_1575 = arith.constant dense<0xFF800000> : vector<1xf32>
    %reduce_max3A_1576 = vector.multi_reduction <maximumf>, %reduce_max3A_1574, %reduce_max3A_1575 [1, 2] : vector<1x128x128xf32> to vector<1xf32>
    %reduce_max3A_1577 = vector.shape_cast %reduce_max3A_1576 : vector<1xf32> to vector<1x1x1xf32>
    %reduce_max3A_1578 = vector.extract %reduce_max3A_1577[0, 0, 0] : f32 from vector<1x1x1xf32>
    %slice3A_1579 = vector.extract_strided_slice %select_n3A_1482 {offsets = [3, 0, 0], sizes = [1, 128, 128], strides = [1, 1, 1]} : vector<4x128x128xf32> to vector<1x128x128xf32>
    %squeeze3A_1580 = vector.shape_cast %slice3A_1579 : vector<1x128x128xf32> to vector<128x128xf32>
    %reduce_max3A_1581 = vector.shape_cast %squeeze3A_1580 : vector<128x128xf32> to vector<1x128x128xf32>
    %reduce_max3A_1582 = arith.constant dense<0xFF800000> : vector<1xf32>
    %reduce_max3A_1583 = vector.multi_reduction <maximumf>, %reduce_max3A_1581, %reduce_max3A_1582 [1, 2] : vector<1x128x128xf32> to vector<1xf32>
    %reduce_max3A_1584 = vector.shape_cast %reduce_max3A_1583 : vector<1xf32> to vector<1x1x1xf32>
    %reduce_max3A_1585 = vector.extract %reduce_max3A_1584[0, 0, 0] : f32 from vector<1x1x1xf32>
    %add3A_1586 = arith.constant 0.000000e+00 : f32
    %add3A_1587 = arith.addf %add3A_1586, %reduce_max3A_1564 : f32
    %mul3A_1588 = arith.constant 5.000000e-01 : f32
    %mul3A_1589 = arith.mulf %mul3A_1588, %add3A_1587 : f32
    %add3A_1590 = arith.constant 0.000000e+00 : f32
    %add3A_1591 = arith.addf %add3A_1590, %reduce_max3A_1571 : f32
    %mul3A_1592 = arith.constant 5.000000e-01 : f32
    %mul3A_1593 = arith.mulf %mul3A_1592, %add3A_1591 : f32
    %add3A_1594 = arith.constant 0.000000e+00 : f32
    %add3A_1595 = arith.addf %add3A_1594, %reduce_max3A_1578 : f32
    %mul3A_1596 = arith.constant 5.000000e-01 : f32
    %mul3A_1597 = arith.mulf %mul3A_1596, %add3A_1595 : f32
    %add3A_1598 = arith.constant 0.000000e+00 : f32
    %add3A_1599 = arith.addf %add3A_1598, %reduce_max3A_1585 : f32
    %mul3A_1600 = arith.constant 5.000000e-01 : f32
    %mul3A_1601 = arith.mulf %mul3A_1600, %add3A_1599 : f32
    %slice3A_1602 = vector.extract_strided_slice %select_n3A_1482 {offsets = [0, 0, 0], sizes = [1, 128, 128], strides = [1, 1, 1]} : vector<4x128x128xf32> to vector<1x128x128xf32>
    %squeeze3A_1603 = vector.shape_cast %slice3A_1602 : vector<1x128x128xf32> to vector<128x128xf32>
    %ge3A = vector.broadcast %mul3A_1589 : f32 to vector<128x128xf32>
    %ge3A_1604 = arith.cmpf oge, %squeeze3A_1603, %ge3A : vector<128x128xf32>
    %convert_element_type3A_1605 = arith.extui %ge3A_1604 : vector<128x128xi1> to vector<128x128xi32>
    %convert_element_type3A_1606 = arith.sitofp %convert_element_type3A_1605 : vector<128x128xi32> to vector<128x128xf32>
    %reduce_sum3A_1607 = vector.shape_cast %convert_element_type3A_1606 : vector<128x128xf32> to vector<1x128x128xf32>
    %reduce_sum3A_1608 = arith.constant dense<0.000000e+00> : vector<1xf32>
    %reduce_sum3A_1609 = vector.multi_reduction <add>, %reduce_sum3A_1607, %reduce_sum3A_1608 [1, 2] : vector<1x128x128xf32> to vector<1xf32>
    %reduce_sum3A_1610 = vector.shape_cast %reduce_sum3A_1609 : vector<1xf32> to vector<1x1x1xf32>
    %reduce_sum3A_1611 = vector.extract %reduce_sum3A_1610[0, 0, 0] : f32 from vector<1x1x1xf32>
    %slice3A_1612 = vector.extract_strided_slice %select_n3A_1482 {offsets = [1, 0, 0], sizes = [1, 128, 128], strides = [1, 1, 1]} : vector<4x128x128xf32> to vector<1x128x128xf32>
    %squeeze3A_1613 = vector.shape_cast %slice3A_1612 : vector<1x128x128xf32> to vector<128x128xf32>
    %ge3A_1614 = vector.broadcast %mul3A_1593 : f32 to vector<128x128xf32>
    %ge3A_1615 = arith.cmpf oge, %squeeze3A_1613, %ge3A_1614 : vector<128x128xf32>
    %convert_element_type3A_1616 = arith.extui %ge3A_1615 : vector<128x128xi1> to vector<128x128xi32>
    %convert_element_type3A_1617 = arith.sitofp %convert_element_type3A_1616 : vector<128x128xi32> to vector<128x128xf32>
    %reduce_sum3A_1618 = vector.shape_cast %convert_element_type3A_1617 : vector<128x128xf32> to vector<1x128x128xf32>
    %reduce_sum3A_1619 = arith.constant dense<0.000000e+00> : vector<1xf32>
    %reduce_sum3A_1620 = vector.multi_reduction <add>, %reduce_sum3A_1618, %reduce_sum3A_1619 [1, 2] : vector<1x128x128xf32> to vector<1xf32>
    %reduce_sum3A_1621 = vector.shape_cast %reduce_sum3A_1620 : vector<1xf32> to vector<1x1x1xf32>
    %reduce_sum3A_1622 = vector.extract %reduce_sum3A_1621[0, 0, 0] : f32 from vector<1x1x1xf32>
    %slice3A_1623 = vector.extract_strided_slice %select_n3A_1482 {offsets = [2, 0, 0], sizes = [1, 128, 128], strides = [1, 1, 1]} : vector<4x128x128xf32> to vector<1x128x128xf32>
    %squeeze3A_1624 = vector.shape_cast %slice3A_1623 : vector<1x128x128xf32> to vector<128x128xf32>
    %ge3A_1625 = vector.broadcast %mul3A_1597 : f32 to vector<128x128xf32>
    %ge3A_1626 = arith.cmpf oge, %squeeze3A_1624, %ge3A_1625 : vector<128x128xf32>
    %convert_element_type3A_1627 = arith.extui %ge3A_1626 : vector<128x128xi1> to vector<128x128xi32>
    %convert_element_type3A_1628 = arith.sitofp %convert_element_type3A_1627 : vector<128x128xi32> to vector<128x128xf32>
    %reduce_sum3A_1629 = vector.shape_cast %convert_element_type3A_1628 : vector<128x128xf32> to vector<1x128x128xf32>
    %reduce_sum3A_1630 = arith.constant dense<0.000000e+00> : vector<1xf32>
    %reduce_sum3A_1631 = vector.multi_reduction <add>, %reduce_sum3A_1629, %reduce_sum3A_1630 [1, 2] : vector<1x128x128xf32> to vector<1xf32>
    %reduce_sum3A_1632 = vector.shape_cast %reduce_sum3A_1631 : vector<1xf32> to vector<1x1x1xf32>
    %reduce_sum3A_1633 = vector.extract %reduce_sum3A_1632[0, 0, 0] : f32 from vector<1x1x1xf32>
    %slice3A_1634 = vector.extract_strided_slice %select_n3A_1482 {offsets = [3, 0, 0], sizes = [1, 128, 128], strides = [1, 1, 1]} : vector<4x128x128xf32> to vector<1x128x128xf32>
    %squeeze3A_1635 = vector.shape_cast %slice3A_1634 : vector<1x128x128xf32> to vector<128x128xf32>
    %ge3A_1636 = vector.broadcast %mul3A_1601 : f32 to vector<128x128xf32>
    %ge3A_1637 = arith.cmpf oge, %squeeze3A_1635, %ge3A_1636 : vector<128x128xf32>
    %convert_element_type3A_1638 = arith.extui %ge3A_1637 : vector<128x128xi1> to vector<128x128xi32>
    %convert_element_type3A_1639 = arith.sitofp %convert_element_type3A_1638 : vector<128x128xi32> to vector<128x128xf32>
    %reduce_sum3A_1640 = vector.shape_cast %convert_element_type3A_1639 : vector<128x128xf32> to vector<1x128x128xf32>
    %reduce_sum3A_1641 = arith.constant dense<0.000000e+00> : vector<1xf32>
    %reduce_sum3A_1642 = vector.multi_reduction <add>, %reduce_sum3A_1640, %reduce_sum3A_1641 [1, 2] : vector<1x128x128xf32> to vector<1xf32>
    %reduce_sum3A_1643 = vector.shape_cast %reduce_sum3A_1642 : vector<1xf32> to vector<1x1x1xf32>
    %reduce_sum3A_1644 = vector.extract %reduce_sum3A_1643[0, 0, 0] : f32 from vector<1x1x1xf32>
    %ge3A_1645 = arith.cmpf oge, %reduce_sum3A_1611, %min3A_1548 : f32
    %ge3A_1646 = arith.cmpf oge, %reduce_sum3A_1622, %min3A_1551 : f32
    %ge3A_1647 = arith.cmpf oge, %reduce_sum3A_1633, %min3A_1554 : f32
    %ge3A_1648 = arith.cmpf oge, %reduce_sum3A_1644, %min3A_1557 : f32
    %jit3A_1649 = arith.constant 0.000000e+00 : f32
    %select_n3A_1650 = arith.select %ge3A_1645, %mul3A_1589, %jit3A_1649 : f32
    %jit3A_1651 = arith.constant 0.000000e+00 : f32
    %select_n3A_1652 = arith.select %ge3A_1646, %mul3A_1593, %jit3A_1651 : f32
    %jit3A_1653 = arith.constant 0.000000e+00 : f32
    %select_n3A_1654 = arith.select %ge3A_1647, %mul3A_1597, %jit3A_1653 : f32
    %jit3A_1655 = arith.constant 0.000000e+00 : f32
    %select_n3A_1656 = arith.select %ge3A_1648, %mul3A_1601, %jit3A_1655 : f32
    %select_n3A_1657 = arith.select %ge3A_1645, %reduce_max3A_1564, %mul3A_1589 : f32
    %select_n3A_1658 = arith.select %ge3A_1646, %reduce_max3A_1571, %mul3A_1593 : f32
    %select_n3A_1659 = arith.select %ge3A_1647, %reduce_max3A_1578, %mul3A_1597 : f32
    %select_n3A_1660 = arith.select %ge3A_1648, %reduce_max3A_1585, %mul3A_1601 : f32
    %add3A_1661 = arith.addf %select_n3A_1650, %select_n3A_1657 : f32
    %mul3A_1662 = arith.constant 5.000000e-01 : f32
    %mul3A_1663 = arith.mulf %mul3A_1662, %add3A_1661 : f32
    %add3A_1664 = arith.addf %select_n3A_1652, %select_n3A_1658 : f32
    %mul3A_1665 = arith.constant 5.000000e-01 : f32
    %mul3A_1666 = arith.mulf %mul3A_1665, %add3A_1664 : f32
    %add3A_1667 = arith.addf %select_n3A_1654, %select_n3A_1659 : f32
    %mul3A_1668 = arith.constant 5.000000e-01 : f32
    %mul3A_1669 = arith.mulf %mul3A_1668, %add3A_1667 : f32
    %add3A_1670 = arith.addf %select_n3A_1656, %select_n3A_1660 : f32
    %mul3A_1671 = arith.constant 5.000000e-01 : f32
    %mul3A_1672 = arith.mulf %mul3A_1671, %add3A_1670 : f32
    %slice3A_1673 = vector.extract_strided_slice %select_n3A_1482 {offsets = [0, 0, 0], sizes = [1, 128, 128], strides = [1, 1, 1]} : vector<4x128x128xf32> to vector<1x128x128xf32>
    %squeeze3A_1674 = vector.shape_cast %slice3A_1673 : vector<1x128x128xf32> to vector<128x128xf32>
    %ge3A_1675 = vector.broadcast %mul3A_1663 : f32 to vector<128x128xf32>
    %ge3A_1676 = arith.cmpf oge, %squeeze3A_1674, %ge3A_1675 : vector<128x128xf32>
    %convert_element_type3A_1677 = arith.extui %ge3A_1676 : vector<128x128xi1> to vector<128x128xi32>
    %convert_element_type3A_1678 = arith.sitofp %convert_element_type3A_1677 : vector<128x128xi32> to vector<128x128xf32>
    %reduce_sum3A_1679 = vector.shape_cast %convert_element_type3A_1678 : vector<128x128xf32> to vector<1x128x128xf32>
    %reduce_sum3A_1680 = arith.constant dense<0.000000e+00> : vector<1xf32>
    %reduce_sum3A_1681 = vector.multi_reduction <add>, %reduce_sum3A_1679, %reduce_sum3A_1680 [1, 2] : vector<1x128x128xf32> to vector<1xf32>
    %reduce_sum3A_1682 = vector.shape_cast %reduce_sum3A_1681 : vector<1xf32> to vector<1x1x1xf32>
    %reduce_sum3A_1683 = vector.extract %reduce_sum3A_1682[0, 0, 0] : f32 from vector<1x1x1xf32>
    %slice3A_1684 = vector.extract_strided_slice %select_n3A_1482 {offsets = [1, 0, 0], sizes = [1, 128, 128], strides = [1, 1, 1]} : vector<4x128x128xf32> to vector<1x128x128xf32>
    %squeeze3A_1685 = vector.shape_cast %slice3A_1684 : vector<1x128x128xf32> to vector<128x128xf32>
    %ge3A_1686 = vector.broadcast %mul3A_1666 : f32 to vector<128x128xf32>
    %ge3A_1687 = arith.cmpf oge, %squeeze3A_1685, %ge3A_1686 : vector<128x128xf32>
    %convert_element_type3A_1688 = arith.extui %ge3A_1687 : vector<128x128xi1> to vector<128x128xi32>
    %convert_element_type3A_1689 = arith.sitofp %convert_element_type3A_1688 : vector<128x128xi32> to vector<128x128xf32>
    %reduce_sum3A_1690 = vector.shape_cast %convert_element_type3A_1689 : vector<128x128xf32> to vector<1x128x128xf32>
    %reduce_sum3A_1691 = arith.constant dense<0.000000e+00> : vector<1xf32>
    %reduce_sum3A_1692 = vector.multi_reduction <add>, %reduce_sum3A_1690, %reduce_sum3A_1691 [1, 2] : vector<1x128x128xf32> to vector<1xf32>
    %reduce_sum3A_1693 = vector.shape_cast %reduce_sum3A_1692 : vector<1xf32> to vector<1x1x1xf32>
    %reduce_sum3A_1694 = vector.extract %reduce_sum3A_1693[0, 0, 0] : f32 from vector<1x1x1xf32>
    %slice3A_1695 = vector.extract_strided_slice %select_n3A_1482 {offsets = [2, 0, 0], sizes = [1, 128, 128], strides = [1, 1, 1]} : vector<4x128x128xf32> to vector<1x128x128xf32>
    %squeeze3A_1696 = vector.shape_cast %slice3A_1695 : vector<1x128x128xf32> to vector<128x128xf32>
    %ge3A_1697 = vector.broadcast %mul3A_1669 : f32 to vector<128x128xf32>
    %ge3A_1698 = arith.cmpf oge, %squeeze3A_1696, %ge3A_1697 : vector<128x128xf32>
    %convert_element_type3A_1699 = arith.extui %ge3A_1698 : vector<128x128xi1> to vector<128x128xi32>
    %convert_element_type3A_1700 = arith.sitofp %convert_element_type3A_1699 : vector<128x128xi32> to vector<128x128xf32>
    %reduce_sum3A_1701 = vector.shape_cast %convert_element_type3A_1700 : vector<128x128xf32> to vector<1x128x128xf32>
    %reduce_sum3A_1702 = arith.constant dense<0.000000e+00> : vector<1xf32>
    %reduce_sum3A_1703 = vector.multi_reduction <add>, %reduce_sum3A_1701, %reduce_sum3A_1702 [1, 2] : vector<1x128x128xf32> to vector<1xf32>
    %reduce_sum3A_1704 = vector.shape_cast %reduce_sum3A_1703 : vector<1xf32> to vector<1x1x1xf32>
    %reduce_sum3A_1705 = vector.extract %reduce_sum3A_1704[0, 0, 0] : f32 from vector<1x1x1xf32>
    %slice3A_1706 = vector.extract_strided_slice %select_n3A_1482 {offsets = [3, 0, 0], sizes = [1, 128, 128], strides = [1, 1, 1]} : vector<4x128x128xf32> to vector<1x128x128xf32>
    %squeeze3A_1707 = vector.shape_cast %slice3A_1706 : vector<1x128x128xf32> to vector<128x128xf32>
    %ge3A_1708 = vector.broadcast %mul3A_1672 : f32 to vector<128x128xf32>
    %ge3A_1709 = arith.cmpf oge, %squeeze3A_1707, %ge3A_1708 : vector<128x128xf32>
    %convert_element_type3A_1710 = arith.extui %ge3A_1709 : vector<128x128xi1> to vector<128x128xi32>
    %convert_element_type3A_1711 = arith.sitofp %convert_element_type3A_1710 : vector<128x128xi32> to vector<128x128xf32>
    %reduce_sum3A_1712 = vector.shape_cast %convert_element_type3A_1711 : vector<128x128xf32> to vector<1x128x128xf32>
    %reduce_sum3A_1713 = arith.constant dense<0.000000e+00> : vector<1xf32>
    %reduce_sum3A_1714 = vector.multi_reduction <add>, %reduce_sum3A_1712, %reduce_sum3A_1713 [1, 2] : vector<1x128x128xf32> to vector<1xf32>
    %reduce_sum3A_1715 = vector.shape_cast %reduce_sum3A_1714 : vector<1xf32> to vector<1x1x1xf32>
    %reduce_sum3A_1716 = vector.extract %reduce_sum3A_1715[0, 0, 0] : f32 from vector<1x1x1xf32>
    %ge3A_1717 = arith.cmpf oge, %reduce_sum3A_1683, %min3A_1548 : f32
    %ge3A_1718 = arith.cmpf oge, %reduce_sum3A_1694, %min3A_1551 : f32
    %ge3A_1719 = arith.cmpf oge, %reduce_sum3A_1705, %min3A_1554 : f32
    %ge3A_1720 = arith.cmpf oge, %reduce_sum3A_1716, %min3A_1557 : f32
    %select_n3A_1721 = arith.select %ge3A_1717, %mul3A_1663, %select_n3A_1650 : f32
    %select_n3A_1722 = arith.select %ge3A_1718, %mul3A_1666, %select_n3A_1652 : f32
    %select_n3A_1723 = arith.select %ge3A_1719, %mul3A_1669, %select_n3A_1654 : f32
    %select_n3A_1724 = arith.select %ge3A_1720, %mul3A_1672, %select_n3A_1656 : f32
    %select_n3A_1725 = arith.select %ge3A_1717, %select_n3A_1657, %mul3A_1663 : f32
    %select_n3A_1726 = arith.select %ge3A_1718, %select_n3A_1658, %mul3A_1666 : f32
    %select_n3A_1727 = arith.select %ge3A_1719, %select_n3A_1659, %mul3A_1669 : f32
    %select_n3A_1728 = arith.select %ge3A_1720, %select_n3A_1660, %mul3A_1672 : f32
    %add3A_1729 = arith.addf %select_n3A_1721, %select_n3A_1725 : f32
    %mul3A_1730 = arith.constant 5.000000e-01 : f32
    %mul3A_1731 = arith.mulf %mul3A_1730, %add3A_1729 : f32
    %add3A_1732 = arith.addf %select_n3A_1722, %select_n3A_1726 : f32
    %mul3A_1733 = arith.constant 5.000000e-01 : f32
    %mul3A_1734 = arith.mulf %mul3A_1733, %add3A_1732 : f32
    %add3A_1735 = arith.addf %select_n3A_1723, %select_n3A_1727 : f32
    %mul3A_1736 = arith.constant 5.000000e-01 : f32
    %mul3A_1737 = arith.mulf %mul3A_1736, %add3A_1735 : f32
    %add3A_1738 = arith.addf %select_n3A_1724, %select_n3A_1728 : f32
    %mul3A_1739 = arith.constant 5.000000e-01 : f32
    %mul3A_1740 = arith.mulf %mul3A_1739, %add3A_1738 : f32
    %slice3A_1741 = vector.extract_strided_slice %select_n3A_1482 {offsets = [0, 0, 0], sizes = [1, 128, 128], strides = [1, 1, 1]} : vector<4x128x128xf32> to vector<1x128x128xf32>
    %squeeze3A_1742 = vector.shape_cast %slice3A_1741 : vector<1x128x128xf32> to vector<128x128xf32>
    %ge3A_1743 = vector.broadcast %mul3A_1731 : f32 to vector<128x128xf32>
    %ge3A_1744 = arith.cmpf oge, %squeeze3A_1742, %ge3A_1743 : vector<128x128xf32>
    %convert_element_type3A_1745 = arith.extui %ge3A_1744 : vector<128x128xi1> to vector<128x128xi32>
    %convert_element_type3A_1746 = arith.sitofp %convert_element_type3A_1745 : vector<128x128xi32> to vector<128x128xf32>
    %reduce_sum3A_1747 = vector.shape_cast %convert_element_type3A_1746 : vector<128x128xf32> to vector<1x128x128xf32>
    %reduce_sum3A_1748 = arith.constant dense<0.000000e+00> : vector<1xf32>
    %reduce_sum3A_1749 = vector.multi_reduction <add>, %reduce_sum3A_1747, %reduce_sum3A_1748 [1, 2] : vector<1x128x128xf32> to vector<1xf32>
    %reduce_sum3A_1750 = vector.shape_cast %reduce_sum3A_1749 : vector<1xf32> to vector<1x1x1xf32>
    %reduce_sum3A_1751 = vector.extract %reduce_sum3A_1750[0, 0, 0] : f32 from vector<1x1x1xf32>
    %slice3A_1752 = vector.extract_strided_slice %select_n3A_1482 {offsets = [1, 0, 0], sizes = [1, 128, 128], strides = [1, 1, 1]} : vector<4x128x128xf32> to vector<1x128x128xf32>
    %squeeze3A_1753 = vector.shape_cast %slice3A_1752 : vector<1x128x128xf32> to vector<128x128xf32>
    %ge3A_1754 = vector.broadcast %mul3A_1734 : f32 to vector<128x128xf32>
    %ge3A_1755 = arith.cmpf oge, %squeeze3A_1753, %ge3A_1754 : vector<128x128xf32>
    %convert_element_type3A_1756 = arith.extui %ge3A_1755 : vector<128x128xi1> to vector<128x128xi32>
    %convert_element_type3A_1757 = arith.sitofp %convert_element_type3A_1756 : vector<128x128xi32> to vector<128x128xf32>
    %reduce_sum3A_1758 = vector.shape_cast %convert_element_type3A_1757 : vector<128x128xf32> to vector<1x128x128xf32>
    %reduce_sum3A_1759 = arith.constant dense<0.000000e+00> : vector<1xf32>
    %reduce_sum3A_1760 = vector.multi_reduction <add>, %reduce_sum3A_1758, %reduce_sum3A_1759 [1, 2] : vector<1x128x128xf32> to vector<1xf32>
    %reduce_sum3A_1761 = vector.shape_cast %reduce_sum3A_1760 : vector<1xf32> to vector<1x1x1xf32>
    %reduce_sum3A_1762 = vector.extract %reduce_sum3A_1761[0, 0, 0] : f32 from vector<1x1x1xf32>
    %slice3A_1763 = vector.extract_strided_slice %select_n3A_1482 {offsets = [2, 0, 0], sizes = [1, 128, 128], strides = [1, 1, 1]} : vector<4x128x128xf32> to vector<1x128x128xf32>
    %squeeze3A_1764 = vector.shape_cast %slice3A_1763 : vector<1x128x128xf32> to vector<128x128xf32>
    %ge3A_1765 = vector.broadcast %mul3A_1737 : f32 to vector<128x128xf32>
    %ge3A_1766 = arith.cmpf oge, %squeeze3A_1764, %ge3A_1765 : vector<128x128xf32>
    %convert_element_type3A_1767 = arith.extui %ge3A_1766 : vector<128x128xi1> to vector<128x128xi32>
    %convert_element_type3A_1768 = arith.sitofp %convert_element_type3A_1767 : vector<128x128xi32> to vector<128x128xf32>
    %reduce_sum3A_1769 = vector.shape_cast %convert_element_type3A_1768 : vector<128x128xf32> to vector<1x128x128xf32>
    %reduce_sum3A_1770 = arith.constant dense<0.000000e+00> : vector<1xf32>
    %reduce_sum3A_1771 = vector.multi_reduction <add>, %reduce_sum3A_1769, %reduce_sum3A_1770 [1, 2] : vector<1x128x128xf32> to vector<1xf32>
    %reduce_sum3A_1772 = vector.shape_cast %reduce_sum3A_1771 : vector<1xf32> to vector<1x1x1xf32>
    %reduce_sum3A_1773 = vector.extract %reduce_sum3A_1772[0, 0, 0] : f32 from vector<1x1x1xf32>
    %slice3A_1774 = vector.extract_strided_slice %select_n3A_1482 {offsets = [3, 0, 0], sizes = [1, 128, 128], strides = [1, 1, 1]} : vector<4x128x128xf32> to vector<1x128x128xf32>
    %squeeze3A_1775 = vector.shape_cast %slice3A_1774 : vector<1x128x128xf32> to vector<128x128xf32>
    %ge3A_1776 = vector.broadcast %mul3A_1740 : f32 to vector<128x128xf32>
    %ge3A_1777 = arith.cmpf oge, %squeeze3A_1775, %ge3A_1776 : vector<128x128xf32>
    %convert_element_type3A_1778 = arith.extui %ge3A_1777 : vector<128x128xi1> to vector<128x128xi32>
    %convert_element_type3A_1779 = arith.sitofp %convert_element_type3A_1778 : vector<128x128xi32> to vector<128x128xf32>
    %reduce_sum3A_1780 = vector.shape_cast %convert_element_type3A_1779 : vector<128x128xf32> to vector<1x128x128xf32>
    %reduce_sum3A_1781 = arith.constant dense<0.000000e+00> : vector<1xf32>
    %reduce_sum3A_1782 = vector.multi_reduction <add>, %reduce_sum3A_1780, %reduce_sum3A_1781 [1, 2] : vector<1x128x128xf32> to vector<1xf32>
    %reduce_sum3A_1783 = vector.shape_cast %reduce_sum3A_1782 : vector<1xf32> to vector<1x1x1xf32>
    %reduce_sum3A_1784 = vector.extract %reduce_sum3A_1783[0, 0, 0] : f32 from vector<1x1x1xf32>
    %ge3A_1785 = arith.cmpf oge, %reduce_sum3A_1751, %min3A_1548 : f32
    %ge3A_1786 = arith.cmpf oge, %reduce_sum3A_1762, %min3A_1551 : f32
    %ge3A_1787 = arith.cmpf oge, %reduce_sum3A_1773, %min3A_1554 : f32
    %ge3A_1788 = arith.cmpf oge, %reduce_sum3A_1784, %min3A_1557 : f32
    %select_n3A_1789 = arith.select %ge3A_1785, %mul3A_1731, %select_n3A_1721 : f32
    %select_n3A_1790 = arith.select %ge3A_1786, %mul3A_1734, %select_n3A_1722 : f32
    %select_n3A_1791 = arith.select %ge3A_1787, %mul3A_1737, %select_n3A_1723 : f32
    %select_n3A_1792 = arith.select %ge3A_1788, %mul3A_1740, %select_n3A_1724 : f32
    %select_n3A_1793 = arith.select %ge3A_1785, %select_n3A_1725, %mul3A_1731 : f32
    %select_n3A_1794 = arith.select %ge3A_1786, %select_n3A_1726, %mul3A_1734 : f32
    %select_n3A_1795 = arith.select %ge3A_1787, %select_n3A_1727, %mul3A_1737 : f32
    %select_n3A_1796 = arith.select %ge3A_1788, %select_n3A_1728, %mul3A_1740 : f32
    %add3A_1797 = arith.addf %select_n3A_1789, %select_n3A_1793 : f32
    %mul3A_1798 = arith.constant 5.000000e-01 : f32
    %mul3A_1799 = arith.mulf %mul3A_1798, %add3A_1797 : f32
    %add3A_1800 = arith.addf %select_n3A_1790, %select_n3A_1794 : f32
    %mul3A_1801 = arith.constant 5.000000e-01 : f32
    %mul3A_1802 = arith.mulf %mul3A_1801, %add3A_1800 : f32
    %add3A_1803 = arith.addf %select_n3A_1791, %select_n3A_1795 : f32
    %mul3A_1804 = arith.constant 5.000000e-01 : f32
    %mul3A_1805 = arith.mulf %mul3A_1804, %add3A_1803 : f32
    %add3A_1806 = arith.addf %select_n3A_1792, %select_n3A_1796 : f32
    %mul3A_1807 = arith.constant 5.000000e-01 : f32
    %mul3A_1808 = arith.mulf %mul3A_1807, %add3A_1806 : f32
    %slice3A_1809 = vector.extract_strided_slice %select_n3A_1482 {offsets = [0, 0, 0], sizes = [1, 128, 128], strides = [1, 1, 1]} : vector<4x128x128xf32> to vector<1x128x128xf32>
    %squeeze3A_1810 = vector.shape_cast %slice3A_1809 : vector<1x128x128xf32> to vector<128x128xf32>
    %ge3A_1811 = vector.broadcast %mul3A_1799 : f32 to vector<128x128xf32>
    %ge3A_1812 = arith.cmpf oge, %squeeze3A_1810, %ge3A_1811 : vector<128x128xf32>
    %convert_element_type3A_1813 = arith.extui %ge3A_1812 : vector<128x128xi1> to vector<128x128xi32>
    %convert_element_type3A_1814 = arith.sitofp %convert_element_type3A_1813 : vector<128x128xi32> to vector<128x128xf32>
    %reduce_sum3A_1815 = vector.shape_cast %convert_element_type3A_1814 : vector<128x128xf32> to vector<1x128x128xf32>
    %reduce_sum3A_1816 = arith.constant dense<0.000000e+00> : vector<1xf32>
    %reduce_sum3A_1817 = vector.multi_reduction <add>, %reduce_sum3A_1815, %reduce_sum3A_1816 [1, 2] : vector<1x128x128xf32> to vector<1xf32>
    %reduce_sum3A_1818 = vector.shape_cast %reduce_sum3A_1817 : vector<1xf32> to vector<1x1x1xf32>
    %reduce_sum3A_1819 = vector.extract %reduce_sum3A_1818[0, 0, 0] : f32 from vector<1x1x1xf32>
    %slice3A_1820 = vector.extract_strided_slice %select_n3A_1482 {offsets = [1, 0, 0], sizes = [1, 128, 128], strides = [1, 1, 1]} : vector<4x128x128xf32> to vector<1x128x128xf32>
    %squeeze3A_1821 = vector.shape_cast %slice3A_1820 : vector<1x128x128xf32> to vector<128x128xf32>
    %ge3A_1822 = vector.broadcast %mul3A_1802 : f32 to vector<128x128xf32>
    %ge3A_1823 = arith.cmpf oge, %squeeze3A_1821, %ge3A_1822 : vector<128x128xf32>
    %convert_element_type3A_1824 = arith.extui %ge3A_1823 : vector<128x128xi1> to vector<128x128xi32>
    %convert_element_type3A_1825 = arith.sitofp %convert_element_type3A_1824 : vector<128x128xi32> to vector<128x128xf32>
    %reduce_sum3A_1826 = vector.shape_cast %convert_element_type3A_1825 : vector<128x128xf32> to vector<1x128x128xf32>
    %reduce_sum3A_1827 = arith.constant dense<0.000000e+00> : vector<1xf32>
    %reduce_sum3A_1828 = vector.multi_reduction <add>, %reduce_sum3A_1826, %reduce_sum3A_1827 [1, 2] : vector<1x128x128xf32> to vector<1xf32>
    %reduce_sum3A_1829 = vector.shape_cast %reduce_sum3A_1828 : vector<1xf32> to vector<1x1x1xf32>
    %reduce_sum3A_1830 = vector.extract %reduce_sum3A_1829[0, 0, 0] : f32 from vector<1x1x1xf32>
    %slice3A_1831 = vector.extract_strided_slice %select_n3A_1482 {offsets = [2, 0, 0], sizes = [1, 128, 128], strides = [1, 1, 1]} : vector<4x128x128xf32> to vector<1x128x128xf32>
    %squeeze3A_1832 = vector.shape_cast %slice3A_1831 : vector<1x128x128xf32> to vector<128x128xf32>
    %ge3A_1833 = vector.broadcast %mul3A_1805 : f32 to vector<128x128xf32>
    %ge3A_1834 = arith.cmpf oge, %squeeze3A_1832, %ge3A_1833 : vector<128x128xf32>
    %convert_element_type3A_1835 = arith.extui %ge3A_1834 : vector<128x128xi1> to vector<128x128xi32>
    %convert_element_type3A_1836 = arith.sitofp %convert_element_type3A_1835 : vector<128x128xi32> to vector<128x128xf32>
    %reduce_sum3A_1837 = vector.shape_cast %convert_element_type3A_1836 : vector<128x128xf32> to vector<1x128x128xf32>
    %reduce_sum3A_1838 = arith.constant dense<0.000000e+00> : vector<1xf32>
    %reduce_sum3A_1839 = vector.multi_reduction <add>, %reduce_sum3A_1837, %reduce_sum3A_1838 [1, 2] : vector<1x128x128xf32> to vector<1xf32>
    %reduce_sum3A_1840 = vector.shape_cast %reduce_sum3A_1839 : vector<1xf32> to vector<1x1x1xf32>
    %reduce_sum3A_1841 = vector.extract %reduce_sum3A_1840[0, 0, 0] : f32 from vector<1x1x1xf32>
    %slice3A_1842 = vector.extract_strided_slice %select_n3A_1482 {offsets = [3, 0, 0], sizes = [1, 128, 128], strides = [1, 1, 1]} : vector<4x128x128xf32> to vector<1x128x128xf32>
    %squeeze3A_1843 = vector.shape_cast %slice3A_1842 : vector<1x128x128xf32> to vector<128x128xf32>
    %ge3A_1844 = vector.broadcast %mul3A_1808 : f32 to vector<128x128xf32>
    %ge3A_1845 = arith.cmpf oge, %squeeze3A_1843, %ge3A_1844 : vector<128x128xf32>
    %convert_element_type3A_1846 = arith.extui %ge3A_1845 : vector<128x128xi1> to vector<128x128xi32>
    %convert_element_type3A_1847 = arith.sitofp %convert_element_type3A_1846 : vector<128x128xi32> to vector<128x128xf32>
    %reduce_sum3A_1848 = vector.shape_cast %convert_element_type3A_1847 : vector<128x128xf32> to vector<1x128x128xf32>
    %reduce_sum3A_1849 = arith.constant dense<0.000000e+00> : vector<1xf32>
    %reduce_sum3A_1850 = vector.multi_reduction <add>, %reduce_sum3A_1848, %reduce_sum3A_1849 [1, 2] : vector<1x128x128xf32> to vector<1xf32>
    %reduce_sum3A_1851 = vector.shape_cast %reduce_sum3A_1850 : vector<1xf32> to vector<1x1x1xf32>
    %reduce_sum3A_1852 = vector.extract %reduce_sum3A_1851[0, 0, 0] : f32 from vector<1x1x1xf32>
    %ge3A_1853 = arith.cmpf oge, %reduce_sum3A_1819, %min3A_1548 : f32
    %ge3A_1854 = arith.cmpf oge, %reduce_sum3A_1830, %min3A_1551 : f32
    %ge3A_1855 = arith.cmpf oge, %reduce_sum3A_1841, %min3A_1554 : f32
    %ge3A_1856 = arith.cmpf oge, %reduce_sum3A_1852, %min3A_1557 : f32
    %select_n3A_1857 = arith.select %ge3A_1853, %mul3A_1799, %select_n3A_1789 : f32
    %select_n3A_1858 = arith.select %ge3A_1854, %mul3A_1802, %select_n3A_1790 : f32
    %select_n3A_1859 = arith.select %ge3A_1855, %mul3A_1805, %select_n3A_1791 : f32
    %select_n3A_1860 = arith.select %ge3A_1856, %mul3A_1808, %select_n3A_1792 : f32
    %select_n3A_1861 = arith.select %ge3A_1853, %select_n3A_1793, %mul3A_1799 : f32
    %select_n3A_1862 = arith.select %ge3A_1854, %select_n3A_1794, %mul3A_1802 : f32
    %select_n3A_1863 = arith.select %ge3A_1855, %select_n3A_1795, %mul3A_1805 : f32
    %select_n3A_1864 = arith.select %ge3A_1856, %select_n3A_1796, %mul3A_1808 : f32
    %add3A_1865 = arith.addf %select_n3A_1857, %select_n3A_1861 : f32
    %mul3A_1866 = arith.constant 5.000000e-01 : f32
    %mul3A_1867 = arith.mulf %mul3A_1866, %add3A_1865 : f32
    %add3A_1868 = arith.addf %select_n3A_1858, %select_n3A_1862 : f32
    %mul3A_1869 = arith.constant 5.000000e-01 : f32
    %mul3A_1870 = arith.mulf %mul3A_1869, %add3A_1868 : f32
    %add3A_1871 = arith.addf %select_n3A_1859, %select_n3A_1863 : f32
    %mul3A_1872 = arith.constant 5.000000e-01 : f32
    %mul3A_1873 = arith.mulf %mul3A_1872, %add3A_1871 : f32
    %add3A_1874 = arith.addf %select_n3A_1860, %select_n3A_1864 : f32
    %mul3A_1875 = arith.constant 5.000000e-01 : f32
    %mul3A_1876 = arith.mulf %mul3A_1875, %add3A_1874 : f32
    %slice3A_1877 = vector.extract_strided_slice %select_n3A_1482 {offsets = [0, 0, 0], sizes = [1, 128, 128], strides = [1, 1, 1]} : vector<4x128x128xf32> to vector<1x128x128xf32>
    %squeeze3A_1878 = vector.shape_cast %slice3A_1877 : vector<1x128x128xf32> to vector<128x128xf32>
    %ge3A_1879 = vector.broadcast %mul3A_1867 : f32 to vector<128x128xf32>
    %ge3A_1880 = arith.cmpf oge, %squeeze3A_1878, %ge3A_1879 : vector<128x128xf32>
    %convert_element_type3A_1881 = arith.extui %ge3A_1880 : vector<128x128xi1> to vector<128x128xi32>
    %convert_element_type3A_1882 = arith.sitofp %convert_element_type3A_1881 : vector<128x128xi32> to vector<128x128xf32>
    %reduce_sum3A_1883 = vector.shape_cast %convert_element_type3A_1882 : vector<128x128xf32> to vector<1x128x128xf32>
    %reduce_sum3A_1884 = arith.constant dense<0.000000e+00> : vector<1xf32>
    %reduce_sum3A_1885 = vector.multi_reduction <add>, %reduce_sum3A_1883, %reduce_sum3A_1884 [1, 2] : vector<1x128x128xf32> to vector<1xf32>
    %reduce_sum3A_1886 = vector.shape_cast %reduce_sum3A_1885 : vector<1xf32> to vector<1x1x1xf32>
    %reduce_sum3A_1887 = vector.extract %reduce_sum3A_1886[0, 0, 0] : f32 from vector<1x1x1xf32>
    %slice3A_1888 = vector.extract_strided_slice %select_n3A_1482 {offsets = [1, 0, 0], sizes = [1, 128, 128], strides = [1, 1, 1]} : vector<4x128x128xf32> to vector<1x128x128xf32>
    %squeeze3A_1889 = vector.shape_cast %slice3A_1888 : vector<1x128x128xf32> to vector<128x128xf32>
    %ge3A_1890 = vector.broadcast %mul3A_1870 : f32 to vector<128x128xf32>
    %ge3A_1891 = arith.cmpf oge, %squeeze3A_1889, %ge3A_1890 : vector<128x128xf32>
    %convert_element_type3A_1892 = arith.extui %ge3A_1891 : vector<128x128xi1> to vector<128x128xi32>
    %convert_element_type3A_1893 = arith.sitofp %convert_element_type3A_1892 : vector<128x128xi32> to vector<128x128xf32>
    %reduce_sum3A_1894 = vector.shape_cast %convert_element_type3A_1893 : vector<128x128xf32> to vector<1x128x128xf32>
    %reduce_sum3A_1895 = arith.constant dense<0.000000e+00> : vector<1xf32>
    %reduce_sum3A_1896 = vector.multi_reduction <add>, %reduce_sum3A_1894, %reduce_sum3A_1895 [1, 2] : vector<1x128x128xf32> to vector<1xf32>
    %reduce_sum3A_1897 = vector.shape_cast %reduce_sum3A_1896 : vector<1xf32> to vector<1x1x1xf32>
    %reduce_sum3A_1898 = vector.extract %reduce_sum3A_1897[0, 0, 0] : f32 from vector<1x1x1xf32>
    %slice3A_1899 = vector.extract_strided_slice %select_n3A_1482 {offsets = [2, 0, 0], sizes = [1, 128, 128], strides = [1, 1, 1]} : vector<4x128x128xf32> to vector<1x128x128xf32>
    %squeeze3A_1900 = vector.shape_cast %slice3A_1899 : vector<1x128x128xf32> to vector<128x128xf32>
    %ge3A_1901 = vector.broadcast %mul3A_1873 : f32 to vector<128x128xf32>
    %ge3A_1902 = arith.cmpf oge, %squeeze3A_1900, %ge3A_1901 : vector<128x128xf32>
    %convert_element_type3A_1903 = arith.extui %ge3A_1902 : vector<128x128xi1> to vector<128x128xi32>
    %convert_element_type3A_1904 = arith.sitofp %convert_element_type3A_1903 : vector<128x128xi32> to vector<128x128xf32>
    %reduce_sum3A_1905 = vector.shape_cast %convert_element_type3A_1904 : vector<128x128xf32> to vector<1x128x128xf32>
    %reduce_sum3A_1906 = arith.constant dense<0.000000e+00> : vector<1xf32>
    %reduce_sum3A_1907 = vector.multi_reduction <add>, %reduce_sum3A_1905, %reduce_sum3A_1906 [1, 2] : vector<1x128x128xf32> to vector<1xf32>
    %reduce_sum3A_1908 = vector.shape_cast %reduce_sum3A_1907 : vector<1xf32> to vector<1x1x1xf32>
    %reduce_sum3A_1909 = vector.extract %reduce_sum3A_1908[0, 0, 0] : f32 from vector<1x1x1xf32>
    %slice3A_1910 = vector.extract_strided_slice %select_n3A_1482 {offsets = [3, 0, 0], sizes = [1, 128, 128], strides = [1, 1, 1]} : vector<4x128x128xf32> to vector<1x128x128xf32>
    %squeeze3A_1911 = vector.shape_cast %slice3A_1910 : vector<1x128x128xf32> to vector<128x128xf32>
    %ge3A_1912 = vector.broadcast %mul3A_1876 : f32 to vector<128x128xf32>
    %ge3A_1913 = arith.cmpf oge, %squeeze3A_1911, %ge3A_1912 : vector<128x128xf32>
    %convert_element_type3A_1914 = arith.extui %ge3A_1913 : vector<128x128xi1> to vector<128x128xi32>
    %convert_element_type3A_1915 = arith.sitofp %convert_element_type3A_1914 : vector<128x128xi32> to vector<128x128xf32>
    %reduce_sum3A_1916 = vector.shape_cast %convert_element_type3A_1915 : vector<128x128xf32> to vector<1x128x128xf32>
    %reduce_sum3A_1917 = arith.constant dense<0.000000e+00> : vector<1xf32>
    %reduce_sum3A_1918 = vector.multi_reduction <add>, %reduce_sum3A_1916, %reduce_sum3A_1917 [1, 2] : vector<1x128x128xf32> to vector<1xf32>
    %reduce_sum3A_1919 = vector.shape_cast %reduce_sum3A_1918 : vector<1xf32> to vector<1x1x1xf32>
    %reduce_sum3A_1920 = vector.extract %reduce_sum3A_1919[0, 0, 0] : f32 from vector<1x1x1xf32>
    %ge3A_1921 = arith.cmpf oge, %reduce_sum3A_1887, %min3A_1548 : f32
    %ge3A_1922 = arith.cmpf oge, %reduce_sum3A_1898, %min3A_1551 : f32
    %ge3A_1923 = arith.cmpf oge, %reduce_sum3A_1909, %min3A_1554 : f32
    %ge3A_1924 = arith.cmpf oge, %reduce_sum3A_1920, %min3A_1557 : f32
    %select_n3A_1925 = arith.select %ge3A_1921, %mul3A_1867, %select_n3A_1857 : f32
    %select_n3A_1926 = arith.select %ge3A_1922, %mul3A_1870, %select_n3A_1858 : f32
    %select_n3A_1927 = arith.select %ge3A_1923, %mul3A_1873, %select_n3A_1859 : f32
    %select_n3A_1928 = arith.select %ge3A_1924, %mul3A_1876, %select_n3A_1860 : f32
    %select_n3A_1929 = arith.select %ge3A_1921, %select_n3A_1861, %mul3A_1867 : f32
    %select_n3A_1930 = arith.select %ge3A_1922, %select_n3A_1862, %mul3A_1870 : f32
    %select_n3A_1931 = arith.select %ge3A_1923, %select_n3A_1863, %mul3A_1873 : f32
    %select_n3A_1932 = arith.select %ge3A_1924, %select_n3A_1864, %mul3A_1876 : f32
    %add3A_1933 = arith.addf %select_n3A_1925, %select_n3A_1929 : f32
    %mul3A_1934 = arith.constant 5.000000e-01 : f32
    %mul3A_1935 = arith.mulf %mul3A_1934, %add3A_1933 : f32
    %add3A_1936 = arith.addf %select_n3A_1926, %select_n3A_1930 : f32
    %mul3A_1937 = arith.constant 5.000000e-01 : f32
    %mul3A_1938 = arith.mulf %mul3A_1937, %add3A_1936 : f32
    %add3A_1939 = arith.addf %select_n3A_1927, %select_n3A_1931 : f32
    %mul3A_1940 = arith.constant 5.000000e-01 : f32
    %mul3A_1941 = arith.mulf %mul3A_1940, %add3A_1939 : f32
    %add3A_1942 = arith.addf %select_n3A_1928, %select_n3A_1932 : f32
    %mul3A_1943 = arith.constant 5.000000e-01 : f32
    %mul3A_1944 = arith.mulf %mul3A_1943, %add3A_1942 : f32
    %slice3A_1945 = vector.extract_strided_slice %select_n3A_1482 {offsets = [0, 0, 0], sizes = [1, 128, 128], strides = [1, 1, 1]} : vector<4x128x128xf32> to vector<1x128x128xf32>
    %squeeze3A_1946 = vector.shape_cast %slice3A_1945 : vector<1x128x128xf32> to vector<128x128xf32>
    %ge3A_1947 = vector.broadcast %mul3A_1935 : f32 to vector<128x128xf32>
    %ge3A_1948 = arith.cmpf oge, %squeeze3A_1946, %ge3A_1947 : vector<128x128xf32>
    %convert_element_type3A_1949 = arith.extui %ge3A_1948 : vector<128x128xi1> to vector<128x128xi32>
    %convert_element_type3A_1950 = arith.sitofp %convert_element_type3A_1949 : vector<128x128xi32> to vector<128x128xf32>
    %reduce_sum3A_1951 = vector.shape_cast %convert_element_type3A_1950 : vector<128x128xf32> to vector<1x128x128xf32>
    %reduce_sum3A_1952 = arith.constant dense<0.000000e+00> : vector<1xf32>
    %reduce_sum3A_1953 = vector.multi_reduction <add>, %reduce_sum3A_1951, %reduce_sum3A_1952 [1, 2] : vector<1x128x128xf32> to vector<1xf32>
    %reduce_sum3A_1954 = vector.shape_cast %reduce_sum3A_1953 : vector<1xf32> to vector<1x1x1xf32>
    %reduce_sum3A_1955 = vector.extract %reduce_sum3A_1954[0, 0, 0] : f32 from vector<1x1x1xf32>
    %slice3A_1956 = vector.extract_strided_slice %select_n3A_1482 {offsets = [1, 0, 0], sizes = [1, 128, 128], strides = [1, 1, 1]} : vector<4x128x128xf32> to vector<1x128x128xf32>
    %squeeze3A_1957 = vector.shape_cast %slice3A_1956 : vector<1x128x128xf32> to vector<128x128xf32>
    %ge3A_1958 = vector.broadcast %mul3A_1938 : f32 to vector<128x128xf32>
    %ge3A_1959 = arith.cmpf oge, %squeeze3A_1957, %ge3A_1958 : vector<128x128xf32>
    %convert_element_type3A_1960 = arith.extui %ge3A_1959 : vector<128x128xi1> to vector<128x128xi32>
    %convert_element_type3A_1961 = arith.sitofp %convert_element_type3A_1960 : vector<128x128xi32> to vector<128x128xf32>
    %reduce_sum3A_1962 = vector.shape_cast %convert_element_type3A_1961 : vector<128x128xf32> to vector<1x128x128xf32>
    %reduce_sum3A_1963 = arith.constant dense<0.000000e+00> : vector<1xf32>
    %reduce_sum3A_1964 = vector.multi_reduction <add>, %reduce_sum3A_1962, %reduce_sum3A_1963 [1, 2] : vector<1x128x128xf32> to vector<1xf32>
    %reduce_sum3A_1965 = vector.shape_cast %reduce_sum3A_1964 : vector<1xf32> to vector<1x1x1xf32>
    %reduce_sum3A_1966 = vector.extract %reduce_sum3A_1965[0, 0, 0] : f32 from vector<1x1x1xf32>
    %slice3A_1967 = vector.extract_strided_slice %select_n3A_1482 {offsets = [2, 0, 0], sizes = [1, 128, 128], strides = [1, 1, 1]} : vector<4x128x128xf32> to vector<1x128x128xf32>
    %squeeze3A_1968 = vector.shape_cast %slice3A_1967 : vector<1x128x128xf32> to vector<128x128xf32>
    %ge3A_1969 = vector.broadcast %mul3A_1941 : f32 to vector<128x128xf32>
    %ge3A_1970 = arith.cmpf oge, %squeeze3A_1968, %ge3A_1969 : vector<128x128xf32>
    %convert_element_type3A_1971 = arith.extui %ge3A_1970 : vector<128x128xi1> to vector<128x128xi32>
    %convert_element_type3A_1972 = arith.sitofp %convert_element_type3A_1971 : vector<128x128xi32> to vector<128x128xf32>
    %reduce_sum3A_1973 = vector.shape_cast %convert_element_type3A_1972 : vector<128x128xf32> to vector<1x128x128xf32>
    %reduce_sum3A_1974 = arith.constant dense<0.000000e+00> : vector<1xf32>
    %reduce_sum3A_1975 = vector.multi_reduction <add>, %reduce_sum3A_1973, %reduce_sum3A_1974 [1, 2] : vector<1x128x128xf32> to vector<1xf32>
    %reduce_sum3A_1976 = vector.shape_cast %reduce_sum3A_1975 : vector<1xf32> to vector<1x1x1xf32>
    %reduce_sum3A_1977 = vector.extract %reduce_sum3A_1976[0, 0, 0] : f32 from vector<1x1x1xf32>
    %slice3A_1978 = vector.extract_strided_slice %select_n3A_1482 {offsets = [3, 0, 0], sizes = [1, 128, 128], strides = [1, 1, 1]} : vector<4x128x128xf32> to vector<1x128x128xf32>
    %squeeze3A_1979 = vector.shape_cast %slice3A_1978 : vector<1x128x128xf32> to vector<128x128xf32>
    %ge3A_1980 = vector.broadcast %mul3A_1944 : f32 to vector<128x128xf32>
    %ge3A_1981 = arith.cmpf oge, %squeeze3A_1979, %ge3A_1980 : vector<128x128xf32>
    %convert_element_type3A_1982 = arith.extui %ge3A_1981 : vector<128x128xi1> to vector<128x128xi32>
    %convert_element_type3A_1983 = arith.sitofp %convert_element_type3A_1982 : vector<128x128xi32> to vector<128x128xf32>
    %reduce_sum3A_1984 = vector.shape_cast %convert_element_type3A_1983 : vector<128x128xf32> to vector<1x128x128xf32>
    %reduce_sum3A_1985 = arith.constant dense<0.000000e+00> : vector<1xf32>
    %reduce_sum3A_1986 = vector.multi_reduction <add>, %reduce_sum3A_1984, %reduce_sum3A_1985 [1, 2] : vector<1x128x128xf32> to vector<1xf32>
    %reduce_sum3A_1987 = vector.shape_cast %reduce_sum3A_1986 : vector<1xf32> to vector<1x1x1xf32>
    %reduce_sum3A_1988 = vector.extract %reduce_sum3A_1987[0, 0, 0] : f32 from vector<1x1x1xf32>
    %ge3A_1989 = arith.cmpf oge, %reduce_sum3A_1955, %min3A_1548 : f32
    %ge3A_1990 = arith.cmpf oge, %reduce_sum3A_1966, %min3A_1551 : f32
    %ge3A_1991 = arith.cmpf oge, %reduce_sum3A_1977, %min3A_1554 : f32
    %ge3A_1992 = arith.cmpf oge, %reduce_sum3A_1988, %min3A_1557 : f32
    %select_n3A_1993 = arith.select %ge3A_1989, %mul3A_1935, %select_n3A_1925 : f32
    %select_n3A_1994 = arith.select %ge3A_1990, %mul3A_1938, %select_n3A_1926 : f32
    %select_n3A_1995 = arith.select %ge3A_1991, %mul3A_1941, %select_n3A_1927 : f32
    %select_n3A_1996 = arith.select %ge3A_1992, %mul3A_1944, %select_n3A_1928 : f32
    %select_n3A_1997 = arith.select %ge3A_1989, %select_n3A_1929, %mul3A_1935 : f32
    %select_n3A_1998 = arith.select %ge3A_1990, %select_n3A_1930, %mul3A_1938 : f32
    %select_n3A_1999 = arith.select %ge3A_1991, %select_n3A_1931, %mul3A_1941 : f32
    %select_n3A_2000 = arith.select %ge3A_1992, %select_n3A_1932, %mul3A_1944 : f32
    %add3A_2001 = arith.addf %select_n3A_1993, %select_n3A_1997 : f32
    %mul3A_2002 = arith.constant 5.000000e-01 : f32
    %mul3A_2003 = arith.mulf %mul3A_2002, %add3A_2001 : f32
    %add3A_2004 = arith.addf %select_n3A_1994, %select_n3A_1998 : f32
    %mul3A_2005 = arith.constant 5.000000e-01 : f32
    %mul3A_2006 = arith.mulf %mul3A_2005, %add3A_2004 : f32
    %add3A_2007 = arith.addf %select_n3A_1995, %select_n3A_1999 : f32
    %mul3A_2008 = arith.constant 5.000000e-01 : f32
    %mul3A_2009 = arith.mulf %mul3A_2008, %add3A_2007 : f32
    %add3A_2010 = arith.addf %select_n3A_1996, %select_n3A_2000 : f32
    %mul3A_2011 = arith.constant 5.000000e-01 : f32
    %mul3A_2012 = arith.mulf %mul3A_2011, %add3A_2010 : f32
    %slice3A_2013 = vector.extract_strided_slice %select_n3A_1482 {offsets = [0, 0, 0], sizes = [1, 128, 128], strides = [1, 1, 1]} : vector<4x128x128xf32> to vector<1x128x128xf32>
    %squeeze3A_2014 = vector.shape_cast %slice3A_2013 : vector<1x128x128xf32> to vector<128x128xf32>
    %ge3A_2015 = vector.broadcast %mul3A_2003 : f32 to vector<128x128xf32>
    %ge3A_2016 = arith.cmpf oge, %squeeze3A_2014, %ge3A_2015 : vector<128x128xf32>
    %convert_element_type3A_2017 = arith.extui %ge3A_2016 : vector<128x128xi1> to vector<128x128xi32>
    %convert_element_type3A_2018 = arith.sitofp %convert_element_type3A_2017 : vector<128x128xi32> to vector<128x128xf32>
    %reduce_sum3A_2019 = vector.shape_cast %convert_element_type3A_2018 : vector<128x128xf32> to vector<1x128x128xf32>
    %reduce_sum3A_2020 = arith.constant dense<0.000000e+00> : vector<1xf32>
    %reduce_sum3A_2021 = vector.multi_reduction <add>, %reduce_sum3A_2019, %reduce_sum3A_2020 [1, 2] : vector<1x128x128xf32> to vector<1xf32>
    %reduce_sum3A_2022 = vector.shape_cast %reduce_sum3A_2021 : vector<1xf32> to vector<1x1x1xf32>
    %reduce_sum3A_2023 = vector.extract %reduce_sum3A_2022[0, 0, 0] : f32 from vector<1x1x1xf32>
    %slice3A_2024 = vector.extract_strided_slice %select_n3A_1482 {offsets = [1, 0, 0], sizes = [1, 128, 128], strides = [1, 1, 1]} : vector<4x128x128xf32> to vector<1x128x128xf32>
    %squeeze3A_2025 = vector.shape_cast %slice3A_2024 : vector<1x128x128xf32> to vector<128x128xf32>
    %ge3A_2026 = vector.broadcast %mul3A_2006 : f32 to vector<128x128xf32>
    %ge3A_2027 = arith.cmpf oge, %squeeze3A_2025, %ge3A_2026 : vector<128x128xf32>
    %convert_element_type3A_2028 = arith.extui %ge3A_2027 : vector<128x128xi1> to vector<128x128xi32>
    %convert_element_type3A_2029 = arith.sitofp %convert_element_type3A_2028 : vector<128x128xi32> to vector<128x128xf32>
    %reduce_sum3A_2030 = vector.shape_cast %convert_element_type3A_2029 : vector<128x128xf32> to vector<1x128x128xf32>
    %reduce_sum3A_2031 = arith.constant dense<0.000000e+00> : vector<1xf32>
    %reduce_sum3A_2032 = vector.multi_reduction <add>, %reduce_sum3A_2030, %reduce_sum3A_2031 [1, 2] : vector<1x128x128xf32> to vector<1xf32>
    %reduce_sum3A_2033 = vector.shape_cast %reduce_sum3A_2032 : vector<1xf32> to vector<1x1x1xf32>
    %reduce_sum3A_2034 = vector.extract %reduce_sum3A_2033[0, 0, 0] : f32 from vector<1x1x1xf32>
    %slice3A_2035 = vector.extract_strided_slice %select_n3A_1482 {offsets = [2, 0, 0], sizes = [1, 128, 128], strides = [1, 1, 1]} : vector<4x128x128xf32> to vector<1x128x128xf32>
    %squeeze3A_2036 = vector.shape_cast %slice3A_2035 : vector<1x128x128xf32> to vector<128x128xf32>
    %ge3A_2037 = vector.broadcast %mul3A_2009 : f32 to vector<128x128xf32>
    %ge3A_2038 = arith.cmpf oge, %squeeze3A_2036, %ge3A_2037 : vector<128x128xf32>
    %convert_element_type3A_2039 = arith.extui %ge3A_2038 : vector<128x128xi1> to vector<128x128xi32>
    %convert_element_type3A_2040 = arith.sitofp %convert_element_type3A_2039 : vector<128x128xi32> to vector<128x128xf32>
    %reduce_sum3A_2041 = vector.shape_cast %convert_element_type3A_2040 : vector<128x128xf32> to vector<1x128x128xf32>
    %reduce_sum3A_2042 = arith.constant dense<0.000000e+00> : vector<1xf32>
    %reduce_sum3A_2043 = vector.multi_reduction <add>, %reduce_sum3A_2041, %reduce_sum3A_2042 [1, 2] : vector<1x128x128xf32> to vector<1xf32>
    %reduce_sum3A_2044 = vector.shape_cast %reduce_sum3A_2043 : vector<1xf32> to vector<1x1x1xf32>
    %reduce_sum3A_2045 = vector.extract %reduce_sum3A_2044[0, 0, 0] : f32 from vector<1x1x1xf32>
    %slice3A_2046 = vector.extract_strided_slice %select_n3A_1482 {offsets = [3, 0, 0], sizes = [1, 128, 128], strides = [1, 1, 1]} : vector<4x128x128xf32> to vector<1x128x128xf32>
    %squeeze3A_2047 = vector.shape_cast %slice3A_2046 : vector<1x128x128xf32> to vector<128x128xf32>
    %ge3A_2048 = vector.broadcast %mul3A_2012 : f32 to vector<128x128xf32>
    %ge3A_2049 = arith.cmpf oge, %squeeze3A_2047, %ge3A_2048 : vector<128x128xf32>
    %convert_element_type3A_2050 = arith.extui %ge3A_2049 : vector<128x128xi1> to vector<128x128xi32>
    %convert_element_type3A_2051 = arith.sitofp %convert_element_type3A_2050 : vector<128x128xi32> to vector<128x128xf32>
    %reduce_sum3A_2052 = vector.shape_cast %convert_element_type3A_2051 : vector<128x128xf32> to vector<1x128x128xf32>
    %reduce_sum3A_2053 = arith.constant dense<0.000000e+00> : vector<1xf32>
    %reduce_sum3A_2054 = vector.multi_reduction <add>, %reduce_sum3A_2052, %reduce_sum3A_2053 [1, 2] : vector<1x128x128xf32> to vector<1xf32>
    %reduce_sum3A_2055 = vector.shape_cast %reduce_sum3A_2054 : vector<1xf32> to vector<1x1x1xf32>
    %reduce_sum3A_2056 = vector.extract %reduce_sum3A_2055[0, 0, 0] : f32 from vector<1x1x1xf32>
    %ge3A_2057 = arith.cmpf oge, %reduce_sum3A_2023, %min3A_1548 : f32
    %ge3A_2058 = arith.cmpf oge, %reduce_sum3A_2034, %min3A_1551 : f32
    %ge3A_2059 = arith.cmpf oge, %reduce_sum3A_2045, %min3A_1554 : f32
    %ge3A_2060 = arith.cmpf oge, %reduce_sum3A_2056, %min3A_1557 : f32
    %select_n3A_2061 = arith.select %ge3A_2057, %mul3A_2003, %select_n3A_1993 : f32
    %select_n3A_2062 = arith.select %ge3A_2058, %mul3A_2006, %select_n3A_1994 : f32
    %select_n3A_2063 = arith.select %ge3A_2059, %mul3A_2009, %select_n3A_1995 : f32
    %select_n3A_2064 = arith.select %ge3A_2060, %mul3A_2012, %select_n3A_1996 : f32
    %select_n3A_2065 = arith.select %ge3A_2057, %select_n3A_1997, %mul3A_2003 : f32
    %select_n3A_2066 = arith.select %ge3A_2058, %select_n3A_1998, %mul3A_2006 : f32
    %select_n3A_2067 = arith.select %ge3A_2059, %select_n3A_1999, %mul3A_2009 : f32
    %select_n3A_2068 = arith.select %ge3A_2060, %select_n3A_2000, %mul3A_2012 : f32
    %add3A_2069 = arith.addf %select_n3A_2061, %select_n3A_2065 : f32
    %mul3A_2070 = arith.constant 5.000000e-01 : f32
    %mul3A_2071 = arith.mulf %mul3A_2070, %add3A_2069 : f32
    %add3A_2072 = arith.addf %select_n3A_2062, %select_n3A_2066 : f32
    %mul3A_2073 = arith.constant 5.000000e-01 : f32
    %mul3A_2074 = arith.mulf %mul3A_2073, %add3A_2072 : f32
    %add3A_2075 = arith.addf %select_n3A_2063, %select_n3A_2067 : f32
    %mul3A_2076 = arith.constant 5.000000e-01 : f32
    %mul3A_2077 = arith.mulf %mul3A_2076, %add3A_2075 : f32
    %add3A_2078 = arith.addf %select_n3A_2064, %select_n3A_2068 : f32
    %mul3A_2079 = arith.constant 5.000000e-01 : f32
    %mul3A_2080 = arith.mulf %mul3A_2079, %add3A_2078 : f32
    %slice3A_2081 = vector.extract_strided_slice %select_n3A_1482 {offsets = [0, 0, 0], sizes = [1, 128, 128], strides = [1, 1, 1]} : vector<4x128x128xf32> to vector<1x128x128xf32>
    %squeeze3A_2082 = vector.shape_cast %slice3A_2081 : vector<1x128x128xf32> to vector<128x128xf32>
    %ge3A_2083 = vector.broadcast %mul3A_2071 : f32 to vector<128x128xf32>
    %ge3A_2084 = arith.cmpf oge, %squeeze3A_2082, %ge3A_2083 : vector<128x128xf32>
    %convert_element_type3A_2085 = arith.extui %ge3A_2084 : vector<128x128xi1> to vector<128x128xi32>
    %convert_element_type3A_2086 = arith.sitofp %convert_element_type3A_2085 : vector<128x128xi32> to vector<128x128xf32>
    %reduce_sum3A_2087 = vector.shape_cast %convert_element_type3A_2086 : vector<128x128xf32> to vector<1x128x128xf32>
    %reduce_sum3A_2088 = arith.constant dense<0.000000e+00> : vector<1xf32>
    %reduce_sum3A_2089 = vector.multi_reduction <add>, %reduce_sum3A_2087, %reduce_sum3A_2088 [1, 2] : vector<1x128x128xf32> to vector<1xf32>
    %reduce_sum3A_2090 = vector.shape_cast %reduce_sum3A_2089 : vector<1xf32> to vector<1x1x1xf32>
    %reduce_sum3A_2091 = vector.extract %reduce_sum3A_2090[0, 0, 0] : f32 from vector<1x1x1xf32>
    %slice3A_2092 = vector.extract_strided_slice %select_n3A_1482 {offsets = [1, 0, 0], sizes = [1, 128, 128], strides = [1, 1, 1]} : vector<4x128x128xf32> to vector<1x128x128xf32>
    %squeeze3A_2093 = vector.shape_cast %slice3A_2092 : vector<1x128x128xf32> to vector<128x128xf32>
    %ge3A_2094 = vector.broadcast %mul3A_2074 : f32 to vector<128x128xf32>
    %ge3A_2095 = arith.cmpf oge, %squeeze3A_2093, %ge3A_2094 : vector<128x128xf32>
    %convert_element_type3A_2096 = arith.extui %ge3A_2095 : vector<128x128xi1> to vector<128x128xi32>
    %convert_element_type3A_2097 = arith.sitofp %convert_element_type3A_2096 : vector<128x128xi32> to vector<128x128xf32>
    %reduce_sum3A_2098 = vector.shape_cast %convert_element_type3A_2097 : vector<128x128xf32> to vector<1x128x128xf32>
    %reduce_sum3A_2099 = arith.constant dense<0.000000e+00> : vector<1xf32>
    %reduce_sum3A_2100 = vector.multi_reduction <add>, %reduce_sum3A_2098, %reduce_sum3A_2099 [1, 2] : vector<1x128x128xf32> to vector<1xf32>
    %reduce_sum3A_2101 = vector.shape_cast %reduce_sum3A_2100 : vector<1xf32> to vector<1x1x1xf32>
    %reduce_sum3A_2102 = vector.extract %reduce_sum3A_2101[0, 0, 0] : f32 from vector<1x1x1xf32>
    %slice3A_2103 = vector.extract_strided_slice %select_n3A_1482 {offsets = [2, 0, 0], sizes = [1, 128, 128], strides = [1, 1, 1]} : vector<4x128x128xf32> to vector<1x128x128xf32>
    %squeeze3A_2104 = vector.shape_cast %slice3A_2103 : vector<1x128x128xf32> to vector<128x128xf32>
    %ge3A_2105 = vector.broadcast %mul3A_2077 : f32 to vector<128x128xf32>
    %ge3A_2106 = arith.cmpf oge, %squeeze3A_2104, %ge3A_2105 : vector<128x128xf32>
    %convert_element_type3A_2107 = arith.extui %ge3A_2106 : vector<128x128xi1> to vector<128x128xi32>
    %convert_element_type3A_2108 = arith.sitofp %convert_element_type3A_2107 : vector<128x128xi32> to vector<128x128xf32>
    %reduce_sum3A_2109 = vector.shape_cast %convert_element_type3A_2108 : vector<128x128xf32> to vector<1x128x128xf32>
    %reduce_sum3A_2110 = arith.constant dense<0.000000e+00> : vector<1xf32>
    %reduce_sum3A_2111 = vector.multi_reduction <add>, %reduce_sum3A_2109, %reduce_sum3A_2110 [1, 2] : vector<1x128x128xf32> to vector<1xf32>
    %reduce_sum3A_2112 = vector.shape_cast %reduce_sum3A_2111 : vector<1xf32> to vector<1x1x1xf32>
    %reduce_sum3A_2113 = vector.extract %reduce_sum3A_2112[0, 0, 0] : f32 from vector<1x1x1xf32>
    %slice3A_2114 = vector.extract_strided_slice %select_n3A_1482 {offsets = [3, 0, 0], sizes = [1, 128, 128], strides = [1, 1, 1]} : vector<4x128x128xf32> to vector<1x128x128xf32>
    %squeeze3A_2115 = vector.shape_cast %slice3A_2114 : vector<1x128x128xf32> to vector<128x128xf32>
    %ge3A_2116 = vector.broadcast %mul3A_2080 : f32 to vector<128x128xf32>
    %ge3A_2117 = arith.cmpf oge, %squeeze3A_2115, %ge3A_2116 : vector<128x128xf32>
    %convert_element_type3A_2118 = arith.extui %ge3A_2117 : vector<128x128xi1> to vector<128x128xi32>
    %convert_element_type3A_2119 = arith.sitofp %convert_element_type3A_2118 : vector<128x128xi32> to vector<128x128xf32>
    %reduce_sum3A_2120 = vector.shape_cast %convert_element_type3A_2119 : vector<128x128xf32> to vector<1x128x128xf32>
    %reduce_sum3A_2121 = arith.constant dense<0.000000e+00> : vector<1xf32>
    %reduce_sum3A_2122 = vector.multi_reduction <add>, %reduce_sum3A_2120, %reduce_sum3A_2121 [1, 2] : vector<1x128x128xf32> to vector<1xf32>
    %reduce_sum3A_2123 = vector.shape_cast %reduce_sum3A_2122 : vector<1xf32> to vector<1x1x1xf32>
    %reduce_sum3A_2124 = vector.extract %reduce_sum3A_2123[0, 0, 0] : f32 from vector<1x1x1xf32>
    %ge3A_2125 = arith.cmpf oge, %reduce_sum3A_2091, %min3A_1548 : f32
    %ge3A_2126 = arith.cmpf oge, %reduce_sum3A_2102, %min3A_1551 : f32
    %ge3A_2127 = arith.cmpf oge, %reduce_sum3A_2113, %min3A_1554 : f32
    %ge3A_2128 = arith.cmpf oge, %reduce_sum3A_2124, %min3A_1557 : f32
    %select_n3A_2129 = arith.select %ge3A_2125, %mul3A_2071, %select_n3A_2061 : f32
    %select_n3A_2130 = arith.select %ge3A_2126, %mul3A_2074, %select_n3A_2062 : f32
    %select_n3A_2131 = arith.select %ge3A_2127, %mul3A_2077, %select_n3A_2063 : f32
    %select_n3A_2132 = arith.select %ge3A_2128, %mul3A_2080, %select_n3A_2064 : f32
    %select_n3A_2133 = arith.select %ge3A_2125, %select_n3A_2065, %mul3A_2071 : f32
    %select_n3A_2134 = arith.select %ge3A_2126, %select_n3A_2066, %mul3A_2074 : f32
    %select_n3A_2135 = arith.select %ge3A_2127, %select_n3A_2067, %mul3A_2077 : f32
    %select_n3A_2136 = arith.select %ge3A_2128, %select_n3A_2068, %mul3A_2080 : f32
    %add3A_2137 = arith.addf %select_n3A_2129, %select_n3A_2133 : f32
    %mul3A_2138 = arith.constant 5.000000e-01 : f32
    %mul3A_2139 = arith.mulf %mul3A_2138, %add3A_2137 : f32
    %add3A_2140 = arith.addf %select_n3A_2130, %select_n3A_2134 : f32
    %mul3A_2141 = arith.constant 5.000000e-01 : f32
    %mul3A_2142 = arith.mulf %mul3A_2141, %add3A_2140 : f32
    %add3A_2143 = arith.addf %select_n3A_2131, %select_n3A_2135 : f32
    %mul3A_2144 = arith.constant 5.000000e-01 : f32
    %mul3A_2145 = arith.mulf %mul3A_2144, %add3A_2143 : f32
    %add3A_2146 = arith.addf %select_n3A_2132, %select_n3A_2136 : f32
    %mul3A_2147 = arith.constant 5.000000e-01 : f32
    %mul3A_2148 = arith.mulf %mul3A_2147, %add3A_2146 : f32
    %slice3A_2149 = vector.extract_strided_slice %select_n3A_1482 {offsets = [0, 0, 0], sizes = [1, 128, 128], strides = [1, 1, 1]} : vector<4x128x128xf32> to vector<1x128x128xf32>
    %squeeze3A_2150 = vector.shape_cast %slice3A_2149 : vector<1x128x128xf32> to vector<128x128xf32>
    %ge3A_2151 = vector.broadcast %mul3A_2139 : f32 to vector<128x128xf32>
    %ge3A_2152 = arith.cmpf oge, %squeeze3A_2150, %ge3A_2151 : vector<128x128xf32>
    %convert_element_type3A_2153 = arith.extui %ge3A_2152 : vector<128x128xi1> to vector<128x128xi32>
    %convert_element_type3A_2154 = arith.sitofp %convert_element_type3A_2153 : vector<128x128xi32> to vector<128x128xf32>
    %reduce_sum3A_2155 = vector.shape_cast %convert_element_type3A_2154 : vector<128x128xf32> to vector<1x128x128xf32>
    %reduce_sum3A_2156 = arith.constant dense<0.000000e+00> : vector<1xf32>
    %reduce_sum3A_2157 = vector.multi_reduction <add>, %reduce_sum3A_2155, %reduce_sum3A_2156 [1, 2] : vector<1x128x128xf32> to vector<1xf32>
    %reduce_sum3A_2158 = vector.shape_cast %reduce_sum3A_2157 : vector<1xf32> to vector<1x1x1xf32>
    %reduce_sum3A_2159 = vector.extract %reduce_sum3A_2158[0, 0, 0] : f32 from vector<1x1x1xf32>
    %slice3A_2160 = vector.extract_strided_slice %select_n3A_1482 {offsets = [1, 0, 0], sizes = [1, 128, 128], strides = [1, 1, 1]} : vector<4x128x128xf32> to vector<1x128x128xf32>
    %squeeze3A_2161 = vector.shape_cast %slice3A_2160 : vector<1x128x128xf32> to vector<128x128xf32>
    %ge3A_2162 = vector.broadcast %mul3A_2142 : f32 to vector<128x128xf32>
    %ge3A_2163 = arith.cmpf oge, %squeeze3A_2161, %ge3A_2162 : vector<128x128xf32>
    %convert_element_type3A_2164 = arith.extui %ge3A_2163 : vector<128x128xi1> to vector<128x128xi32>
    %convert_element_type3A_2165 = arith.sitofp %convert_element_type3A_2164 : vector<128x128xi32> to vector<128x128xf32>
    %reduce_sum3A_2166 = vector.shape_cast %convert_element_type3A_2165 : vector<128x128xf32> to vector<1x128x128xf32>
    %reduce_sum3A_2167 = arith.constant dense<0.000000e+00> : vector<1xf32>
    %reduce_sum3A_2168 = vector.multi_reduction <add>, %reduce_sum3A_2166, %reduce_sum3A_2167 [1, 2] : vector<1x128x128xf32> to vector<1xf32>
    %reduce_sum3A_2169 = vector.shape_cast %reduce_sum3A_2168 : vector<1xf32> to vector<1x1x1xf32>
    %reduce_sum3A_2170 = vector.extract %reduce_sum3A_2169[0, 0, 0] : f32 from vector<1x1x1xf32>
    %slice3A_2171 = vector.extract_strided_slice %select_n3A_1482 {offsets = [2, 0, 0], sizes = [1, 128, 128], strides = [1, 1, 1]} : vector<4x128x128xf32> to vector<1x128x128xf32>
    %squeeze3A_2172 = vector.shape_cast %slice3A_2171 : vector<1x128x128xf32> to vector<128x128xf32>
    %ge3A_2173 = vector.broadcast %mul3A_2145 : f32 to vector<128x128xf32>
    %ge3A_2174 = arith.cmpf oge, %squeeze3A_2172, %ge3A_2173 : vector<128x128xf32>
    %convert_element_type3A_2175 = arith.extui %ge3A_2174 : vector<128x128xi1> to vector<128x128xi32>
    %convert_element_type3A_2176 = arith.sitofp %convert_element_type3A_2175 : vector<128x128xi32> to vector<128x128xf32>
    %reduce_sum3A_2177 = vector.shape_cast %convert_element_type3A_2176 : vector<128x128xf32> to vector<1x128x128xf32>
    %reduce_sum3A_2178 = arith.constant dense<0.000000e+00> : vector<1xf32>
    %reduce_sum3A_2179 = vector.multi_reduction <add>, %reduce_sum3A_2177, %reduce_sum3A_2178 [1, 2] : vector<1x128x128xf32> to vector<1xf32>
    %reduce_sum3A_2180 = vector.shape_cast %reduce_sum3A_2179 : vector<1xf32> to vector<1x1x1xf32>
    %reduce_sum3A_2181 = vector.extract %reduce_sum3A_2180[0, 0, 0] : f32 from vector<1x1x1xf32>
    %slice3A_2182 = vector.extract_strided_slice %select_n3A_1482 {offsets = [3, 0, 0], sizes = [1, 128, 128], strides = [1, 1, 1]} : vector<4x128x128xf32> to vector<1x128x128xf32>
    %squeeze3A_2183 = vector.shape_cast %slice3A_2182 : vector<1x128x128xf32> to vector<128x128xf32>
    %ge3A_2184 = vector.broadcast %mul3A_2148 : f32 to vector<128x128xf32>
    %ge3A_2185 = arith.cmpf oge, %squeeze3A_2183, %ge3A_2184 : vector<128x128xf32>
    %convert_element_type3A_2186 = arith.extui %ge3A_2185 : vector<128x128xi1> to vector<128x128xi32>
    %convert_element_type3A_2187 = arith.sitofp %convert_element_type3A_2186 : vector<128x128xi32> to vector<128x128xf32>
    %reduce_sum3A_2188 = vector.shape_cast %convert_element_type3A_2187 : vector<128x128xf32> to vector<1x128x128xf32>
    %reduce_sum3A_2189 = arith.constant dense<0.000000e+00> : vector<1xf32>
    %reduce_sum3A_2190 = vector.multi_reduction <add>, %reduce_sum3A_2188, %reduce_sum3A_2189 [1, 2] : vector<1x128x128xf32> to vector<1xf32>
    %reduce_sum3A_2191 = vector.shape_cast %reduce_sum3A_2190 : vector<1xf32> to vector<1x1x1xf32>
    %reduce_sum3A_2192 = vector.extract %reduce_sum3A_2191[0, 0, 0] : f32 from vector<1x1x1xf32>
    %ge3A_2193 = arith.cmpf oge, %reduce_sum3A_2159, %min3A_1548 : f32
    %ge3A_2194 = arith.cmpf oge, %reduce_sum3A_2170, %min3A_1551 : f32
    %ge3A_2195 = arith.cmpf oge, %reduce_sum3A_2181, %min3A_1554 : f32
    %ge3A_2196 = arith.cmpf oge, %reduce_sum3A_2192, %min3A_1557 : f32
    %select_n3A_2197 = arith.select %ge3A_2193, %mul3A_2139, %select_n3A_2129 : f32
    %select_n3A_2198 = arith.select %ge3A_2194, %mul3A_2142, %select_n3A_2130 : f32
    %select_n3A_2199 = arith.select %ge3A_2195, %mul3A_2145, %select_n3A_2131 : f32
    %select_n3A_2200 = arith.select %ge3A_2196, %mul3A_2148, %select_n3A_2132 : f32
    %select_n3A_2201 = arith.select %ge3A_2193, %select_n3A_2133, %mul3A_2139 : f32
    %select_n3A_2202 = arith.select %ge3A_2194, %select_n3A_2134, %mul3A_2142 : f32
    %select_n3A_2203 = arith.select %ge3A_2195, %select_n3A_2135, %mul3A_2145 : f32
    %select_n3A_2204 = arith.select %ge3A_2196, %select_n3A_2136, %mul3A_2148 : f32
    %add3A_2205 = arith.addf %select_n3A_2197, %select_n3A_2201 : f32
    %mul3A_2206 = arith.constant 5.000000e-01 : f32
    %mul3A_2207 = arith.mulf %mul3A_2206, %add3A_2205 : f32
    %add3A_2208 = arith.addf %select_n3A_2198, %select_n3A_2202 : f32
    %mul3A_2209 = arith.constant 5.000000e-01 : f32
    %mul3A_2210 = arith.mulf %mul3A_2209, %add3A_2208 : f32
    %add3A_2211 = arith.addf %select_n3A_2199, %select_n3A_2203 : f32
    %mul3A_2212 = arith.constant 5.000000e-01 : f32
    %mul3A_2213 = arith.mulf %mul3A_2212, %add3A_2211 : f32
    %add3A_2214 = arith.addf %select_n3A_2200, %select_n3A_2204 : f32
    %mul3A_2215 = arith.constant 5.000000e-01 : f32
    %mul3A_2216 = arith.mulf %mul3A_2215, %add3A_2214 : f32
    %slice3A_2217 = vector.extract_strided_slice %select_n3A_1482 {offsets = [0, 0, 0], sizes = [1, 128, 128], strides = [1, 1, 1]} : vector<4x128x128xf32> to vector<1x128x128xf32>
    %squeeze3A_2218 = vector.shape_cast %slice3A_2217 : vector<1x128x128xf32> to vector<128x128xf32>
    %ge3A_2219 = vector.broadcast %mul3A_2207 : f32 to vector<128x128xf32>
    %ge3A_2220 = arith.cmpf oge, %squeeze3A_2218, %ge3A_2219 : vector<128x128xf32>
    %convert_element_type3A_2221 = arith.extui %ge3A_2220 : vector<128x128xi1> to vector<128x128xi32>
    %convert_element_type3A_2222 = arith.sitofp %convert_element_type3A_2221 : vector<128x128xi32> to vector<128x128xf32>
    %reduce_sum3A_2223 = vector.shape_cast %convert_element_type3A_2222 : vector<128x128xf32> to vector<1x128x128xf32>
    %reduce_sum3A_2224 = arith.constant dense<0.000000e+00> : vector<1xf32>
    %reduce_sum3A_2225 = vector.multi_reduction <add>, %reduce_sum3A_2223, %reduce_sum3A_2224 [1, 2] : vector<1x128x128xf32> to vector<1xf32>
    %reduce_sum3A_2226 = vector.shape_cast %reduce_sum3A_2225 : vector<1xf32> to vector<1x1x1xf32>
    %reduce_sum3A_2227 = vector.extract %reduce_sum3A_2226[0, 0, 0] : f32 from vector<1x1x1xf32>
    %slice3A_2228 = vector.extract_strided_slice %select_n3A_1482 {offsets = [1, 0, 0], sizes = [1, 128, 128], strides = [1, 1, 1]} : vector<4x128x128xf32> to vector<1x128x128xf32>
    %squeeze3A_2229 = vector.shape_cast %slice3A_2228 : vector<1x128x128xf32> to vector<128x128xf32>
    %ge3A_2230 = vector.broadcast %mul3A_2210 : f32 to vector<128x128xf32>
    %ge3A_2231 = arith.cmpf oge, %squeeze3A_2229, %ge3A_2230 : vector<128x128xf32>
    %convert_element_type3A_2232 = arith.extui %ge3A_2231 : vector<128x128xi1> to vector<128x128xi32>
    %convert_element_type3A_2233 = arith.sitofp %convert_element_type3A_2232 : vector<128x128xi32> to vector<128x128xf32>
    %reduce_sum3A_2234 = vector.shape_cast %convert_element_type3A_2233 : vector<128x128xf32> to vector<1x128x128xf32>
    %reduce_sum3A_2235 = arith.constant dense<0.000000e+00> : vector<1xf32>
    %reduce_sum3A_2236 = vector.multi_reduction <add>, %reduce_sum3A_2234, %reduce_sum3A_2235 [1, 2] : vector<1x128x128xf32> to vector<1xf32>
    %reduce_sum3A_2237 = vector.shape_cast %reduce_sum3A_2236 : vector<1xf32> to vector<1x1x1xf32>
    %reduce_sum3A_2238 = vector.extract %reduce_sum3A_2237[0, 0, 0] : f32 from vector<1x1x1xf32>
    %slice3A_2239 = vector.extract_strided_slice %select_n3A_1482 {offsets = [2, 0, 0], sizes = [1, 128, 128], strides = [1, 1, 1]} : vector<4x128x128xf32> to vector<1x128x128xf32>
    %squeeze3A_2240 = vector.shape_cast %slice3A_2239 : vector<1x128x128xf32> to vector<128x128xf32>
    %ge3A_2241 = vector.broadcast %mul3A_2213 : f32 to vector<128x128xf32>
    %ge3A_2242 = arith.cmpf oge, %squeeze3A_2240, %ge3A_2241 : vector<128x128xf32>
    %convert_element_type3A_2243 = arith.extui %ge3A_2242 : vector<128x128xi1> to vector<128x128xi32>
    %convert_element_type3A_2244 = arith.sitofp %convert_element_type3A_2243 : vector<128x128xi32> to vector<128x128xf32>
    %reduce_sum3A_2245 = vector.shape_cast %convert_element_type3A_2244 : vector<128x128xf32> to vector<1x128x128xf32>
    %reduce_sum3A_2246 = arith.constant dense<0.000000e+00> : vector<1xf32>
    %reduce_sum3A_2247 = vector.multi_reduction <add>, %reduce_sum3A_2245, %reduce_sum3A_2246 [1, 2] : vector<1x128x128xf32> to vector<1xf32>
    %reduce_sum3A_2248 = vector.shape_cast %reduce_sum3A_2247 : vector<1xf32> to vector<1x1x1xf32>
    %reduce_sum3A_2249 = vector.extract %reduce_sum3A_2248[0, 0, 0] : f32 from vector<1x1x1xf32>
    %slice3A_2250 = vector.extract_strided_slice %select_n3A_1482 {offsets = [3, 0, 0], sizes = [1, 128, 128], strides = [1, 1, 1]} : vector<4x128x128xf32> to vector<1x128x128xf32>
    %squeeze3A_2251 = vector.shape_cast %slice3A_2250 : vector<1x128x128xf32> to vector<128x128xf32>
    %ge3A_2252 = vector.broadcast %mul3A_2216 : f32 to vector<128x128xf32>
    %ge3A_2253 = arith.cmpf oge, %squeeze3A_2251, %ge3A_2252 : vector<128x128xf32>
    %convert_element_type3A_2254 = arith.extui %ge3A_2253 : vector<128x128xi1> to vector<128x128xi32>
    %convert_element_type3A_2255 = arith.sitofp %convert_element_type3A_2254 : vector<128x128xi32> to vector<128x128xf32>
    %reduce_sum3A_2256 = vector.shape_cast %convert_element_type3A_2255 : vector<128x128xf32> to vector<1x128x128xf32>
    %reduce_sum3A_2257 = arith.constant dense<0.000000e+00> : vector<1xf32>
    %reduce_sum3A_2258 = vector.multi_reduction <add>, %reduce_sum3A_2256, %reduce_sum3A_2257 [1, 2] : vector<1x128x128xf32> to vector<1xf32>
    %reduce_sum3A_2259 = vector.shape_cast %reduce_sum3A_2258 : vector<1xf32> to vector<1x1x1xf32>
    %reduce_sum3A_2260 = vector.extract %reduce_sum3A_2259[0, 0, 0] : f32 from vector<1x1x1xf32>
    %ge3A_2261 = arith.cmpf oge, %reduce_sum3A_2227, %min3A_1548 : f32
    %ge3A_2262 = arith.cmpf oge, %reduce_sum3A_2238, %min3A_1551 : f32
    %ge3A_2263 = arith.cmpf oge, %reduce_sum3A_2249, %min3A_1554 : f32
    %ge3A_2264 = arith.cmpf oge, %reduce_sum3A_2260, %min3A_1557 : f32
    %select_n3A_2265 = arith.select %ge3A_2261, %mul3A_2207, %select_n3A_2197 : f32
    %select_n3A_2266 = arith.select %ge3A_2262, %mul3A_2210, %select_n3A_2198 : f32
    %select_n3A_2267 = arith.select %ge3A_2263, %mul3A_2213, %select_n3A_2199 : f32
    %select_n3A_2268 = arith.select %ge3A_2264, %mul3A_2216, %select_n3A_2200 : f32
    %select_n3A_2269 = arith.select %ge3A_2261, %select_n3A_2201, %mul3A_2207 : f32
    %select_n3A_2270 = arith.select %ge3A_2262, %select_n3A_2202, %mul3A_2210 : f32
    %select_n3A_2271 = arith.select %ge3A_2263, %select_n3A_2203, %mul3A_2213 : f32
    %select_n3A_2272 = arith.select %ge3A_2264, %select_n3A_2204, %mul3A_2216 : f32
    %add3A_2273 = arith.addf %select_n3A_2265, %select_n3A_2269 : f32
    %mul3A_2274 = arith.constant 5.000000e-01 : f32
    %mul3A_2275 = arith.mulf %mul3A_2274, %add3A_2273 : f32
    %add3A_2276 = arith.addf %select_n3A_2266, %select_n3A_2270 : f32
    %mul3A_2277 = arith.constant 5.000000e-01 : f32
    %mul3A_2278 = arith.mulf %mul3A_2277, %add3A_2276 : f32
    %add3A_2279 = arith.addf %select_n3A_2267, %select_n3A_2271 : f32
    %mul3A_2280 = arith.constant 5.000000e-01 : f32
    %mul3A_2281 = arith.mulf %mul3A_2280, %add3A_2279 : f32
    %add3A_2282 = arith.addf %select_n3A_2268, %select_n3A_2272 : f32
    %mul3A_2283 = arith.constant 5.000000e-01 : f32
    %mul3A_2284 = arith.mulf %mul3A_2283, %add3A_2282 : f32
    %slice3A_2285 = vector.extract_strided_slice %select_n3A_1482 {offsets = [0, 0, 0], sizes = [1, 128, 128], strides = [1, 1, 1]} : vector<4x128x128xf32> to vector<1x128x128xf32>
    %squeeze3A_2286 = vector.shape_cast %slice3A_2285 : vector<1x128x128xf32> to vector<128x128xf32>
    %ge3A_2287 = vector.broadcast %mul3A_2275 : f32 to vector<128x128xf32>
    %ge3A_2288 = arith.cmpf oge, %squeeze3A_2286, %ge3A_2287 : vector<128x128xf32>
    %convert_element_type3A_2289 = arith.extui %ge3A_2288 : vector<128x128xi1> to vector<128x128xi32>
    %convert_element_type3A_2290 = arith.sitofp %convert_element_type3A_2289 : vector<128x128xi32> to vector<128x128xf32>
    %reduce_sum3A_2291 = vector.shape_cast %convert_element_type3A_2290 : vector<128x128xf32> to vector<1x128x128xf32>
    %reduce_sum3A_2292 = arith.constant dense<0.000000e+00> : vector<1xf32>
    %reduce_sum3A_2293 = vector.multi_reduction <add>, %reduce_sum3A_2291, %reduce_sum3A_2292 [1, 2] : vector<1x128x128xf32> to vector<1xf32>
    %reduce_sum3A_2294 = vector.shape_cast %reduce_sum3A_2293 : vector<1xf32> to vector<1x1x1xf32>
    %reduce_sum3A_2295 = vector.extract %reduce_sum3A_2294[0, 0, 0] : f32 from vector<1x1x1xf32>
    %slice3A_2296 = vector.extract_strided_slice %select_n3A_1482 {offsets = [1, 0, 0], sizes = [1, 128, 128], strides = [1, 1, 1]} : vector<4x128x128xf32> to vector<1x128x128xf32>
    %squeeze3A_2297 = vector.shape_cast %slice3A_2296 : vector<1x128x128xf32> to vector<128x128xf32>
    %ge3A_2298 = vector.broadcast %mul3A_2278 : f32 to vector<128x128xf32>
    %ge3A_2299 = arith.cmpf oge, %squeeze3A_2297, %ge3A_2298 : vector<128x128xf32>
    %convert_element_type3A_2300 = arith.extui %ge3A_2299 : vector<128x128xi1> to vector<128x128xi32>
    %convert_element_type3A_2301 = arith.sitofp %convert_element_type3A_2300 : vector<128x128xi32> to vector<128x128xf32>
    %reduce_sum3A_2302 = vector.shape_cast %convert_element_type3A_2301 : vector<128x128xf32> to vector<1x128x128xf32>
    %reduce_sum3A_2303 = arith.constant dense<0.000000e+00> : vector<1xf32>
    %reduce_sum3A_2304 = vector.multi_reduction <add>, %reduce_sum3A_2302, %reduce_sum3A_2303 [1, 2] : vector<1x128x128xf32> to vector<1xf32>
    %reduce_sum3A_2305 = vector.shape_cast %reduce_sum3A_2304 : vector<1xf32> to vector<1x1x1xf32>
    %reduce_sum3A_2306 = vector.extract %reduce_sum3A_2305[0, 0, 0] : f32 from vector<1x1x1xf32>
    %slice3A_2307 = vector.extract_strided_slice %select_n3A_1482 {offsets = [2, 0, 0], sizes = [1, 128, 128], strides = [1, 1, 1]} : vector<4x128x128xf32> to vector<1x128x128xf32>
    %squeeze3A_2308 = vector.shape_cast %slice3A_2307 : vector<1x128x128xf32> to vector<128x128xf32>
    %ge3A_2309 = vector.broadcast %mul3A_2281 : f32 to vector<128x128xf32>
    %ge3A_2310 = arith.cmpf oge, %squeeze3A_2308, %ge3A_2309 : vector<128x128xf32>
    %convert_element_type3A_2311 = arith.extui %ge3A_2310 : vector<128x128xi1> to vector<128x128xi32>
    %convert_element_type3A_2312 = arith.sitofp %convert_element_type3A_2311 : vector<128x128xi32> to vector<128x128xf32>
    %reduce_sum3A_2313 = vector.shape_cast %convert_element_type3A_2312 : vector<128x128xf32> to vector<1x128x128xf32>
    %reduce_sum3A_2314 = arith.constant dense<0.000000e+00> : vector<1xf32>
    %reduce_sum3A_2315 = vector.multi_reduction <add>, %reduce_sum3A_2313, %reduce_sum3A_2314 [1, 2] : vector<1x128x128xf32> to vector<1xf32>
    %reduce_sum3A_2316 = vector.shape_cast %reduce_sum3A_2315 : vector<1xf32> to vector<1x1x1xf32>
    %reduce_sum3A_2317 = vector.extract %reduce_sum3A_2316[0, 0, 0] : f32 from vector<1x1x1xf32>
    %slice3A_2318 = vector.extract_strided_slice %select_n3A_1482 {offsets = [3, 0, 0], sizes = [1, 128, 128], strides = [1, 1, 1]} : vector<4x128x128xf32> to vector<1x128x128xf32>
    %squeeze3A_2319 = vector.shape_cast %slice3A_2318 : vector<1x128x128xf32> to vector<128x128xf32>
    %ge3A_2320 = vector.broadcast %mul3A_2284 : f32 to vector<128x128xf32>
    %ge3A_2321 = arith.cmpf oge, %squeeze3A_2319, %ge3A_2320 : vector<128x128xf32>
    %convert_element_type3A_2322 = arith.extui %ge3A_2321 : vector<128x128xi1> to vector<128x128xi32>
    %convert_element_type3A_2323 = arith.sitofp %convert_element_type3A_2322 : vector<128x128xi32> to vector<128x128xf32>
    %reduce_sum3A_2324 = vector.shape_cast %convert_element_type3A_2323 : vector<128x128xf32> to vector<1x128x128xf32>
    %reduce_sum3A_2325 = arith.constant dense<0.000000e+00> : vector<1xf32>
    %reduce_sum3A_2326 = vector.multi_reduction <add>, %reduce_sum3A_2324, %reduce_sum3A_2325 [1, 2] : vector<1x128x128xf32> to vector<1xf32>
    %reduce_sum3A_2327 = vector.shape_cast %reduce_sum3A_2326 : vector<1xf32> to vector<1x1x1xf32>
    %reduce_sum3A_2328 = vector.extract %reduce_sum3A_2327[0, 0, 0] : f32 from vector<1x1x1xf32>
    %ge3A_2329 = arith.cmpf oge, %reduce_sum3A_2295, %min3A_1548 : f32
    %ge3A_2330 = arith.cmpf oge, %reduce_sum3A_2306, %min3A_1551 : f32
    %ge3A_2331 = arith.cmpf oge, %reduce_sum3A_2317, %min3A_1554 : f32
    %ge3A_2332 = arith.cmpf oge, %reduce_sum3A_2328, %min3A_1557 : f32
    %select_n3A_2333 = arith.select %ge3A_2329, %mul3A_2275, %select_n3A_2265 : f32
    %select_n3A_2334 = arith.select %ge3A_2330, %mul3A_2278, %select_n3A_2266 : f32
    %select_n3A_2335 = arith.select %ge3A_2331, %mul3A_2281, %select_n3A_2267 : f32
    %select_n3A_2336 = arith.select %ge3A_2332, %mul3A_2284, %select_n3A_2268 : f32
    %select_n3A_2337 = arith.select %ge3A_2329, %select_n3A_2269, %mul3A_2275 : f32
    %select_n3A_2338 = arith.select %ge3A_2330, %select_n3A_2270, %mul3A_2278 : f32
    %select_n3A_2339 = arith.select %ge3A_2331, %select_n3A_2271, %mul3A_2281 : f32
    %select_n3A_2340 = arith.select %ge3A_2332, %select_n3A_2272, %mul3A_2284 : f32
    %add3A_2341 = arith.addf %select_n3A_2333, %select_n3A_2337 : f32
    %mul3A_2342 = arith.constant 5.000000e-01 : f32
    %mul3A_2343 = arith.mulf %mul3A_2342, %add3A_2341 : f32
    %add3A_2344 = arith.addf %select_n3A_2334, %select_n3A_2338 : f32
    %mul3A_2345 = arith.constant 5.000000e-01 : f32
    %mul3A_2346 = arith.mulf %mul3A_2345, %add3A_2344 : f32
    %add3A_2347 = arith.addf %select_n3A_2335, %select_n3A_2339 : f32
    %mul3A_2348 = arith.constant 5.000000e-01 : f32
    %mul3A_2349 = arith.mulf %mul3A_2348, %add3A_2347 : f32
    %add3A_2350 = arith.addf %select_n3A_2336, %select_n3A_2340 : f32
    %mul3A_2351 = arith.constant 5.000000e-01 : f32
    %mul3A_2352 = arith.mulf %mul3A_2351, %add3A_2350 : f32
    %slice3A_2353 = vector.extract_strided_slice %select_n3A_1482 {offsets = [0, 0, 0], sizes = [1, 128, 128], strides = [1, 1, 1]} : vector<4x128x128xf32> to vector<1x128x128xf32>
    %squeeze3A_2354 = vector.shape_cast %slice3A_2353 : vector<1x128x128xf32> to vector<128x128xf32>
    %ge3A_2355 = vector.broadcast %mul3A_2343 : f32 to vector<128x128xf32>
    %ge3A_2356 = arith.cmpf oge, %squeeze3A_2354, %ge3A_2355 : vector<128x128xf32>
    %convert_element_type3A_2357 = arith.extui %ge3A_2356 : vector<128x128xi1> to vector<128x128xi32>
    %convert_element_type3A_2358 = arith.sitofp %convert_element_type3A_2357 : vector<128x128xi32> to vector<128x128xf32>
    %reduce_sum3A_2359 = vector.shape_cast %convert_element_type3A_2358 : vector<128x128xf32> to vector<1x128x128xf32>
    %reduce_sum3A_2360 = arith.constant dense<0.000000e+00> : vector<1xf32>
    %reduce_sum3A_2361 = vector.multi_reduction <add>, %reduce_sum3A_2359, %reduce_sum3A_2360 [1, 2] : vector<1x128x128xf32> to vector<1xf32>
    %reduce_sum3A_2362 = vector.shape_cast %reduce_sum3A_2361 : vector<1xf32> to vector<1x1x1xf32>
    %reduce_sum3A_2363 = vector.extract %reduce_sum3A_2362[0, 0, 0] : f32 from vector<1x1x1xf32>
    %slice3A_2364 = vector.extract_strided_slice %select_n3A_1482 {offsets = [1, 0, 0], sizes = [1, 128, 128], strides = [1, 1, 1]} : vector<4x128x128xf32> to vector<1x128x128xf32>
    %squeeze3A_2365 = vector.shape_cast %slice3A_2364 : vector<1x128x128xf32> to vector<128x128xf32>
    %ge3A_2366 = vector.broadcast %mul3A_2346 : f32 to vector<128x128xf32>
    %ge3A_2367 = arith.cmpf oge, %squeeze3A_2365, %ge3A_2366 : vector<128x128xf32>
    %convert_element_type3A_2368 = arith.extui %ge3A_2367 : vector<128x128xi1> to vector<128x128xi32>
    %convert_element_type3A_2369 = arith.sitofp %convert_element_type3A_2368 : vector<128x128xi32> to vector<128x128xf32>
    %reduce_sum3A_2370 = vector.shape_cast %convert_element_type3A_2369 : vector<128x128xf32> to vector<1x128x128xf32>
    %reduce_sum3A_2371 = arith.constant dense<0.000000e+00> : vector<1xf32>
    %reduce_sum3A_2372 = vector.multi_reduction <add>, %reduce_sum3A_2370, %reduce_sum3A_2371 [1, 2] : vector<1x128x128xf32> to vector<1xf32>
    %reduce_sum3A_2373 = vector.shape_cast %reduce_sum3A_2372 : vector<1xf32> to vector<1x1x1xf32>
    %reduce_sum3A_2374 = vector.extract %reduce_sum3A_2373[0, 0, 0] : f32 from vector<1x1x1xf32>
    %slice3A_2375 = vector.extract_strided_slice %select_n3A_1482 {offsets = [2, 0, 0], sizes = [1, 128, 128], strides = [1, 1, 1]} : vector<4x128x128xf32> to vector<1x128x128xf32>
    %squeeze3A_2376 = vector.shape_cast %slice3A_2375 : vector<1x128x128xf32> to vector<128x128xf32>
    %ge3A_2377 = vector.broadcast %mul3A_2349 : f32 to vector<128x128xf32>
    %ge3A_2378 = arith.cmpf oge, %squeeze3A_2376, %ge3A_2377 : vector<128x128xf32>
    %convert_element_type3A_2379 = arith.extui %ge3A_2378 : vector<128x128xi1> to vector<128x128xi32>
    %convert_element_type3A_2380 = arith.sitofp %convert_element_type3A_2379 : vector<128x128xi32> to vector<128x128xf32>
    %reduce_sum3A_2381 = vector.shape_cast %convert_element_type3A_2380 : vector<128x128xf32> to vector<1x128x128xf32>
    %reduce_sum3A_2382 = arith.constant dense<0.000000e+00> : vector<1xf32>
    %reduce_sum3A_2383 = vector.multi_reduction <add>, %reduce_sum3A_2381, %reduce_sum3A_2382 [1, 2] : vector<1x128x128xf32> to vector<1xf32>
    %reduce_sum3A_2384 = vector.shape_cast %reduce_sum3A_2383 : vector<1xf32> to vector<1x1x1xf32>
    %reduce_sum3A_2385 = vector.extract %reduce_sum3A_2384[0, 0, 0] : f32 from vector<1x1x1xf32>
    %slice3A_2386 = vector.extract_strided_slice %select_n3A_1482 {offsets = [3, 0, 0], sizes = [1, 128, 128], strides = [1, 1, 1]} : vector<4x128x128xf32> to vector<1x128x128xf32>
    %squeeze3A_2387 = vector.shape_cast %slice3A_2386 : vector<1x128x128xf32> to vector<128x128xf32>
    %ge3A_2388 = vector.broadcast %mul3A_2352 : f32 to vector<128x128xf32>
    %ge3A_2389 = arith.cmpf oge, %squeeze3A_2387, %ge3A_2388 : vector<128x128xf32>
    %convert_element_type3A_2390 = arith.extui %ge3A_2389 : vector<128x128xi1> to vector<128x128xi32>
    %convert_element_type3A_2391 = arith.sitofp %convert_element_type3A_2390 : vector<128x128xi32> to vector<128x128xf32>
    %reduce_sum3A_2392 = vector.shape_cast %convert_element_type3A_2391 : vector<128x128xf32> to vector<1x128x128xf32>
    %reduce_sum3A_2393 = arith.constant dense<0.000000e+00> : vector<1xf32>
    %reduce_sum3A_2394 = vector.multi_reduction <add>, %reduce_sum3A_2392, %reduce_sum3A_2393 [1, 2] : vector<1x128x128xf32> to vector<1xf32>
    %reduce_sum3A_2395 = vector.shape_cast %reduce_sum3A_2394 : vector<1xf32> to vector<1x1x1xf32>
    %reduce_sum3A_2396 = vector.extract %reduce_sum3A_2395[0, 0, 0] : f32 from vector<1x1x1xf32>
    %ge3A_2397 = arith.cmpf oge, %reduce_sum3A_2363, %min3A_1548 : f32
    %ge3A_2398 = arith.cmpf oge, %reduce_sum3A_2374, %min3A_1551 : f32
    %ge3A_2399 = arith.cmpf oge, %reduce_sum3A_2385, %min3A_1554 : f32
    %ge3A_2400 = arith.cmpf oge, %reduce_sum3A_2396, %min3A_1557 : f32
    %select_n3A_2401 = arith.select %ge3A_2397, %mul3A_2343, %select_n3A_2333 : f32
    %select_n3A_2402 = arith.select %ge3A_2398, %mul3A_2346, %select_n3A_2334 : f32
    %select_n3A_2403 = arith.select %ge3A_2399, %mul3A_2349, %select_n3A_2335 : f32
    %select_n3A_2404 = arith.select %ge3A_2400, %mul3A_2352, %select_n3A_2336 : f32
    %select_n3A_2405 = arith.select %ge3A_2397, %select_n3A_2337, %mul3A_2343 : f32
    %select_n3A_2406 = arith.select %ge3A_2398, %select_n3A_2338, %mul3A_2346 : f32
    %select_n3A_2407 = arith.select %ge3A_2399, %select_n3A_2339, %mul3A_2349 : f32
    %select_n3A_2408 = arith.select %ge3A_2400, %select_n3A_2340, %mul3A_2352 : f32
    %add3A_2409 = arith.addf %select_n3A_2401, %select_n3A_2405 : f32
    %mul3A_2410 = arith.constant 5.000000e-01 : f32
    %mul3A_2411 = arith.mulf %mul3A_2410, %add3A_2409 : f32
    %add3A_2412 = arith.addf %select_n3A_2402, %select_n3A_2406 : f32
    %mul3A_2413 = arith.constant 5.000000e-01 : f32
    %mul3A_2414 = arith.mulf %mul3A_2413, %add3A_2412 : f32
    %add3A_2415 = arith.addf %select_n3A_2403, %select_n3A_2407 : f32
    %mul3A_2416 = arith.constant 5.000000e-01 : f32
    %mul3A_2417 = arith.mulf %mul3A_2416, %add3A_2415 : f32
    %add3A_2418 = arith.addf %select_n3A_2404, %select_n3A_2408 : f32
    %mul3A_2419 = arith.constant 5.000000e-01 : f32
    %mul3A_2420 = arith.mulf %mul3A_2419, %add3A_2418 : f32
    %slice3A_2421 = vector.extract_strided_slice %select_n3A_1482 {offsets = [0, 0, 0], sizes = [1, 128, 128], strides = [1, 1, 1]} : vector<4x128x128xf32> to vector<1x128x128xf32>
    %squeeze3A_2422 = vector.shape_cast %slice3A_2421 : vector<1x128x128xf32> to vector<128x128xf32>
    %ge3A_2423 = vector.broadcast %mul3A_2411 : f32 to vector<128x128xf32>
    %ge3A_2424 = arith.cmpf oge, %squeeze3A_2422, %ge3A_2423 : vector<128x128xf32>
    %convert_element_type3A_2425 = arith.extui %ge3A_2424 : vector<128x128xi1> to vector<128x128xi32>
    %convert_element_type3A_2426 = arith.sitofp %convert_element_type3A_2425 : vector<128x128xi32> to vector<128x128xf32>
    %reduce_sum3A_2427 = vector.shape_cast %convert_element_type3A_2426 : vector<128x128xf32> to vector<1x128x128xf32>
    %reduce_sum3A_2428 = arith.constant dense<0.000000e+00> : vector<1xf32>
    %reduce_sum3A_2429 = vector.multi_reduction <add>, %reduce_sum3A_2427, %reduce_sum3A_2428 [1, 2] : vector<1x128x128xf32> to vector<1xf32>
    %reduce_sum3A_2430 = vector.shape_cast %reduce_sum3A_2429 : vector<1xf32> to vector<1x1x1xf32>
    %reduce_sum3A_2431 = vector.extract %reduce_sum3A_2430[0, 0, 0] : f32 from vector<1x1x1xf32>
    %slice3A_2432 = vector.extract_strided_slice %select_n3A_1482 {offsets = [1, 0, 0], sizes = [1, 128, 128], strides = [1, 1, 1]} : vector<4x128x128xf32> to vector<1x128x128xf32>
    %squeeze3A_2433 = vector.shape_cast %slice3A_2432 : vector<1x128x128xf32> to vector<128x128xf32>
    %ge3A_2434 = vector.broadcast %mul3A_2414 : f32 to vector<128x128xf32>
    %ge3A_2435 = arith.cmpf oge, %squeeze3A_2433, %ge3A_2434 : vector<128x128xf32>
    %convert_element_type3A_2436 = arith.extui %ge3A_2435 : vector<128x128xi1> to vector<128x128xi32>
    %convert_element_type3A_2437 = arith.sitofp %convert_element_type3A_2436 : vector<128x128xi32> to vector<128x128xf32>
    %reduce_sum3A_2438 = vector.shape_cast %convert_element_type3A_2437 : vector<128x128xf32> to vector<1x128x128xf32>
    %reduce_sum3A_2439 = arith.constant dense<0.000000e+00> : vector<1xf32>
    %reduce_sum3A_2440 = vector.multi_reduction <add>, %reduce_sum3A_2438, %reduce_sum3A_2439 [1, 2] : vector<1x128x128xf32> to vector<1xf32>
    %reduce_sum3A_2441 = vector.shape_cast %reduce_sum3A_2440 : vector<1xf32> to vector<1x1x1xf32>
    %reduce_sum3A_2442 = vector.extract %reduce_sum3A_2441[0, 0, 0] : f32 from vector<1x1x1xf32>
    %slice3A_2443 = vector.extract_strided_slice %select_n3A_1482 {offsets = [2, 0, 0], sizes = [1, 128, 128], strides = [1, 1, 1]} : vector<4x128x128xf32> to vector<1x128x128xf32>
    %squeeze3A_2444 = vector.shape_cast %slice3A_2443 : vector<1x128x128xf32> to vector<128x128xf32>
    %ge3A_2445 = vector.broadcast %mul3A_2417 : f32 to vector<128x128xf32>
    %ge3A_2446 = arith.cmpf oge, %squeeze3A_2444, %ge3A_2445 : vector<128x128xf32>
    %convert_element_type3A_2447 = arith.extui %ge3A_2446 : vector<128x128xi1> to vector<128x128xi32>
    %convert_element_type3A_2448 = arith.sitofp %convert_element_type3A_2447 : vector<128x128xi32> to vector<128x128xf32>
    %reduce_sum3A_2449 = vector.shape_cast %convert_element_type3A_2448 : vector<128x128xf32> to vector<1x128x128xf32>
    %reduce_sum3A_2450 = arith.constant dense<0.000000e+00> : vector<1xf32>
    %reduce_sum3A_2451 = vector.multi_reduction <add>, %reduce_sum3A_2449, %reduce_sum3A_2450 [1, 2] : vector<1x128x128xf32> to vector<1xf32>
    %reduce_sum3A_2452 = vector.shape_cast %reduce_sum3A_2451 : vector<1xf32> to vector<1x1x1xf32>
    %reduce_sum3A_2453 = vector.extract %reduce_sum3A_2452[0, 0, 0] : f32 from vector<1x1x1xf32>
    %slice3A_2454 = vector.extract_strided_slice %select_n3A_1482 {offsets = [3, 0, 0], sizes = [1, 128, 128], strides = [1, 1, 1]} : vector<4x128x128xf32> to vector<1x128x128xf32>
    %squeeze3A_2455 = vector.shape_cast %slice3A_2454 : vector<1x128x128xf32> to vector<128x128xf32>
    %ge3A_2456 = vector.broadcast %mul3A_2420 : f32 to vector<128x128xf32>
    %ge3A_2457 = arith.cmpf oge, %squeeze3A_2455, %ge3A_2456 : vector<128x128xf32>
    %convert_element_type3A_2458 = arith.extui %ge3A_2457 : vector<128x128xi1> to vector<128x128xi32>
    %convert_element_type3A_2459 = arith.sitofp %convert_element_type3A_2458 : vector<128x128xi32> to vector<128x128xf32>
    %reduce_sum3A_2460 = vector.shape_cast %convert_element_type3A_2459 : vector<128x128xf32> to vector<1x128x128xf32>
    %reduce_sum3A_2461 = arith.constant dense<0.000000e+00> : vector<1xf32>
    %reduce_sum3A_2462 = vector.multi_reduction <add>, %reduce_sum3A_2460, %reduce_sum3A_2461 [1, 2] : vector<1x128x128xf32> to vector<1xf32>
    %reduce_sum3A_2463 = vector.shape_cast %reduce_sum3A_2462 : vector<1xf32> to vector<1x1x1xf32>
    %reduce_sum3A_2464 = vector.extract %reduce_sum3A_2463[0, 0, 0] : f32 from vector<1x1x1xf32>
    %ge3A_2465 = arith.cmpf oge, %reduce_sum3A_2431, %min3A_1548 : f32
    %ge3A_2466 = arith.cmpf oge, %reduce_sum3A_2442, %min3A_1551 : f32
    %ge3A_2467 = arith.cmpf oge, %reduce_sum3A_2453, %min3A_1554 : f32
    %ge3A_2468 = arith.cmpf oge, %reduce_sum3A_2464, %min3A_1557 : f32
    %select_n3A_2469 = arith.select %ge3A_2465, %mul3A_2411, %select_n3A_2401 : f32
    %select_n3A_2470 = arith.select %ge3A_2466, %mul3A_2414, %select_n3A_2402 : f32
    %select_n3A_2471 = arith.select %ge3A_2467, %mul3A_2417, %select_n3A_2403 : f32
    %select_n3A_2472 = arith.select %ge3A_2468, %mul3A_2420, %select_n3A_2404 : f32
    %select_n3A_2473 = arith.select %ge3A_2465, %select_n3A_2405, %mul3A_2411 : f32
    %select_n3A_2474 = arith.select %ge3A_2466, %select_n3A_2406, %mul3A_2414 : f32
    %select_n3A_2475 = arith.select %ge3A_2467, %select_n3A_2407, %mul3A_2417 : f32
    %select_n3A_2476 = arith.select %ge3A_2468, %select_n3A_2408, %mul3A_2420 : f32
    %add3A_2477 = arith.addf %select_n3A_2469, %select_n3A_2473 : f32
    %mul3A_2478 = arith.constant 5.000000e-01 : f32
    %mul3A_2479 = arith.mulf %mul3A_2478, %add3A_2477 : f32
    %add3A_2480 = arith.addf %select_n3A_2470, %select_n3A_2474 : f32
    %mul3A_2481 = arith.constant 5.000000e-01 : f32
    %mul3A_2482 = arith.mulf %mul3A_2481, %add3A_2480 : f32
    %add3A_2483 = arith.addf %select_n3A_2471, %select_n3A_2475 : f32
    %mul3A_2484 = arith.constant 5.000000e-01 : f32
    %mul3A_2485 = arith.mulf %mul3A_2484, %add3A_2483 : f32
    %add3A_2486 = arith.addf %select_n3A_2472, %select_n3A_2476 : f32
    %mul3A_2487 = arith.constant 5.000000e-01 : f32
    %mul3A_2488 = arith.mulf %mul3A_2487, %add3A_2486 : f32
    %slice3A_2489 = vector.extract_strided_slice %select_n3A_1482 {offsets = [0, 0, 0], sizes = [1, 128, 128], strides = [1, 1, 1]} : vector<4x128x128xf32> to vector<1x128x128xf32>
    %squeeze3A_2490 = vector.shape_cast %slice3A_2489 : vector<1x128x128xf32> to vector<128x128xf32>
    %ge3A_2491 = vector.broadcast %mul3A_2479 : f32 to vector<128x128xf32>
    %ge3A_2492 = arith.cmpf oge, %squeeze3A_2490, %ge3A_2491 : vector<128x128xf32>
    %convert_element_type3A_2493 = arith.extui %ge3A_2492 : vector<128x128xi1> to vector<128x128xi32>
    %convert_element_type3A_2494 = arith.sitofp %convert_element_type3A_2493 : vector<128x128xi32> to vector<128x128xf32>
    %reduce_sum3A_2495 = vector.shape_cast %convert_element_type3A_2494 : vector<128x128xf32> to vector<1x128x128xf32>
    %reduce_sum3A_2496 = arith.constant dense<0.000000e+00> : vector<1xf32>
    %reduce_sum3A_2497 = vector.multi_reduction <add>, %reduce_sum3A_2495, %reduce_sum3A_2496 [1, 2] : vector<1x128x128xf32> to vector<1xf32>
    %reduce_sum3A_2498 = vector.shape_cast %reduce_sum3A_2497 : vector<1xf32> to vector<1x1x1xf32>
    %reduce_sum3A_2499 = vector.extract %reduce_sum3A_2498[0, 0, 0] : f32 from vector<1x1x1xf32>
    %slice3A_2500 = vector.extract_strided_slice %select_n3A_1482 {offsets = [1, 0, 0], sizes = [1, 128, 128], strides = [1, 1, 1]} : vector<4x128x128xf32> to vector<1x128x128xf32>
    %squeeze3A_2501 = vector.shape_cast %slice3A_2500 : vector<1x128x128xf32> to vector<128x128xf32>
    %ge3A_2502 = vector.broadcast %mul3A_2482 : f32 to vector<128x128xf32>
    %ge3A_2503 = arith.cmpf oge, %squeeze3A_2501, %ge3A_2502 : vector<128x128xf32>
    %convert_element_type3A_2504 = arith.extui %ge3A_2503 : vector<128x128xi1> to vector<128x128xi32>
    %convert_element_type3A_2505 = arith.sitofp %convert_element_type3A_2504 : vector<128x128xi32> to vector<128x128xf32>
    %reduce_sum3A_2506 = vector.shape_cast %convert_element_type3A_2505 : vector<128x128xf32> to vector<1x128x128xf32>
    %reduce_sum3A_2507 = arith.constant dense<0.000000e+00> : vector<1xf32>
    %reduce_sum3A_2508 = vector.multi_reduction <add>, %reduce_sum3A_2506, %reduce_sum3A_2507 [1, 2] : vector<1x128x128xf32> to vector<1xf32>
    %reduce_sum3A_2509 = vector.shape_cast %reduce_sum3A_2508 : vector<1xf32> to vector<1x1x1xf32>
    %reduce_sum3A_2510 = vector.extract %reduce_sum3A_2509[0, 0, 0] : f32 from vector<1x1x1xf32>
    %slice3A_2511 = vector.extract_strided_slice %select_n3A_1482 {offsets = [2, 0, 0], sizes = [1, 128, 128], strides = [1, 1, 1]} : vector<4x128x128xf32> to vector<1x128x128xf32>
    %squeeze3A_2512 = vector.shape_cast %slice3A_2511 : vector<1x128x128xf32> to vector<128x128xf32>
    %ge3A_2513 = vector.broadcast %mul3A_2485 : f32 to vector<128x128xf32>
    %ge3A_2514 = arith.cmpf oge, %squeeze3A_2512, %ge3A_2513 : vector<128x128xf32>
    %convert_element_type3A_2515 = arith.extui %ge3A_2514 : vector<128x128xi1> to vector<128x128xi32>
    %convert_element_type3A_2516 = arith.sitofp %convert_element_type3A_2515 : vector<128x128xi32> to vector<128x128xf32>
    %reduce_sum3A_2517 = vector.shape_cast %convert_element_type3A_2516 : vector<128x128xf32> to vector<1x128x128xf32>
    %reduce_sum3A_2518 = arith.constant dense<0.000000e+00> : vector<1xf32>
    %reduce_sum3A_2519 = vector.multi_reduction <add>, %reduce_sum3A_2517, %reduce_sum3A_2518 [1, 2] : vector<1x128x128xf32> to vector<1xf32>
    %reduce_sum3A_2520 = vector.shape_cast %reduce_sum3A_2519 : vector<1xf32> to vector<1x1x1xf32>
    %reduce_sum3A_2521 = vector.extract %reduce_sum3A_2520[0, 0, 0] : f32 from vector<1x1x1xf32>
    %slice3A_2522 = vector.extract_strided_slice %select_n3A_1482 {offsets = [3, 0, 0], sizes = [1, 128, 128], strides = [1, 1, 1]} : vector<4x128x128xf32> to vector<1x128x128xf32>
    %squeeze3A_2523 = vector.shape_cast %slice3A_2522 : vector<1x128x128xf32> to vector<128x128xf32>
    %ge3A_2524 = vector.broadcast %mul3A_2488 : f32 to vector<128x128xf32>
    %ge3A_2525 = arith.cmpf oge, %squeeze3A_2523, %ge3A_2524 : vector<128x128xf32>
    %convert_element_type3A_2526 = arith.extui %ge3A_2525 : vector<128x128xi1> to vector<128x128xi32>
    %convert_element_type3A_2527 = arith.sitofp %convert_element_type3A_2526 : vector<128x128xi32> to vector<128x128xf32>
    %reduce_sum3A_2528 = vector.shape_cast %convert_element_type3A_2527 : vector<128x128xf32> to vector<1x128x128xf32>
    %reduce_sum3A_2529 = arith.constant dense<0.000000e+00> : vector<1xf32>
    %reduce_sum3A_2530 = vector.multi_reduction <add>, %reduce_sum3A_2528, %reduce_sum3A_2529 [1, 2] : vector<1x128x128xf32> to vector<1xf32>
    %reduce_sum3A_2531 = vector.shape_cast %reduce_sum3A_2530 : vector<1xf32> to vector<1x1x1xf32>
    %reduce_sum3A_2532 = vector.extract %reduce_sum3A_2531[0, 0, 0] : f32 from vector<1x1x1xf32>
    %ge3A_2533 = arith.cmpf oge, %reduce_sum3A_2499, %min3A_1548 : f32
    %ge3A_2534 = arith.cmpf oge, %reduce_sum3A_2510, %min3A_1551 : f32
    %ge3A_2535 = arith.cmpf oge, %reduce_sum3A_2521, %min3A_1554 : f32
    %ge3A_2536 = arith.cmpf oge, %reduce_sum3A_2532, %min3A_1557 : f32
    %select_n3A_2537 = arith.select %ge3A_2533, %mul3A_2479, %select_n3A_2469 : f32
    %select_n3A_2538 = arith.select %ge3A_2534, %mul3A_2482, %select_n3A_2470 : f32
    %select_n3A_2539 = arith.select %ge3A_2535, %mul3A_2485, %select_n3A_2471 : f32
    %select_n3A_2540 = arith.select %ge3A_2536, %mul3A_2488, %select_n3A_2472 : f32
    %select_n3A_2541 = arith.select %ge3A_2533, %select_n3A_2473, %mul3A_2479 : f32
    %select_n3A_2542 = arith.select %ge3A_2534, %select_n3A_2474, %mul3A_2482 : f32
    %select_n3A_2543 = arith.select %ge3A_2535, %select_n3A_2475, %mul3A_2485 : f32
    %select_n3A_2544 = arith.select %ge3A_2536, %select_n3A_2476, %mul3A_2488 : f32
    %add3A_2545 = arith.addf %select_n3A_2537, %select_n3A_2541 : f32
    %mul3A_2546 = arith.constant 5.000000e-01 : f32
    %mul3A_2547 = arith.mulf %mul3A_2546, %add3A_2545 : f32
    %add3A_2548 = arith.addf %select_n3A_2538, %select_n3A_2542 : f32
    %mul3A_2549 = arith.constant 5.000000e-01 : f32
    %mul3A_2550 = arith.mulf %mul3A_2549, %add3A_2548 : f32
    %add3A_2551 = arith.addf %select_n3A_2539, %select_n3A_2543 : f32
    %mul3A_2552 = arith.constant 5.000000e-01 : f32
    %mul3A_2553 = arith.mulf %mul3A_2552, %add3A_2551 : f32
    %add3A_2554 = arith.addf %select_n3A_2540, %select_n3A_2544 : f32
    %mul3A_2555 = arith.constant 5.000000e-01 : f32
    %mul3A_2556 = arith.mulf %mul3A_2555, %add3A_2554 : f32
    %slice3A_2557 = vector.extract_strided_slice %select_n3A_1482 {offsets = [0, 0, 0], sizes = [1, 128, 128], strides = [1, 1, 1]} : vector<4x128x128xf32> to vector<1x128x128xf32>
    %squeeze3A_2558 = vector.shape_cast %slice3A_2557 : vector<1x128x128xf32> to vector<128x128xf32>
    %ge3A_2559 = vector.broadcast %mul3A_2547 : f32 to vector<128x128xf32>
    %ge3A_2560 = arith.cmpf oge, %squeeze3A_2558, %ge3A_2559 : vector<128x128xf32>
    %convert_element_type3A_2561 = arith.extui %ge3A_2560 : vector<128x128xi1> to vector<128x128xi32>
    %convert_element_type3A_2562 = arith.sitofp %convert_element_type3A_2561 : vector<128x128xi32> to vector<128x128xf32>
    %reduce_sum3A_2563 = vector.shape_cast %convert_element_type3A_2562 : vector<128x128xf32> to vector<1x128x128xf32>
    %reduce_sum3A_2564 = arith.constant dense<0.000000e+00> : vector<1xf32>
    %reduce_sum3A_2565 = vector.multi_reduction <add>, %reduce_sum3A_2563, %reduce_sum3A_2564 [1, 2] : vector<1x128x128xf32> to vector<1xf32>
    %reduce_sum3A_2566 = vector.shape_cast %reduce_sum3A_2565 : vector<1xf32> to vector<1x1x1xf32>
    %reduce_sum3A_2567 = vector.extract %reduce_sum3A_2566[0, 0, 0] : f32 from vector<1x1x1xf32>
    %slice3A_2568 = vector.extract_strided_slice %select_n3A_1482 {offsets = [1, 0, 0], sizes = [1, 128, 128], strides = [1, 1, 1]} : vector<4x128x128xf32> to vector<1x128x128xf32>
    %squeeze3A_2569 = vector.shape_cast %slice3A_2568 : vector<1x128x128xf32> to vector<128x128xf32>
    %ge3A_2570 = vector.broadcast %mul3A_2550 : f32 to vector<128x128xf32>
    %ge3A_2571 = arith.cmpf oge, %squeeze3A_2569, %ge3A_2570 : vector<128x128xf32>
    %convert_element_type3A_2572 = arith.extui %ge3A_2571 : vector<128x128xi1> to vector<128x128xi32>
    %convert_element_type3A_2573 = arith.sitofp %convert_element_type3A_2572 : vector<128x128xi32> to vector<128x128xf32>
    %reduce_sum3A_2574 = vector.shape_cast %convert_element_type3A_2573 : vector<128x128xf32> to vector<1x128x128xf32>
    %reduce_sum3A_2575 = arith.constant dense<0.000000e+00> : vector<1xf32>
    %reduce_sum3A_2576 = vector.multi_reduction <add>, %reduce_sum3A_2574, %reduce_sum3A_2575 [1, 2] : vector<1x128x128xf32> to vector<1xf32>
    %reduce_sum3A_2577 = vector.shape_cast %reduce_sum3A_2576 : vector<1xf32> to vector<1x1x1xf32>
    %reduce_sum3A_2578 = vector.extract %reduce_sum3A_2577[0, 0, 0] : f32 from vector<1x1x1xf32>
    %slice3A_2579 = vector.extract_strided_slice %select_n3A_1482 {offsets = [2, 0, 0], sizes = [1, 128, 128], strides = [1, 1, 1]} : vector<4x128x128xf32> to vector<1x128x128xf32>
    %squeeze3A_2580 = vector.shape_cast %slice3A_2579 : vector<1x128x128xf32> to vector<128x128xf32>
    %ge3A_2581 = vector.broadcast %mul3A_2553 : f32 to vector<128x128xf32>
    %ge3A_2582 = arith.cmpf oge, %squeeze3A_2580, %ge3A_2581 : vector<128x128xf32>
    %convert_element_type3A_2583 = arith.extui %ge3A_2582 : vector<128x128xi1> to vector<128x128xi32>
    %convert_element_type3A_2584 = arith.sitofp %convert_element_type3A_2583 : vector<128x128xi32> to vector<128x128xf32>
    %reduce_sum3A_2585 = vector.shape_cast %convert_element_type3A_2584 : vector<128x128xf32> to vector<1x128x128xf32>
    %reduce_sum3A_2586 = arith.constant dense<0.000000e+00> : vector<1xf32>
    %reduce_sum3A_2587 = vector.multi_reduction <add>, %reduce_sum3A_2585, %reduce_sum3A_2586 [1, 2] : vector<1x128x128xf32> to vector<1xf32>
    %reduce_sum3A_2588 = vector.shape_cast %reduce_sum3A_2587 : vector<1xf32> to vector<1x1x1xf32>
    %reduce_sum3A_2589 = vector.extract %reduce_sum3A_2588[0, 0, 0] : f32 from vector<1x1x1xf32>
    %slice3A_2590 = vector.extract_strided_slice %select_n3A_1482 {offsets = [3, 0, 0], sizes = [1, 128, 128], strides = [1, 1, 1]} : vector<4x128x128xf32> to vector<1x128x128xf32>
    %squeeze3A_2591 = vector.shape_cast %slice3A_2590 : vector<1x128x128xf32> to vector<128x128xf32>
    %ge3A_2592 = vector.broadcast %mul3A_2556 : f32 to vector<128x128xf32>
    %ge3A_2593 = arith.cmpf oge, %squeeze3A_2591, %ge3A_2592 : vector<128x128xf32>
    %convert_element_type3A_2594 = arith.extui %ge3A_2593 : vector<128x128xi1> to vector<128x128xi32>
    %convert_element_type3A_2595 = arith.sitofp %convert_element_type3A_2594 : vector<128x128xi32> to vector<128x128xf32>
    %reduce_sum3A_2596 = vector.shape_cast %convert_element_type3A_2595 : vector<128x128xf32> to vector<1x128x128xf32>
    %reduce_sum3A_2597 = arith.constant dense<0.000000e+00> : vector<1xf32>
    %reduce_sum3A_2598 = vector.multi_reduction <add>, %reduce_sum3A_2596, %reduce_sum3A_2597 [1, 2] : vector<1x128x128xf32> to vector<1xf32>
    %reduce_sum3A_2599 = vector.shape_cast %reduce_sum3A_2598 : vector<1xf32> to vector<1x1x1xf32>
    %reduce_sum3A_2600 = vector.extract %reduce_sum3A_2599[0, 0, 0] : f32 from vector<1x1x1xf32>
    %ge3A_2601 = arith.cmpf oge, %reduce_sum3A_2567, %min3A_1548 : f32
    %ge3A_2602 = arith.cmpf oge, %reduce_sum3A_2578, %min3A_1551 : f32
    %ge3A_2603 = arith.cmpf oge, %reduce_sum3A_2589, %min3A_1554 : f32
    %ge3A_2604 = arith.cmpf oge, %reduce_sum3A_2600, %min3A_1557 : f32
    %select_n3A_2605 = arith.select %ge3A_2601, %mul3A_2547, %select_n3A_2537 : f32
    %select_n3A_2606 = arith.select %ge3A_2602, %mul3A_2550, %select_n3A_2538 : f32
    %select_n3A_2607 = arith.select %ge3A_2603, %mul3A_2553, %select_n3A_2539 : f32
    %select_n3A_2608 = arith.select %ge3A_2604, %mul3A_2556, %select_n3A_2540 : f32
    %select_n3A_2609 = arith.select %ge3A_2601, %select_n3A_2541, %mul3A_2547 : f32
    %select_n3A_2610 = arith.select %ge3A_2602, %select_n3A_2542, %mul3A_2550 : f32
    %select_n3A_2611 = arith.select %ge3A_2603, %select_n3A_2543, %mul3A_2553 : f32
    %select_n3A_2612 = arith.select %ge3A_2604, %select_n3A_2544, %mul3A_2556 : f32
    %add3A_2613 = arith.addf %select_n3A_2605, %select_n3A_2609 : f32
    %mul3A_2614 = arith.constant 5.000000e-01 : f32
    %mul3A_2615 = arith.mulf %mul3A_2614, %add3A_2613 : f32
    %add3A_2616 = arith.addf %select_n3A_2606, %select_n3A_2610 : f32
    %mul3A_2617 = arith.constant 5.000000e-01 : f32
    %mul3A_2618 = arith.mulf %mul3A_2617, %add3A_2616 : f32
    %add3A_2619 = arith.addf %select_n3A_2607, %select_n3A_2611 : f32
    %mul3A_2620 = arith.constant 5.000000e-01 : f32
    %mul3A_2621 = arith.mulf %mul3A_2620, %add3A_2619 : f32
    %add3A_2622 = arith.addf %select_n3A_2608, %select_n3A_2612 : f32
    %mul3A_2623 = arith.constant 5.000000e-01 : f32
    %mul3A_2624 = arith.mulf %mul3A_2623, %add3A_2622 : f32
    %slice3A_2625 = vector.extract_strided_slice %select_n3A_1482 {offsets = [0, 0, 0], sizes = [1, 128, 128], strides = [1, 1, 1]} : vector<4x128x128xf32> to vector<1x128x128xf32>
    %squeeze3A_2626 = vector.shape_cast %slice3A_2625 : vector<1x128x128xf32> to vector<128x128xf32>
    %ge3A_2627 = vector.broadcast %mul3A_2615 : f32 to vector<128x128xf32>
    %ge3A_2628 = arith.cmpf oge, %squeeze3A_2626, %ge3A_2627 : vector<128x128xf32>
    %convert_element_type3A_2629 = arith.extui %ge3A_2628 : vector<128x128xi1> to vector<128x128xi32>
    %convert_element_type3A_2630 = arith.sitofp %convert_element_type3A_2629 : vector<128x128xi32> to vector<128x128xf32>
    %reduce_sum3A_2631 = vector.shape_cast %convert_element_type3A_2630 : vector<128x128xf32> to vector<1x128x128xf32>
    %reduce_sum3A_2632 = arith.constant dense<0.000000e+00> : vector<1xf32>
    %reduce_sum3A_2633 = vector.multi_reduction <add>, %reduce_sum3A_2631, %reduce_sum3A_2632 [1, 2] : vector<1x128x128xf32> to vector<1xf32>
    %reduce_sum3A_2634 = vector.shape_cast %reduce_sum3A_2633 : vector<1xf32> to vector<1x1x1xf32>
    %reduce_sum3A_2635 = vector.extract %reduce_sum3A_2634[0, 0, 0] : f32 from vector<1x1x1xf32>
    %slice3A_2636 = vector.extract_strided_slice %select_n3A_1482 {offsets = [1, 0, 0], sizes = [1, 128, 128], strides = [1, 1, 1]} : vector<4x128x128xf32> to vector<1x128x128xf32>
    %squeeze3A_2637 = vector.shape_cast %slice3A_2636 : vector<1x128x128xf32> to vector<128x128xf32>
    %ge3A_2638 = vector.broadcast %mul3A_2618 : f32 to vector<128x128xf32>
    %ge3A_2639 = arith.cmpf oge, %squeeze3A_2637, %ge3A_2638 : vector<128x128xf32>
    %convert_element_type3A_2640 = arith.extui %ge3A_2639 : vector<128x128xi1> to vector<128x128xi32>
    %convert_element_type3A_2641 = arith.sitofp %convert_element_type3A_2640 : vector<128x128xi32> to vector<128x128xf32>
    %reduce_sum3A_2642 = vector.shape_cast %convert_element_type3A_2641 : vector<128x128xf32> to vector<1x128x128xf32>
    %reduce_sum3A_2643 = arith.constant dense<0.000000e+00> : vector<1xf32>
    %reduce_sum3A_2644 = vector.multi_reduction <add>, %reduce_sum3A_2642, %reduce_sum3A_2643 [1, 2] : vector<1x128x128xf32> to vector<1xf32>
    %reduce_sum3A_2645 = vector.shape_cast %reduce_sum3A_2644 : vector<1xf32> to vector<1x1x1xf32>
    %reduce_sum3A_2646 = vector.extract %reduce_sum3A_2645[0, 0, 0] : f32 from vector<1x1x1xf32>
    %slice3A_2647 = vector.extract_strided_slice %select_n3A_1482 {offsets = [2, 0, 0], sizes = [1, 128, 128], strides = [1, 1, 1]} : vector<4x128x128xf32> to vector<1x128x128xf32>
    %squeeze3A_2648 = vector.shape_cast %slice3A_2647 : vector<1x128x128xf32> to vector<128x128xf32>
    %ge3A_2649 = vector.broadcast %mul3A_2621 : f32 to vector<128x128xf32>
    %ge3A_2650 = arith.cmpf oge, %squeeze3A_2648, %ge3A_2649 : vector<128x128xf32>
    %convert_element_type3A_2651 = arith.extui %ge3A_2650 : vector<128x128xi1> to vector<128x128xi32>
    %convert_element_type3A_2652 = arith.sitofp %convert_element_type3A_2651 : vector<128x128xi32> to vector<128x128xf32>
    %reduce_sum3A_2653 = vector.shape_cast %convert_element_type3A_2652 : vector<128x128xf32> to vector<1x128x128xf32>
    %reduce_sum3A_2654 = arith.constant dense<0.000000e+00> : vector<1xf32>
    %reduce_sum3A_2655 = vector.multi_reduction <add>, %reduce_sum3A_2653, %reduce_sum3A_2654 [1, 2] : vector<1x128x128xf32> to vector<1xf32>
    %reduce_sum3A_2656 = vector.shape_cast %reduce_sum3A_2655 : vector<1xf32> to vector<1x1x1xf32>
    %reduce_sum3A_2657 = vector.extract %reduce_sum3A_2656[0, 0, 0] : f32 from vector<1x1x1xf32>
    %slice3A_2658 = vector.extract_strided_slice %select_n3A_1482 {offsets = [3, 0, 0], sizes = [1, 128, 128], strides = [1, 1, 1]} : vector<4x128x128xf32> to vector<1x128x128xf32>
    %squeeze3A_2659 = vector.shape_cast %slice3A_2658 : vector<1x128x128xf32> to vector<128x128xf32>
    %ge3A_2660 = vector.broadcast %mul3A_2624 : f32 to vector<128x128xf32>
    %ge3A_2661 = arith.cmpf oge, %squeeze3A_2659, %ge3A_2660 : vector<128x128xf32>
    %convert_element_type3A_2662 = arith.extui %ge3A_2661 : vector<128x128xi1> to vector<128x128xi32>
    %convert_element_type3A_2663 = arith.sitofp %convert_element_type3A_2662 : vector<128x128xi32> to vector<128x128xf32>
    %reduce_sum3A_2664 = vector.shape_cast %convert_element_type3A_2663 : vector<128x128xf32> to vector<1x128x128xf32>
    %reduce_sum3A_2665 = arith.constant dense<0.000000e+00> : vector<1xf32>
    %reduce_sum3A_2666 = vector.multi_reduction <add>, %reduce_sum3A_2664, %reduce_sum3A_2665 [1, 2] : vector<1x128x128xf32> to vector<1xf32>
    %reduce_sum3A_2667 = vector.shape_cast %reduce_sum3A_2666 : vector<1xf32> to vector<1x1x1xf32>
    %reduce_sum3A_2668 = vector.extract %reduce_sum3A_2667[0, 0, 0] : f32 from vector<1x1x1xf32>
    %ge3A_2669 = arith.cmpf oge, %reduce_sum3A_2635, %min3A_1548 : f32
    %ge3A_2670 = arith.cmpf oge, %reduce_sum3A_2646, %min3A_1551 : f32
    %ge3A_2671 = arith.cmpf oge, %reduce_sum3A_2657, %min3A_1554 : f32
    %ge3A_2672 = arith.cmpf oge, %reduce_sum3A_2668, %min3A_1557 : f32
    %select_n3A_2673 = arith.select %ge3A_2669, %mul3A_2615, %select_n3A_2605 : f32
    %select_n3A_2674 = arith.select %ge3A_2670, %mul3A_2618, %select_n3A_2606 : f32
    %select_n3A_2675 = arith.select %ge3A_2671, %mul3A_2621, %select_n3A_2607 : f32
    %select_n3A_2676 = arith.select %ge3A_2672, %mul3A_2624, %select_n3A_2608 : f32
    %select_n3A_2677 = arith.select %ge3A_2669, %select_n3A_2609, %mul3A_2615 : f32
    %select_n3A_2678 = arith.select %ge3A_2670, %select_n3A_2610, %mul3A_2618 : f32
    %select_n3A_2679 = arith.select %ge3A_2671, %select_n3A_2611, %mul3A_2621 : f32
    %select_n3A_2680 = arith.select %ge3A_2672, %select_n3A_2612, %mul3A_2624 : f32
    %add3A_2681 = arith.addf %select_n3A_2673, %select_n3A_2677 : f32
    %mul3A_2682 = arith.constant 5.000000e-01 : f32
    %mul3A_2683 = arith.mulf %mul3A_2682, %add3A_2681 : f32
    %add3A_2684 = arith.addf %select_n3A_2674, %select_n3A_2678 : f32
    %mul3A_2685 = arith.constant 5.000000e-01 : f32
    %mul3A_2686 = arith.mulf %mul3A_2685, %add3A_2684 : f32
    %add3A_2687 = arith.addf %select_n3A_2675, %select_n3A_2679 : f32
    %mul3A_2688 = arith.constant 5.000000e-01 : f32
    %mul3A_2689 = arith.mulf %mul3A_2688, %add3A_2687 : f32
    %add3A_2690 = arith.addf %select_n3A_2676, %select_n3A_2680 : f32
    %mul3A_2691 = arith.constant 5.000000e-01 : f32
    %mul3A_2692 = arith.mulf %mul3A_2691, %add3A_2690 : f32
    %slice3A_2693 = vector.extract_strided_slice %select_n3A_1482 {offsets = [0, 0, 0], sizes = [1, 128, 128], strides = [1, 1, 1]} : vector<4x128x128xf32> to vector<1x128x128xf32>
    %squeeze3A_2694 = vector.shape_cast %slice3A_2693 : vector<1x128x128xf32> to vector<128x128xf32>
    %ge3A_2695 = vector.broadcast %mul3A_2683 : f32 to vector<128x128xf32>
    %ge3A_2696 = arith.cmpf oge, %squeeze3A_2694, %ge3A_2695 : vector<128x128xf32>
    %convert_element_type3A_2697 = arith.extui %ge3A_2696 : vector<128x128xi1> to vector<128x128xi32>
    %convert_element_type3A_2698 = arith.sitofp %convert_element_type3A_2697 : vector<128x128xi32> to vector<128x128xf32>
    %reduce_sum3A_2699 = vector.shape_cast %convert_element_type3A_2698 : vector<128x128xf32> to vector<1x128x128xf32>
    %reduce_sum3A_2700 = arith.constant dense<0.000000e+00> : vector<1xf32>
    %reduce_sum3A_2701 = vector.multi_reduction <add>, %reduce_sum3A_2699, %reduce_sum3A_2700 [1, 2] : vector<1x128x128xf32> to vector<1xf32>
    %reduce_sum3A_2702 = vector.shape_cast %reduce_sum3A_2701 : vector<1xf32> to vector<1x1x1xf32>
    %reduce_sum3A_2703 = vector.extract %reduce_sum3A_2702[0, 0, 0] : f32 from vector<1x1x1xf32>
    %slice3A_2704 = vector.extract_strided_slice %select_n3A_1482 {offsets = [1, 0, 0], sizes = [1, 128, 128], strides = [1, 1, 1]} : vector<4x128x128xf32> to vector<1x128x128xf32>
    %squeeze3A_2705 = vector.shape_cast %slice3A_2704 : vector<1x128x128xf32> to vector<128x128xf32>
    %ge3A_2706 = vector.broadcast %mul3A_2686 : f32 to vector<128x128xf32>
    %ge3A_2707 = arith.cmpf oge, %squeeze3A_2705, %ge3A_2706 : vector<128x128xf32>
    %convert_element_type3A_2708 = arith.extui %ge3A_2707 : vector<128x128xi1> to vector<128x128xi32>
    %convert_element_type3A_2709 = arith.sitofp %convert_element_type3A_2708 : vector<128x128xi32> to vector<128x128xf32>
    %reduce_sum3A_2710 = vector.shape_cast %convert_element_type3A_2709 : vector<128x128xf32> to vector<1x128x128xf32>
    %reduce_sum3A_2711 = arith.constant dense<0.000000e+00> : vector<1xf32>
    %reduce_sum3A_2712 = vector.multi_reduction <add>, %reduce_sum3A_2710, %reduce_sum3A_2711 [1, 2] : vector<1x128x128xf32> to vector<1xf32>
    %reduce_sum3A_2713 = vector.shape_cast %reduce_sum3A_2712 : vector<1xf32> to vector<1x1x1xf32>
    %reduce_sum3A_2714 = vector.extract %reduce_sum3A_2713[0, 0, 0] : f32 from vector<1x1x1xf32>
    %slice3A_2715 = vector.extract_strided_slice %select_n3A_1482 {offsets = [2, 0, 0], sizes = [1, 128, 128], strides = [1, 1, 1]} : vector<4x128x128xf32> to vector<1x128x128xf32>
    %squeeze3A_2716 = vector.shape_cast %slice3A_2715 : vector<1x128x128xf32> to vector<128x128xf32>
    %ge3A_2717 = vector.broadcast %mul3A_2689 : f32 to vector<128x128xf32>
    %ge3A_2718 = arith.cmpf oge, %squeeze3A_2716, %ge3A_2717 : vector<128x128xf32>
    %convert_element_type3A_2719 = arith.extui %ge3A_2718 : vector<128x128xi1> to vector<128x128xi32>
    %convert_element_type3A_2720 = arith.sitofp %convert_element_type3A_2719 : vector<128x128xi32> to vector<128x128xf32>
    %reduce_sum3A_2721 = vector.shape_cast %convert_element_type3A_2720 : vector<128x128xf32> to vector<1x128x128xf32>
    %reduce_sum3A_2722 = arith.constant dense<0.000000e+00> : vector<1xf32>
    %reduce_sum3A_2723 = vector.multi_reduction <add>, %reduce_sum3A_2721, %reduce_sum3A_2722 [1, 2] : vector<1x128x128xf32> to vector<1xf32>
    %reduce_sum3A_2724 = vector.shape_cast %reduce_sum3A_2723 : vector<1xf32> to vector<1x1x1xf32>
    %reduce_sum3A_2725 = vector.extract %reduce_sum3A_2724[0, 0, 0] : f32 from vector<1x1x1xf32>
    %slice3A_2726 = vector.extract_strided_slice %select_n3A_1482 {offsets = [3, 0, 0], sizes = [1, 128, 128], strides = [1, 1, 1]} : vector<4x128x128xf32> to vector<1x128x128xf32>
    %squeeze3A_2727 = vector.shape_cast %slice3A_2726 : vector<1x128x128xf32> to vector<128x128xf32>
    %ge3A_2728 = vector.broadcast %mul3A_2692 : f32 to vector<128x128xf32>
    %ge3A_2729 = arith.cmpf oge, %squeeze3A_2727, %ge3A_2728 : vector<128x128xf32>
    %convert_element_type3A_2730 = arith.extui %ge3A_2729 : vector<128x128xi1> to vector<128x128xi32>
    %convert_element_type3A_2731 = arith.sitofp %convert_element_type3A_2730 : vector<128x128xi32> to vector<128x128xf32>
    %reduce_sum3A_2732 = vector.shape_cast %convert_element_type3A_2731 : vector<128x128xf32> to vector<1x128x128xf32>
    %reduce_sum3A_2733 = arith.constant dense<0.000000e+00> : vector<1xf32>
    %reduce_sum3A_2734 = vector.multi_reduction <add>, %reduce_sum3A_2732, %reduce_sum3A_2733 [1, 2] : vector<1x128x128xf32> to vector<1xf32>
    %reduce_sum3A_2735 = vector.shape_cast %reduce_sum3A_2734 : vector<1xf32> to vector<1x1x1xf32>
    %reduce_sum3A_2736 = vector.extract %reduce_sum3A_2735[0, 0, 0] : f32 from vector<1x1x1xf32>
    %ge3A_2737 = arith.cmpf oge, %reduce_sum3A_2703, %min3A_1548 : f32
    %ge3A_2738 = arith.cmpf oge, %reduce_sum3A_2714, %min3A_1551 : f32
    %ge3A_2739 = arith.cmpf oge, %reduce_sum3A_2725, %min3A_1554 : f32
    %ge3A_2740 = arith.cmpf oge, %reduce_sum3A_2736, %min3A_1557 : f32
    %select_n3A_2741 = arith.select %ge3A_2737, %mul3A_2683, %select_n3A_2673 : f32
    %select_n3A_2742 = arith.select %ge3A_2738, %mul3A_2686, %select_n3A_2674 : f32
    %select_n3A_2743 = arith.select %ge3A_2739, %mul3A_2689, %select_n3A_2675 : f32
    %select_n3A_2744 = arith.select %ge3A_2740, %mul3A_2692, %select_n3A_2676 : f32
    %select_n3A_2745 = arith.select %ge3A_2737, %select_n3A_2677, %mul3A_2683 : f32
    %select_n3A_2746 = arith.select %ge3A_2738, %select_n3A_2678, %mul3A_2686 : f32
    %select_n3A_2747 = arith.select %ge3A_2739, %select_n3A_2679, %mul3A_2689 : f32
    %select_n3A_2748 = arith.select %ge3A_2740, %select_n3A_2680, %mul3A_2692 : f32
    %add3A_2749 = arith.addf %select_n3A_2741, %select_n3A_2745 : f32
    %mul3A_2750 = arith.constant 5.000000e-01 : f32
    %mul3A_2751 = arith.mulf %mul3A_2750, %add3A_2749 : f32
    %add3A_2752 = arith.addf %select_n3A_2742, %select_n3A_2746 : f32
    %mul3A_2753 = arith.constant 5.000000e-01 : f32
    %mul3A_2754 = arith.mulf %mul3A_2753, %add3A_2752 : f32
    %add3A_2755 = arith.addf %select_n3A_2743, %select_n3A_2747 : f32
    %mul3A_2756 = arith.constant 5.000000e-01 : f32
    %mul3A_2757 = arith.mulf %mul3A_2756, %add3A_2755 : f32
    %add3A_2758 = arith.addf %select_n3A_2744, %select_n3A_2748 : f32
    %mul3A_2759 = arith.constant 5.000000e-01 : f32
    %mul3A_2760 = arith.mulf %mul3A_2759, %add3A_2758 : f32
    %slice3A_2761 = vector.extract_strided_slice %select_n3A_1482 {offsets = [0, 0, 0], sizes = [1, 128, 128], strides = [1, 1, 1]} : vector<4x128x128xf32> to vector<1x128x128xf32>
    %squeeze3A_2762 = vector.shape_cast %slice3A_2761 : vector<1x128x128xf32> to vector<128x128xf32>
    %ge3A_2763 = vector.broadcast %mul3A_2751 : f32 to vector<128x128xf32>
    %ge3A_2764 = arith.cmpf oge, %squeeze3A_2762, %ge3A_2763 : vector<128x128xf32>
    %convert_element_type3A_2765 = arith.extui %ge3A_2764 : vector<128x128xi1> to vector<128x128xi32>
    %convert_element_type3A_2766 = arith.sitofp %convert_element_type3A_2765 : vector<128x128xi32> to vector<128x128xf32>
    %reduce_sum3A_2767 = vector.shape_cast %convert_element_type3A_2766 : vector<128x128xf32> to vector<1x128x128xf32>
    %reduce_sum3A_2768 = arith.constant dense<0.000000e+00> : vector<1xf32>
    %reduce_sum3A_2769 = vector.multi_reduction <add>, %reduce_sum3A_2767, %reduce_sum3A_2768 [1, 2] : vector<1x128x128xf32> to vector<1xf32>
    %reduce_sum3A_2770 = vector.shape_cast %reduce_sum3A_2769 : vector<1xf32> to vector<1x1x1xf32>
    %reduce_sum3A_2771 = vector.extract %reduce_sum3A_2770[0, 0, 0] : f32 from vector<1x1x1xf32>
    %slice3A_2772 = vector.extract_strided_slice %select_n3A_1482 {offsets = [1, 0, 0], sizes = [1, 128, 128], strides = [1, 1, 1]} : vector<4x128x128xf32> to vector<1x128x128xf32>
    %squeeze3A_2773 = vector.shape_cast %slice3A_2772 : vector<1x128x128xf32> to vector<128x128xf32>
    %ge3A_2774 = vector.broadcast %mul3A_2754 : f32 to vector<128x128xf32>
    %ge3A_2775 = arith.cmpf oge, %squeeze3A_2773, %ge3A_2774 : vector<128x128xf32>
    %convert_element_type3A_2776 = arith.extui %ge3A_2775 : vector<128x128xi1> to vector<128x128xi32>
    %convert_element_type3A_2777 = arith.sitofp %convert_element_type3A_2776 : vector<128x128xi32> to vector<128x128xf32>
    %reduce_sum3A_2778 = vector.shape_cast %convert_element_type3A_2777 : vector<128x128xf32> to vector<1x128x128xf32>
    %reduce_sum3A_2779 = arith.constant dense<0.000000e+00> : vector<1xf32>
    %reduce_sum3A_2780 = vector.multi_reduction <add>, %reduce_sum3A_2778, %reduce_sum3A_2779 [1, 2] : vector<1x128x128xf32> to vector<1xf32>
    %reduce_sum3A_2781 = vector.shape_cast %reduce_sum3A_2780 : vector<1xf32> to vector<1x1x1xf32>
    %reduce_sum3A_2782 = vector.extract %reduce_sum3A_2781[0, 0, 0] : f32 from vector<1x1x1xf32>
    %slice3A_2783 = vector.extract_strided_slice %select_n3A_1482 {offsets = [2, 0, 0], sizes = [1, 128, 128], strides = [1, 1, 1]} : vector<4x128x128xf32> to vector<1x128x128xf32>
    %squeeze3A_2784 = vector.shape_cast %slice3A_2783 : vector<1x128x128xf32> to vector<128x128xf32>
    %ge3A_2785 = vector.broadcast %mul3A_2757 : f32 to vector<128x128xf32>
    %ge3A_2786 = arith.cmpf oge, %squeeze3A_2784, %ge3A_2785 : vector<128x128xf32>
    %convert_element_type3A_2787 = arith.extui %ge3A_2786 : vector<128x128xi1> to vector<128x128xi32>
    %convert_element_type3A_2788 = arith.sitofp %convert_element_type3A_2787 : vector<128x128xi32> to vector<128x128xf32>
    %reduce_sum3A_2789 = vector.shape_cast %convert_element_type3A_2788 : vector<128x128xf32> to vector<1x128x128xf32>
    %reduce_sum3A_2790 = arith.constant dense<0.000000e+00> : vector<1xf32>
    %reduce_sum3A_2791 = vector.multi_reduction <add>, %reduce_sum3A_2789, %reduce_sum3A_2790 [1, 2] : vector<1x128x128xf32> to vector<1xf32>
    %reduce_sum3A_2792 = vector.shape_cast %reduce_sum3A_2791 : vector<1xf32> to vector<1x1x1xf32>
    %reduce_sum3A_2793 = vector.extract %reduce_sum3A_2792[0, 0, 0] : f32 from vector<1x1x1xf32>
    %slice3A_2794 = vector.extract_strided_slice %select_n3A_1482 {offsets = [3, 0, 0], sizes = [1, 128, 128], strides = [1, 1, 1]} : vector<4x128x128xf32> to vector<1x128x128xf32>
    %squeeze3A_2795 = vector.shape_cast %slice3A_2794 : vector<1x128x128xf32> to vector<128x128xf32>
    %ge3A_2796 = vector.broadcast %mul3A_2760 : f32 to vector<128x128xf32>
    %ge3A_2797 = arith.cmpf oge, %squeeze3A_2795, %ge3A_2796 : vector<128x128xf32>
    %convert_element_type3A_2798 = arith.extui %ge3A_2797 : vector<128x128xi1> to vector<128x128xi32>
    %convert_element_type3A_2799 = arith.sitofp %convert_element_type3A_2798 : vector<128x128xi32> to vector<128x128xf32>
    %reduce_sum3A_2800 = vector.shape_cast %convert_element_type3A_2799 : vector<128x128xf32> to vector<1x128x128xf32>
    %reduce_sum3A_2801 = arith.constant dense<0.000000e+00> : vector<1xf32>
    %reduce_sum3A_2802 = vector.multi_reduction <add>, %reduce_sum3A_2800, %reduce_sum3A_2801 [1, 2] : vector<1x128x128xf32> to vector<1xf32>
    %reduce_sum3A_2803 = vector.shape_cast %reduce_sum3A_2802 : vector<1xf32> to vector<1x1x1xf32>
    %reduce_sum3A_2804 = vector.extract %reduce_sum3A_2803[0, 0, 0] : f32 from vector<1x1x1xf32>
    %ge3A_2805 = arith.cmpf oge, %reduce_sum3A_2771, %min3A_1548 : f32
    %ge3A_2806 = arith.cmpf oge, %reduce_sum3A_2782, %min3A_1551 : f32
    %ge3A_2807 = arith.cmpf oge, %reduce_sum3A_2793, %min3A_1554 : f32
    %ge3A_2808 = arith.cmpf oge, %reduce_sum3A_2804, %min3A_1557 : f32
    %select_n3A_2809 = arith.select %ge3A_2805, %mul3A_2751, %select_n3A_2741 : f32
    %select_n3A_2810 = arith.select %ge3A_2806, %mul3A_2754, %select_n3A_2742 : f32
    %select_n3A_2811 = arith.select %ge3A_2807, %mul3A_2757, %select_n3A_2743 : f32
    %select_n3A_2812 = arith.select %ge3A_2808, %mul3A_2760, %select_n3A_2744 : f32
    %jit3A_2813 = arith.constant 0.000000e+00 : f32
    %broadcast_in_dim3A_2814 = vector.broadcast %jit3A_2813 : f32 to vector<4x128x128xf32>
    %select_n3A_2815 = arith.select %gt3A_1304, %sub3A_1455, %broadcast_in_dim3A_2814 : vector<4x128x128xi1>, vector<4x128x128xf32>
    %slice3A_2816 = vector.extract_strided_slice %select_n3A_1482 {offsets = [0, 0, 0], sizes = [1, 128, 128], strides = [1, 1, 1]} : vector<4x128x128xf32> to vector<1x128x128xf32>
    %squeeze3A_2817 = vector.shape_cast %slice3A_2816 : vector<1x128x128xf32> to vector<128x128xf32>
    %ge3A_2818 = vector.broadcast %select_n3A_2809 : f32 to vector<128x128xf32>
    %ge3A_2819 = arith.cmpf oge, %squeeze3A_2817, %ge3A_2818 : vector<128x128xf32>
    %convert_element_type3A_2820 = arith.extui %ge3A_2819 : vector<128x128xi1> to vector<128x128xi32>
    %convert_element_type3A_2821 = arith.sitofp %convert_element_type3A_2820 : vector<128x128xi32> to vector<128x128xf32>
    %reduce_sum3A_2822 = vector.shape_cast %convert_element_type3A_2821 : vector<128x128xf32> to vector<1x128x128xf32>
    %reduce_sum3A_2823 = arith.constant dense<0.000000e+00> : vector<1xf32>
    %reduce_sum3A_2824 = vector.multi_reduction <add>, %reduce_sum3A_2822, %reduce_sum3A_2823 [1, 2] : vector<1x128x128xf32> to vector<1xf32>
    %reduce_sum3A_2825 = vector.shape_cast %reduce_sum3A_2824 : vector<1xf32> to vector<1x1x1xf32>
    %reduce_sum3A_2826 = vector.extract %reduce_sum3A_2825[0, 0, 0] : f32 from vector<1x1x1xf32>
    %slice3A_2827 = vector.extract_strided_slice %select_n3A_1482 {offsets = [0, 0, 0], sizes = [1, 128, 128], strides = [1, 1, 1]} : vector<4x128x128xf32> to vector<1x128x128xf32>
    %squeeze3A_2828 = vector.shape_cast %slice3A_2827 : vector<1x128x128xf32> to vector<128x128xf32>
    %jit3A_2829 = arith.constant 0.000000e+00 : f32
    %broadcast_in_dim3A_2830 = vector.broadcast %jit3A_2829 : f32 to vector<128x128xf32>
    %select_n3A_2831 = arith.select %ge3A_2819, %squeeze3A_2828, %broadcast_in_dim3A_2830 : vector<128x128xi1>, vector<128x128xf32>
    %reduce_sum3A_2832 = vector.shape_cast %select_n3A_2831 : vector<128x128xf32> to vector<1x128x128xf32>
    %reduce_sum3A_2833 = arith.constant dense<0.000000e+00> : vector<1xf32>
    %reduce_sum3A_2834 = vector.multi_reduction <add>, %reduce_sum3A_2832, %reduce_sum3A_2833 [1, 2] : vector<1x128x128xf32> to vector<1xf32>
    %reduce_sum3A_2835 = vector.shape_cast %reduce_sum3A_2834 : vector<1xf32> to vector<1x1x1xf32>
    %reduce_sum3A_2836 = vector.extract %reduce_sum3A_2835[0, 0, 0] : f32 from vector<1x1x1xf32>
    %sub3A_2837 = arith.subf %reduce_sum3A_2826, %min3A_1548 : f32
    %mul3A_2838 = arith.mulf %sub3A_2837, %select_n3A_2809 : f32
    %sub3A_2839 = arith.subf %reduce_sum3A_2836, %mul3A_2838 : f32
    %gt3A_2840 = arith.constant 0.000000e+00 : f32
    %gt3A_2841 = arith.cmpf ogt, %min3A_1548, %gt3A_2840 : f32
    %jit3A_2842 = arith.constant 0.000000e+00 : f32
    %select_n3A_2843 = arith.select %gt3A_2841, %sub3A_2839, %jit3A_2842 : f32
    %slice3A_2844 = vector.extract_strided_slice %select_n3A_2815 {offsets = [0, 0, 0], sizes = [1, 128, 128], strides = [1, 1, 1]} : vector<4x128x128xf32> to vector<1x128x128xf32>
    %squeeze3A_2845 = vector.shape_cast %slice3A_2844 : vector<1x128x128xf32> to vector<128x128xf32>
    %reduce_sum3A_2846 = vector.shape_cast %squeeze3A_2845 : vector<128x128xf32> to vector<1x128x128xf32>
    %reduce_sum3A_2847 = arith.constant dense<0.000000e+00> : vector<1xf32>
    %reduce_sum3A_2848 = vector.multi_reduction <add>, %reduce_sum3A_2846, %reduce_sum3A_2847 [1, 2] : vector<1x128x128xf32> to vector<1xf32>
    %reduce_sum3A_2849 = vector.shape_cast %reduce_sum3A_2848 : vector<1xf32> to vector<1x1x1xf32>
    %reduce_sum3A_2850 = vector.extract %reduce_sum3A_2849[0, 0, 0] : f32 from vector<1x1x1xf32>
    %add3A_2851 = arith.addf %reduce_sum3A_2850, %select_n3A_2843 : f32
    %iota3A_2852 = tpu.iota {dimensions = array<i32: 0>} : vector<8x128xi32>
    %iota3A_2853 = tpu.iota {dimensions = array<i32: 1>} : vector<8x128xi32>
    %eq3A_2854 = arith.constant 0 : i32
    %eq3A_2855 = vector.broadcast %eq3A_2854 : i32 to vector<8x128xi32>
    %eq3A_2856 = arith.cmpi eq, %iota3A_2852, %eq3A_2855 : vector<8x128xi32>
    %eq3A_2857 = arith.constant 0 : i32
    %eq3A_2858 = vector.broadcast %eq3A_2857 : i32 to vector<8x128xi32>
    %eq3A_2859 = arith.cmpi eq, %iota3A_2853, %eq3A_2858 : vector<8x128xi32>
    %and3A_2860 = arith.andi %eq3A_2856, %eq3A_2859 : vector<8x128xi1>
    %jit3A_2861 = arith.constant 0.000000e+00 : f32
    %broadcast_in_dim3A_2862 = vector.broadcast %reduce_sum3A_1409 : f32 to vector<8x128xf32>
    %broadcast_in_dim3A_2863 = vector.broadcast %jit3A_2861 : f32 to vector<8x128xf32>
    %select_n3A_2864 = arith.select %and3A_2860, %broadcast_in_dim3A_2862, %broadcast_in_dim3A_2863 : vector<8x128xi1>, vector<8x128xf32>
    %eq3A_2865 = arith.constant 1 : i32
    %eq3A_2866 = vector.broadcast %eq3A_2865 : i32 to vector<8x128xi32>
    %eq3A_2867 = arith.cmpi eq, %iota3A_2853, %eq3A_2866 : vector<8x128xi32>
    %and3A_2868 = arith.andi %eq3A_2856, %eq3A_2867 : vector<8x128xi1>
    %broadcast_in_dim3A_2869 = vector.broadcast %add3A_2851 : f32 to vector<8x128xf32>
    %select_n3A_2870 = arith.select %and3A_2868, %broadcast_in_dim3A_2869, %select_n3A_2864 : vector<8x128xi1>, vector<8x128xf32>
    %eq3A_2871 = arith.constant 2 : i32
    %eq3A_2872 = vector.broadcast %eq3A_2871 : i32 to vector<8x128xi32>
    %eq3A_2873 = arith.cmpi eq, %iota3A_2853, %eq3A_2872 : vector<8x128xi32>
    %and3A_2874 = arith.andi %eq3A_2856, %eq3A_2873 : vector<8x128xi1>
    %broadcast_in_dim3A_2875 = vector.broadcast %reduce_sum3A_1491 : f32 to vector<8x128xf32>
    %select_n3A_2876 = arith.select %and3A_2874, %broadcast_in_dim3A_2875, %select_n3A_2870 : vector<8x128xi1>, vector<8x128xf32>
    %swap3A = arith.constant 0 : index
    %swap3A_2877 = arith.constant 0 : index
    %swap3A_2878 = arith.constant 0 : index
    %swap3A_2879 = vector.load %arg7[%swap3A, %swap3A_2877, %swap3A_2878] : memref<4x8x128xf32, #tpu.memory_space<vmem>>, vector<1x8x128xf32>
    %swap3A_2880 = vector.shape_cast %swap3A_2879 : vector<1x8x128xf32> to vector<8x128xf32>
    %swap3A_2881 = vector.shape_cast %select_n3A_2876 : vector<8x128xf32> to vector<1x8x128xf32>
    tpu.vector_store %arg7[%swap3A, %swap3A_2877, %swap3A_2878], %swap3A_2881 {strides = array<i32>} : memref<4x8x128xf32, #tpu.memory_space<vmem>>, vector<1x8x128xf32>,
    %slice3A_2882 = vector.extract_strided_slice %select_n3A_1482 {offsets = [1, 0, 0], sizes = [1, 128, 128], strides = [1, 1, 1]} : vector<4x128x128xf32> to vector<1x128x128xf32>
    %squeeze3A_2883 = vector.shape_cast %slice3A_2882 : vector<1x128x128xf32> to vector<128x128xf32>
    %ge3A_2884 = vector.broadcast %select_n3A_2810 : f32 to vector<128x128xf32>
    %ge3A_2885 = arith.cmpf oge, %squeeze3A_2883, %ge3A_2884 : vector<128x128xf32>
    %convert_element_type3A_2886 = arith.extui %ge3A_2885 : vector<128x128xi1> to vector<128x128xi32>
    %convert_element_type3A_2887 = arith.sitofp %convert_element_type3A_2886 : vector<128x128xi32> to vector<128x128xf32>
    %reduce_sum3A_2888 = vector.shape_cast %convert_element_type3A_2887 : vector<128x128xf32> to vector<1x128x128xf32>
    %reduce_sum3A_2889 = arith.constant dense<0.000000e+00> : vector<1xf32>
    %reduce_sum3A_2890 = vector.multi_reduction <add>, %reduce_sum3A_2888, %reduce_sum3A_2889 [1, 2] : vector<1x128x128xf32> to vector<1xf32>
    %reduce_sum3A_2891 = vector.shape_cast %reduce_sum3A_2890 : vector<1xf32> to vector<1x1x1xf32>
    %reduce_sum3A_2892 = vector.extract %reduce_sum3A_2891[0, 0, 0] : f32 from vector<1x1x1xf32>
    %slice3A_2893 = vector.extract_strided_slice %select_n3A_1482 {offsets = [1, 0, 0], sizes = [1, 128, 128], strides = [1, 1, 1]} : vector<4x128x128xf32> to vector<1x128x128xf32>
    %squeeze3A_2894 = vector.shape_cast %slice3A_2893 : vector<1x128x128xf32> to vector<128x128xf32>
    %jit3A_2895 = arith.constant 0.000000e+00 : f32
    %broadcast_in_dim3A_2896 = vector.broadcast %jit3A_2895 : f32 to vector<128x128xf32>
    %select_n3A_2897 = arith.select %ge3A_2885, %squeeze3A_2894, %broadcast_in_dim3A_2896 : vector<128x128xi1>, vector<128x128xf32>
    %reduce_sum3A_2898 = vector.shape_cast %select_n3A_2897 : vector<128x128xf32> to vector<1x128x128xf32>
    %reduce_sum3A_2899 = arith.constant dense<0.000000e+00> : vector<1xf32>
    %reduce_sum3A_2900 = vector.multi_reduction <add>, %reduce_sum3A_2898, %reduce_sum3A_2899 [1, 2] : vector<1x128x128xf32> to vector<1xf32>
    %reduce_sum3A_2901 = vector.shape_cast %reduce_sum3A_2900 : vector<1xf32> to vector<1x1x1xf32>
    %reduce_sum3A_2902 = vector.extract %reduce_sum3A_2901[0, 0, 0] : f32 from vector<1x1x1xf32>
    %sub3A_2903 = arith.subf %reduce_sum3A_2892, %min3A_1551 : f32
    %mul3A_2904 = arith.mulf %sub3A_2903, %select_n3A_2810 : f32
    %sub3A_2905 = arith.subf %reduce_sum3A_2902, %mul3A_2904 : f32
    %gt3A_2906 = arith.constant 0.000000e+00 : f32
    %gt3A_2907 = arith.cmpf ogt, %min3A_1551, %gt3A_2906 : f32
    %jit3A_2908 = arith.constant 0.000000e+00 : f32
    %select_n3A_2909 = arith.select %gt3A_2907, %sub3A_2905, %jit3A_2908 : f32
    %slice3A_2910 = vector.extract_strided_slice %select_n3A_2815 {offsets = [1, 0, 0], sizes = [1, 128, 128], strides = [1, 1, 1]} : vector<4x128x128xf32> to vector<1x128x128xf32>
    %squeeze3A_2911 = vector.shape_cast %slice3A_2910 : vector<1x128x128xf32> to vector<128x128xf32>
    %reduce_sum3A_2912 = vector.shape_cast %squeeze3A_2911 : vector<128x128xf32> to vector<1x128x128xf32>
    %reduce_sum3A_2913 = arith.constant dense<0.000000e+00> : vector<1xf32>
    %reduce_sum3A_2914 = vector.multi_reduction <add>, %reduce_sum3A_2912, %reduce_sum3A_2913 [1, 2] : vector<1x128x128xf32> to vector<1xf32>
    %reduce_sum3A_2915 = vector.shape_cast %reduce_sum3A_2914 : vector<1xf32> to vector<1x1x1xf32>
    %reduce_sum3A_2916 = vector.extract %reduce_sum3A_2915[0, 0, 0] : f32 from vector<1x1x1xf32>
    %add3A_2917 = arith.addf %reduce_sum3A_2916, %select_n3A_2909 : f32
    %iota3A_2918 = tpu.iota {dimensions = array<i32: 0>} : vector<8x128xi32>
    %iota3A_2919 = tpu.iota {dimensions = array<i32: 1>} : vector<8x128xi32>
    %eq3A_2920 = arith.constant 0 : i32
    %eq3A_2921 = vector.broadcast %eq3A_2920 : i32 to vector<8x128xi32>
    %eq3A_2922 = arith.cmpi eq, %iota3A_2918, %eq3A_2921 : vector<8x128xi32>
    %eq3A_2923 = arith.constant 0 : i32
    %eq3A_2924 = vector.broadcast %eq3A_2923 : i32 to vector<8x128xi32>
    %eq3A_2925 = arith.cmpi eq, %iota3A_2919, %eq3A_2924 : vector<8x128xi32>
    %and3A_2926 = arith.andi %eq3A_2922, %eq3A_2925 : vector<8x128xi1>
    %jit3A_2927 = arith.constant 0.000000e+00 : f32
    %broadcast_in_dim3A_2928 = vector.broadcast %reduce_sum3A_1416 : f32 to vector<8x128xf32>
    %broadcast_in_dim3A_2929 = vector.broadcast %jit3A_2927 : f32 to vector<8x128xf32>
    %select_n3A_2930 = arith.select %and3A_2926, %broadcast_in_dim3A_2928, %broadcast_in_dim3A_2929 : vector<8x128xi1>, vector<8x128xf32>
    %eq3A_2931 = arith.constant 1 : i32
    %eq3A_2932 = vector.broadcast %eq3A_2931 : i32 to vector<8x128xi32>
    %eq3A_2933 = arith.cmpi eq, %iota3A_2919, %eq3A_2932 : vector<8x128xi32>
    %and3A_2934 = arith.andi %eq3A_2922, %eq3A_2933 : vector<8x128xi1>
    %broadcast_in_dim3A_2935 = vector.broadcast %add3A_2917 : f32 to vector<8x128xf32>
    %select_n3A_2936 = arith.select %and3A_2934, %broadcast_in_dim3A_2935, %select_n3A_2930 : vector<8x128xi1>, vector<8x128xf32>
    %eq3A_2937 = arith.constant 2 : i32
    %eq3A_2938 = vector.broadcast %eq3A_2937 : i32 to vector<8x128xi32>
    %eq3A_2939 = arith.cmpi eq, %iota3A_2919, %eq3A_2938 : vector<8x128xi32>
    %and3A_2940 = arith.andi %eq3A_2922, %eq3A_2939 : vector<8x128xi1>
    %broadcast_in_dim3A_2941 = vector.broadcast %reduce_sum3A_1498 : f32 to vector<8x128xf32>
    %select_n3A_2942 = arith.select %and3A_2940, %broadcast_in_dim3A_2941, %select_n3A_2936 : vector<8x128xi1>, vector<8x128xf32>
    %swap3A_2943 = arith.constant 1 : index
    %swap3A_2944 = arith.constant 0 : index
    %swap3A_2945 = arith.constant 0 : index
    %swap3A_2946 = vector.load %arg7[%swap3A_2943, %swap3A_2944, %swap3A_2945] : memref<4x8x128xf32, #tpu.memory_space<vmem>>, vector<1x8x128xf32>
    %swap3A_2947 = vector.shape_cast %swap3A_2946 : vector<1x8x128xf32> to vector<8x128xf32>
    %swap3A_2948 = vector.shape_cast %select_n3A_2942 : vector<8x128xf32> to vector<1x8x128xf32>
    tpu.vector_store %arg7[%swap3A_2943, %swap3A_2944, %swap3A_2945], %swap3A_2948 {strides = array<i32>} : memref<4x8x128xf32, #tpu.memory_space<vmem>>, vector<1x8x128xf32>,
    %slice3A_2949 = vector.extract_strided_slice %select_n3A_1482 {offsets = [2, 0, 0], sizes = [1, 128, 128], strides = [1, 1, 1]} : vector<4x128x128xf32> to vector<1x128x128xf32>
    %squeeze3A_2950 = vector.shape_cast %slice3A_2949 : vector<1x128x128xf32> to vector<128x128xf32>
    %ge3A_2951 = vector.broadcast %select_n3A_2811 : f32 to vector<128x128xf32>
    %ge3A_2952 = arith.cmpf oge, %squeeze3A_2950, %ge3A_2951 : vector<128x128xf32>
    %convert_element_type3A_2953 = arith.extui %ge3A_2952 : vector<128x128xi1> to vector<128x128xi32>
    %convert_element_type3A_2954 = arith.sitofp %convert_element_type3A_2953 : vector<128x128xi32> to vector<128x128xf32>
    %reduce_sum3A_2955 = vector.shape_cast %convert_element_type3A_2954 : vector<128x128xf32> to vector<1x128x128xf32>
    %reduce_sum3A_2956 = arith.constant dense<0.000000e+00> : vector<1xf32>
    %reduce_sum3A_2957 = vector.multi_reduction <add>, %reduce_sum3A_2955, %reduce_sum3A_2956 [1, 2] : vector<1x128x128xf32> to vector<1xf32>
    %reduce_sum3A_2958 = vector.shape_cast %reduce_sum3A_2957 : vector<1xf32> to vector<1x1x1xf32>
    %reduce_sum3A_2959 = vector.extract %reduce_sum3A_2958[0, 0, 0] : f32 from vector<1x1x1xf32>
    %slice3A_2960 = vector.extract_strided_slice %select_n3A_1482 {offsets = [2, 0, 0], sizes = [1, 128, 128], strides = [1, 1, 1]} : vector<4x128x128xf32> to vector<1x128x128xf32>
    %squeeze3A_2961 = vector.shape_cast %slice3A_2960 : vector<1x128x128xf32> to vector<128x128xf32>
    %jit3A_2962 = arith.constant 0.000000e+00 : f32
    %broadcast_in_dim3A_2963 = vector.broadcast %jit3A_2962 : f32 to vector<128x128xf32>
    %select_n3A_2964 = arith.select %ge3A_2952, %squeeze3A_2961, %broadcast_in_dim3A_2963 : vector<128x128xi1>, vector<128x128xf32>
    %reduce_sum3A_2965 = vector.shape_cast %select_n3A_2964 : vector<128x128xf32> to vector<1x128x128xf32>
    %reduce_sum3A_2966 = arith.constant dense<0.000000e+00> : vector<1xf32>
    %reduce_sum3A_2967 = vector.multi_reduction <add>, %reduce_sum3A_2965, %reduce_sum3A_2966 [1, 2] : vector<1x128x128xf32> to vector<1xf32>
    %reduce_sum3A_2968 = vector.shape_cast %reduce_sum3A_2967 : vector<1xf32> to vector<1x1x1xf32>
    %reduce_sum3A_2969 = vector.extract %reduce_sum3A_2968[0, 0, 0] : f32 from vector<1x1x1xf32>
    %sub3A_2970 = arith.subf %reduce_sum3A_2959, %min3A_1554 : f32
    %mul3A_2971 = arith.mulf %sub3A_2970, %select_n3A_2811 : f32
    %sub3A_2972 = arith.subf %reduce_sum3A_2969, %mul3A_2971 : f32
    %gt3A_2973 = arith.constant 0.000000e+00 : f32
    %gt3A_2974 = arith.cmpf ogt, %min3A_1554, %gt3A_2973 : f32
    %jit3A_2975 = arith.constant 0.000000e+00 : f32
    %select_n3A_2976 = arith.select %gt3A_2974, %sub3A_2972, %jit3A_2975 : f32
    %slice3A_2977 = vector.extract_strided_slice %select_n3A_2815 {offsets = [2, 0, 0], sizes = [1, 128, 128], strides = [1, 1, 1]} : vector<4x128x128xf32> to vector<1x128x128xf32>
    %squeeze3A_2978 = vector.shape_cast %slice3A_2977 : vector<1x128x128xf32> to vector<128x128xf32>
    %reduce_sum3A_2979 = vector.shape_cast %squeeze3A_2978 : vector<128x128xf32> to vector<1x128x128xf32>
    %reduce_sum3A_2980 = arith.constant dense<0.000000e+00> : vector<1xf32>
    %reduce_sum3A_2981 = vector.multi_reduction <add>, %reduce_sum3A_2979, %reduce_sum3A_2980 [1, 2] : vector<1x128x128xf32> to vector<1xf32>
    %reduce_sum3A_2982 = vector.shape_cast %reduce_sum3A_2981 : vector<1xf32> to vector<1x1x1xf32>
    %reduce_sum3A_2983 = vector.extract %reduce_sum3A_2982[0, 0, 0] : f32 from vector<1x1x1xf32>
    %add3A_2984 = arith.addf %reduce_sum3A_2983, %select_n3A_2976 : f32
    %iota3A_2985 = tpu.iota {dimensions = array<i32: 0>} : vector<8x128xi32>
    %iota3A_2986 = tpu.iota {dimensions = array<i32: 1>} : vector<8x128xi32>
    %eq3A_2987 = arith.constant 0 : i32
    %eq3A_2988 = vector.broadcast %eq3A_2987 : i32 to vector<8x128xi32>
    %eq3A_2989 = arith.cmpi eq, %iota3A_2985, %eq3A_2988 : vector<8x128xi32>
    %eq3A_2990 = arith.constant 0 : i32
    %eq3A_2991 = vector.broadcast %eq3A_2990 : i32 to vector<8x128xi32>
    %eq3A_2992 = arith.cmpi eq, %iota3A_2986, %eq3A_2991 : vector<8x128xi32>
    %and3A_2993 = arith.andi %eq3A_2989, %eq3A_2992 : vector<8x128xi1>
    %jit3A_2994 = arith.constant 0.000000e+00 : f32
    %broadcast_in_dim3A_2995 = vector.broadcast %reduce_sum3A_1423 : f32 to vector<8x128xf32>
    %broadcast_in_dim3A_2996 = vector.broadcast %jit3A_2994 : f32 to vector<8x128xf32>
    %select_n3A_2997 = arith.select %and3A_2993, %broadcast_in_dim3A_2995, %broadcast_in_dim3A_2996 : vector<8x128xi1>, vector<8x128xf32>
    %eq3A_2998 = arith.constant 1 : i32
    %eq3A_2999 = vector.broadcast %eq3A_2998 : i32 to vector<8x128xi32>
    %eq3A_3000 = arith.cmpi eq, %iota3A_2986, %eq3A_2999 : vector<8x128xi32>
    %and3A_3001 = arith.andi %eq3A_2989, %eq3A_3000 : vector<8x128xi1>
    %broadcast_in_dim3A_3002 = vector.broadcast %add3A_2984 : f32 to vector<8x128xf32>
    %select_n3A_3003 = arith.select %and3A_3001, %broadcast_in_dim3A_3002, %select_n3A_2997 : vector<8x128xi1>, vector<8x128xf32>
    %eq3A_3004 = arith.constant 2 : i32
    %eq3A_3005 = vector.broadcast %eq3A_3004 : i32 to vector<8x128xi32>
    %eq3A_3006 = arith.cmpi eq, %iota3A_2986, %eq3A_3005 : vector<8x128xi32>
    %and3A_3007 = arith.andi %eq3A_2989, %eq3A_3006 : vector<8x128xi1>
    %broadcast_in_dim3A_3008 = vector.broadcast %reduce_sum3A_1505 : f32 to vector<8x128xf32>
    %select_n3A_3009 = arith.select %and3A_3007, %broadcast_in_dim3A_3008, %select_n3A_3003 : vector<8x128xi1>, vector<8x128xf32>
    %swap3A_3010 = arith.constant 2 : index
    %swap3A_3011 = arith.constant 0 : index
    %swap3A_3012 = arith.constant 0 : index
    %swap3A_3013 = vector.load %arg7[%swap3A_3010, %swap3A_3011, %swap3A_3012] : memref<4x8x128xf32, #tpu.memory_space<vmem>>, vector<1x8x128xf32>
    %swap3A_3014 = vector.shape_cast %swap3A_3013 : vector<1x8x128xf32> to vector<8x128xf32>
    %swap3A_3015 = vector.shape_cast %select_n3A_3009 : vector<8x128xf32> to vector<1x8x128xf32>
    tpu.vector_store %arg7[%swap3A_3010, %swap3A_3011, %swap3A_3012], %swap3A_3015 {strides = array<i32>} : memref<4x8x128xf32, #tpu.memory_space<vmem>>, vector<1x8x128xf32>,
    %slice3A_3016 = vector.extract_strided_slice %select_n3A_1482 {offsets = [3, 0, 0], sizes = [1, 128, 128], strides = [1, 1, 1]} : vector<4x128x128xf32> to vector<1x128x128xf32>
    %squeeze3A_3017 = vector.shape_cast %slice3A_3016 : vector<1x128x128xf32> to vector<128x128xf32>
    %ge3A_3018 = vector.broadcast %select_n3A_2812 : f32 to vector<128x128xf32>
    %ge3A_3019 = arith.cmpf oge, %squeeze3A_3017, %ge3A_3018 : vector<128x128xf32>
    %convert_element_type3A_3020 = arith.extui %ge3A_3019 : vector<128x128xi1> to vector<128x128xi32>
    %convert_element_type3A_3021 = arith.sitofp %convert_element_type3A_3020 : vector<128x128xi32> to vector<128x128xf32>
    %reduce_sum3A_3022 = vector.shape_cast %convert_element_type3A_3021 : vector<128x128xf32> to vector<1x128x128xf32>
    %reduce_sum3A_3023 = arith.constant dense<0.000000e+00> : vector<1xf32>
    %reduce_sum3A_3024 = vector.multi_reduction <add>, %reduce_sum3A_3022, %reduce_sum3A_3023 [1, 2] : vector<1x128x128xf32> to vector<1xf32>
    %reduce_sum3A_3025 = vector.shape_cast %reduce_sum3A_3024 : vector<1xf32> to vector<1x1x1xf32>
    %reduce_sum3A_3026 = vector.extract %reduce_sum3A_3025[0, 0, 0] : f32 from vector<1x1x1xf32>
    %slice3A_3027 = vector.extract_strided_slice %select_n3A_1482 {offsets = [3, 0, 0], sizes = [1, 128, 128], strides = [1, 1, 1]} : vector<4x128x128xf32> to vector<1x128x128xf32>
    %squeeze3A_3028 = vector.shape_cast %slice3A_3027 : vector<1x128x128xf32> to vector<128x128xf32>
    %jit3A_3029 = arith.constant 0.000000e+00 : f32
    %broadcast_in_dim3A_3030 = vector.broadcast %jit3A_3029 : f32 to vector<128x128xf32>
    %select_n3A_3031 = arith.select %ge3A_3019, %squeeze3A_3028, %broadcast_in_dim3A_3030 : vector<128x128xi1>, vector<128x128xf32>
    %reduce_sum3A_3032 = vector.shape_cast %select_n3A_3031 : vector<128x128xf32> to vector<1x128x128xf32>
    %reduce_sum3A_3033 = arith.constant dense<0.000000e+00> : vector<1xf32>
    %reduce_sum3A_3034 = vector.multi_reduction <add>, %reduce_sum3A_3032, %reduce_sum3A_3033 [1, 2] : vector<1x128x128xf32> to vector<1xf32>
    %reduce_sum3A_3035 = vector.shape_cast %reduce_sum3A_3034 : vector<1xf32> to vector<1x1x1xf32>
    %reduce_sum3A_3036 = vector.extract %reduce_sum3A_3035[0, 0, 0] : f32 from vector<1x1x1xf32>
    %sub3A_3037 = arith.subf %reduce_sum3A_3026, %min3A_1557 : f32
    %mul3A_3038 = arith.mulf %sub3A_3037, %select_n3A_2812 : f32
    %sub3A_3039 = arith.subf %reduce_sum3A_3036, %mul3A_3038 : f32
    %gt3A_3040 = arith.constant 0.000000e+00 : f32
    %gt3A_3041 = arith.cmpf ogt, %min3A_1557, %gt3A_3040 : f32
    %jit3A_3042 = arith.constant 0.000000e+00 : f32
    %select_n3A_3043 = arith.select %gt3A_3041, %sub3A_3039, %jit3A_3042 : f32
    %slice3A_3044 = vector.extract_strided_slice %select_n3A_2815 {offsets = [3, 0, 0], sizes = [1, 128, 128], strides = [1, 1, 1]} : vector<4x128x128xf32> to vector<1x128x128xf32>
    %squeeze3A_3045 = vector.shape_cast %slice3A_3044 : vector<1x128x128xf32> to vector<128x128xf32>
    %reduce_sum3A_3046 = vector.shape_cast %squeeze3A_3045 : vector<128x128xf32> to vector<1x128x128xf32>
    %reduce_sum3A_3047 = arith.constant dense<0.000000e+00> : vector<1xf32>
    %reduce_sum3A_3048 = vector.multi_reduction <add>, %reduce_sum3A_3046, %reduce_sum3A_3047 [1, 2] : vector<1x128x128xf32> to vector<1xf32>
    %reduce_sum3A_3049 = vector.shape_cast %reduce_sum3A_3048 : vector<1xf32> to vector<1x1x1xf32>
    %reduce_sum3A_3050 = vector.extract %reduce_sum3A_3049[0, 0, 0] : f32 from vector<1x1x1xf32>
    %add3A_3051 = arith.addf %reduce_sum3A_3050, %select_n3A_3043 : f32
    %iota3A_3052 = tpu.iota {dimensions = array<i32: 0>} : vector<8x128xi32>
    %iota3A_3053 = tpu.iota {dimensions = array<i32: 1>} : vector<8x128xi32>
    %eq3A_3054 = arith.constant 0 : i32
    %eq3A_3055 = vector.broadcast %eq3A_3054 : i32 to vector<8x128xi32>
    %eq3A_3056 = arith.cmpi eq, %iota3A_3052, %eq3A_3055 : vector<8x128xi32>
    %eq3A_3057 = arith.constant 0 : i32
    %eq3A_3058 = vector.broadcast %eq3A_3057 : i32 to vector<8x128xi32>
    %eq3A_3059 = arith.cmpi eq, %iota3A_3053, %eq3A_3058 : vector<8x128xi32>
    %and3A_3060 = arith.andi %eq3A_3056, %eq3A_3059 : vector<8x128xi1>
    %jit3A_3061 = arith.constant 0.000000e+00 : f32
    %broadcast_in_dim3A_3062 = vector.broadcast %reduce_sum3A_1430 : f32 to vector<8x128xf32>
    %broadcast_in_dim3A_3063 = vector.broadcast %jit3A_3061 : f32 to vector<8x128xf32>
    %select_n3A_3064 = arith.select %and3A_3060, %broadcast_in_dim3A_3062, %broadcast_in_dim3A_3063 : vector<8x128xi1>, vector<8x128xf32>
    %eq3A_3065 = arith.constant 1 : i32
    %eq3A_3066 = vector.broadcast %eq3A_3065 : i32 to vector<8x128xi32>
    %eq3A_3067 = arith.cmpi eq, %iota3A_3053, %eq3A_3066 : vector<8x128xi32>
    %and3A_3068 = arith.andi %eq3A_3056, %eq3A_3067 : vector<8x128xi1>
    %broadcast_in_dim3A_3069 = vector.broadcast %add3A_3051 : f32 to vector<8x128xf32>
    %select_n3A_3070 = arith.select %and3A_3068, %broadcast_in_dim3A_3069, %select_n3A_3064 : vector<8x128xi1>, vector<8x128xf32>
    %eq3A_3071 = arith.constant 2 : i32
    %eq3A_3072 = vector.broadcast %eq3A_3071 : i32 to vector<8x128xi32>
    %eq3A_3073 = arith.cmpi eq, %iota3A_3053, %eq3A_3072 : vector<8x128xi32>
    %and3A_3074 = arith.andi %eq3A_3056, %eq3A_3073 : vector<8x128xi1>
    %broadcast_in_dim3A_3075 = vector.broadcast %reduce_sum3A_1512 : f32 to vector<8x128xf32>
    %select_n3A_3076 = arith.select %and3A_3074, %broadcast_in_dim3A_3075, %select_n3A_3070 : vector<8x128xi1>, vector<8x128xf32>
    %swap3A_3077 = arith.constant 3 : index
    %swap3A_3078 = arith.constant 0 : index
    %swap3A_3079 = arith.constant 0 : index
    %swap3A_3080 = vector.load %arg7[%swap3A_3077, %swap3A_3078, %swap3A_3079] : memref<4x8x128xf32, #tpu.memory_space<vmem>>, vector<1x8x128xf32>
    %swap3A_3081 = vector.shape_cast %swap3A_3080 : vector<1x8x128xf32> to vector<8x128xf32>
    %swap3A_3082 = vector.shape_cast %select_n3A_3076 : vector<8x128xf32> to vector<1x8x128xf32>
    tpu.vector_store %arg7[%swap3A_3077, %swap3A_3078, %swap3A_3079], %swap3A_3082 {strides = array<i32>} : memref<4x8x128xf32, #tpu.memory_space<vmem>>, vector<1x8x128xf32>,
    return
  }
  func.func @transform_0(%arg0: i32) -> (i32, i32, i32, i32) {
    %c0_i32 = arith.constant 0 : i32
    %c0_i32_0 = arith.constant 0 : i32
    %c0_i32_1 = arith.constant 0 : i32
    %c0_i32_2 = arith.constant 0 : i32
    return %arg0, %c0_i32, %c0_i32_0, %c0_i32_1 : i32, i32, i32, i32
  }
  func.func @transform_1(%arg0: i32) -> (i32, i32, i32, i32) {
    %c0_i32 = arith.constant 0 : i32
    %c0_i32_0 = arith.constant 0 : i32
    %c0_i32_1 = arith.constant 0 : i32
    %c0_i32_2 = arith.constant 0 : i32
    return %arg0, %c0_i32, %c0_i32_0, %c0_i32_1 : i32, i32, i32, i32
  }
  func.func @transform_2(%arg0: i32) -> (i32, i32, i32, i32) {
    %c0_i32 = arith.constant 0 : i32
    %c0_i32_0 = arith.constant 0 : i32
    %c0_i32_1 = arith.constant 0 : i32
    %c0_i32_2 = arith.constant 0 : i32
    return %arg0, %c0_i32, %c0_i32_0, %c0_i32_1 : i32, i32, i32, i32
  }
  func.func @transform_3(%arg0: i32) -> (i32, i32, i32, i32) {
    %c0_i32 = arith.constant 0 : i32
    %c0_i32_0 = arith.constant 0 : i32
    %c0_i32_1 = arith.constant 0 : i32
    %c0_i32_2 = arith.constant 0 : i32
    return %arg0, %c0_i32, %c0_i32_0, %c0_i32_1 : i32, i32, i32, i32
  }
  func.func @transform_4(%arg0: i32) -> (i32, i32, i32) {
    %c0_i32 = arith.constant 0 : i32
    %c0_i32_0 = arith.constant 0 : i32
    %c0_i32_1 = arith.constant 0 : i32
    %c0_i32_2 = arith.constant 0 : i32
    return %c0_i32, %c0_i32_0, %c0_i32_1 : i32, i32, i32
  }
  func.func @transform_5(%arg0: i32) -> (i32, i32, i32) {
    %c0_i32 = arith.constant 0 : i32
    %c0_i32_0 = arith.constant 0 : i32
    %c0_i32_1 = arith.constant 0 : i32
    return %arg0, %c0_i32, %c0_i32_0 : i32, i32, i32
  }
  func.func @transform_6(%arg0: i32) -> (i32, i32, i32) {
    %c0_i32 = arith.constant 0 : i32
    %c0_i32_0 = arith.constant 0 : i32
    %c0_i32_1 = arith.constant 0 : i32
    return %arg0, %c0_i32, %c0_i32_0 : i32, i32, i32
  }
}

</mosaic_0001>

<sc_bundles>
// kernel: sparse-core-data-format-call.cloned.1.call-start
scs
called_computation_lowered:
.L_overlay_start_0:
0x0: {  	s1 =	sld [smem:$0x3FD9]  }
0x1: {  	s2 =	sld [smem:$0x3FFE];
	_ =	sdelay $0x1  }
0x2: {  	s3 =	srdreg.scid  }
0x3: {  	s0 =	sand.u32 $0x1, s3  }
0x4: {  	s17 =	sshll.u32 s0, $0xA;
	s1 =	sadd.s32 s2, s1  }
0x5: {  	s1 =	sadd.s32 s1, s17  }
0x6: {  	[smem:$0x3FC2] =	sst s1  }
0x7: {  	_ = 	snop  }
0x8: {  	(tm) =	ssettm $0x1  }
0x9: {  	s18 =	sld [smem:$0x3FFB];
	_ =	sdelay $0x3  }
0xa: {  	_ =	strace s18  }
0xb: {  	s1 =	sld [smem:$0x3FFC];
	_ =	sdelay $0x3  }
0xc: {  	_ =	strace s1  }
0xd: {  	s1 =	sld [smem:$0x3FFD];
	_ =	sdelay $0x3  }
0xe: {  	_ =	strace s1  }
0xf: {  	_ =	strace $0x8FFFFFFF  }
0x10: {  	s19 =	sld [smem:$0x3FDB];
	_ =	sdelay $0x1  }
0x11: {  	s20 =	simm.s32 $_scs_section_size  }
0x12: {  	s4 =	simm.s32 $_size__tile_overlayer_lowered;
	s5 =	simm.s32 $_tile_overlayer_lowered  }
0x13: {  	s23 =	simm.s32 $0x1BFF;
	s22 =	sshll.u32 s5, $0x1;
	s1 =	sadd.s32 s20, s19  }
0x14: {  	s6 =	simm.s32 $0x0;
	s21 =	sshll.u32 s4, $0x1;
	s4 =	sadd.s32 s22, s1  }
0x15: {  	[timem:s6], [sflag:s23] =	dma.local [hbm:s4], s21  }
0x16: {  	_ =	swait.ge [sflag:s23], s21  }
0x17: {  	s2 =	ssub.s32 $0x0, s21;
	[sflag:s23] =	ssyncset.done $0x0  }
0x18: {  	[sflag:s23] =	ssyncadd.s32 s2;
	_ =	sdelay $0x1  }
0x19: {  	s24 =	simm.s32 $0x1B8B  }
0x1a: {  	_ =	swait.ge [sflag:s24], $0x1  }
0x1b: {  	[sflag:s24] =	ssyncset.done $0x0  }
0x1c: {  	s26 =	simm.s32 $0x1B8E;
	s25 =	sld [smem:$0x3FFE];
	[sflag:s24] =	ssyncadd.s32 $0xFFFFFFFF  }
0x1d: {  	s27 =	simm.s32 $execute0_lowered;
	[smem:$0x3FD2] =	sst s26  }
0x1e: {  	s4 =	sshll.u32 s27, $0x1;
	_ =	strace $0x80000046;
	[dreg:$0x1] =	wrdreg $0xFFFFFFFF  }
0x1f: {  	s28 =	simm.s32 $_size_execute0_lowered;
	s1 =	sadd.s32 s1, s4;
	[dreg:$0x0] =	wrdreg $0x0  }
0x20: {  	s4 =	sshll.u32 s28, $0x1;
	[dreg:$0x2] =	wrdreg s1  }
0x21: {  	[dreg:$0x3] =	wrdreg s4  }
0x22: {  	[dreg:$0x4] =	wrdreg $0xC0  }
0x23: {  	_ =	task [dreg:s6], $0x5FFFF  }
0x24: {  	[dreg:$0x1] =	wrdreg $0xFFFFFFFF  }
0x25: {  	[dreg:$0x0] =	wrdreg $0x60  }
0x26: {  	[dreg:$0x2] =	wrdreg s25  }
0x27: {  	[dreg:$0x3] =	wrdreg $0x9  }
0x28: {  	_ =	task.clear_ibuf [dreg:s6], $0x4FFFF;
	_ =	strace $0x90000046  }
0x29: {  	s29 =	simm.s32 $0x9;
	_ =	strace $0x80000048  }
0x2a: {  	_ =	swait.ge [sflag:s29], $0x1  }
0x2b: {  	[sflag:s29] =	ssyncadd.s32 $0xFFFFFFFF  }
0x2c: {  	_ =	strace $0x90000048  }
0x2d: {  	_ =	sfence  }
0x2e: {  	s30 =	sld [smem:$0x0];
	_ =	sdelay $0x2  }
0x2f: {  	s31 =	sshll.u32 s3, $0xD;
	s3 =	sshrl.u32 s3, $0x2  }
0x30: {  	s2 =	sand.u32 $0x4000, s31;
	s1 =	sadd.s32 s3, s30  }
0x31: {  	s0 =	sor.u32 s2, s0;
	s1 =	sshll.u32 s1, $0x11  }
0x32: {  	s0 =	sor.u32 s1, s0  }
0x33: {  	s0 =	sadd.s32 $0x8F2B, s0  }
0x34: {  	[sflag:s0] =	ssyncadd.remote.s32 $0x1  }
0x35: {  	_ =	sfence.sel $0xFFFF  }
0x36: {  	[dreg:$0x0] =	wrdreg $0xFFFFFFFF;
	(pc) =	sbr.abs _section_cstart, $3  }
0x37: {  	[dreg:$0x1] =	wrdreg $0xFFFFFFFF  }
0x38: {  	_ =	task.clear_ibuf [dreg:s6], $0x2FFFF;
	_ =	strace $0x9FFFFFFF  }
0x39: {  	(tm) =	ssettm $0x7FFFFFFF  }
tec
execute0_lowered:
.L_overlay_start_1:
0x0: {  	(tag) =	ssettag $0x1  }
0x1: {  	s0 =	stileid.u32;
	s1 =	srdreg.scid  }
0x2: {  	s4 =	rddreg [dreg:$0x0];
	s2 =	sshll.u32 s0, $0x2;
	s1 =	sshll.u32 s1, $0x6  }
0x3: {  	s8 =	simm.s32 $0x2;
	s14 =	simm.s32 $0x0;
	s1 =	sor.u32 s2, s1  }
0x4: {  	s9 =	simm.s32 $0x800;
	s10 =	simm.s32 $0x4000;
	s2 =	sand.u32 $0x70, s1  }
0x5: {  	s11 =	simm.s32 $0x0;
	s15 =	simm.s32 $0x0;
	s3 =	ssub.s32 $0x80, s2  }
0x6: {  	s13 =	simm.s32 $0x0;
	s1 =	rddreg [dreg:$0x1];
	s5 =	sand.u32 $0x70, s3  }
0x7: {  	s6 =	sshll.u32 s2, $0x7;
	p0 =	sne.s32 s5, $0x0;
	s5 =	simm.s32 $0x1  }
.Ltmp0:
0x8: {  	s3 =	sshrl.u32 s3, $0x7;
	s5 =	simm.s32 @!p0 $0x0;
	(pc) =	sbr.rel .LBB1_1-.Ltmp0, $4  }
0x9: {  	_ =	strace $0x80000047;
	s7 =	sadd.s32 s6, s4;
	s5 =	sadd.s32 s5, s3  }
0xa: {  	s3 =	sadd.s32 $0x150400, s4;
	s4 =	simm.s32 $0x1;
	s5 =	smul.u32 $0x15, s5  }
0xb: {  	s6 =	sand.u32 $0x3, s0;
	s7 =	sadd.s32 $0x400, s7;
	[sflag:s4] =	ssyncpa.u1 $0x0  }
0xc: {  	s12 =	smov.u32 s6;
	[sflag:s8] =	ssyncpa.u1 $0x0;
	s8 =	sadd.s32 $0x1, s5  }
.LBB1_7:
0xd: {  	s16 =	sadd.s32 $0x4, s12  }
0xe: {  	p1 =	sgt.s32 s16, $0x53  }
0xf: {  	s16 =	smov.u32 @p1 s6;
	p1 =	sne.s32 s13, s8  }
.Ltmp1:
0x10: {  	p0 =	slt.u32 s13, $0x2;
	(pc) =	sbr.rel @!p1 .LBB1_8-.Ltmp1, $4  }
0x11: {  	s14 =	simm.s32 @!p0 $0x2  }
0x12: {  	s17 =	sadd.s32 $0x1, s13;
	s15 =	smov.u32 s12;
	_ =	swait.ge @!p0 [sflag:s14], $0x4000  }
0x13: {  	s11 =	sadd.s32 $0x4000, s11;
	s13 =	smov.u32 s17;
	[sflag:s14] =	ssyncset.done @!p0 $0x0  }
0x14: {  	s12 =	smov.u32 s16;
	[sflag:s14] =	ssyncadd.s32 @!p0 $0xFFFFC000;
	s14 =	smov.u32 s2  }
.LBB1_1:
0x15: {  	p0 =	sge.u32 s13, s5  }
0x16: {  	s16 =	sxor.u32 @!p0 $0xFFFFFFFF, s13  }
0x17: {  	s31 =	sadd.s32 $0xFFFFFFFF, s13;
	s17 =	sshll.u32 @!p0 s12, $0xE;
	s16 =	sshll.u32 @!p0 s16, $0xE  }
0x18: {  	s18 =	simm.s32 @!p0 $0x0;
	s17 =	sadd.s32 @!p0 s17, s7;
	s16 =	sand.u32 @!p0 $0x4000, s16  }
0x19: {  	[tilespmem:s16], [sflag:$0x1] =	stream.linear.gather @!p0 [hbm4b:s17+s18], $0x4000, $0x38;
	[tilespmem:$0x10000] =	vst v63  }
0x1a: {  	p0 =	sge.u32 s31, s5  }
.Ltmp2:
0x1b: {  	_ = 	snop;
	(pc) =	sbr.rel @p0 .LBB1_7-.Ltmp2, $1  }
0x1c: {  	_ =	sdelay $0x3  }
0x1d: {  	s17 =	sand.u32 $0x4000, s11  }
0x1e: {  	_ =	swait.ge [sflag:s4], $0x4000;
	s19 =	sshll.u32 s13, $0xE;
	s16 =	sor.u32 $0x8040, s17  }
0x1f: {  	s18 =	sor.u32 $0x40, s17;
	[sflag:s4] =	ssyncset.done $0x0;
	s31 =	sand.u32 $0x4000, s19  }
0x20: {  	s19 =	simm.s32 $0x0;
	[sflag:s4] =	ssyncadd.s32 $0xFFFFC000;
	s17 =	sor.u32 $0x8000, s31  }
.LBB1_3:
0x21: {  	v0 =	vmov s18;
	_ =	sdelay $0x3  }
0x22: {  	s21 =	simm.s32 $0x0  }
0x23: {  	v6 =	vld.idx.msk [tilespmem:v0+s21+$0x30 ss:$0x1], $0xffff  }
0x24: {  	v7 =	vld.idx.msk [tilespmem:v0+s21+$0xFFFFFFC0 ss:$0x1], $0xffff  }
0x25: {  	v5 =	vld.idx.msk [tilespmem:v0+s21+$0xFFFFFFD0 ss:$0x1], $0xffff  }
0x26: {  	v4 =	vld.idx.msk [tilespmem:v0+s21+$0xFFFFFFE0 ss:$0x1], $0xffff  }
0x27: {  	v3 =	vld.idx.msk [tilespmem:v0+s21+$0xFFFFFFF0 ss:$0x1], $0xffff  }
0x28: {  	v1 =	vld.idx.msk [tilespmem:v0+s21+$0x0 ss:$0x1], $0xffff  }
0x29: {  	v2 =	vld.idx.msk [tilespmem:v0+s21+$0x10 ss:$0x1], $0xffff;
	[tilespmem:s16+$0x30] =	vst v6  }
0x2a: {  	s20 =	simm.s32 $0x80;
	s22 =	simm.s32 $0x400;
	[tilespmem:s16+$0xFFFFFFC0] =	vst v7;
	v6 =	vld.idx.msk [tilespmem:v0+s21+$0x20 ss:$0x1], $0xffff;
	s21 =	smov.u32 s16  }
.LBB1_4:
0x2b: {  	p0 =	sne.s32 s22, $0xE00;
	v7 =	vld.idx.msk [tilespmem:v0+s20+$0x30 ss:$0x1], $0xffff;
	[tilespmem:s21+$0xFFFFFFD0] =	vst v5  }
0x2c: {  	v8 =	vld.idx.msk [tilespmem:v0+s20+$0xFFFFFFC0 ss:$0x1], $0xffff;
	[tilespmem:s21+$0xFFFFFFE0] =	vst v4  }
0x2d: {  	v5 =	vld.idx.msk [tilespmem:v0+s20+$0xFFFFFFD0 ss:$0x1], $0xffff;
	[tilespmem:s21+$0xFFFFFFF0] =	vst v3  }
.Ltmp3:
0x2e: {  	v4 =	vld.idx.msk [tilespmem:v0+s20+$0xFFFFFFE0 ss:$0x1], $0xffff;
	[tilespmem:s21+$0x0] =	vst v1;
	(pc) =	sbr.rel @p0 .LBB1_4-.Ltmp3, $4  }
0x2f: {  	v3 =	vld.idx.msk [tilespmem:v0+s20+$0xFFFFFFF0 ss:$0x1], $0xffff;
	[tilespmem:s21+$0x10] =	vst v2  }
0x30: {  	v1 =	vld.idx.msk [tilespmem:v0+s20+$0x0 ss:$0x1], $0xffff;
	[tilespmem:s21+$0x20] =	vst v6;
	s21 =	sadd.s32 $0x800, s21  }
0x31: {  	v2 =	vld.idx.msk [tilespmem:v0+s20+$0x10 ss:$0x1], $0xffff;
	[tilespmem:s21+$0x30] =	vst v7  }
0x32: {  	[tilespmem:s21+$0xFFFFFFC0] =	vst v8;
	v6 =	vld.idx.msk [tilespmem:v0+s20+$0x20 ss:$0x1], $0xffff;
	s20 =	sshra.s32 s22, $0x2;
	s22 =	sadd.s32 $0x200, s22  }
0x33: {  	_ =	sdelay $0x2  }
0x34: {  	[tilespmem:s21+$0xFFFFFFD0] =	vst v5  }
0x35: {  	v56 =	vld.idx.msk [tilespmem:v0+s20+$0x30 ss:$0x1], $0xffff;
	[tilespmem:s21+$0xFFFFFFE0] =	vst v4  }
0x36: {  	v57 =	vld.idx.msk [tilespmem:v0+s20+$0xFFFFFFC0 ss:$0x1], $0xffff;
	[tilespmem:s21+$0xFFFFFFF0] =	vst v3  }
0x37: {  	v58 =	vld.idx.msk [tilespmem:v0+s20+$0xFFFFFFD0 ss:$0x1], $0xffff;
	[tilespmem:s21+$0x0] =	vst v1  }
0x38: {  	v59 =	vld.idx.msk [tilespmem:v0+s20+$0xFFFFFFE0 ss:$0x1], $0xffff;
	[tilespmem:s21+$0x10] =	vst v2  }
0x39: {  	v60 =	vld.idx.msk [tilespmem:v0+s20+$0xFFFFFFF0 ss:$0x1], $0xffff;
	s31 =	sadd.s32 $0x800, s21;
	[tilespmem:s21+$0x20] =	vst v6  }
0x3a: {  	v61 =	vld.idx.msk [tilespmem:v0+s20+$0x0 ss:$0x1], $0xffff;
	[tilespmem:s31+$0x30] =	vst v56  }
0x3b: {  	v62 =	vld.idx.msk [tilespmem:v0+s20+$0x10 ss:$0x1], $0xffff;
	s19 =	sadd.s32 $0x1, s19;
	[tilespmem:s31+$0xFFFFFFC0] =	vst v57  }
0x3c: {  	v63 =	vld.idx.msk [tilespmem:v0+s20+$0x20 ss:$0x1], $0xffff;
	p0 =	sne.s32 s19, $0x10;
	[tilespmem:s31+$0xFFFFFFD0] =	vst v58  }
.Ltmp4:
0x3d: {  	[tilespmem:s31+$0xFFFFFFE0] =	vst v59;
	(pc) =	sbr.rel @p0 .LBB1_3-.Ltmp4, $4  }
0x3e: {  	[tilespmem:s31+$0xFFFFFFF0] =	vst v60  }
0x3f: {  	[tilespmem:s31+$0x0] =	vst v61  }
0x40: {  	[tilespmem:s31+$0x10] =	vst v62  }
0x41: {  	s16 =	sadd.s32 $0x80, s16;
	s18 =	sadd.s32 $0x400, s18;
	[tilespmem:s31+$0x20] =	vst v63  }
.Ltmp5:
0x42: {  	(pc) =	sbr.rel .LBB1_7-.Ltmp5, $4  }
0x43: {  	s15 =	sshll.u32 s15, $0xE  }
0x44: {  	s14 =	sshll.u32 s14, $0x4;
	s15 =	sadd.s32 s3, s15  }
0x45: {  	s14 =	sadd.s32 s14, s15  }
0x46: {  	[hbm4b:s14+s9] =	stream.strided.scatter [tilespmem:s17], [sflag:$0x2], $0x4000, s10, s9, $0x38;
	[tilespmem:$0x10000] =	vst v63  }
.LBB1_8:
0x47: {  	_ =	sfence.sel $0x180000  }
0x48: {  	s2 =	simm.s32 $0x1;
	[bflag:$0x0] =	sbarrier.arrive $0xFFFF  }
0x49: {  	s31 =	simm.s32 $0x2;
	[sflag:s2] =	ssyncpa.u1 $0x1  }
0x4a: {  	[sflag:s31] =	ssyncpa.u1 $0x1  }
0x4b: {  	p0 =	sne.s32 s0, $0x0;
	_ =	strace $0x90000047  }
0x4c: {  	s0 =	sadd.s32 @!p0 $0x100000, s1;
	[bflag:$0x2] =	sbarrier.arrive $0xFFFF  }
0x4d: {  	[sflag:s0] =	ssyncadd.tile.s32 @!p0 $0x1;
	_ =	shalt  }
.Lfunc_end1:
_tile_overlayer_lowered:
.L_overlay_start_2:
0x4e: {  	(tag) =	ssettag $0x2  }
0x4f: {  	s0 =	rddreg [dreg:$0x0];
	s2 =	stileid.u32  }
0x50: {  	s1 =	rddreg [dreg:$0x1];
	p0 =	sne.s32 s2, $0x0  }
0x51: {  	s3 =	rddreg [dreg:$0x2];
	[bflag:$0x3] =	sbarrier.arrive $0xFFFF;
	s2 =	simm.s32 @!p0 $0x1C01  }
0x52: {  	[timem:s3], [sflag:s2] =	dma.local @!p0 [hbm:s0], s1  }
0x53: {  	s0 =	simm.s32 @!p0 $0x1  }
0x54: {  	_ =	swait.ge @!p0 [sflag:s0], s1  }
0x55: {  	s1 =	ssub.s32 @!p0 $0x0, s1;
	[sflag:s0] =	ssyncset.done @!p0 $0x0  }
0x56: {  	[sflag:s0] =	ssyncadd.s32 @!p0 s1  }
0x57: {  	[bflag:$0x3] =	sbarrier.arrive $0xFFFF  }
0x58: {  	_ =	shalt  }

</sc_bundles>
